<compile_context>
chip_gen: v7x
topology: tpu7x:2x2x1
jax: 0.10.2.dev20260603
libtpu: 0.0.44.dev20260713+nightly
codegen_flags: <defaults>
</compile_context>

<pallas_src>
import functools

import jax
import jax.numpy as jnp
from jax import lax
from jax.experimental import pallas as pl
from jax.experimental.pallas import tpu as pltpu
from jax.experimental.pallas import tpu_sc as plsc

NC, NS, L = 2, 16, 16
NW = NC * NS
C_SZ = 80
NB = 4
NI = 8


def _make_matmul_body(r):
    def _matmul_body(f_ref, w_ref, t_ref):
        f = f_ref[...].astype(jnp.bfloat16)
        for ri in range(r):
            t_ref[ri] = jnp.dot(f, w_ref[ri].astype(jnp.bfloat16),
                                preferred_element_type=jnp.float32)
    return _matmul_body


def _transform(feat, weight):
    n, d = feat.shape
    r = weight.shape[0]
    bn = 2000
    nb = n // bn
    return pl.pallas_call(
        _make_matmul_body(r),
        grid=(nb,),
        in_specs=[
            pl.BlockSpec((bn, d), lambda ni: (ni, 0)),
            pl.BlockSpec((r, d, d), lambda ni: (0, 0, 0)),
        ],
        out_specs=pl.BlockSpec((r, bn, d), lambda ni: (0, ni, 0)),
        out_shape=jax.ShapeDtypeStruct((r, n, d), jnp.float32),
    )(feat, weight)


def _merge_body(p_ref, o_ref):
    o_ref[...] = p_ref[0] + p_ref[1]


def _merge(partial):
    _, n, d = partial.shape
    bn = 2000
    return pl.pallas_call(
        _merge_body,
        grid=(n // bn,),
        in_specs=[pl.BlockSpec((NC, bn, d), lambda i: (0, i, 0))],
        out_specs=pl.BlockSpec((bn, d), lambda i: (i, 0)),
        out_shape=jax.ShapeDtypeStruct((n, d), jnp.float32),
    )(partial)


def _edge_scatter(t, ei, et, n, d):
    e = et.shape[0]
    ew = e // NW
    nch = ew // C_SZ
    nout = (nch + NI - 1) // NI
    rpt = (n // NS) // 8 * 8
    rem = n - NS * rpt
    mesh = plsc.VectorSubcoreMesh(core_axis_name="c", subcore_axis_name="s",
                                  num_cores=NC, num_subcores=NS)

    @functools.partial(
        pl.kernel,
        out_type=jax.ShapeDtypeStruct((NC, n, d), jnp.float32),
        mesh=mesh,
        scratch_types=[
            pltpu.VMEM((NI, C_SZ), jnp.int32),
            pltpu.VMEM((NI, C_SZ), jnp.int32),
            pltpu.VMEM((NI, C_SZ), jnp.int32),
            pltpu.VMEM((NB, C_SZ, d), jnp.float32),
            pltpu.VMEM((24, d), jnp.float32),
            pltpu.VMEM_SHARED((n, d), jnp.float32),
            [pltpu.SemaphoreType.DMA] * NI,
            [pltpu.SemaphoreType.DMA] * NB,
            [pltpu.SemaphoreType.DMA] * 2,
        ],
    )
    def scatter_kernel(t_hbm, ei_hbm, et_hbm, part_hbm,
                       gidx_v, et_v, dst_v, rows_v, zbuf, accum,
                       isems, gsems, ssems):
        ci = lax.axis_index("c")
        si = lax.axis_index("s")
        wid = ci * NS + si
        wbase = wid * ew

        def idx_fetch(j, slot):
            base = wbase + j * C_SZ
            pltpu.async_copy(ei_hbm.at[pl.ds(base, C_SZ)],
                             gidx_v.at[slot], isems[slot])
            pltpu.async_copy(et_hbm.at[pl.ds(base, C_SZ)],
                             et_v.at[slot], isems[slot])
            pltpu.async_copy(ei_hbm.at[pl.ds(e + base, C_SZ)],
                             dst_v.at[slot], isems[slot])

        def idx_wait(slot):
            pltpu.make_async_copy(ei_hbm.at[pl.ds(0, C_SZ)],
                                  gidx_v.at[slot], isems[slot]).wait()
            pltpu.make_async_copy(ei_hbm.at[pl.ds(0, C_SZ)],
                                  et_v.at[slot], isems[slot]).wait()
            pltpu.make_async_copy(ei_hbm.at[pl.ds(0, C_SZ)],
                                  dst_v.at[slot], isems[slot]).wait()

        def fuse_and_gather(slot, gslot):
            for k in range(C_SZ // L):
                sl = pl.ds(k * L, L)
                gidx_v[slot, sl] = et_v[slot, sl] * n + gidx_v[slot, sl]
            pltpu.async_copy(t_hbm.at[gidx_v.at[slot]],
                             rows_v.at[gslot], gsems[gslot])

        for m in range(NI):
            idx_fetch(m, m)

        zn = 24
        zero = jnp.zeros((L,), jnp.float32)

        def zrow(i, carry):
            for k in range(d // L):
                zbuf[i, pl.ds(k * L, L)] = zero
            return carry

        lax.fori_loop(0, zn, zrow, 0)
        nfull = rpt // zn

        def zcopy(q, carry):
            pltpu.async_copy(zbuf,
                             accum.at[pl.ds(si * rpt + q * zn, zn)],
                             ssems[0])
            return carry

        lax.fori_loop(0, nfull, zcopy, 0)

        @pl.when(si == 0)
        def _():
            pltpu.async_copy(zbuf.at[pl.ds(0, rem)],
                             accum.at[pl.ds(NS * rpt, rem)], ssems[1])

        def zdrain(q, carry):
            pltpu.make_async_copy(zbuf, accum.at[pl.ds(si * rpt, zn)],
                                  ssems[0]).wait()
            return carry

        lax.fori_loop(0, nfull, zdrain, 0)

        @pl.when(si == 0)
        def _():
            pltpu.make_async_copy(zbuf.at[pl.ds(0, rem)],
                                  accum.at[pl.ds(NS * rpt, rem)],
                                  ssems[1]).wait()

        for m in range(NB):
            idx_wait(m)
            fuse_and_gather(m, m)

        plsc.subcore_barrier()

        def outer(q, carry):
            for b in range(NI):
                j = q * NI + b
                gb = b % NB

                @pl.when(j < nch)
                def _():
                    pltpu.make_async_copy(t_hbm.at[pl.ds(0, C_SZ)],
                                          rows_v.at[gb], gsems[gb]).wait()
                    pltpu.async_copy(rows_v.at[gb], accum.at[dst_v.at[b]],
                                     ssems[0], add=True).wait()

                @pl.when(j + NI < nch)
                def _():
                    idx_fetch(j + NI, b)

                @pl.when(j + NB < nch)
                def _():
                    idx_wait((b + NB) % NI)
                    fuse_and_gather((b + NB) % NI, gb)
            return carry

        lax.fori_loop(0, nout, outer, 0)
        plsc.subcore_barrier()

        pltpu.sync_copy(accum.at[pl.ds(si * rpt, rpt)],
                        part_hbm.at[ci, pl.ds(si * rpt, rpt)])

        @pl.when(si == 0)
        def _():
            pltpu.sync_copy(accum.at[pl.ds(NS * rpt, rem)],
                            part_hbm.at[ci, pl.ds(NS * rpt, rem)])

    return scatter_kernel(t, ei, et)


def kernel(feat, edge_index, etypes, weight):
    n, d = feat.shape
    t = _transform(feat, weight).reshape(-1, d)
    partial = _edge_scatter(t, edge_index.reshape(-1), etypes, n, d)
    return _merge(partial)

# --- scband reference (transcript-rebuilt; emitter-appended) ---
"""Pipeline reference for scband-rgcnlow-mem-conv-8409545965796 (READ-ONLY COPY).

The authoritative reference and input builder live on the scoring server;
editing this copy changes nothing except your own understanding.
"""

import jax, jax.numpy as jnp
import numpy as np

N = 10000
E = 320000
D = 128
R = 8


def setup_inputs(seed: int = 0) -> dict:
    key = jax.random.key(seed)
    k1, k2, k3, k4 = jax.random.split(key, 4)
    feat = jax.random.normal(k1, (N, D), dtype=jnp.float32)
    edge_index = jax.random.randint(k2, (2, E), 0, N, dtype=jnp.int32)
    etypes = jax.random.randint(k3, (E,), 0, R, dtype=jnp.int32)
    bound = 1.0 / np.sqrt(D)
    weight = jax.random.uniform(k4, (R, D, D), minval=-bound, maxval=bound, dtype=jnp.float32)
    return {"feat": feat, "edge_index": edge_index, "etypes": etypes, "weight": weight}


def reference(feat, edge_index, etypes, weight):
    # Sort edges by relation type (mirrors torch.sort + dgl.edge_subgraph with relabel_nodes=False)
    order = jnp.argsort(etypes)
    src = edge_index[0][order]
    dst = edge_index[1][order]
    sorted_et = etypes[order]
    num_rels = weight.shape[0]
    # message: gather src features, per-relation matmul selected per edge, fixed shapes
    h = feat[src]
    msg = jnp.zeros((h.shape[0], weight.shape[2]), dtype=feat.dtype)
    for r in range(num_rels):
        msg = jnp.where((sorted_et == r)[:, None], h @ weight[r], msg)
    # reduce: sum messages into destination nodes (fn.sum('m','h'))
    out = jnp.zeros((feat.shape[0], weight.shape[2]), dtype=feat.dtype).at[dst].add(msg)
    return out

if __name__ == "__main__":
    import jax
    _d = setup_inputs()
    print(jax.jit(kernel)(*tuple(_d.values())))

</pallas_src>

<mosaic_0001>
#map = affine_map<(d0, d1) -> (0, 0)>
#map1 = affine_map<(d0, d1) -> (0)>
#map2 = affine_map<(d0, d1) -> (0, 0, 0)>
module attributes {stable_mosaic.version = 14 : i64} {
  func.func @scatter_kernel(%arg0: i32, %arg1: i32, %arg2: memref<80000x128xf32, #tpu.memory_space<hbm>>, %arg3: memref<640000xi32, #tpu.memory_space<hbm>>, %arg4: memref<320000xi32, #tpu.memory_space<hbm>>, %arg5: memref<2x10000x128xf32, #tpu.memory_space<hbm>>, %arg6: memref<8x80xi32, #tpu.memory_space<vmem>>, %arg7: memref<8x80xi32, #tpu.memory_space<vmem>>, %arg8: memref<8x80xi32, #tpu.memory_space<vmem>>, %arg9: memref<4x80x128xf32, #tpu.memory_space<vmem>>, %arg10: memref<24x128xf32, #tpu.memory_space<vmem>>, %arg11: memref<10000x128xf32, #tpu.memory_space<vmem_shared>>, %arg12: memref<!tpu.dma_semaphore, #tpu.memory_space<semaphore_mem>>, %arg13: memref<!tpu.dma_semaphore, #tpu.memory_space<semaphore_mem>>, %arg14: memref<!tpu.dma_semaphore, #tpu.memory_space<semaphore_mem>>, %arg15: memref<!tpu.dma_semaphore, #tpu.memory_space<semaphore_mem>>, %arg16: memref<!tpu.dma_semaphore, #tpu.memory_space<semaphore_mem>>, %arg17: memref<!tpu.dma_semaphore, #tpu.memory_space<semaphore_mem>>, %arg18: memref<!tpu.dma_semaphore, #tpu.memory_space<semaphore_mem>>, %arg19: memref<!tpu.dma_semaphore, #tpu.memory_space<semaphore_mem>>, %arg20: memref<!tpu.dma_semaphore, #tpu.memory_space<semaphore_mem>>, %arg21: memref<!tpu.dma_semaphore, #tpu.memory_space<semaphore_mem>>, %arg22: memref<!tpu.dma_semaphore, #tpu.memory_space<semaphore_mem>>, %arg23: memref<!tpu.dma_semaphore, #tpu.memory_space<semaphore_mem>>, %arg24: memref<!tpu.dma_semaphore, #tpu.memory_space<semaphore_mem>>, %arg25: memref<!tpu.dma_semaphore, #tpu.memory_space<semaphore_mem>>) attributes {dimension_semantics = [#tpu.dimension_semantics<core_parallel>, #tpu.dimension_semantics<subcore_parallel>], iteration_bounds = array<i64: 2, 16>, scalar_prefetch = 0 : i64, scratch_operands = 20 : i64, tpu.core_type = #tpu.core_type<sc_vector_subcore>, window_params = [{transform_indices = #map}, {transform_indices = #map1}, {transform_indices = #map1}, {transform_indices = #map2}]} {
    %mul3A = arith.constant 16 : i32
    %mul3A_0 = arith.muli %arg0, %mul3A : i32
    %add3A = arith.addi %mul3A_0, %arg1 : i32
    %mul3A_1 = arith.constant 10000 : i32
    %mul3A_2 = arith.muli %add3A, %mul3A_1 : i32
    %add3A_3 = arith.constant 0 : i32
    %add3A_4 = arith.addi %mul3A_2, %add3A_3 : i32
    %dma_start3A = arith.constant 0 : i32
    %dma_start3A_5 = arith.constant 0 : i32
    %dma_start3A_6 = tpu.memref_slice %arg6[%dma_start3A, %dma_start3A_5] : memref<8x80xi32, #tpu.memory_space<vmem>> -> memref<1x80xi32, #tpu.memory_space<vmem>>
    %dma_start3A_7 = tpu.memref_squeeze %dma_start3A_6 : memref<1x80xi32, #tpu.memory_space<vmem>> -> memref<80xi32, #tpu.memory_space<vmem>>
    %dma_start3A_8 = tpu.memref_slice %arg3[%add3A_4] : memref<640000xi32, #tpu.memory_space<hbm>> -> memref<80xi32, #tpu.memory_space<hbm>>
    %dma_start3A_9 = arith.constant 0 : i32
    %dma_start3A_10 = tpu.memref_slice %arg6[%dma_start3A, %dma_start3A_9] : memref<8x80xi32, #tpu.memory_space<vmem>> -> memref<1x80xi32, #tpu.memory_space<vmem>>
    %dma_start3A_11 = tpu.memref_squeeze %dma_start3A_10 : memref<1x80xi32, #tpu.memory_space<vmem>> -> memref<80xi32, #tpu.memory_space<vmem>>
    %dma_start3A_12 = tpu.memref_slice %arg3[%add3A_4] : memref<640000xi32, #tpu.memory_space<hbm>> -> memref<80xi32, #tpu.memory_space<hbm>>
    tpu.enqueue_dma source(%dma_start3A_12 : memref<80xi32, #tpu.memory_space<hbm>>) target(%dma_start3A_11 : memref<80xi32, #tpu.memory_space<vmem>>) target_semaphore(%arg12 : memref<!tpu.dma_semaphore, #tpu.memory_space<semaphore_mem>>)
    %dma_start3A_13 = arith.constant 0 : i32
    %dma_start3A_14 = arith.constant 0 : i32
    %dma_start3A_15 = tpu.memref_slice %arg7[%dma_start3A_13, %dma_start3A_14] : memref<8x80xi32, #tpu.memory_space<vmem>> -> memref<1x80xi32, #tpu.memory_space<vmem>>
    %dma_start3A_16 = tpu.memref_squeeze %dma_start3A_15 : memref<1x80xi32, #tpu.memory_space<vmem>> -> memref<80xi32, #tpu.memory_space<vmem>>
    %dma_start3A_17 = tpu.memref_slice %arg4[%add3A_4] : memref<320000xi32, #tpu.memory_space<hbm>> -> memref<80xi32, #tpu.memory_space<hbm>>
    %dma_start3A_18 = arith.constant 0 : i32
    %dma_start3A_19 = tpu.memref_slice %arg7[%dma_start3A_13, %dma_start3A_18] : memref<8x80xi32, #tpu.memory_space<vmem>> -> memref<1x80xi32, #tpu.memory_space<vmem>>
    %dma_start3A_20 = tpu.memref_squeeze %dma_start3A_19 : memref<1x80xi32, #tpu.memory_space<vmem>> -> memref<80xi32, #tpu.memory_space<vmem>>
    %dma_start3A_21 = tpu.memref_slice %arg4[%add3A_4] : memref<320000xi32, #tpu.memory_space<hbm>> -> memref<80xi32, #tpu.memory_space<hbm>>
    tpu.enqueue_dma source(%dma_start3A_21 : memref<80xi32, #tpu.memory_space<hbm>>) target(%dma_start3A_20 : memref<80xi32, #tpu.memory_space<vmem>>) target_semaphore(%arg12 : memref<!tpu.dma_semaphore, #tpu.memory_space<semaphore_mem>>)
    %add3A_22 = arith.constant 320000 : i32
    %add3A_23 = arith.addi %add3A_22, %add3A_4 : i32
    %dma_start3A_24 = arith.constant 0 : i32
    %dma_start3A_25 = arith.constant 0 : i32
    %dma_start3A_26 = tpu.memref_slice %arg8[%dma_start3A_24, %dma_start3A_25] : memref<8x80xi32, #tpu.memory_space<vmem>> -> memref<1x80xi32, #tpu.memory_space<vmem>>
    %dma_start3A_27 = tpu.memref_squeeze %dma_start3A_26 : memref<1x80xi32, #tpu.memory_space<vmem>> -> memref<80xi32, #tpu.memory_space<vmem>>
    %dma_start3A_28 = tpu.memref_slice %arg3[%add3A_23] : memref<640000xi32, #tpu.memory_space<hbm>> -> memref<80xi32, #tpu.memory_space<hbm>>
    %dma_start3A_29 = arith.constant 0 : i32
    %dma_start3A_30 = tpu.memref_slice %arg8[%dma_start3A_24, %dma_start3A_29] : memref<8x80xi32, #tpu.memory_space<vmem>> -> memref<1x80xi32, #tpu.memory_space<vmem>>
    %dma_start3A_31 = tpu.memref_squeeze %dma_start3A_30 : memref<1x80xi32, #tpu.memory_space<vmem>> -> memref<80xi32, #tpu.memory_space<vmem>>
    %dma_start3A_32 = tpu.memref_slice %arg3[%add3A_23] : memref<640000xi32, #tpu.memory_space<hbm>> -> memref<80xi32, #tpu.memory_space<hbm>>
    tpu.enqueue_dma source(%dma_start3A_32 : memref<80xi32, #tpu.memory_space<hbm>>) target(%dma_start3A_31 : memref<80xi32, #tpu.memory_space<vmem>>) target_semaphore(%arg12 : memref<!tpu.dma_semaphore, #tpu.memory_space<semaphore_mem>>)
    %add3A_33 = arith.constant 80 : i32
    %add3A_34 = arith.addi %mul3A_2, %add3A_33 : i32
    %dma_start3A_35 = arith.constant 1 : i32
    %dma_start3A_36 = arith.constant 0 : i32
    %dma_start3A_37 = tpu.memref_slice %arg6[%dma_start3A_35, %dma_start3A_36] : memref<8x80xi32, #tpu.memory_space<vmem>> -> memref<1x80xi32, #tpu.memory_space<vmem>>
    %dma_start3A_38 = tpu.memref_squeeze %dma_start3A_37 : memref<1x80xi32, #tpu.memory_space<vmem>> -> memref<80xi32, #tpu.memory_space<vmem>>
    %dma_start3A_39 = tpu.memref_slice %arg3[%add3A_34] : memref<640000xi32, #tpu.memory_space<hbm>> -> memref<80xi32, #tpu.memory_space<hbm>>
    %dma_start3A_40 = arith.constant 0 : i32
    %dma_start3A_41 = tpu.memref_slice %arg6[%dma_start3A_35, %dma_start3A_40] : memref<8x80xi32, #tpu.memory_space<vmem>> -> memref<1x80xi32, #tpu.memory_space<vmem>>
    %dma_start3A_42 = tpu.memref_squeeze %dma_start3A_41 : memref<1x80xi32, #tpu.memory_space<vmem>> -> memref<80xi32, #tpu.memory_space<vmem>>
    %dma_start3A_43 = tpu.memref_slice %arg3[%add3A_34] : memref<640000xi32, #tpu.memory_space<hbm>> -> memref<80xi32, #tpu.memory_space<hbm>>
    tpu.enqueue_dma source(%dma_start3A_43 : memref<80xi32, #tpu.memory_space<hbm>>) target(%dma_start3A_42 : memref<80xi32, #tpu.memory_space<vmem>>) target_semaphore(%arg13 : memref<!tpu.dma_semaphore, #tpu.memory_space<semaphore_mem>>)
    %dma_start3A_44 = arith.constant 1 : i32
    %dma_start3A_45 = arith.constant 0 : i32
    %dma_start3A_46 = tpu.memref_slice %arg7[%dma_start3A_44, %dma_start3A_45] : memref<8x80xi32, #tpu.memory_space<vmem>> -> memref<1x80xi32, #tpu.memory_space<vmem>>
    %dma_start3A_47 = tpu.memref_squeeze %dma_start3A_46 : memref<1x80xi32, #tpu.memory_space<vmem>> -> memref<80xi32, #tpu.memory_space<vmem>>
    %dma_start3A_48 = tpu.memref_slice %arg4[%add3A_34] : memref<320000xi32, #tpu.memory_space<hbm>> -> memref<80xi32, #tpu.memory_space<hbm>>
    %dma_start3A_49 = arith.constant 0 : i32
    %dma_start3A_50 = tpu.memref_slice %arg7[%dma_start3A_44, %dma_start3A_49] : memref<8x80xi32, #tpu.memory_space<vmem>> -> memref<1x80xi32, #tpu.memory_space<vmem>>
    %dma_start3A_51 = tpu.memref_squeeze %dma_start3A_50 : memref<1x80xi32, #tpu.memory_space<vmem>> -> memref<80xi32, #tpu.memory_space<vmem>>
    %dma_start3A_52 = tpu.memref_slice %arg4[%add3A_34] : memref<320000xi32, #tpu.memory_space<hbm>> -> memref<80xi32, #tpu.memory_space<hbm>>
    tpu.enqueue_dma source(%dma_start3A_52 : memref<80xi32, #tpu.memory_space<hbm>>) target(%dma_start3A_51 : memref<80xi32, #tpu.memory_space<vmem>>) target_semaphore(%arg13 : memref<!tpu.dma_semaphore, #tpu.memory_space<semaphore_mem>>)
    %add3A_53 = arith.constant 320000 : i32
    %add3A_54 = arith.addi %add3A_53, %add3A_34 : i32
    %dma_start3A_55 = arith.constant 1 : i32
    %dma_start3A_56 = arith.constant 0 : i32
    %dma_start3A_57 = tpu.memref_slice %arg8[%dma_start3A_55, %dma_start3A_56] : memref<8x80xi32, #tpu.memory_space<vmem>> -> memref<1x80xi32, #tpu.memory_space<vmem>>
    %dma_start3A_58 = tpu.memref_squeeze %dma_start3A_57 : memref<1x80xi32, #tpu.memory_space<vmem>> -> memref<80xi32, #tpu.memory_space<vmem>>
    %dma_start3A_59 = tpu.memref_slice %arg3[%add3A_54] : memref<640000xi32, #tpu.memory_space<hbm>> -> memref<80xi32, #tpu.memory_space<hbm>>
    %dma_start3A_60 = arith.constant 0 : i32
    %dma_start3A_61 = tpu.memref_slice %arg8[%dma_start3A_55, %dma_start3A_60] : memref<8x80xi32, #tpu.memory_space<vmem>> -> memref<1x80xi32, #tpu.memory_space<vmem>>
    %dma_start3A_62 = tpu.memref_squeeze %dma_start3A_61 : memref<1x80xi32, #tpu.memory_space<vmem>> -> memref<80xi32, #tpu.memory_space<vmem>>
    %dma_start3A_63 = tpu.memref_slice %arg3[%add3A_54] : memref<640000xi32, #tpu.memory_space<hbm>> -> memref<80xi32, #tpu.memory_space<hbm>>
    tpu.enqueue_dma source(%dma_start3A_63 : memref<80xi32, #tpu.memory_space<hbm>>) target(%dma_start3A_62 : memref<80xi32, #tpu.memory_space<vmem>>) target_semaphore(%arg13 : memref<!tpu.dma_semaphore, #tpu.memory_space<semaphore_mem>>)
    %add3A_64 = arith.constant 160 : i32
    %add3A_65 = arith.addi %mul3A_2, %add3A_64 : i32
    %dma_start3A_66 = arith.constant 2 : i32
    %dma_start3A_67 = arith.constant 0 : i32
    %dma_start3A_68 = tpu.memref_slice %arg6[%dma_start3A_66, %dma_start3A_67] : memref<8x80xi32, #tpu.memory_space<vmem>> -> memref<1x80xi32, #tpu.memory_space<vmem>>
    %dma_start3A_69 = tpu.memref_squeeze %dma_start3A_68 : memref<1x80xi32, #tpu.memory_space<vmem>> -> memref<80xi32, #tpu.memory_space<vmem>>
    %dma_start3A_70 = tpu.memref_slice %arg3[%add3A_65] : memref<640000xi32, #tpu.memory_space<hbm>> -> memref<80xi32, #tpu.memory_space<hbm>>
    %dma_start3A_71 = arith.constant 0 : i32
    %dma_start3A_72 = tpu.memref_slice %arg6[%dma_start3A_66, %dma_start3A_71] : memref<8x80xi32, #tpu.memory_space<vmem>> -> memref<1x80xi32, #tpu.memory_space<vmem>>
    %dma_start3A_73 = tpu.memref_squeeze %dma_start3A_72 : memref<1x80xi32, #tpu.memory_space<vmem>> -> memref<80xi32, #tpu.memory_space<vmem>>
    %dma_start3A_74 = tpu.memref_slice %arg3[%add3A_65] : memref<640000xi32, #tpu.memory_space<hbm>> -> memref<80xi32, #tpu.memory_space<hbm>>
    tpu.enqueue_dma source(%dma_start3A_74 : memref<80xi32, #tpu.memory_space<hbm>>) target(%dma_start3A_73 : memref<80xi32, #tpu.memory_space<vmem>>) target_semaphore(%arg14 : memref<!tpu.dma_semaphore, #tpu.memory_space<semaphore_mem>>)
    %dma_start3A_75 = arith.constant 2 : i32
    %dma_start3A_76 = arith.constant 0 : i32
    %dma_start3A_77 = tpu.memref_slice %arg7[%dma_start3A_75, %dma_start3A_76] : memref<8x80xi32, #tpu.memory_space<vmem>> -> memref<1x80xi32, #tpu.memory_space<vmem>>
    %dma_start3A_78 = tpu.memref_squeeze %dma_start3A_77 : memref<1x80xi32, #tpu.memory_space<vmem>> -> memref<80xi32, #tpu.memory_space<vmem>>
    %dma_start3A_79 = tpu.memref_slice %arg4[%add3A_65] : memref<320000xi32, #tpu.memory_space<hbm>> -> memref<80xi32, #tpu.memory_space<hbm>>
    %dma_start3A_80 = arith.constant 0 : i32
    %dma_start3A_81 = tpu.memref_slice %arg7[%dma_start3A_75, %dma_start3A_80] : memref<8x80xi32, #tpu.memory_space<vmem>> -> memref<1x80xi32, #tpu.memory_space<vmem>>
    %dma_start3A_82 = tpu.memref_squeeze %dma_start3A_81 : memref<1x80xi32, #tpu.memory_space<vmem>> -> memref<80xi32, #tpu.memory_space<vmem>>
    %dma_start3A_83 = tpu.memref_slice %arg4[%add3A_65] : memref<320000xi32, #tpu.memory_space<hbm>> -> memref<80xi32, #tpu.memory_space<hbm>>
    tpu.enqueue_dma source(%dma_start3A_83 : memref<80xi32, #tpu.memory_space<hbm>>) target(%dma_start3A_82 : memref<80xi32, #tpu.memory_space<vmem>>) target_semaphore(%arg14 : memref<!tpu.dma_semaphore, #tpu.memory_space<semaphore_mem>>)
    %add3A_84 = arith.constant 320000 : i32
    %add3A_85 = arith.addi %add3A_84, %add3A_65 : i32
    %dma_start3A_86 = arith.constant 2 : i32
    %dma_start3A_87 = arith.constant 0 : i32
    %dma_start3A_88 = tpu.memref_slice %arg8[%dma_start3A_86, %dma_start3A_87] : memref<8x80xi32, #tpu.memory_space<vmem>> -> memref<1x80xi32, #tpu.memory_space<vmem>>
    %dma_start3A_89 = tpu.memref_squeeze %dma_start3A_88 : memref<1x80xi32, #tpu.memory_space<vmem>> -> memref<80xi32, #tpu.memory_space<vmem>>
    %dma_start3A_90 = tpu.memref_slice %arg3[%add3A_85] : memref<640000xi32, #tpu.memory_space<hbm>> -> memref<80xi32, #tpu.memory_space<hbm>>
    %dma_start3A_91 = arith.constant 0 : i32
    %dma_start3A_92 = tpu.memref_slice %arg8[%dma_start3A_86, %dma_start3A_91] : memref<8x80xi32, #tpu.memory_space<vmem>> -> memref<1x80xi32, #tpu.memory_space<vmem>>
    %dma_start3A_93 = tpu.memref_squeeze %dma_start3A_92 : memref<1x80xi32, #tpu.memory_space<vmem>> -> memref<80xi32, #tpu.memory_space<vmem>>
    %dma_start3A_94 = tpu.memref_slice %arg3[%add3A_85] : memref<640000xi32, #tpu.memory_space<hbm>> -> memref<80xi32, #tpu.memory_space<hbm>>
    tpu.enqueue_dma source(%dma_start3A_94 : memref<80xi32, #tpu.memory_space<hbm>>) target(%dma_start3A_93 : memref<80xi32, #tpu.memory_space<vmem>>) target_semaphore(%arg14 : memref<!tpu.dma_semaphore, #tpu.memory_space<semaphore_mem>>)
    %add3A_95 = arith.constant 240 : i32
    %add3A_96 = arith.addi %mul3A_2, %add3A_95 : i32
    %dma_start3A_97 = arith.constant 3 : i32
    %dma_start3A_98 = arith.constant 0 : i32
    %dma_start3A_99 = tpu.memref_slice %arg6[%dma_start3A_97, %dma_start3A_98] : memref<8x80xi32, #tpu.memory_space<vmem>> -> memref<1x80xi32, #tpu.memory_space<vmem>>
    %dma_start3A_100 = tpu.memref_squeeze %dma_start3A_99 : memref<1x80xi32, #tpu.memory_space<vmem>> -> memref<80xi32, #tpu.memory_space<vmem>>
    %dma_start3A_101 = tpu.memref_slice %arg3[%add3A_96] : memref<640000xi32, #tpu.memory_space<hbm>> -> memref<80xi32, #tpu.memory_space<hbm>>
    %dma_start3A_102 = arith.constant 0 : i32
    %dma_start3A_103 = tpu.memref_slice %arg6[%dma_start3A_97, %dma_start3A_102] : memref<8x80xi32, #tpu.memory_space<vmem>> -> memref<1x80xi32, #tpu.memory_space<vmem>>
    %dma_start3A_104 = tpu.memref_squeeze %dma_start3A_103 : memref<1x80xi32, #tpu.memory_space<vmem>> -> memref<80xi32, #tpu.memory_space<vmem>>
    %dma_start3A_105 = tpu.memref_slice %arg3[%add3A_96] : memref<640000xi32, #tpu.memory_space<hbm>> -> memref<80xi32, #tpu.memory_space<hbm>>
    tpu.enqueue_dma source(%dma_start3A_105 : memref<80xi32, #tpu.memory_space<hbm>>) target(%dma_start3A_104 : memref<80xi32, #tpu.memory_space<vmem>>) target_semaphore(%arg15 : memref<!tpu.dma_semaphore, #tpu.memory_space<semaphore_mem>>)
    %dma_start3A_106 = arith.constant 3 : i32
    %dma_start3A_107 = arith.constant 0 : i32
    %dma_start3A_108 = tpu.memref_slice %arg7[%dma_start3A_106, %dma_start3A_107] : memref<8x80xi32, #tpu.memory_space<vmem>> -> memref<1x80xi32, #tpu.memory_space<vmem>>
    %dma_start3A_109 = tpu.memref_squeeze %dma_start3A_108 : memref<1x80xi32, #tpu.memory_space<vmem>> -> memref<80xi32, #tpu.memory_space<vmem>>
    %dma_start3A_110 = tpu.memref_slice %arg4[%add3A_96] : memref<320000xi32, #tpu.memory_space<hbm>> -> memref<80xi32, #tpu.memory_space<hbm>>
    %dma_start3A_111 = arith.constant 0 : i32
    %dma_start3A_112 = tpu.memref_slice %arg7[%dma_start3A_106, %dma_start3A_111] : memref<8x80xi32, #tpu.memory_space<vmem>> -> memref<1x80xi32, #tpu.memory_space<vmem>>
    %dma_start3A_113 = tpu.memref_squeeze %dma_start3A_112 : memref<1x80xi32, #tpu.memory_space<vmem>> -> memref<80xi32, #tpu.memory_space<vmem>>
    %dma_start3A_114 = tpu.memref_slice %arg4[%add3A_96] : memref<320000xi32, #tpu.memory_space<hbm>> -> memref<80xi32, #tpu.memory_space<hbm>>
    tpu.enqueue_dma source(%dma_start3A_114 : memref<80xi32, #tpu.memory_space<hbm>>) target(%dma_start3A_113 : memref<80xi32, #tpu.memory_space<vmem>>) target_semaphore(%arg15 : memref<!tpu.dma_semaphore, #tpu.memory_space<semaphore_mem>>)
    %add3A_115 = arith.constant 320000 : i32
    %add3A_116 = arith.addi %add3A_115, %add3A_96 : i32
    %dma_start3A_117 = arith.constant 3 : i32
    %dma_start3A_118 = arith.constant 0 : i32
    %dma_start3A_119 = tpu.memref_slice %arg8[%dma_start3A_117, %dma_start3A_118] : memref<8x80xi32, #tpu.memory_space<vmem>> -> memref<1x80xi32, #tpu.memory_space<vmem>>
    %dma_start3A_120 = tpu.memref_squeeze %dma_start3A_119 : memref<1x80xi32, #tpu.memory_space<vmem>> -> memref<80xi32, #tpu.memory_space<vmem>>
    %dma_start3A_121 = tpu.memref_slice %arg3[%add3A_116] : memref<640000xi32, #tpu.memory_space<hbm>> -> memref<80xi32, #tpu.memory_space<hbm>>
    %dma_start3A_122 = arith.constant 0 : i32
    %dma_start3A_123 = tpu.memref_slice %arg8[%dma_start3A_117, %dma_start3A_122] : memref<8x80xi32, #tpu.memory_space<vmem>> -> memref<1x80xi32, #tpu.memory_space<vmem>>
    %dma_start3A_124 = tpu.memref_squeeze %dma_start3A_123 : memref<1x80xi32, #tpu.memory_space<vmem>> -> memref<80xi32, #tpu.memory_space<vmem>>
    %dma_start3A_125 = tpu.memref_slice %arg3[%add3A_116] : memref<640000xi32, #tpu.memory_space<hbm>> -> memref<80xi32, #tpu.memory_space<hbm>>
    tpu.enqueue_dma source(%dma_start3A_125 : memref<80xi32, #tpu.memory_space<hbm>>) target(%dma_start3A_124 : memref<80xi32, #tpu.memory_space<vmem>>) target_semaphore(%arg15 : memref<!tpu.dma_semaphore, #tpu.memory_space<semaphore_mem>>)
    %add3A_126 = arith.constant 320 : i32
    %add3A_127 = arith.addi %mul3A_2, %add3A_126 : i32
    %dma_start3A_128 = arith.constant 4 : i32
    %dma_start3A_129 = arith.constant 0 : i32
    %dma_start3A_130 = tpu.memref_slice %arg6[%dma_start3A_128, %dma_start3A_129] : memref<8x80xi32, #tpu.memory_space<vmem>> -> memref<1x80xi32, #tpu.memory_space<vmem>>
    %dma_start3A_131 = tpu.memref_squeeze %dma_start3A_130 : memref<1x80xi32, #tpu.memory_space<vmem>> -> memref<80xi32, #tpu.memory_space<vmem>>
    %dma_start3A_132 = tpu.memref_slice %arg3[%add3A_127] : memref<640000xi32, #tpu.memory_space<hbm>> -> memref<80xi32, #tpu.memory_space<hbm>>
    %dma_start3A_133 = arith.constant 0 : i32
    %dma_start3A_134 = tpu.memref_slice %arg6[%dma_start3A_128, %dma_start3A_133] : memref<8x80xi32, #tpu.memory_space<vmem>> -> memref<1x80xi32, #tpu.memory_space<vmem>>
    %dma_start3A_135 = tpu.memref_squeeze %dma_start3A_134 : memref<1x80xi32, #tpu.memory_space<vmem>> -> memref<80xi32, #tpu.memory_space<vmem>>
    %dma_start3A_136 = tpu.memref_slice %arg3[%add3A_127] : memref<640000xi32, #tpu.memory_space<hbm>> -> memref<80xi32, #tpu.memory_space<hbm>>
    tpu.enqueue_dma source(%dma_start3A_136 : memref<80xi32, #tpu.memory_space<hbm>>) target(%dma_start3A_135 : memref<80xi32, #tpu.memory_space<vmem>>) target_semaphore(%arg16 : memref<!tpu.dma_semaphore, #tpu.memory_space<semaphore_mem>>)
    %dma_start3A_137 = arith.constant 4 : i32
    %dma_start3A_138 = arith.constant 0 : i32
    %dma_start3A_139 = tpu.memref_slice %arg7[%dma_start3A_137, %dma_start3A_138] : memref<8x80xi32, #tpu.memory_space<vmem>> -> memref<1x80xi32, #tpu.memory_space<vmem>>
    %dma_start3A_140 = tpu.memref_squeeze %dma_start3A_139 : memref<1x80xi32, #tpu.memory_space<vmem>> -> memref<80xi32, #tpu.memory_space<vmem>>
    %dma_start3A_141 = tpu.memref_slice %arg4[%add3A_127] : memref<320000xi32, #tpu.memory_space<hbm>> -> memref<80xi32, #tpu.memory_space<hbm>>
    %dma_start3A_142 = arith.constant 0 : i32
    %dma_start3A_143 = tpu.memref_slice %arg7[%dma_start3A_137, %dma_start3A_142] : memref<8x80xi32, #tpu.memory_space<vmem>> -> memref<1x80xi32, #tpu.memory_space<vmem>>
    %dma_start3A_144 = tpu.memref_squeeze %dma_start3A_143 : memref<1x80xi32, #tpu.memory_space<vmem>> -> memref<80xi32, #tpu.memory_space<vmem>>
    %dma_start3A_145 = tpu.memref_slice %arg4[%add3A_127] : memref<320000xi32, #tpu.memory_space<hbm>> -> memref<80xi32, #tpu.memory_space<hbm>>
    tpu.enqueue_dma source(%dma_start3A_145 : memref<80xi32, #tpu.memory_space<hbm>>) target(%dma_start3A_144 : memref<80xi32, #tpu.memory_space<vmem>>) target_semaphore(%arg16 : memref<!tpu.dma_semaphore, #tpu.memory_space<semaphore_mem>>)
    %add3A_146 = arith.constant 320000 : i32
    %add3A_147 = arith.addi %add3A_146, %add3A_127 : i32
    %dma_start3A_148 = arith.constant 4 : i32
    %dma_start3A_149 = arith.constant 0 : i32
    %dma_start3A_150 = tpu.memref_slice %arg8[%dma_start3A_148, %dma_start3A_149] : memref<8x80xi32, #tpu.memory_space<vmem>> -> memref<1x80xi32, #tpu.memory_space<vmem>>
    %dma_start3A_151 = tpu.memref_squeeze %dma_start3A_150 : memref<1x80xi32, #tpu.memory_space<vmem>> -> memref<80xi32, #tpu.memory_space<vmem>>
    %dma_start3A_152 = tpu.memref_slice %arg3[%add3A_147] : memref<640000xi32, #tpu.memory_space<hbm>> -> memref<80xi32, #tpu.memory_space<hbm>>
    %dma_start3A_153 = arith.constant 0 : i32
    %dma_start3A_154 = tpu.memref_slice %arg8[%dma_start3A_148, %dma_start3A_153] : memref<8x80xi32, #tpu.memory_space<vmem>> -> memref<1x80xi32, #tpu.memory_space<vmem>>
    %dma_start3A_155 = tpu.memref_squeeze %dma_start3A_154 : memref<1x80xi32, #tpu.memory_space<vmem>> -> memref<80xi32, #tpu.memory_space<vmem>>
    %dma_start3A_156 = tpu.memref_slice %arg3[%add3A_147] : memref<640000xi32, #tpu.memory_space<hbm>> -> memref<80xi32, #tpu.memory_space<hbm>>
    tpu.enqueue_dma source(%dma_start3A_156 : memref<80xi32, #tpu.memory_space<hbm>>) target(%dma_start3A_155 : memref<80xi32, #tpu.memory_space<vmem>>) target_semaphore(%arg16 : memref<!tpu.dma_semaphore, #tpu.memory_space<semaphore_mem>>)
    %add3A_157 = arith.constant 400 : i32
    %add3A_158 = arith.addi %mul3A_2, %add3A_157 : i32
    %dma_start3A_159 = arith.constant 5 : i32
    %dma_start3A_160 = arith.constant 0 : i32
    %dma_start3A_161 = tpu.memref_slice %arg6[%dma_start3A_159, %dma_start3A_160] : memref<8x80xi32, #tpu.memory_space<vmem>> -> memref<1x80xi32, #tpu.memory_space<vmem>>
    %dma_start3A_162 = tpu.memref_squeeze %dma_start3A_161 : memref<1x80xi32, #tpu.memory_space<vmem>> -> memref<80xi32, #tpu.memory_space<vmem>>
    %dma_start3A_163 = tpu.memref_slice %arg3[%add3A_158] : memref<640000xi32, #tpu.memory_space<hbm>> -> memref<80xi32, #tpu.memory_space<hbm>>
    %dma_start3A_164 = arith.constant 0 : i32
    %dma_start3A_165 = tpu.memref_slice %arg6[%dma_start3A_159, %dma_start3A_164] : memref<8x80xi32, #tpu.memory_space<vmem>> -> memref<1x80xi32, #tpu.memory_space<vmem>>
    %dma_start3A_166 = tpu.memref_squeeze %dma_start3A_165 : memref<1x80xi32, #tpu.memory_space<vmem>> -> memref<80xi32, #tpu.memory_space<vmem>>
    %dma_start3A_167 = tpu.memref_slice %arg3[%add3A_158] : memref<640000xi32, #tpu.memory_space<hbm>> -> memref<80xi32, #tpu.memory_space<hbm>>
    tpu.enqueue_dma source(%dma_start3A_167 : memref<80xi32, #tpu.memory_space<hbm>>) target(%dma_start3A_166 : memref<80xi32, #tpu.memory_space<vmem>>) target_semaphore(%arg17 : memref<!tpu.dma_semaphore, #tpu.memory_space<semaphore_mem>>)
    %dma_start3A_168 = arith.constant 5 : i32
    %dma_start3A_169 = arith.constant 0 : i32
    %dma_start3A_170 = tpu.memref_slice %arg7[%dma_start3A_168, %dma_start3A_169] : memref<8x80xi32, #tpu.memory_space<vmem>> -> memref<1x80xi32, #tpu.memory_space<vmem>>
    %dma_start3A_171 = tpu.memref_squeeze %dma_start3A_170 : memref<1x80xi32, #tpu.memory_space<vmem>> -> memref<80xi32, #tpu.memory_space<vmem>>
    %dma_start3A_172 = tpu.memref_slice %arg4[%add3A_158] : memref<320000xi32, #tpu.memory_space<hbm>> -> memref<80xi32, #tpu.memory_space<hbm>>
    %dma_start3A_173 = arith.constant 0 : i32
    %dma_start3A_174 = tpu.memref_slice %arg7[%dma_start3A_168, %dma_start3A_173] : memref<8x80xi32, #tpu.memory_space<vmem>> -> memref<1x80xi32, #tpu.memory_space<vmem>>
    %dma_start3A_175 = tpu.memref_squeeze %dma_start3A_174 : memref<1x80xi32, #tpu.memory_space<vmem>> -> memref<80xi32, #tpu.memory_space<vmem>>
    %dma_start3A_176 = tpu.memref_slice %arg4[%add3A_158] : memref<320000xi32, #tpu.memory_space<hbm>> -> memref<80xi32, #tpu.memory_space<hbm>>
    tpu.enqueue_dma source(%dma_start3A_176 : memref<80xi32, #tpu.memory_space<hbm>>) target(%dma_start3A_175 : memref<80xi32, #tpu.memory_space<vmem>>) target_semaphore(%arg17 : memref<!tpu.dma_semaphore, #tpu.memory_space<semaphore_mem>>)
    %add3A_177 = arith.constant 320000 : i32
    %add3A_178 = arith.addi %add3A_177, %add3A_158 : i32
    %dma_start3A_179 = arith.constant 5 : i32
    %dma_start3A_180 = arith.constant 0 : i32
    %dma_start3A_181 = tpu.memref_slice %arg8[%dma_start3A_179, %dma_start3A_180] : memref<8x80xi32, #tpu.memory_space<vmem>> -> memref<1x80xi32, #tpu.memory_space<vmem>>
    %dma_start3A_182 = tpu.memref_squeeze %dma_start3A_181 : memref<1x80xi32, #tpu.memory_space<vmem>> -> memref<80xi32, #tpu.memory_space<vmem>>
    %dma_start3A_183 = tpu.memref_slice %arg3[%add3A_178] : memref<640000xi32, #tpu.memory_space<hbm>> -> memref<80xi32, #tpu.memory_space<hbm>>
    %dma_start3A_184 = arith.constant 0 : i32
    %dma_start3A_185 = tpu.memref_slice %arg8[%dma_start3A_179, %dma_start3A_184] : memref<8x80xi32, #tpu.memory_space<vmem>> -> memref<1x80xi32, #tpu.memory_space<vmem>>
    %dma_start3A_186 = tpu.memref_squeeze %dma_start3A_185 : memref<1x80xi32, #tpu.memory_space<vmem>> -> memref<80xi32, #tpu.memory_space<vmem>>
    %dma_start3A_187 = tpu.memref_slice %arg3[%add3A_178] : memref<640000xi32, #tpu.memory_space<hbm>> -> memref<80xi32, #tpu.memory_space<hbm>>
    tpu.enqueue_dma source(%dma_start3A_187 : memref<80xi32, #tpu.memory_space<hbm>>) target(%dma_start3A_186 : memref<80xi32, #tpu.memory_space<vmem>>) target_semaphore(%arg17 : memref<!tpu.dma_semaphore, #tpu.memory_space<semaphore_mem>>)
    %add3A_188 = arith.constant 480 : i32
    %add3A_189 = arith.addi %mul3A_2, %add3A_188 : i32
    %dma_start3A_190 = arith.constant 6 : i32
    %dma_start3A_191 = arith.constant 0 : i32
    %dma_start3A_192 = tpu.memref_slice %arg6[%dma_start3A_190, %dma_start3A_191] : memref<8x80xi32, #tpu.memory_space<vmem>> -> memref<1x80xi32, #tpu.memory_space<vmem>>
    %dma_start3A_193 = tpu.memref_squeeze %dma_start3A_192 : memref<1x80xi32, #tpu.memory_space<vmem>> -> memref<80xi32, #tpu.memory_space<vmem>>
    %dma_start3A_194 = tpu.memref_slice %arg3[%add3A_189] : memref<640000xi32, #tpu.memory_space<hbm>> -> memref<80xi32, #tpu.memory_space<hbm>>
    %dma_start3A_195 = arith.constant 0 : i32
    %dma_start3A_196 = tpu.memref_slice %arg6[%dma_start3A_190, %dma_start3A_195] : memref<8x80xi32, #tpu.memory_space<vmem>> -> memref<1x80xi32, #tpu.memory_space<vmem>>
    %dma_start3A_197 = tpu.memref_squeeze %dma_start3A_196 : memref<1x80xi32, #tpu.memory_space<vmem>> -> memref<80xi32, #tpu.memory_space<vmem>>
    %dma_start3A_198 = tpu.memref_slice %arg3[%add3A_189] : memref<640000xi32, #tpu.memory_space<hbm>> -> memref<80xi32, #tpu.memory_space<hbm>>
    tpu.enqueue_dma source(%dma_start3A_198 : memref<80xi32, #tpu.memory_space<hbm>>) target(%dma_start3A_197 : memref<80xi32, #tpu.memory_space<vmem>>) target_semaphore(%arg18 : memref<!tpu.dma_semaphore, #tpu.memory_space<semaphore_mem>>)
    %dma_start3A_199 = arith.constant 6 : i32
    %dma_start3A_200 = arith.constant 0 : i32
    %dma_start3A_201 = tpu.memref_slice %arg7[%dma_start3A_199, %dma_start3A_200] : memref<8x80xi32, #tpu.memory_space<vmem>> -> memref<1x80xi32, #tpu.memory_space<vmem>>
    %dma_start3A_202 = tpu.memref_squeeze %dma_start3A_201 : memref<1x80xi32, #tpu.memory_space<vmem>> -> memref<80xi32, #tpu.memory_space<vmem>>
    %dma_start3A_203 = tpu.memref_slice %arg4[%add3A_189] : memref<320000xi32, #tpu.memory_space<hbm>> -> memref<80xi32, #tpu.memory_space<hbm>>
    %dma_start3A_204 = arith.constant 0 : i32
    %dma_start3A_205 = tpu.memref_slice %arg7[%dma_start3A_199, %dma_start3A_204] : memref<8x80xi32, #tpu.memory_space<vmem>> -> memref<1x80xi32, #tpu.memory_space<vmem>>
    %dma_start3A_206 = tpu.memref_squeeze %dma_start3A_205 : memref<1x80xi32, #tpu.memory_space<vmem>> -> memref<80xi32, #tpu.memory_space<vmem>>
    %dma_start3A_207 = tpu.memref_slice %arg4[%add3A_189] : memref<320000xi32, #tpu.memory_space<hbm>> -> memref<80xi32, #tpu.memory_space<hbm>>
    tpu.enqueue_dma source(%dma_start3A_207 : memref<80xi32, #tpu.memory_space<hbm>>) target(%dma_start3A_206 : memref<80xi32, #tpu.memory_space<vmem>>) target_semaphore(%arg18 : memref<!tpu.dma_semaphore, #tpu.memory_space<semaphore_mem>>)
    %add3A_208 = arith.constant 320000 : i32
    %add3A_209 = arith.addi %add3A_208, %add3A_189 : i32
    %dma_start3A_210 = arith.constant 6 : i32
    %dma_start3A_211 = arith.constant 0 : i32
    %dma_start3A_212 = tpu.memref_slice %arg8[%dma_start3A_210, %dma_start3A_211] : memref<8x80xi32, #tpu.memory_space<vmem>> -> memref<1x80xi32, #tpu.memory_space<vmem>>
    %dma_start3A_213 = tpu.memref_squeeze %dma_start3A_212 : memref<1x80xi32, #tpu.memory_space<vmem>> -> memref<80xi32, #tpu.memory_space<vmem>>
    %dma_start3A_214 = tpu.memref_slice %arg3[%add3A_209] : memref<640000xi32, #tpu.memory_space<hbm>> -> memref<80xi32, #tpu.memory_space<hbm>>
    %dma_start3A_215 = arith.constant 0 : i32
    %dma_start3A_216 = tpu.memref_slice %arg8[%dma_start3A_210, %dma_start3A_215] : memref<8x80xi32, #tpu.memory_space<vmem>> -> memref<1x80xi32, #tpu.memory_space<vmem>>
    %dma_start3A_217 = tpu.memref_squeeze %dma_start3A_216 : memref<1x80xi32, #tpu.memory_space<vmem>> -> memref<80xi32, #tpu.memory_space<vmem>>
    %dma_start3A_218 = tpu.memref_slice %arg3[%add3A_209] : memref<640000xi32, #tpu.memory_space<hbm>> -> memref<80xi32, #tpu.memory_space<hbm>>
    tpu.enqueue_dma source(%dma_start3A_218 : memref<80xi32, #tpu.memory_space<hbm>>) target(%dma_start3A_217 : memref<80xi32, #tpu.memory_space<vmem>>) target_semaphore(%arg18 : memref<!tpu.dma_semaphore, #tpu.memory_space<semaphore_mem>>)
    %add3A_219 = arith.constant 560 : i32
    %add3A_220 = arith.addi %mul3A_2, %add3A_219 : i32
    %dma_start3A_221 = arith.constant 7 : i32
    %dma_start3A_222 = arith.constant 0 : i32
    %dma_start3A_223 = tpu.memref_slice %arg6[%dma_start3A_221, %dma_start3A_222] : memref<8x80xi32, #tpu.memory_space<vmem>> -> memref<1x80xi32, #tpu.memory_space<vmem>>
    %dma_start3A_224 = tpu.memref_squeeze %dma_start3A_223 : memref<1x80xi32, #tpu.memory_space<vmem>> -> memref<80xi32, #tpu.memory_space<vmem>>
    %dma_start3A_225 = tpu.memref_slice %arg3[%add3A_220] : memref<640000xi32, #tpu.memory_space<hbm>> -> memref<80xi32, #tpu.memory_space<hbm>>
    %dma_start3A_226 = arith.constant 0 : i32
    %dma_start3A_227 = tpu.memref_slice %arg6[%dma_start3A_221, %dma_start3A_226] : memref<8x80xi32, #tpu.memory_space<vmem>> -> memref<1x80xi32, #tpu.memory_space<vmem>>
    %dma_start3A_228 = tpu.memref_squeeze %dma_start3A_227 : memref<1x80xi32, #tpu.memory_space<vmem>> -> memref<80xi32, #tpu.memory_space<vmem>>
    %dma_start3A_229 = tpu.memref_slice %arg3[%add3A_220] : memref<640000xi32, #tpu.memory_space<hbm>> -> memref<80xi32, #tpu.memory_space<hbm>>
    tpu.enqueue_dma source(%dma_start3A_229 : memref<80xi32, #tpu.memory_space<hbm>>) target(%dma_start3A_228 : memref<80xi32, #tpu.memory_space<vmem>>) target_semaphore(%arg19 : memref<!tpu.dma_semaphore, #tpu.memory_space<semaphore_mem>>)
    %dma_start3A_230 = arith.constant 7 : i32
    %dma_start3A_231 = arith.constant 0 : i32
    %dma_start3A_232 = tpu.memref_slice %arg7[%dma_start3A_230, %dma_start3A_231] : memref<8x80xi32, #tpu.memory_space<vmem>> -> memref<1x80xi32, #tpu.memory_space<vmem>>
    %dma_start3A_233 = tpu.memref_squeeze %dma_start3A_232 : memref<1x80xi32, #tpu.memory_space<vmem>> -> memref<80xi32, #tpu.memory_space<vmem>>
    %dma_start3A_234 = tpu.memref_slice %arg4[%add3A_220] : memref<320000xi32, #tpu.memory_space<hbm>> -> memref<80xi32, #tpu.memory_space<hbm>>
    %dma_start3A_235 = arith.constant 0 : i32
    %dma_start3A_236 = tpu.memref_slice %arg7[%dma_start3A_230, %dma_start3A_235] : memref<8x80xi32, #tpu.memory_space<vmem>> -> memref<1x80xi32, #tpu.memory_space<vmem>>
    %dma_start3A_237 = tpu.memref_squeeze %dma_start3A_236 : memref<1x80xi32, #tpu.memory_space<vmem>> -> memref<80xi32, #tpu.memory_space<vmem>>
    %dma_start3A_238 = tpu.memref_slice %arg4[%add3A_220] : memref<320000xi32, #tpu.memory_space<hbm>> -> memref<80xi32, #tpu.memory_space<hbm>>
    tpu.enqueue_dma source(%dma_start3A_238 : memref<80xi32, #tpu.memory_space<hbm>>) target(%dma_start3A_237 : memref<80xi32, #tpu.memory_space<vmem>>) target_semaphore(%arg19 : memref<!tpu.dma_semaphore, #tpu.memory_space<semaphore_mem>>)
    %add3A_239 = arith.constant 320000 : i32
    %add3A_240 = arith.addi %add3A_239, %add3A_220 : i32
    %dma_start3A_241 = arith.constant 7 : i32
    %dma_start3A_242 = arith.constant 0 : i32
    %dma_start3A_243 = tpu.memref_slice %arg8[%dma_start3A_241, %dma_start3A_242] : memref<8x80xi32, #tpu.memory_space<vmem>> -> memref<1x80xi32, #tpu.memory_space<vmem>>
    %dma_start3A_244 = tpu.memref_squeeze %dma_start3A_243 : memref<1x80xi32, #tpu.memory_space<vmem>> -> memref<80xi32, #tpu.memory_space<vmem>>
    %dma_start3A_245 = tpu.memref_slice %arg3[%add3A_240] : memref<640000xi32, #tpu.memory_space<hbm>> -> memref<80xi32, #tpu.memory_space<hbm>>
    %dma_start3A_246 = arith.constant 0 : i32
    %dma_start3A_247 = tpu.memref_slice %arg8[%dma_start3A_241, %dma_start3A_246] : memref<8x80xi32, #tpu.memory_space<vmem>> -> memref<1x80xi32, #tpu.memory_space<vmem>>
    %dma_start3A_248 = tpu.memref_squeeze %dma_start3A_247 : memref<1x80xi32, #tpu.memory_space<vmem>> -> memref<80xi32, #tpu.memory_space<vmem>>
    %dma_start3A_249 = tpu.memref_slice %arg3[%add3A_240] : memref<640000xi32, #tpu.memory_space<hbm>> -> memref<80xi32, #tpu.memory_space<hbm>>
    tpu.enqueue_dma source(%dma_start3A_249 : memref<80xi32, #tpu.memory_space<hbm>>) target(%dma_start3A_248 : memref<80xi32, #tpu.memory_space<vmem>>) target_semaphore(%arg19 : memref<!tpu.dma_semaphore, #tpu.memory_space<semaphore_mem>>)
    %broadcast_in_dim3A = arith.constant 0.000000e+00 : f32
    %broadcast_in_dim3A_250 = vector.broadcast %broadcast_in_dim3A : f32 to vector<16xf32>
    %scan3A = arith.constant 0 : i32
    %scan3A_251 = arith.constant 0 : i32
    %scan3A_252 = arith.constant 24 : i32
    %scan3A_253 = arith.addi %scan3A_251, %scan3A_252 : i32
    %scan3A_254 = arith.constant 1 : i32
    scf.for %scan3A_868 = %scan3A_251 to %scan3A_253 step %scan3A_254  : i32 {
      %swap3A_869 = arith.index_cast %scan3A_868 : i32 to index
      %swap3A_870 = arith.constant 0 : index
      %swap3A_871 = tpu.vector_load %arg10[%swap3A_869, %swap3A_870] {strides = array<i32>} : memref<24x128xf32, #tpu.memory_space<vmem>>, vector<1x16xf32>,
      %swap3A_872 = vector.shape_cast %swap3A_871 : vector<1x16xf32> to vector<16xf32>
      %swap3A_873 = vector.shape_cast %broadcast_in_dim3A_250 : vector<16xf32> to vector<1x16xf32>
      tpu.vector_store %arg10[%swap3A_869, %swap3A_870], %swap3A_873 {strides = array<i32>} : memref<24x128xf32, #tpu.memory_space<vmem>>, vector<1x16xf32>,
      %swap3A_874 = arith.index_cast %scan3A_868 : i32 to index
      %swap3A_875 = arith.constant 16 : index
      %swap3A_876 = tpu.vector_load %arg10[%swap3A_874, %swap3A_875] {strides = array<i32>} : memref<24x128xf32, #tpu.memory_space<vmem>>, vector<1x16xf32>,
      %swap3A_877 = vector.shape_cast %swap3A_876 : vector<1x16xf32> to vector<16xf32>
      %swap3A_878 = vector.shape_cast %broadcast_in_dim3A_250 : vector<16xf32> to vector<1x16xf32>
      tpu.vector_store %arg10[%swap3A_874, %swap3A_875], %swap3A_878 {strides = array<i32>} : memref<24x128xf32, #tpu.memory_space<vmem>>, vector<1x16xf32>,
      %swap3A_879 = arith.index_cast %scan3A_868 : i32 to index
      %swap3A_880 = arith.constant 32 : index
      %swap3A_881 = tpu.vector_load %arg10[%swap3A_879, %swap3A_880] {strides = array<i32>} : memref<24x128xf32, #tpu.memory_space<vmem>>, vector<1x16xf32>,
      %swap3A_882 = vector.shape_cast %swap3A_881 : vector<1x16xf32> to vector<16xf32>
      %swap3A_883 = vector.shape_cast %broadcast_in_dim3A_250 : vector<16xf32> to vector<1x16xf32>
      tpu.vector_store %arg10[%swap3A_879, %swap3A_880], %swap3A_883 {strides = array<i32>} : memref<24x128xf32, #tpu.memory_space<vmem>>, vector<1x16xf32>,
      %swap3A_884 = arith.index_cast %scan3A_868 : i32 to index
      %swap3A_885 = arith.constant 48 : index
      %swap3A_886 = tpu.vector_load %arg10[%swap3A_884, %swap3A_885] {strides = array<i32>} : memref<24x128xf32, #tpu.memory_space<vmem>>, vector<1x16xf32>,
      %swap3A_887 = vector.shape_cast %swap3A_886 : vector<1x16xf32> to vector<16xf32>
      %swap3A_888 = vector.shape_cast %broadcast_in_dim3A_250 : vector<16xf32> to vector<1x16xf32>
      tpu.vector_store %arg10[%swap3A_884, %swap3A_885], %swap3A_888 {strides = array<i32>} : memref<24x128xf32, #tpu.memory_space<vmem>>, vector<1x16xf32>,
      %swap3A_889 = arith.index_cast %scan3A_868 : i32 to index
      %swap3A_890 = arith.constant 64 : index
      %swap3A_891 = tpu.vector_load %arg10[%swap3A_889, %swap3A_890] {strides = array<i32>} : memref<24x128xf32, #tpu.memory_space<vmem>>, vector<1x16xf32>,
      %swap3A_892 = vector.shape_cast %swap3A_891 : vector<1x16xf32> to vector<16xf32>
      %swap3A_893 = vector.shape_cast %broadcast_in_dim3A_250 : vector<16xf32> to vector<1x16xf32>
      tpu.vector_store %arg10[%swap3A_889, %swap3A_890], %swap3A_893 {strides = array<i32>} : memref<24x128xf32, #tpu.memory_space<vmem>>, vector<1x16xf32>,
      %swap3A_894 = arith.index_cast %scan3A_868 : i32 to index
      %swap3A_895 = arith.constant 80 : index
      %swap3A_896 = tpu.vector_load %arg10[%swap3A_894, %swap3A_895] {strides = array<i32>} : memref<24x128xf32, #tpu.memory_space<vmem>>, vector<1x16xf32>,
      %swap3A_897 = vector.shape_cast %swap3A_896 : vector<1x16xf32> to vector<16xf32>
      %swap3A_898 = vector.shape_cast %broadcast_in_dim3A_250 : vector<16xf32> to vector<1x16xf32>
      tpu.vector_store %arg10[%swap3A_894, %swap3A_895], %swap3A_898 {strides = array<i32>} : memref<24x128xf32, #tpu.memory_space<vmem>>, vector<1x16xf32>,
      %swap3A_899 = arith.index_cast %scan3A_868 : i32 to index
      %swap3A_900 = arith.constant 96 : index
      %swap3A_901 = tpu.vector_load %arg10[%swap3A_899, %swap3A_900] {strides = array<i32>} : memref<24x128xf32, #tpu.memory_space<vmem>>, vector<1x16xf32>,
      %swap3A_902 = vector.shape_cast %swap3A_901 : vector<1x16xf32> to vector<16xf32>
      %swap3A_903 = vector.shape_cast %broadcast_in_dim3A_250 : vector<16xf32> to vector<1x16xf32>
      tpu.vector_store %arg10[%swap3A_899, %swap3A_900], %swap3A_903 {strides = array<i32>} : memref<24x128xf32, #tpu.memory_space<vmem>>, vector<1x16xf32>,
      %swap3A_904 = arith.index_cast %scan3A_868 : i32 to index
      %swap3A_905 = arith.constant 112 : index
      %swap3A_906 = tpu.vector_load %arg10[%swap3A_904, %swap3A_905] {strides = array<i32>} : memref<24x128xf32, #tpu.memory_space<vmem>>, vector<1x16xf32>,
      %swap3A_907 = vector.shape_cast %swap3A_906 : vector<1x16xf32> to vector<16xf32>
      %swap3A_908 = vector.shape_cast %broadcast_in_dim3A_250 : vector<16xf32> to vector<1x16xf32>
      tpu.vector_store %arg10[%swap3A_904, %swap3A_905], %swap3A_908 {strides = array<i32>} : memref<24x128xf32, #tpu.memory_space<vmem>>, vector<1x16xf32>,
    }
    %scan3A_255 = arith.constant 24 : i32
    %scan3A_256 = arith.constant 0 : i32
    %scan3A_257 = arith.constant 0 : i32
    %scan3A_258 = arith.constant 26 : i32
    %scan3A_259 = arith.addi %scan3A_257, %scan3A_258 : i32
    %scan3A_260 = arith.constant 1 : i32
    scf.for %scan3A_868 = %scan3A_257 to %scan3A_259 step %scan3A_260  : i32 {
      %mul3A_869 = arith.constant 624 : i32
      %mul3A_870 = arith.muli %arg1, %mul3A_869 : i32
      %mul3A_871 = arith.constant 24 : i32
      %mul3A_872 = arith.muli %scan3A_868, %mul3A_871 : i32
      %add3A_873 = arith.addi %mul3A_870, %mul3A_872 : i32
      %dma_start3A_874 = arith.constant 0 : i32
      %dma_start3A_875 = tpu.memref_slice %arg11[%add3A_873, %dma_start3A_874] : memref<10000x128xf32, #tpu.memory_space<vmem_shared>> -> memref<24x128xf32, #tpu.memory_space<vmem_shared>>
      %dma_start3A_876 = arith.constant 0 : i32
      %dma_start3A_877 = tpu.memref_slice %arg11[%add3A_873, %dma_start3A_876] : memref<10000x128xf32, #tpu.memory_space<vmem_shared>> -> memref<24x128xf32, #tpu.memory_space<vmem_shared>>
      tpu.enqueue_dma source(%arg10 : memref<24x128xf32, #tpu.memory_space<vmem>>) target(%dma_start3A_877 : memref<24x128xf32, #tpu.memory_space<vmem_shared>>) target_semaphore(%arg24 : memref<!tpu.dma_semaphore, #tpu.memory_space<semaphore_mem>>)
    }
    %scan3A_261 = arith.constant 26 : i32
    %eq3A = arith.constant 0 : i32
    %eq3A_262 = arith.cmpi eq, %arg1, %eq3A : i32
    %convert_element_type3A = arith.extui %eq3A_262 : i1 to i32
    %cond3A = arith.constant 0 : i32
    %cond3A_263 = arith.cmpi ne, %convert_element_type3A, %cond3A : i32
    scf.if %cond3A_263 {
      %dma_start3A_868 = arith.constant 0 : i32
      %dma_start3A_869 = arith.constant 0 : i32
      %dma_start3A_870 = tpu.memref_slice %arg10[%dma_start3A_868, %dma_start3A_869] : memref<24x128xf32, #tpu.memory_space<vmem>> -> memref<16x128xf32, #tpu.memory_space<vmem>>
      %dma_start3A_871 = arith.constant 9984 : i32
      %dma_start3A_872 = arith.constant 0 : i32
      %dma_start3A_873 = tpu.memref_slice %arg11[%dma_start3A_871, %dma_start3A_872] : memref<10000x128xf32, #tpu.memory_space<vmem_shared>> -> memref<16x128xf32, #tpu.memory_space<vmem_shared>>
      %dma_start3A_874 = arith.constant 9984 : i32
      %dma_start3A_875 = arith.constant 0 : i32
      %dma_start3A_876 = tpu.memref_slice %arg11[%dma_start3A_874, %dma_start3A_875] : memref<10000x128xf32, #tpu.memory_space<vmem_shared>> -> memref<16x128xf32, #tpu.memory_space<vmem_shared>>
      %dma_start3A_877 = arith.constant 0 : i32
      %dma_start3A_878 = arith.constant 0 : i32
      %dma_start3A_879 = tpu.memref_slice %arg10[%dma_start3A_877, %dma_start3A_878] : memref<24x128xf32, #tpu.memory_space<vmem>> -> memref<16x128xf32, #tpu.memory_space<vmem>>
      tpu.enqueue_dma source(%dma_start3A_879 : memref<16x128xf32, #tpu.memory_space<vmem>>) target(%dma_start3A_876 : memref<16x128xf32, #tpu.memory_space<vmem_shared>>) target_semaphore(%arg25 : memref<!tpu.dma_semaphore, #tpu.memory_space<semaphore_mem>>)
    } else {
    }
    %scan3A_264 = arith.constant 0 : i32
    %scan3A_265 = arith.constant 0 : i32
    %scan3A_266 = arith.constant 26 : i32
    %scan3A_267 = arith.addi %scan3A_265, %scan3A_266 : i32
    %scan3A_268 = arith.constant 1 : i32
    scf.for %scan3A_868 = %scan3A_265 to %scan3A_267 step %scan3A_268  : i32 {
      %mul3A_869 = arith.constant 624 : i32
      %mul3A_870 = arith.muli %arg1, %mul3A_869 : i32
      %dma_wait3A_871 = arith.constant 0 : i32
      %dma_wait3A_872 = tpu.memref_slice %arg11[%mul3A_870, %dma_wait3A_871] : memref<10000x128xf32, #tpu.memory_space<vmem_shared>> -> memref<24x128xf32, #tpu.memory_space<vmem_shared>>
      %dma_wait3A_873 = arith.constant 0 : i32
      %dma_wait3A_874 = tpu.memref_slice %arg11[%mul3A_870, %dma_wait3A_873] : memref<10000x128xf32, #tpu.memory_space<vmem_shared>> -> memref<24x128xf32, #tpu.memory_space<vmem_shared>>
      tpu.wait_dma2 semaphore(%arg24 : memref<!tpu.dma_semaphore, #tpu.memory_space<semaphore_mem>>) src(%arg10 : memref<24x128xf32, #tpu.memory_space<vmem>>) dst(%dma_wait3A_874 : memref<24x128xf32, #tpu.memory_space<vmem_shared>>)
    }
    %scan3A_269 = arith.constant 26 : i32
    %eq3A_270 = arith.constant 0 : i32
    %eq3A_271 = arith.cmpi eq, %arg1, %eq3A_270 : i32
    %convert_element_type3A_272 = arith.extui %eq3A_271 : i1 to i32
    %cond3A_273 = arith.constant 0 : i32
    %cond3A_274 = arith.cmpi ne, %convert_element_type3A_272, %cond3A_273 : i32
    scf.if %cond3A_274 {
      %dma_wait3A_868 = arith.constant 0 : i32
      %dma_wait3A_869 = arith.constant 0 : i32
      %dma_wait3A_870 = tpu.memref_slice %arg10[%dma_wait3A_868, %dma_wait3A_869] : memref<24x128xf32, #tpu.memory_space<vmem>> -> memref<16x128xf32, #tpu.memory_space<vmem>>
      %dma_wait3A_871 = arith.constant 9984 : i32
      %dma_wait3A_872 = arith.constant 0 : i32
      %dma_wait3A_873 = tpu.memref_slice %arg11[%dma_wait3A_871, %dma_wait3A_872] : memref<10000x128xf32, #tpu.memory_space<vmem_shared>> -> memref<16x128xf32, #tpu.memory_space<vmem_shared>>
      %dma_wait3A_874 = arith.constant 9984 : i32
      %dma_wait3A_875 = arith.constant 0 : i32
      %dma_wait3A_876 = tpu.memref_slice %arg11[%dma_wait3A_874, %dma_wait3A_875] : memref<10000x128xf32, #tpu.memory_space<vmem_shared>> -> memref<16x128xf32, #tpu.memory_space<vmem_shared>>
      %dma_wait3A_877 = arith.constant 0 : i32
      %dma_wait3A_878 = arith.constant 0 : i32
      %dma_wait3A_879 = tpu.memref_slice %arg10[%dma_wait3A_877, %dma_wait3A_878] : memref<24x128xf32, #tpu.memory_space<vmem>> -> memref<16x128xf32, #tpu.memory_space<vmem>>
      tpu.wait_dma2 semaphore(%arg25 : memref<!tpu.dma_semaphore, #tpu.memory_space<semaphore_mem>>) src(%dma_wait3A_879 : memref<16x128xf32, #tpu.memory_space<vmem>>) dst(%dma_wait3A_876 : memref<16x128xf32, #tpu.memory_space<vmem_shared>>)
    } else {
    }
    %dma_wait3A = arith.constant 0 : i32
    %dma_wait3A_275 = arith.constant 0 : i32
    %dma_wait3A_276 = tpu.memref_slice %arg6[%dma_wait3A, %dma_wait3A_275] : memref<8x80xi32, #tpu.memory_space<vmem>> -> memref<1x80xi32, #tpu.memory_space<vmem>>
    %dma_wait3A_277 = tpu.memref_squeeze %dma_wait3A_276 : memref<1x80xi32, #tpu.memory_space<vmem>> -> memref<80xi32, #tpu.memory_space<vmem>>
    %dma_wait3A_278 = arith.constant 0 : i32
    %dma_wait3A_279 = tpu.memref_slice %arg3[%dma_wait3A_278] : memref<640000xi32, #tpu.memory_space<hbm>> -> memref<80xi32, #tpu.memory_space<hbm>>
    %dma_wait3A_280 = arith.constant 0 : i32
    %dma_wait3A_281 = tpu.memref_slice %arg6[%dma_wait3A, %dma_wait3A_280] : memref<8x80xi32, #tpu.memory_space<vmem>> -> memref<1x80xi32, #tpu.memory_space<vmem>>
    %dma_wait3A_282 = tpu.memref_squeeze %dma_wait3A_281 : memref<1x80xi32, #tpu.memory_space<vmem>> -> memref<80xi32, #tpu.memory_space<vmem>>
    %dma_wait3A_283 = arith.constant 0 : i32
    %dma_wait3A_284 = tpu.memref_slice %arg3[%dma_wait3A_283] : memref<640000xi32, #tpu.memory_space<hbm>> -> memref<80xi32, #tpu.memory_space<hbm>>
    tpu.wait_dma2 semaphore(%arg12 : memref<!tpu.dma_semaphore, #tpu.memory_space<semaphore_mem>>) src(%dma_wait3A_284 : memref<80xi32, #tpu.memory_space<hbm>>) dst(%dma_wait3A_282 : memref<80xi32, #tpu.memory_space<vmem>>)
    %dma_wait3A_285 = arith.constant 0 : i32
    %dma_wait3A_286 = arith.constant 0 : i32
    %dma_wait3A_287 = tpu.memref_slice %arg7[%dma_wait3A_285, %dma_wait3A_286] : memref<8x80xi32, #tpu.memory_space<vmem>> -> memref<1x80xi32, #tpu.memory_space<vmem>>
    %dma_wait3A_288 = tpu.memref_squeeze %dma_wait3A_287 : memref<1x80xi32, #tpu.memory_space<vmem>> -> memref<80xi32, #tpu.memory_space<vmem>>
    %dma_wait3A_289 = arith.constant 0 : i32
    %dma_wait3A_290 = tpu.memref_slice %arg3[%dma_wait3A_289] : memref<640000xi32, #tpu.memory_space<hbm>> -> memref<80xi32, #tpu.memory_space<hbm>>
    %dma_wait3A_291 = arith.constant 0 : i32
    %dma_wait3A_292 = tpu.memref_slice %arg7[%dma_wait3A_285, %dma_wait3A_291] : memref<8x80xi32, #tpu.memory_space<vmem>> -> memref<1x80xi32, #tpu.memory_space<vmem>>
    %dma_wait3A_293 = tpu.memref_squeeze %dma_wait3A_292 : memref<1x80xi32, #tpu.memory_space<vmem>> -> memref<80xi32, #tpu.memory_space<vmem>>
    %dma_wait3A_294 = arith.constant 0 : i32
    %dma_wait3A_295 = tpu.memref_slice %arg3[%dma_wait3A_294] : memref<640000xi32, #tpu.memory_space<hbm>> -> memref<80xi32, #tpu.memory_space<hbm>>
    tpu.wait_dma2 semaphore(%arg12 : memref<!tpu.dma_semaphore, #tpu.memory_space<semaphore_mem>>) src(%dma_wait3A_295 : memref<80xi32, #tpu.memory_space<hbm>>) dst(%dma_wait3A_293 : memref<80xi32, #tpu.memory_space<vmem>>)
    %dma_wait3A_296 = arith.constant 0 : i32
    %dma_wait3A_297 = arith.constant 0 : i32
    %dma_wait3A_298 = tpu.memref_slice %arg8[%dma_wait3A_296, %dma_wait3A_297] : memref<8x80xi32, #tpu.memory_space<vmem>> -> memref<1x80xi32, #tpu.memory_space<vmem>>
    %dma_wait3A_299 = tpu.memref_squeeze %dma_wait3A_298 : memref<1x80xi32, #tpu.memory_space<vmem>> -> memref<80xi32, #tpu.memory_space<vmem>>
    %dma_wait3A_300 = arith.constant 0 : i32
    %dma_wait3A_301 = tpu.memref_slice %arg3[%dma_wait3A_300] : memref<640000xi32, #tpu.memory_space<hbm>> -> memref<80xi32, #tpu.memory_space<hbm>>
    %dma_wait3A_302 = arith.constant 0 : i32
    %dma_wait3A_303 = tpu.memref_slice %arg8[%dma_wait3A_296, %dma_wait3A_302] : memref<8x80xi32, #tpu.memory_space<vmem>> -> memref<1x80xi32, #tpu.memory_space<vmem>>
    %dma_wait3A_304 = tpu.memref_squeeze %dma_wait3A_303 : memref<1x80xi32, #tpu.memory_space<vmem>> -> memref<80xi32, #tpu.memory_space<vmem>>
    %dma_wait3A_305 = arith.constant 0 : i32
    %dma_wait3A_306 = tpu.memref_slice %arg3[%dma_wait3A_305] : memref<640000xi32, #tpu.memory_space<hbm>> -> memref<80xi32, #tpu.memory_space<hbm>>
    tpu.wait_dma2 semaphore(%arg12 : memref<!tpu.dma_semaphore, #tpu.memory_space<semaphore_mem>>) src(%dma_wait3A_306 : memref<80xi32, #tpu.memory_space<hbm>>) dst(%dma_wait3A_304 : memref<80xi32, #tpu.memory_space<vmem>>)
    %get3A = arith.constant 0 : i32
    %get3A_307 = arith.index_cast %get3A : i32 to index
    %get3A_308 = arith.constant 0 : index
    %get3A_309 = tpu.vector_load %arg7[%get3A_307, %get3A_308] {strides = array<i32>} : memref<8x80xi32, #tpu.memory_space<vmem>>, vector<1x16xi32>,
    %get3A_310 = vector.shape_cast %get3A_309 : vector<1x16xi32> to vector<16xi32>
    %mul3A_311 = arith.constant 10000 : i32
    %mul3A_312 = vector.broadcast %mul3A_311 : i32 to vector<16xi32>
    %mul3A_313 = arith.muli %get3A_310, %mul3A_312 : vector<16xi32>
    %get3A_314 = arith.constant 0 : i32
    %get3A_315 = arith.index_cast %get3A_314 : i32 to index
    %get3A_316 = arith.constant 0 : index
    %get3A_317 = tpu.vector_load %arg6[%get3A_315, %get3A_316] {strides = array<i32>} : memref<8x80xi32, #tpu.memory_space<vmem>>, vector<1x16xi32>,
    %get3A_318 = vector.shape_cast %get3A_317 : vector<1x16xi32> to vector<16xi32>
    %add3A_319 = arith.addi %mul3A_313, %get3A_318 : vector<16xi32>
    %swap3A = arith.constant 0 : i32
    %swap3A_320 = arith.index_cast %swap3A : i32 to index
    %swap3A_321 = arith.constant 0 : index
    %swap3A_322 = tpu.vector_load %arg6[%swap3A_320, %swap3A_321] {strides = array<i32>} : memref<8x80xi32, #tpu.memory_space<vmem>>, vector<1x16xi32>,
    %swap3A_323 = vector.shape_cast %swap3A_322 : vector<1x16xi32> to vector<16xi32>
    %swap3A_324 = vector.shape_cast %add3A_319 : vector<16xi32> to vector<1x16xi32>
    tpu.vector_store %arg6[%swap3A_320, %swap3A_321], %swap3A_324 {strides = array<i32>} : memref<8x80xi32, #tpu.memory_space<vmem>>, vector<1x16xi32>,
    %get3A_325 = arith.constant 0 : i32
    %get3A_326 = arith.index_cast %get3A_325 : i32 to index
    %get3A_327 = arith.constant 16 : index
    %get3A_328 = tpu.vector_load %arg7[%get3A_326, %get3A_327] {strides = array<i32>} : memref<8x80xi32, #tpu.memory_space<vmem>>, vector<1x16xi32>,
    %get3A_329 = vector.shape_cast %get3A_328 : vector<1x16xi32> to vector<16xi32>
    %mul3A_330 = arith.constant 10000 : i32
    %mul3A_331 = vector.broadcast %mul3A_330 : i32 to vector<16xi32>
    %mul3A_332 = arith.muli %get3A_329, %mul3A_331 : vector<16xi32>
    %get3A_333 = arith.constant 0 : i32
    %get3A_334 = arith.index_cast %get3A_333 : i32 to index
    %get3A_335 = arith.constant 16 : index
    %get3A_336 = tpu.vector_load %arg6[%get3A_334, %get3A_335] {strides = array<i32>} : memref<8x80xi32, #tpu.memory_space<vmem>>, vector<1x16xi32>,
    %get3A_337 = vector.shape_cast %get3A_336 : vector<1x16xi32> to vector<16xi32>
    %add3A_338 = arith.addi %mul3A_332, %get3A_337 : vector<16xi32>
    %swap3A_339 = arith.constant 0 : i32
    %swap3A_340 = arith.index_cast %swap3A_339 : i32 to index
    %swap3A_341 = arith.constant 16 : index
    %swap3A_342 = tpu.vector_load %arg6[%swap3A_340, %swap3A_341] {strides = array<i32>} : memref<8x80xi32, #tpu.memory_space<vmem>>, vector<1x16xi32>,
    %swap3A_343 = vector.shape_cast %swap3A_342 : vector<1x16xi32> to vector<16xi32>
    %swap3A_344 = vector.shape_cast %add3A_338 : vector<16xi32> to vector<1x16xi32>
    tpu.vector_store %arg6[%swap3A_340, %swap3A_341], %swap3A_344 {strides = array<i32>} : memref<8x80xi32, #tpu.memory_space<vmem>>, vector<1x16xi32>,
    %get3A_345 = arith.constant 0 : i32
    %get3A_346 = arith.index_cast %get3A_345 : i32 to index
    %get3A_347 = arith.constant 32 : index
    %get3A_348 = tpu.vector_load %arg7[%get3A_346, %get3A_347] {strides = array<i32>} : memref<8x80xi32, #tpu.memory_space<vmem>>, vector<1x16xi32>,
    %get3A_349 = vector.shape_cast %get3A_348 : vector<1x16xi32> to vector<16xi32>
    %mul3A_350 = arith.constant 10000 : i32
    %mul3A_351 = vector.broadcast %mul3A_350 : i32 to vector<16xi32>
    %mul3A_352 = arith.muli %get3A_349, %mul3A_351 : vector<16xi32>
    %get3A_353 = arith.constant 0 : i32
    %get3A_354 = arith.index_cast %get3A_353 : i32 to index
    %get3A_355 = arith.constant 32 : index
    %get3A_356 = tpu.vector_load %arg6[%get3A_354, %get3A_355] {strides = array<i32>} : memref<8x80xi32, #tpu.memory_space<vmem>>, vector<1x16xi32>,
    %get3A_357 = vector.shape_cast %get3A_356 : vector<1x16xi32> to vector<16xi32>
    %add3A_358 = arith.addi %mul3A_352, %get3A_357 : vector<16xi32>
    %swap3A_359 = arith.constant 0 : i32
    %swap3A_360 = arith.index_cast %swap3A_359 : i32 to index
    %swap3A_361 = arith.constant 32 : index
    %swap3A_362 = tpu.vector_load %arg6[%swap3A_360, %swap3A_361] {strides = array<i32>} : memref<8x80xi32, #tpu.memory_space<vmem>>, vector<1x16xi32>,
    %swap3A_363 = vector.shape_cast %swap3A_362 : vector<1x16xi32> to vector<16xi32>
    %swap3A_364 = vector.shape_cast %add3A_358 : vector<16xi32> to vector<1x16xi32>
    tpu.vector_store %arg6[%swap3A_360, %swap3A_361], %swap3A_364 {strides = array<i32>} : memref<8x80xi32, #tpu.memory_space<vmem>>, vector<1x16xi32>,
    %get3A_365 = arith.constant 0 : i32
    %get3A_366 = arith.index_cast %get3A_365 : i32 to index
    %get3A_367 = arith.constant 48 : index
    %get3A_368 = tpu.vector_load %arg7[%get3A_366, %get3A_367] {strides = array<i32>} : memref<8x80xi32, #tpu.memory_space<vmem>>, vector<1x16xi32>,
    %get3A_369 = vector.shape_cast %get3A_368 : vector<1x16xi32> to vector<16xi32>
    %mul3A_370 = arith.constant 10000 : i32
    %mul3A_371 = vector.broadcast %mul3A_370 : i32 to vector<16xi32>
    %mul3A_372 = arith.muli %get3A_369, %mul3A_371 : vector<16xi32>
    %get3A_373 = arith.constant 0 : i32
    %get3A_374 = arith.index_cast %get3A_373 : i32 to index
    %get3A_375 = arith.constant 48 : index
    %get3A_376 = tpu.vector_load %arg6[%get3A_374, %get3A_375] {strides = array<i32>} : memref<8x80xi32, #tpu.memory_space<vmem>>, vector<1x16xi32>,
    %get3A_377 = vector.shape_cast %get3A_376 : vector<1x16xi32> to vector<16xi32>
    %add3A_378 = arith.addi %mul3A_372, %get3A_377 : vector<16xi32>
    %swap3A_379 = arith.constant 0 : i32
    %swap3A_380 = arith.index_cast %swap3A_379 : i32 to index
    %swap3A_381 = arith.constant 48 : index
    %swap3A_382 = tpu.vector_load %arg6[%swap3A_380, %swap3A_381] {strides = array<i32>} : memref<8x80xi32, #tpu.memory_space<vmem>>, vector<1x16xi32>,
    %swap3A_383 = vector.shape_cast %swap3A_382 : vector<1x16xi32> to vector<16xi32>
    %swap3A_384 = vector.shape_cast %add3A_378 : vector<16xi32> to vector<1x16xi32>
    tpu.vector_store %arg6[%swap3A_380, %swap3A_381], %swap3A_384 {strides = array<i32>} : memref<8x80xi32, #tpu.memory_space<vmem>>, vector<1x16xi32>,
    %get3A_385 = arith.constant 0 : i32
    %get3A_386 = arith.index_cast %get3A_385 : i32 to index
    %get3A_387 = arith.constant 64 : index
    %get3A_388 = tpu.vector_load %arg7[%get3A_386, %get3A_387] {strides = array<i32>} : memref<8x80xi32, #tpu.memory_space<vmem>>, vector<1x16xi32>,
    %get3A_389 = vector.shape_cast %get3A_388 : vector<1x16xi32> to vector<16xi32>
    %mul3A_390 = arith.constant 10000 : i32
    %mul3A_391 = vector.broadcast %mul3A_390 : i32 to vector<16xi32>
    %mul3A_392 = arith.muli %get3A_389, %mul3A_391 : vector<16xi32>
    %get3A_393 = arith.constant 0 : i32
    %get3A_394 = arith.index_cast %get3A_393 : i32 to index
    %get3A_395 = arith.constant 64 : index
    %get3A_396 = tpu.vector_load %arg6[%get3A_394, %get3A_395] {strides = array<i32>} : memref<8x80xi32, #tpu.memory_space<vmem>>, vector<1x16xi32>,
    %get3A_397 = vector.shape_cast %get3A_396 : vector<1x16xi32> to vector<16xi32>
    %add3A_398 = arith.addi %mul3A_392, %get3A_397 : vector<16xi32>
    %swap3A_399 = arith.constant 0 : i32
    %swap3A_400 = arith.index_cast %swap3A_399 : i32 to index
    %swap3A_401 = arith.constant 64 : index
    %swap3A_402 = tpu.vector_load %arg6[%swap3A_400, %swap3A_401] {strides = array<i32>} : memref<8x80xi32, #tpu.memory_space<vmem>>, vector<1x16xi32>,
    %swap3A_403 = vector.shape_cast %swap3A_402 : vector<1x16xi32> to vector<16xi32>
    %swap3A_404 = vector.shape_cast %add3A_398 : vector<16xi32> to vector<1x16xi32>
    tpu.vector_store %arg6[%swap3A_400, %swap3A_401], %swap3A_404 {strides = array<i32>} : memref<8x80xi32, #tpu.memory_space<vmem>>, vector<1x16xi32>,
    %dma_start3A_405 = arith.constant 0 : i32
    %dma_start3A_406 = arith.constant 0 : i32
    %dma_start3A_407 = arith.constant 0 : i32
    %dma_start3A_408 = arith.constant 0 : i32
    %dma_start3A_409 = tpu.memref_slice %arg9[%dma_start3A_406, %dma_start3A_407, %dma_start3A_408] : memref<4x80x128xf32, #tpu.memory_space<vmem>> -> memref<1x80x128xf32, #tpu.memory_space<vmem>>
    %dma_start3A_410 = tpu.memref_squeeze %dma_start3A_409 : memref<1x80x128xf32, #tpu.memory_space<vmem>> -> memref<80x128xf32, #tpu.memory_space<vmem>>
    %dma_start3A_411 = arith.constant 0 : i32
    %dma_start3A_412 = tpu.memref_slice %arg6[%dma_start3A_405, %dma_start3A_411] : memref<8x80xi32, #tpu.memory_space<vmem>> -> memref<1x80xi32, #tpu.memory_space<vmem>>
    %dma_start3A_413 = tpu.memref_squeeze %dma_start3A_412 : memref<1x80xi32, #tpu.memory_space<vmem>> -> memref<80xi32, #tpu.memory_space<vmem>>
    %dma_start3A_414 = arith.constant 0 : i32
    %dma_start3A_415 = arith.constant 0 : i32
    %dma_start3A_416 = tpu.memref_slice %arg2[%dma_start3A_414, %dma_start3A_415] : memref<80000x128xf32, #tpu.memory_space<hbm>> -> memref<80000x128xf32, #tpu.memory_space<hbm>>
    tpu.enqueue_indirect_dma source(%dma_start3A_416 : memref<80000x128xf32, #tpu.memory_space<hbm>>) target(%dma_start3A_410 : memref<80x128xf32, #tpu.memory_space<vmem>>) offsets(%dma_start3A_413 : memref<80xi32, #tpu.memory_space<vmem>>) semaphore(%arg20 : memref<!tpu.dma_semaphore, #tpu.memory_space<semaphore_mem>>)
    %dma_wait3A_417 = arith.constant 1 : i32
    %dma_wait3A_418 = arith.constant 0 : i32
    %dma_wait3A_419 = tpu.memref_slice %arg6[%dma_wait3A_417, %dma_wait3A_418] : memref<8x80xi32, #tpu.memory_space<vmem>> -> memref<1x80xi32, #tpu.memory_space<vmem>>
    %dma_wait3A_420 = tpu.memref_squeeze %dma_wait3A_419 : memref<1x80xi32, #tpu.memory_space<vmem>> -> memref<80xi32, #tpu.memory_space<vmem>>
    %dma_wait3A_421 = arith.constant 0 : i32
    %dma_wait3A_422 = tpu.memref_slice %arg3[%dma_wait3A_421] : memref<640000xi32, #tpu.memory_space<hbm>> -> memref<80xi32, #tpu.memory_space<hbm>>
    %dma_wait3A_423 = arith.constant 0 : i32
    %dma_wait3A_424 = tpu.memref_slice %arg6[%dma_wait3A_417, %dma_wait3A_423] : memref<8x80xi32, #tpu.memory_space<vmem>> -> memref<1x80xi32, #tpu.memory_space<vmem>>
    %dma_wait3A_425 = tpu.memref_squeeze %dma_wait3A_424 : memref<1x80xi32, #tpu.memory_space<vmem>> -> memref<80xi32, #tpu.memory_space<vmem>>
    %dma_wait3A_426 = arith.constant 0 : i32
    %dma_wait3A_427 = tpu.memref_slice %arg3[%dma_wait3A_426] : memref<640000xi32, #tpu.memory_space<hbm>> -> memref<80xi32, #tpu.memory_space<hbm>>
    tpu.wait_dma2 semaphore(%arg13 : memref<!tpu.dma_semaphore, #tpu.memory_space<semaphore_mem>>) src(%dma_wait3A_427 : memref<80xi32, #tpu.memory_space<hbm>>) dst(%dma_wait3A_425 : memref<80xi32, #tpu.memory_space<vmem>>)
    %dma_wait3A_428 = arith.constant 1 : i32
    %dma_wait3A_429 = arith.constant 0 : i32
    %dma_wait3A_430 = tpu.memref_slice %arg7[%dma_wait3A_428, %dma_wait3A_429] : memref<8x80xi32, #tpu.memory_space<vmem>> -> memref<1x80xi32, #tpu.memory_space<vmem>>
    %dma_wait3A_431 = tpu.memref_squeeze %dma_wait3A_430 : memref<1x80xi32, #tpu.memory_space<vmem>> -> memref<80xi32, #tpu.memory_space<vmem>>
    %dma_wait3A_432 = arith.constant 0 : i32
    %dma_wait3A_433 = tpu.memref_slice %arg3[%dma_wait3A_432] : memref<640000xi32, #tpu.memory_space<hbm>> -> memref<80xi32, #tpu.memory_space<hbm>>
    %dma_wait3A_434 = arith.constant 0 : i32
    %dma_wait3A_435 = tpu.memref_slice %arg7[%dma_wait3A_428, %dma_wait3A_434] : memref<8x80xi32, #tpu.memory_space<vmem>> -> memref<1x80xi32, #tpu.memory_space<vmem>>
    %dma_wait3A_436 = tpu.memref_squeeze %dma_wait3A_435 : memref<1x80xi32, #tpu.memory_space<vmem>> -> memref<80xi32, #tpu.memory_space<vmem>>
    %dma_wait3A_437 = arith.constant 0 : i32
    %dma_wait3A_438 = tpu.memref_slice %arg3[%dma_wait3A_437] : memref<640000xi32, #tpu.memory_space<hbm>> -> memref<80xi32, #tpu.memory_space<hbm>>
    tpu.wait_dma2 semaphore(%arg13 : memref<!tpu.dma_semaphore, #tpu.memory_space<semaphore_mem>>) src(%dma_wait3A_438 : memref<80xi32, #tpu.memory_space<hbm>>) dst(%dma_wait3A_436 : memref<80xi32, #tpu.memory_space<vmem>>)
    %dma_wait3A_439 = arith.constant 1 : i32
    %dma_wait3A_440 = arith.constant 0 : i32
    %dma_wait3A_441 = tpu.memref_slice %arg8[%dma_wait3A_439, %dma_wait3A_440] : memref<8x80xi32, #tpu.memory_space<vmem>> -> memref<1x80xi32, #tpu.memory_space<vmem>>
    %dma_wait3A_442 = tpu.memref_squeeze %dma_wait3A_441 : memref<1x80xi32, #tpu.memory_space<vmem>> -> memref<80xi32, #tpu.memory_space<vmem>>
    %dma_wait3A_443 = arith.constant 0 : i32
    %dma_wait3A_444 = tpu.memref_slice %arg3[%dma_wait3A_443] : memref<640000xi32, #tpu.memory_space<hbm>> -> memref<80xi32, #tpu.memory_space<hbm>>
    %dma_wait3A_445 = arith.constant 0 : i32
    %dma_wait3A_446 = tpu.memref_slice %arg8[%dma_wait3A_439, %dma_wait3A_445] : memref<8x80xi32, #tpu.memory_space<vmem>> -> memref<1x80xi32, #tpu.memory_space<vmem>>
    %dma_wait3A_447 = tpu.memref_squeeze %dma_wait3A_446 : memref<1x80xi32, #tpu.memory_space<vmem>> -> memref<80xi32, #tpu.memory_space<vmem>>
    %dma_wait3A_448 = arith.constant 0 : i32
    %dma_wait3A_449 = tpu.memref_slice %arg3[%dma_wait3A_448] : memref<640000xi32, #tpu.memory_space<hbm>> -> memref<80xi32, #tpu.memory_space<hbm>>
    tpu.wait_dma2 semaphore(%arg13 : memref<!tpu.dma_semaphore, #tpu.memory_space<semaphore_mem>>) src(%dma_wait3A_449 : memref<80xi32, #tpu.memory_space<hbm>>) dst(%dma_wait3A_447 : memref<80xi32, #tpu.memory_space<vmem>>)
    %get3A_450 = arith.constant 1 : i32
    %get3A_451 = arith.index_cast %get3A_450 : i32 to index
    %get3A_452 = arith.constant 0 : index
    %get3A_453 = tpu.vector_load %arg7[%get3A_451, %get3A_452] {strides = array<i32>} : memref<8x80xi32, #tpu.memory_space<vmem>>, vector<1x16xi32>,
    %get3A_454 = vector.shape_cast %get3A_453 : vector<1x16xi32> to vector<16xi32>
    %mul3A_455 = arith.constant 10000 : i32
    %mul3A_456 = vector.broadcast %mul3A_455 : i32 to vector<16xi32>
    %mul3A_457 = arith.muli %get3A_454, %mul3A_456 : vector<16xi32>
    %get3A_458 = arith.constant 1 : i32
    %get3A_459 = arith.index_cast %get3A_458 : i32 to index
    %get3A_460 = arith.constant 0 : index
    %get3A_461 = tpu.vector_load %arg6[%get3A_459, %get3A_460] {strides = array<i32>} : memref<8x80xi32, #tpu.memory_space<vmem>>, vector<1x16xi32>,
    %get3A_462 = vector.shape_cast %get3A_461 : vector<1x16xi32> to vector<16xi32>
    %add3A_463 = arith.addi %mul3A_457, %get3A_462 : vector<16xi32>
    %swap3A_464 = arith.constant 1 : i32
    %swap3A_465 = arith.index_cast %swap3A_464 : i32 to index
    %swap3A_466 = arith.constant 0 : index
    %swap3A_467 = tpu.vector_load %arg6[%swap3A_465, %swap3A_466] {strides = array<i32>} : memref<8x80xi32, #tpu.memory_space<vmem>>, vector<1x16xi32>,
    %swap3A_468 = vector.shape_cast %swap3A_467 : vector<1x16xi32> to vector<16xi32>
    %swap3A_469 = vector.shape_cast %add3A_463 : vector<16xi32> to vector<1x16xi32>
    tpu.vector_store %arg6[%swap3A_465, %swap3A_466], %swap3A_469 {strides = array<i32>} : memref<8x80xi32, #tpu.memory_space<vmem>>, vector<1x16xi32>,
    %get3A_470 = arith.constant 1 : i32
    %get3A_471 = arith.index_cast %get3A_470 : i32 to index
    %get3A_472 = arith.constant 16 : index
    %get3A_473 = tpu.vector_load %arg7[%get3A_471, %get3A_472] {strides = array<i32>} : memref<8x80xi32, #tpu.memory_space<vmem>>, vector<1x16xi32>,
    %get3A_474 = vector.shape_cast %get3A_473 : vector<1x16xi32> to vector<16xi32>
    %mul3A_475 = arith.constant 10000 : i32
    %mul3A_476 = vector.broadcast %mul3A_475 : i32 to vector<16xi32>
    %mul3A_477 = arith.muli %get3A_474, %mul3A_476 : vector<16xi32>
    %get3A_478 = arith.constant 1 : i32
    %get3A_479 = arith.index_cast %get3A_478 : i32 to index
    %get3A_480 = arith.constant 16 : index
    %get3A_481 = tpu.vector_load %arg6[%get3A_479, %get3A_480] {strides = array<i32>} : memref<8x80xi32, #tpu.memory_space<vmem>>, vector<1x16xi32>,
    %get3A_482 = vector.shape_cast %get3A_481 : vector<1x16xi32> to vector<16xi32>
    %add3A_483 = arith.addi %mul3A_477, %get3A_482 : vector<16xi32>
    %swap3A_484 = arith.constant 1 : i32
    %swap3A_485 = arith.index_cast %swap3A_484 : i32 to index
    %swap3A_486 = arith.constant 16 : index
    %swap3A_487 = tpu.vector_load %arg6[%swap3A_485, %swap3A_486] {strides = array<i32>} : memref<8x80xi32, #tpu.memory_space<vmem>>, vector<1x16xi32>,
    %swap3A_488 = vector.shape_cast %swap3A_487 : vector<1x16xi32> to vector<16xi32>
    %swap3A_489 = vector.shape_cast %add3A_483 : vector<16xi32> to vector<1x16xi32>
    tpu.vector_store %arg6[%swap3A_485, %swap3A_486], %swap3A_489 {strides = array<i32>} : memref<8x80xi32, #tpu.memory_space<vmem>>, vector<1x16xi32>,
    %get3A_490 = arith.constant 1 : i32
    %get3A_491 = arith.index_cast %get3A_490 : i32 to index
    %get3A_492 = arith.constant 32 : index
    %get3A_493 = tpu.vector_load %arg7[%get3A_491, %get3A_492] {strides = array<i32>} : memref<8x80xi32, #tpu.memory_space<vmem>>, vector<1x16xi32>,
    %get3A_494 = vector.shape_cast %get3A_493 : vector<1x16xi32> to vector<16xi32>
    %mul3A_495 = arith.constant 10000 : i32
    %mul3A_496 = vector.broadcast %mul3A_495 : i32 to vector<16xi32>
    %mul3A_497 = arith.muli %get3A_494, %mul3A_496 : vector<16xi32>
    %get3A_498 = arith.constant 1 : i32
    %get3A_499 = arith.index_cast %get3A_498 : i32 to index
    %get3A_500 = arith.constant 32 : index
    %get3A_501 = tpu.vector_load %arg6[%get3A_499, %get3A_500] {strides = array<i32>} : memref<8x80xi32, #tpu.memory_space<vmem>>, vector<1x16xi32>,
    %get3A_502 = vector.shape_cast %get3A_501 : vector<1x16xi32> to vector<16xi32>
    %add3A_503 = arith.addi %mul3A_497, %get3A_502 : vector<16xi32>
    %swap3A_504 = arith.constant 1 : i32
    %swap3A_505 = arith.index_cast %swap3A_504 : i32 to index
    %swap3A_506 = arith.constant 32 : index
    %swap3A_507 = tpu.vector_load %arg6[%swap3A_505, %swap3A_506] {strides = array<i32>} : memref<8x80xi32, #tpu.memory_space<vmem>>, vector<1x16xi32>,
    %swap3A_508 = vector.shape_cast %swap3A_507 : vector<1x16xi32> to vector<16xi32>
    %swap3A_509 = vector.shape_cast %add3A_503 : vector<16xi32> to vector<1x16xi32>
    tpu.vector_store %arg6[%swap3A_505, %swap3A_506], %swap3A_509 {strides = array<i32>} : memref<8x80xi32, #tpu.memory_space<vmem>>, vector<1x16xi32>,
    %get3A_510 = arith.constant 1 : i32
    %get3A_511 = arith.index_cast %get3A_510 : i32 to index
    %get3A_512 = arith.constant 48 : index
    %get3A_513 = tpu.vector_load %arg7[%get3A_511, %get3A_512] {strides = array<i32>} : memref<8x80xi32, #tpu.memory_space<vmem>>, vector<1x16xi32>,
    %get3A_514 = vector.shape_cast %get3A_513 : vector<1x16xi32> to vector<16xi32>
    %mul3A_515 = arith.constant 10000 : i32
    %mul3A_516 = vector.broadcast %mul3A_515 : i32 to vector<16xi32>
    %mul3A_517 = arith.muli %get3A_514, %mul3A_516 : vector<16xi32>
    %get3A_518 = arith.constant 1 : i32
    %get3A_519 = arith.index_cast %get3A_518 : i32 to index
    %get3A_520 = arith.constant 48 : index
    %get3A_521 = tpu.vector_load %arg6[%get3A_519, %get3A_520] {strides = array<i32>} : memref<8x80xi32, #tpu.memory_space<vmem>>, vector<1x16xi32>,
    %get3A_522 = vector.shape_cast %get3A_521 : vector<1x16xi32> to vector<16xi32>
    %add3A_523 = arith.addi %mul3A_517, %get3A_522 : vector<16xi32>
    %swap3A_524 = arith.constant 1 : i32
    %swap3A_525 = arith.index_cast %swap3A_524 : i32 to index
    %swap3A_526 = arith.constant 48 : index
    %swap3A_527 = tpu.vector_load %arg6[%swap3A_525, %swap3A_526] {strides = array<i32>} : memref<8x80xi32, #tpu.memory_space<vmem>>, vector<1x16xi32>,
    %swap3A_528 = vector.shape_cast %swap3A_527 : vector<1x16xi32> to vector<16xi32>
    %swap3A_529 = vector.shape_cast %add3A_523 : vector<16xi32> to vector<1x16xi32>
    tpu.vector_store %arg6[%swap3A_525, %swap3A_526], %swap3A_529 {strides = array<i32>} : memref<8x80xi32, #tpu.memory_space<vmem>>, vector<1x16xi32>,
    %get3A_530 = arith.constant 1 : i32
    %get3A_531 = arith.index_cast %get3A_530 : i32 to index
    %get3A_532 = arith.constant 64 : index
    %get3A_533 = tpu.vector_load %arg7[%get3A_531, %get3A_532] {strides = array<i32>} : memref<8x80xi32, #tpu.memory_space<vmem>>, vector<1x16xi32>,
    %get3A_534 = vector.shape_cast %get3A_533 : vector<1x16xi32> to vector<16xi32>
    %mul3A_535 = arith.constant 10000 : i32
    %mul3A_536 = vector.broadcast %mul3A_535 : i32 to vector<16xi32>
    %mul3A_537 = arith.muli %get3A_534, %mul3A_536 : vector<16xi32>
    %get3A_538 = arith.constant 1 : i32
    %get3A_539 = arith.index_cast %get3A_538 : i32 to index
    %get3A_540 = arith.constant 64 : index
    %get3A_541 = tpu.vector_load %arg6[%get3A_539, %get3A_540] {strides = array<i32>} : memref<8x80xi32, #tpu.memory_space<vmem>>, vector<1x16xi32>,
    %get3A_542 = vector.shape_cast %get3A_541 : vector<1x16xi32> to vector<16xi32>
    %add3A_543 = arith.addi %mul3A_537, %get3A_542 : vector<16xi32>
    %swap3A_544 = arith.constant 1 : i32
    %swap3A_545 = arith.index_cast %swap3A_544 : i32 to index
    %swap3A_546 = arith.constant 64 : index
    %swap3A_547 = tpu.vector_load %arg6[%swap3A_545, %swap3A_546] {strides = array<i32>} : memref<8x80xi32, #tpu.memory_space<vmem>>, vector<1x16xi32>,
    %swap3A_548 = vector.shape_cast %swap3A_547 : vector<1x16xi32> to vector<16xi32>
    %swap3A_549 = vector.shape_cast %add3A_543 : vector<16xi32> to vector<1x16xi32>
    tpu.vector_store %arg6[%swap3A_545, %swap3A_546], %swap3A_549 {strides = array<i32>} : memref<8x80xi32, #tpu.memory_space<vmem>>, vector<1x16xi32>,
    %dma_start3A_550 = arith.constant 1 : i32
    %dma_start3A_551 = arith.constant 1 : i32
    %dma_start3A_552 = arith.constant 0 : i32
    %dma_start3A_553 = arith.constant 0 : i32
    %dma_start3A_554 = tpu.memref_slice %arg9[%dma_start3A_551, %dma_start3A_552, %dma_start3A_553] : memref<4x80x128xf32, #tpu.memory_space<vmem>> -> memref<1x80x128xf32, #tpu.memory_space<vmem>>
    %dma_start3A_555 = tpu.memref_squeeze %dma_start3A_554 : memref<1x80x128xf32, #tpu.memory_space<vmem>> -> memref<80x128xf32, #tpu.memory_space<vmem>>
    %dma_start3A_556 = arith.constant 0 : i32
    %dma_start3A_557 = tpu.memref_slice %arg6[%dma_start3A_550, %dma_start3A_556] : memref<8x80xi32, #tpu.memory_space<vmem>> -> memref<1x80xi32, #tpu.memory_space<vmem>>
    %dma_start3A_558 = tpu.memref_squeeze %dma_start3A_557 : memref<1x80xi32, #tpu.memory_space<vmem>> -> memref<80xi32, #tpu.memory_space<vmem>>
    %dma_start3A_559 = arith.constant 0 : i32
    %dma_start3A_560 = arith.constant 0 : i32
    %dma_start3A_561 = tpu.memref_slice %arg2[%dma_start3A_559, %dma_start3A_560] : memref<80000x128xf32, #tpu.memory_space<hbm>> -> memref<80000x128xf32, #tpu.memory_space<hbm>>
    tpu.enqueue_indirect_dma source(%dma_start3A_561 : memref<80000x128xf32, #tpu.memory_space<hbm>>) target(%dma_start3A_555 : memref<80x128xf32, #tpu.memory_space<vmem>>) offsets(%dma_start3A_558 : memref<80xi32, #tpu.memory_space<vmem>>) semaphore(%arg21 : memref<!tpu.dma_semaphore, #tpu.memory_space<semaphore_mem>>)
    %dma_wait3A_562 = arith.constant 2 : i32
    %dma_wait3A_563 = arith.constant 0 : i32
    %dma_wait3A_564 = tpu.memref_slice %arg6[%dma_wait3A_562, %dma_wait3A_563] : memref<8x80xi32, #tpu.memory_space<vmem>> -> memref<1x80xi32, #tpu.memory_space<vmem>>
    %dma_wait3A_565 = tpu.memref_squeeze %dma_wait3A_564 : memref<1x80xi32, #tpu.memory_space<vmem>> -> memref<80xi32, #tpu.memory_space<vmem>>
    %dma_wait3A_566 = arith.constant 0 : i32
    %dma_wait3A_567 = tpu.memref_slice %arg3[%dma_wait3A_566] : memref<640000xi32, #tpu.memory_space<hbm>> -> memref<80xi32, #tpu.memory_space<hbm>>
    %dma_wait3A_568 = arith.constant 0 : i32
    %dma_wait3A_569 = tpu.memref_slice %arg6[%dma_wait3A_562, %dma_wait3A_568] : memref<8x80xi32, #tpu.memory_space<vmem>> -> memref<1x80xi32, #tpu.memory_space<vmem>>
    %dma_wait3A_570 = tpu.memref_squeeze %dma_wait3A_569 : memref<1x80xi32, #tpu.memory_space<vmem>> -> memref<80xi32, #tpu.memory_space<vmem>>
    %dma_wait3A_571 = arith.constant 0 : i32
    %dma_wait3A_572 = tpu.memref_slice %arg3[%dma_wait3A_571] : memref<640000xi32, #tpu.memory_space<hbm>> -> memref<80xi32, #tpu.memory_space<hbm>>
    tpu.wait_dma2 semaphore(%arg14 : memref<!tpu.dma_semaphore, #tpu.memory_space<semaphore_mem>>) src(%dma_wait3A_572 : memref<80xi32, #tpu.memory_space<hbm>>) dst(%dma_wait3A_570 : memref<80xi32, #tpu.memory_space<vmem>>)
    %dma_wait3A_573 = arith.constant 2 : i32
    %dma_wait3A_574 = arith.constant 0 : i32
    %dma_wait3A_575 = tpu.memref_slice %arg7[%dma_wait3A_573, %dma_wait3A_574] : memref<8x80xi32, #tpu.memory_space<vmem>> -> memref<1x80xi32, #tpu.memory_space<vmem>>
    %dma_wait3A_576 = tpu.memref_squeeze %dma_wait3A_575 : memref<1x80xi32, #tpu.memory_space<vmem>> -> memref<80xi32, #tpu.memory_space<vmem>>
    %dma_wait3A_577 = arith.constant 0 : i32
    %dma_wait3A_578 = tpu.memref_slice %arg3[%dma_wait3A_577] : memref<640000xi32, #tpu.memory_space<hbm>> -> memref<80xi32, #tpu.memory_space<hbm>>
    %dma_wait3A_579 = arith.constant 0 : i32
    %dma_wait3A_580 = tpu.memref_slice %arg7[%dma_wait3A_573, %dma_wait3A_579] : memref<8x80xi32, #tpu.memory_space<vmem>> -> memref<1x80xi32, #tpu.memory_space<vmem>>
    %dma_wait3A_581 = tpu.memref_squeeze %dma_wait3A_580 : memref<1x80xi32, #tpu.memory_space<vmem>> -> memref<80xi32, #tpu.memory_space<vmem>>
    %dma_wait3A_582 = arith.constant 0 : i32
    %dma_wait3A_583 = tpu.memref_slice %arg3[%dma_wait3A_582] : memref<640000xi32, #tpu.memory_space<hbm>> -> memref<80xi32, #tpu.memory_space<hbm>>
    tpu.wait_dma2 semaphore(%arg14 : memref<!tpu.dma_semaphore, #tpu.memory_space<semaphore_mem>>) src(%dma_wait3A_583 : memref<80xi32, #tpu.memory_space<hbm>>) dst(%dma_wait3A_581 : memref<80xi32, #tpu.memory_space<vmem>>)
    %dma_wait3A_584 = arith.constant 2 : i32
    %dma_wait3A_585 = arith.constant 0 : i32
    %dma_wait3A_586 = tpu.memref_slice %arg8[%dma_wait3A_584, %dma_wait3A_585] : memref<8x80xi32, #tpu.memory_space<vmem>> -> memref<1x80xi32, #tpu.memory_space<vmem>>
    %dma_wait3A_587 = tpu.memref_squeeze %dma_wait3A_586 : memref<1x80xi32, #tpu.memory_space<vmem>> -> memref<80xi32, #tpu.memory_space<vmem>>
    %dma_wait3A_588 = arith.constant 0 : i32
    %dma_wait3A_589 = tpu.memref_slice %arg3[%dma_wait3A_588] : memref<640000xi32, #tpu.memory_space<hbm>> -> memref<80xi32, #tpu.memory_space<hbm>>
    %dma_wait3A_590 = arith.constant 0 : i32
    %dma_wait3A_591 = tpu.memref_slice %arg8[%dma_wait3A_584, %dma_wait3A_590] : memref<8x80xi32, #tpu.memory_space<vmem>> -> memref<1x80xi32, #tpu.memory_space<vmem>>
    %dma_wait3A_592 = tpu.memref_squeeze %dma_wait3A_591 : memref<1x80xi32, #tpu.memory_space<vmem>> -> memref<80xi32, #tpu.memory_space<vmem>>
    %dma_wait3A_593 = arith.constant 0 : i32
    %dma_wait3A_594 = tpu.memref_slice %arg3[%dma_wait3A_593] : memref<640000xi32, #tpu.memory_space<hbm>> -> memref<80xi32, #tpu.memory_space<hbm>>
    tpu.wait_dma2 semaphore(%arg14 : memref<!tpu.dma_semaphore, #tpu.memory_space<semaphore_mem>>) src(%dma_wait3A_594 : memref<80xi32, #tpu.memory_space<hbm>>) dst(%dma_wait3A_592 : memref<80xi32, #tpu.memory_space<vmem>>)
    %get3A_595 = arith.constant 2 : i32
    %get3A_596 = arith.index_cast %get3A_595 : i32 to index
    %get3A_597 = arith.constant 0 : index
    %get3A_598 = tpu.vector_load %arg7[%get3A_596, %get3A_597] {strides = array<i32>} : memref<8x80xi32, #tpu.memory_space<vmem>>, vector<1x16xi32>,
    %get3A_599 = vector.shape_cast %get3A_598 : vector<1x16xi32> to vector<16xi32>
    %mul3A_600 = arith.constant 10000 : i32
    %mul3A_601 = vector.broadcast %mul3A_600 : i32 to vector<16xi32>
    %mul3A_602 = arith.muli %get3A_599, %mul3A_601 : vector<16xi32>
    %get3A_603 = arith.constant 2 : i32
    %get3A_604 = arith.index_cast %get3A_603 : i32 to index
    %get3A_605 = arith.constant 0 : index
    %get3A_606 = tpu.vector_load %arg6[%get3A_604, %get3A_605] {strides = array<i32>} : memref<8x80xi32, #tpu.memory_space<vmem>>, vector<1x16xi32>,
    %get3A_607 = vector.shape_cast %get3A_606 : vector<1x16xi32> to vector<16xi32>
    %add3A_608 = arith.addi %mul3A_602, %get3A_607 : vector<16xi32>
    %swap3A_609 = arith.constant 2 : i32
    %swap3A_610 = arith.index_cast %swap3A_609 : i32 to index
    %swap3A_611 = arith.constant 0 : index
    %swap3A_612 = tpu.vector_load %arg6[%swap3A_610, %swap3A_611] {strides = array<i32>} : memref<8x80xi32, #tpu.memory_space<vmem>>, vector<1x16xi32>,
    %swap3A_613 = vector.shape_cast %swap3A_612 : vector<1x16xi32> to vector<16xi32>
    %swap3A_614 = vector.shape_cast %add3A_608 : vector<16xi32> to vector<1x16xi32>
    tpu.vector_store %arg6[%swap3A_610, %swap3A_611], %swap3A_614 {strides = array<i32>} : memref<8x80xi32, #tpu.memory_space<vmem>>, vector<1x16xi32>,
    %get3A_615 = arith.constant 2 : i32
    %get3A_616 = arith.index_cast %get3A_615 : i32 to index
    %get3A_617 = arith.constant 16 : index
    %get3A_618 = tpu.vector_load %arg7[%get3A_616, %get3A_617] {strides = array<i32>} : memref<8x80xi32, #tpu.memory_space<vmem>>, vector<1x16xi32>,
    %get3A_619 = vector.shape_cast %get3A_618 : vector<1x16xi32> to vector<16xi32>
    %mul3A_620 = arith.constant 10000 : i32
    %mul3A_621 = vector.broadcast %mul3A_620 : i32 to vector<16xi32>
    %mul3A_622 = arith.muli %get3A_619, %mul3A_621 : vector<16xi32>
    %get3A_623 = arith.constant 2 : i32
    %get3A_624 = arith.index_cast %get3A_623 : i32 to index
    %get3A_625 = arith.constant 16 : index
    %get3A_626 = tpu.vector_load %arg6[%get3A_624, %get3A_625] {strides = array<i32>} : memref<8x80xi32, #tpu.memory_space<vmem>>, vector<1x16xi32>,
    %get3A_627 = vector.shape_cast %get3A_626 : vector<1x16xi32> to vector<16xi32>
    %add3A_628 = arith.addi %mul3A_622, %get3A_627 : vector<16xi32>
    %swap3A_629 = arith.constant 2 : i32
    %swap3A_630 = arith.index_cast %swap3A_629 : i32 to index
    %swap3A_631 = arith.constant 16 : index
    %swap3A_632 = tpu.vector_load %arg6[%swap3A_630, %swap3A_631] {strides = array<i32>} : memref<8x80xi32, #tpu.memory_space<vmem>>, vector<1x16xi32>,
    %swap3A_633 = vector.shape_cast %swap3A_632 : vector<1x16xi32> to vector<16xi32>
    %swap3A_634 = vector.shape_cast %add3A_628 : vector<16xi32> to vector<1x16xi32>
    tpu.vector_store %arg6[%swap3A_630, %swap3A_631], %swap3A_634 {strides = array<i32>} : memref<8x80xi32, #tpu.memory_space<vmem>>, vector<1x16xi32>,
    %get3A_635 = arith.constant 2 : i32
    %get3A_636 = arith.index_cast %get3A_635 : i32 to index
    %get3A_637 = arith.constant 32 : index
    %get3A_638 = tpu.vector_load %arg7[%get3A_636, %get3A_637] {strides = array<i32>} : memref<8x80xi32, #tpu.memory_space<vmem>>, vector<1x16xi32>,
    %get3A_639 = vector.shape_cast %get3A_638 : vector<1x16xi32> to vector<16xi32>
    %mul3A_640 = arith.constant 10000 : i32
    %mul3A_641 = vector.broadcast %mul3A_640 : i32 to vector<16xi32>
    %mul3A_642 = arith.muli %get3A_639, %mul3A_641 : vector<16xi32>
    %get3A_643 = arith.constant 2 : i32
    %get3A_644 = arith.index_cast %get3A_643 : i32 to index
    %get3A_645 = arith.constant 32 : index
    %get3A_646 = tpu.vector_load %arg6[%get3A_644, %get3A_645] {strides = array<i32>} : memref<8x80xi32, #tpu.memory_space<vmem>>, vector<1x16xi32>,
    %get3A_647 = vector.shape_cast %get3A_646 : vector<1x16xi32> to vector<16xi32>
    %add3A_648 = arith.addi %mul3A_642, %get3A_647 : vector<16xi32>
    %swap3A_649 = arith.constant 2 : i32
    %swap3A_650 = arith.index_cast %swap3A_649 : i32 to index
    %swap3A_651 = arith.constant 32 : index
    %swap3A_652 = tpu.vector_load %arg6[%swap3A_650, %swap3A_651] {strides = array<i32>} : memref<8x80xi32, #tpu.memory_space<vmem>>, vector<1x16xi32>,
    %swap3A_653 = vector.shape_cast %swap3A_652 : vector<1x16xi32> to vector<16xi32>
    %swap3A_654 = vector.shape_cast %add3A_648 : vector<16xi32> to vector<1x16xi32>
    tpu.vector_store %arg6[%swap3A_650, %swap3A_651], %swap3A_654 {strides = array<i32>} : memref<8x80xi32, #tpu.memory_space<vmem>>, vector<1x16xi32>,
    %get3A_655 = arith.constant 2 : i32
    %get3A_656 = arith.index_cast %get3A_655 : i32 to index
    %get3A_657 = arith.constant 48 : index
    %get3A_658 = tpu.vector_load %arg7[%get3A_656, %get3A_657] {strides = array<i32>} : memref<8x80xi32, #tpu.memory_space<vmem>>, vector<1x16xi32>,
    %get3A_659 = vector.shape_cast %get3A_658 : vector<1x16xi32> to vector<16xi32>
    %mul3A_660 = arith.constant 10000 : i32
    %mul3A_661 = vector.broadcast %mul3A_660 : i32 to vector<16xi32>
    %mul3A_662 = arith.muli %get3A_659, %mul3A_661 : vector<16xi32>
    %get3A_663 = arith.constant 2 : i32
    %get3A_664 = arith.index_cast %get3A_663 : i32 to index
    %get3A_665 = arith.constant 48 : index
    %get3A_666 = tpu.vector_load %arg6[%get3A_664, %get3A_665] {strides = array<i32>} : memref<8x80xi32, #tpu.memory_space<vmem>>, vector<1x16xi32>,
    %get3A_667 = vector.shape_cast %get3A_666 : vector<1x16xi32> to vector<16xi32>
    %add3A_668 = arith.addi %mul3A_662, %get3A_667 : vector<16xi32>
    %swap3A_669 = arith.constant 2 : i32
    %swap3A_670 = arith.index_cast %swap3A_669 : i32 to index
    %swap3A_671 = arith.constant 48 : index
    %swap3A_672 = tpu.vector_load %arg6[%swap3A_670, %swap3A_671] {strides = array<i32>} : memref<8x80xi32, #tpu.memory_space<vmem>>, vector<1x16xi32>,
    %swap3A_673 = vector.shape_cast %swap3A_672 : vector<1x16xi32> to vector<16xi32>
    %swap3A_674 = vector.shape_cast %add3A_668 : vector<16xi32> to vector<1x16xi32>
    tpu.vector_store %arg6[%swap3A_670, %swap3A_671], %swap3A_674 {strides = array<i32>} : memref<8x80xi32, #tpu.memory_space<vmem>>, vector<1x16xi32>,
    %get3A_675 = arith.constant 2 : i32
    %get3A_676 = arith.index_cast %get3A_675 : i32 to index
    %get3A_677 = arith.constant 64 : index
    %get3A_678 = tpu.vector_load %arg7[%get3A_676, %get3A_677] {strides = array<i32>} : memref<8x80xi32, #tpu.memory_space<vmem>>, vector<1x16xi32>,
    %get3A_679 = vector.shape_cast %get3A_678 : vector<1x16xi32> to vector<16xi32>
    %mul3A_680 = arith.constant 10000 : i32
    %mul3A_681 = vector.broadcast %mul3A_680 : i32 to vector<16xi32>
    %mul3A_682 = arith.muli %get3A_679, %mul3A_681 : vector<16xi32>
    %get3A_683 = arith.constant 2 : i32
    %get3A_684 = arith.index_cast %get3A_683 : i32 to index
    %get3A_685 = arith.constant 64 : index
    %get3A_686 = tpu.vector_load %arg6[%get3A_684, %get3A_685] {strides = array<i32>} : memref<8x80xi32, #tpu.memory_space<vmem>>, vector<1x16xi32>,
    %get3A_687 = vector.shape_cast %get3A_686 : vector<1x16xi32> to vector<16xi32>
    %add3A_688 = arith.addi %mul3A_682, %get3A_687 : vector<16xi32>
    %swap3A_689 = arith.constant 2 : i32
    %swap3A_690 = arith.index_cast %swap3A_689 : i32 to index
    %swap3A_691 = arith.constant 64 : index
    %swap3A_692 = tpu.vector_load %arg6[%swap3A_690, %swap3A_691] {strides = array<i32>} : memref<8x80xi32, #tpu.memory_space<vmem>>, vector<1x16xi32>,
    %swap3A_693 = vector.shape_cast %swap3A_692 : vector<1x16xi32> to vector<16xi32>
    %swap3A_694 = vector.shape_cast %add3A_688 : vector<16xi32> to vector<1x16xi32>
    tpu.vector_store %arg6[%swap3A_690, %swap3A_691], %swap3A_694 {strides = array<i32>} : memref<8x80xi32, #tpu.memory_space<vmem>>, vector<1x16xi32>,
    %dma_start3A_695 = arith.constant 2 : i32
    %dma_start3A_696 = arith.constant 2 : i32
    %dma_start3A_697 = arith.constant 0 : i32
    %dma_start3A_698 = arith.constant 0 : i32
    %dma_start3A_699 = tpu.memref_slice %arg9[%dma_start3A_696, %dma_start3A_697, %dma_start3A_698] : memref<4x80x128xf32, #tpu.memory_space<vmem>> -> memref<1x80x128xf32, #tpu.memory_space<vmem>>
    %dma_start3A_700 = tpu.memref_squeeze %dma_start3A_699 : memref<1x80x128xf32, #tpu.memory_space<vmem>> -> memref<80x128xf32, #tpu.memory_space<vmem>>
    %dma_start3A_701 = arith.constant 0 : i32
    %dma_start3A_702 = tpu.memref_slice %arg6[%dma_start3A_695, %dma_start3A_701] : memref<8x80xi32, #tpu.memory_space<vmem>> -> memref<1x80xi32, #tpu.memory_space<vmem>>
    %dma_start3A_703 = tpu.memref_squeeze %dma_start3A_702 : memref<1x80xi32, #tpu.memory_space<vmem>> -> memref<80xi32, #tpu.memory_space<vmem>>
    %dma_start3A_704 = arith.constant 0 : i32
    %dma_start3A_705 = arith.constant 0 : i32
    %dma_start3A_706 = tpu.memref_slice %arg2[%dma_start3A_704, %dma_start3A_705] : memref<80000x128xf32, #tpu.memory_space<hbm>> -> memref<80000x128xf32, #tpu.memory_space<hbm>>
    tpu.enqueue_indirect_dma source(%dma_start3A_706 : memref<80000x128xf32, #tpu.memory_space<hbm>>) target(%dma_start3A_700 : memref<80x128xf32, #tpu.memory_space<vmem>>) offsets(%dma_start3A_703 : memref<80xi32, #tpu.memory_space<vmem>>) semaphore(%arg22 : memref<!tpu.dma_semaphore, #tpu.memory_space<semaphore_mem>>)
    %dma_wait3A_707 = arith.constant 3 : i32
    %dma_wait3A_708 = arith.constant 0 : i32
    %dma_wait3A_709 = tpu.memref_slice %arg6[%dma_wait3A_707, %dma_wait3A_708] : memref<8x80xi32, #tpu.memory_space<vmem>> -> memref<1x80xi32, #tpu.memory_space<vmem>>
    %dma_wait3A_710 = tpu.memref_squeeze %dma_wait3A_709 : memref<1x80xi32, #tpu.memory_space<vmem>> -> memref<80xi32, #tpu.memory_space<vmem>>
    %dma_wait3A_711 = arith.constant 0 : i32
    %dma_wait3A_712 = tpu.memref_slice %arg3[%dma_wait3A_711] : memref<640000xi32, #tpu.memory_space<hbm>> -> memref<80xi32, #tpu.memory_space<hbm>>
    %dma_wait3A_713 = arith.constant 0 : i32
    %dma_wait3A_714 = tpu.memref_slice %arg6[%dma_wait3A_707, %dma_wait3A_713] : memref<8x80xi32, #tpu.memory_space<vmem>> -> memref<1x80xi32, #tpu.memory_space<vmem>>
    %dma_wait3A_715 = tpu.memref_squeeze %dma_wait3A_714 : memref<1x80xi32, #tpu.memory_space<vmem>> -> memref<80xi32, #tpu.memory_space<vmem>>
    %dma_wait3A_716 = arith.constant 0 : i32
    %dma_wait3A_717 = tpu.memref_slice %arg3[%dma_wait3A_716] : memref<640000xi32, #tpu.memory_space<hbm>> -> memref<80xi32, #tpu.memory_space<hbm>>
    tpu.wait_dma2 semaphore(%arg15 : memref<!tpu.dma_semaphore, #tpu.memory_space<semaphore_mem>>) src(%dma_wait3A_717 : memref<80xi32, #tpu.memory_space<hbm>>) dst(%dma_wait3A_715 : memref<80xi32, #tpu.memory_space<vmem>>)
    %dma_wait3A_718 = arith.constant 3 : i32
    %dma_wait3A_719 = arith.constant 0 : i32
    %dma_wait3A_720 = tpu.memref_slice %arg7[%dma_wait3A_718, %dma_wait3A_719] : memref<8x80xi32, #tpu.memory_space<vmem>> -> memref<1x80xi32, #tpu.memory_space<vmem>>
    %dma_wait3A_721 = tpu.memref_squeeze %dma_wait3A_720 : memref<1x80xi32, #tpu.memory_space<vmem>> -> memref<80xi32, #tpu.memory_space<vmem>>
    %dma_wait3A_722 = arith.constant 0 : i32
    %dma_wait3A_723 = tpu.memref_slice %arg3[%dma_wait3A_722] : memref<640000xi32, #tpu.memory_space<hbm>> -> memref<80xi32, #tpu.memory_space<hbm>>
    %dma_wait3A_724 = arith.constant 0 : i32
    %dma_wait3A_725 = tpu.memref_slice %arg7[%dma_wait3A_718, %dma_wait3A_724] : memref<8x80xi32, #tpu.memory_space<vmem>> -> memref<1x80xi32, #tpu.memory_space<vmem>>
    %dma_wait3A_726 = tpu.memref_squeeze %dma_wait3A_725 : memref<1x80xi32, #tpu.memory_space<vmem>> -> memref<80xi32, #tpu.memory_space<vmem>>
    %dma_wait3A_727 = arith.constant 0 : i32
    %dma_wait3A_728 = tpu.memref_slice %arg3[%dma_wait3A_727] : memref<640000xi32, #tpu.memory_space<hbm>> -> memref<80xi32, #tpu.memory_space<hbm>>
    tpu.wait_dma2 semaphore(%arg15 : memref<!tpu.dma_semaphore, #tpu.memory_space<semaphore_mem>>) src(%dma_wait3A_728 : memref<80xi32, #tpu.memory_space<hbm>>) dst(%dma_wait3A_726 : memref<80xi32, #tpu.memory_space<vmem>>)
    %dma_wait3A_729 = arith.constant 3 : i32
    %dma_wait3A_730 = arith.constant 0 : i32
    %dma_wait3A_731 = tpu.memref_slice %arg8[%dma_wait3A_729, %dma_wait3A_730] : memref<8x80xi32, #tpu.memory_space<vmem>> -> memref<1x80xi32, #tpu.memory_space<vmem>>
    %dma_wait3A_732 = tpu.memref_squeeze %dma_wait3A_731 : memref<1x80xi32, #tpu.memory_space<vmem>> -> memref<80xi32, #tpu.memory_space<vmem>>
    %dma_wait3A_733 = arith.constant 0 : i32
    %dma_wait3A_734 = tpu.memref_slice %arg3[%dma_wait3A_733] : memref<640000xi32, #tpu.memory_space<hbm>> -> memref<80xi32, #tpu.memory_space<hbm>>
    %dma_wait3A_735 = arith.constant 0 : i32
    %dma_wait3A_736 = tpu.memref_slice %arg8[%dma_wait3A_729, %dma_wait3A_735] : memref<8x80xi32, #tpu.memory_space<vmem>> -> memref<1x80xi32, #tpu.memory_space<vmem>>
    %dma_wait3A_737 = tpu.memref_squeeze %dma_wait3A_736 : memref<1x80xi32, #tpu.memory_space<vmem>> -> memref<80xi32, #tpu.memory_space<vmem>>
    %dma_wait3A_738 = arith.constant 0 : i32
    %dma_wait3A_739 = tpu.memref_slice %arg3[%dma_wait3A_738] : memref<640000xi32, #tpu.memory_space<hbm>> -> memref<80xi32, #tpu.memory_space<hbm>>
    tpu.wait_dma2 semaphore(%arg15 : memref<!tpu.dma_semaphore, #tpu.memory_space<semaphore_mem>>) src(%dma_wait3A_739 : memref<80xi32, #tpu.memory_space<hbm>>) dst(%dma_wait3A_737 : memref<80xi32, #tpu.memory_space<vmem>>)
    %get3A_740 = arith.constant 3 : i32
    %get3A_741 = arith.index_cast %get3A_740 : i32 to index
    %get3A_742 = arith.constant 0 : index
    %get3A_743 = tpu.vector_load %arg7[%get3A_741, %get3A_742] {strides = array<i32>} : memref<8x80xi32, #tpu.memory_space<vmem>>, vector<1x16xi32>,
    %get3A_744 = vector.shape_cast %get3A_743 : vector<1x16xi32> to vector<16xi32>
    %mul3A_745 = arith.constant 10000 : i32
    %mul3A_746 = vector.broadcast %mul3A_745 : i32 to vector<16xi32>
    %mul3A_747 = arith.muli %get3A_744, %mul3A_746 : vector<16xi32>
    %get3A_748 = arith.constant 3 : i32
    %get3A_749 = arith.index_cast %get3A_748 : i32 to index
    %get3A_750 = arith.constant 0 : index
    %get3A_751 = tpu.vector_load %arg6[%get3A_749, %get3A_750] {strides = array<i32>} : memref<8x80xi32, #tpu.memory_space<vmem>>, vector<1x16xi32>,
    %get3A_752 = vector.shape_cast %get3A_751 : vector<1x16xi32> to vector<16xi32>
    %add3A_753 = arith.addi %mul3A_747, %get3A_752 : vector<16xi32>
    %swap3A_754 = arith.constant 3 : i32
    %swap3A_755 = arith.index_cast %swap3A_754 : i32 to index
    %swap3A_756 = arith.constant 0 : index
    %swap3A_757 = tpu.vector_load %arg6[%swap3A_755, %swap3A_756] {strides = array<i32>} : memref<8x80xi32, #tpu.memory_space<vmem>>, vector<1x16xi32>,
    %swap3A_758 = vector.shape_cast %swap3A_757 : vector<1x16xi32> to vector<16xi32>
    %swap3A_759 = vector.shape_cast %add3A_753 : vector<16xi32> to vector<1x16xi32>
    tpu.vector_store %arg6[%swap3A_755, %swap3A_756], %swap3A_759 {strides = array<i32>} : memref<8x80xi32, #tpu.memory_space<vmem>>, vector<1x16xi32>,
    %get3A_760 = arith.constant 3 : i32
    %get3A_761 = arith.index_cast %get3A_760 : i32 to index
    %get3A_762 = arith.constant 16 : index
    %get3A_763 = tpu.vector_load %arg7[%get3A_761, %get3A_762] {strides = array<i32>} : memref<8x80xi32, #tpu.memory_space<vmem>>, vector<1x16xi32>,
    %get3A_764 = vector.shape_cast %get3A_763 : vector<1x16xi32> to vector<16xi32>
    %mul3A_765 = arith.constant 10000 : i32
    %mul3A_766 = vector.broadcast %mul3A_765 : i32 to vector<16xi32>
    %mul3A_767 = arith.muli %get3A_764, %mul3A_766 : vector<16xi32>
    %get3A_768 = arith.constant 3 : i32
    %get3A_769 = arith.index_cast %get3A_768 : i32 to index
    %get3A_770 = arith.constant 16 : index
    %get3A_771 = tpu.vector_load %arg6[%get3A_769, %get3A_770] {strides = array<i32>} : memref<8x80xi32, #tpu.memory_space<vmem>>, vector<1x16xi32>,
    %get3A_772 = vector.shape_cast %get3A_771 : vector<1x16xi32> to vector<16xi32>
    %add3A_773 = arith.addi %mul3A_767, %get3A_772 : vector<16xi32>
    %swap3A_774 = arith.constant 3 : i32
    %swap3A_775 = arith.index_cast %swap3A_774 : i32 to index
    %swap3A_776 = arith.constant 16 : index
    %swap3A_777 = tpu.vector_load %arg6[%swap3A_775, %swap3A_776] {strides = array<i32>} : memref<8x80xi32, #tpu.memory_space<vmem>>, vector<1x16xi32>,
    %swap3A_778 = vector.shape_cast %swap3A_777 : vector<1x16xi32> to vector<16xi32>
    %swap3A_779 = vector.shape_cast %add3A_773 : vector<16xi32> to vector<1x16xi32>
    tpu.vector_store %arg6[%swap3A_775, %swap3A_776], %swap3A_779 {strides = array<i32>} : memref<8x80xi32, #tpu.memory_space<vmem>>, vector<1x16xi32>,
    %get3A_780 = arith.constant 3 : i32
    %get3A_781 = arith.index_cast %get3A_780 : i32 to index
    %get3A_782 = arith.constant 32 : index
    %get3A_783 = tpu.vector_load %arg7[%get3A_781, %get3A_782] {strides = array<i32>} : memref<8x80xi32, #tpu.memory_space<vmem>>, vector<1x16xi32>,
    %get3A_784 = vector.shape_cast %get3A_783 : vector<1x16xi32> to vector<16xi32>
    %mul3A_785 = arith.constant 10000 : i32
    %mul3A_786 = vector.broadcast %mul3A_785 : i32 to vector<16xi32>
    %mul3A_787 = arith.muli %get3A_784, %mul3A_786 : vector<16xi32>
    %get3A_788 = arith.constant 3 : i32
    %get3A_789 = arith.index_cast %get3A_788 : i32 to index
    %get3A_790 = arith.constant 32 : index
    %get3A_791 = tpu.vector_load %arg6[%get3A_789, %get3A_790] {strides = array<i32>} : memref<8x80xi32, #tpu.memory_space<vmem>>, vector<1x16xi32>,
    %get3A_792 = vector.shape_cast %get3A_791 : vector<1x16xi32> to vector<16xi32>
    %add3A_793 = arith.addi %mul3A_787, %get3A_792 : vector<16xi32>
    %swap3A_794 = arith.constant 3 : i32
    %swap3A_795 = arith.index_cast %swap3A_794 : i32 to index
    %swap3A_796 = arith.constant 32 : index
    %swap3A_797 = tpu.vector_load %arg6[%swap3A_795, %swap3A_796] {strides = array<i32>} : memref<8x80xi32, #tpu.memory_space<vmem>>, vector<1x16xi32>,
    %swap3A_798 = vector.shape_cast %swap3A_797 : vector<1x16xi32> to vector<16xi32>
    %swap3A_799 = vector.shape_cast %add3A_793 : vector<16xi32> to vector<1x16xi32>
    tpu.vector_store %arg6[%swap3A_795, %swap3A_796], %swap3A_799 {strides = array<i32>} : memref<8x80xi32, #tpu.memory_space<vmem>>, vector<1x16xi32>,
    %get3A_800 = arith.constant 3 : i32
    %get3A_801 = arith.index_cast %get3A_800 : i32 to index
    %get3A_802 = arith.constant 48 : index
    %get3A_803 = tpu.vector_load %arg7[%get3A_801, %get3A_802] {strides = array<i32>} : memref<8x80xi32, #tpu.memory_space<vmem>>, vector<1x16xi32>,
    %get3A_804 = vector.shape_cast %get3A_803 : vector<1x16xi32> to vector<16xi32>
    %mul3A_805 = arith.constant 10000 : i32
    %mul3A_806 = vector.broadcast %mul3A_805 : i32 to vector<16xi32>
    %mul3A_807 = arith.muli %get3A_804, %mul3A_806 : vector<16xi32>
    %get3A_808 = arith.constant 3 : i32
    %get3A_809 = arith.index_cast %get3A_808 : i32 to index
    %get3A_810 = arith.constant 48 : index
    %get3A_811 = tpu.vector_load %arg6[%get3A_809, %get3A_810] {strides = array<i32>} : memref<8x80xi32, #tpu.memory_space<vmem>>, vector<1x16xi32>,
    %get3A_812 = vector.shape_cast %get3A_811 : vector<1x16xi32> to vector<16xi32>
    %add3A_813 = arith.addi %mul3A_807, %get3A_812 : vector<16xi32>
    %swap3A_814 = arith.constant 3 : i32
    %swap3A_815 = arith.index_cast %swap3A_814 : i32 to index
    %swap3A_816 = arith.constant 48 : index
    %swap3A_817 = tpu.vector_load %arg6[%swap3A_815, %swap3A_816] {strides = array<i32>} : memref<8x80xi32, #tpu.memory_space<vmem>>, vector<1x16xi32>,
    %swap3A_818 = vector.shape_cast %swap3A_817 : vector<1x16xi32> to vector<16xi32>
    %swap3A_819 = vector.shape_cast %add3A_813 : vector<16xi32> to vector<1x16xi32>
    tpu.vector_store %arg6[%swap3A_815, %swap3A_816], %swap3A_819 {strides = array<i32>} : memref<8x80xi32, #tpu.memory_space<vmem>>, vector<1x16xi32>,
    %get3A_820 = arith.constant 3 : i32
    %get3A_821 = arith.index_cast %get3A_820 : i32 to index
    %get3A_822 = arith.constant 64 : index
    %get3A_823 = tpu.vector_load %arg7[%get3A_821, %get3A_822] {strides = array<i32>} : memref<8x80xi32, #tpu.memory_space<vmem>>, vector<1x16xi32>,
    %get3A_824 = vector.shape_cast %get3A_823 : vector<1x16xi32> to vector<16xi32>
    %mul3A_825 = arith.constant 10000 : i32
    %mul3A_826 = vector.broadcast %mul3A_825 : i32 to vector<16xi32>
    %mul3A_827 = arith.muli %get3A_824, %mul3A_826 : vector<16xi32>
    %get3A_828 = arith.constant 3 : i32
    %get3A_829 = arith.index_cast %get3A_828 : i32 to index
    %get3A_830 = arith.constant 64 : index
    %get3A_831 = tpu.vector_load %arg6[%get3A_829, %get3A_830] {strides = array<i32>} : memref<8x80xi32, #tpu.memory_space<vmem>>, vector<1x16xi32>,
    %get3A_832 = vector.shape_cast %get3A_831 : vector<1x16xi32> to vector<16xi32>
    %add3A_833 = arith.addi %mul3A_827, %get3A_832 : vector<16xi32>
    %swap3A_834 = arith.constant 3 : i32
    %swap3A_835 = arith.index_cast %swap3A_834 : i32 to index
    %swap3A_836 = arith.constant 64 : index
    %swap3A_837 = tpu.vector_load %arg6[%swap3A_835, %swap3A_836] {strides = array<i32>} : memref<8x80xi32, #tpu.memory_space<vmem>>, vector<1x16xi32>,
    %swap3A_838 = vector.shape_cast %swap3A_837 : vector<1x16xi32> to vector<16xi32>
    %swap3A_839 = vector.shape_cast %add3A_833 : vector<16xi32> to vector<1x16xi32>
    tpu.vector_store %arg6[%swap3A_835, %swap3A_836], %swap3A_839 {strides = array<i32>} : memref<8x80xi32, #tpu.memory_space<vmem>>, vector<1x16xi32>,
    %dma_start3A_840 = arith.constant 3 : i32
    %dma_start3A_841 = arith.constant 3 : i32
    %dma_start3A_842 = arith.constant 0 : i32
    %dma_start3A_843 = arith.constant 0 : i32
    %dma_start3A_844 = tpu.memref_slice %arg9[%dma_start3A_841, %dma_start3A_842, %dma_start3A_843] : memref<4x80x128xf32, #tpu.memory_space<vmem>> -> memref<1x80x128xf32, #tpu.memory_space<vmem>>
    %dma_start3A_845 = tpu.memref_squeeze %dma_start3A_844 : memref<1x80x128xf32, #tpu.memory_space<vmem>> -> memref<80x128xf32, #tpu.memory_space<vmem>>
    %dma_start3A_846 = arith.constant 0 : i32
    %dma_start3A_847 = tpu.memref_slice %arg6[%dma_start3A_840, %dma_start3A_846] : memref<8x80xi32, #tpu.memory_space<vmem>> -> memref<1x80xi32, #tpu.memory_space<vmem>>
    %dma_start3A_848 = tpu.memref_squeeze %dma_start3A_847 : memref<1x80xi32, #tpu.memory_space<vmem>> -> memref<80xi32, #tpu.memory_space<vmem>>
    %dma_start3A_849 = arith.constant 0 : i32
    %dma_start3A_850 = arith.constant 0 : i32
    %dma_start3A_851 = tpu.memref_slice %arg2[%dma_start3A_849, %dma_start3A_850] : memref<80000x128xf32, #tpu.memory_space<hbm>> -> memref<80000x128xf32, #tpu.memory_space<hbm>>
    tpu.enqueue_indirect_dma source(%dma_start3A_851 : memref<80000x128xf32, #tpu.memory_space<hbm>>) target(%dma_start3A_845 : memref<80x128xf32, #tpu.memory_space<vmem>>) offsets(%dma_start3A_848 : memref<80xi32, #tpu.memory_space<vmem>>) semaphore(%arg23 : memref<!tpu.dma_semaphore, #tpu.memory_space<semaphore_mem>>)
    %barrier3A = arith.constant 0 : index
    tpu.barrier barrier_id(%barrier3A)
    %scan3A_852 = arith.constant 0 : i32
    %scan3A_853 = arith.constant 0 : i32
    %scan3A_854 = arith.constant 16 : i32
    %scan3A_855 = arith.addi %scan3A_853, %scan3A_854 : i32
    %scan3A_856 = arith.constant 1 : i32
    scf.for %scan3A_868 = %scan3A_853 to %scan3A_855 step %scan3A_856  : i32 {
      %mul3A_869 = arith.constant 8 : i32
      %mul3A_870 = arith.muli %scan3A_868, %mul3A_869 : i32
      %add3A_871 = arith.constant 0 : i32
      %add3A_872 = arith.addi %mul3A_870, %add3A_871 : i32
      %lt3A = arith.constant 125 : i32
      %lt3A_873 = arith.cmpi slt, %add3A_872, %lt3A : i32
      %convert_element_type3A_874 = arith.extui %lt3A_873 : i1 to i32
      %cond3A_875 = arith.constant 0 : i32
      %cond3A_876 = arith.cmpi ne, %convert_element_type3A_874, %cond3A_875 : i32
      scf.if %cond3A_876 {
        %dma_wait3A_1052 = arith.constant 0 : i32
        %dma_wait3A_1053 = arith.constant 0 : i32
        %dma_wait3A_1054 = arith.constant 0 : i32
        %dma_wait3A_1055 = tpu.memref_slice %arg9[%dma_wait3A_1052, %dma_wait3A_1053, %dma_wait3A_1054] : memref<4x80x128xf32, #tpu.memory_space<vmem>> -> memref<1x80x128xf32, #tpu.memory_space<vmem>>
        %dma_wait3A_1056 = tpu.memref_squeeze %dma_wait3A_1055 : memref<1x80x128xf32, #tpu.memory_space<vmem>> -> memref<80x128xf32, #tpu.memory_space<vmem>>
        %dma_wait3A_1057 = arith.constant 0 : i32
        %dma_wait3A_1058 = arith.constant 0 : i32
        %dma_wait3A_1059 = tpu.memref_slice %arg2[%dma_wait3A_1057, %dma_wait3A_1058] : memref<80000x128xf32, #tpu.memory_space<hbm>> -> memref<80x128xf32, #tpu.memory_space<hbm>>
        %dma_wait3A_1060 = arith.constant 0 : i32
        %dma_wait3A_1061 = arith.constant 0 : i32
        %dma_wait3A_1062 = tpu.memref_slice %arg9[%dma_wait3A_1052, %dma_wait3A_1060, %dma_wait3A_1061] : memref<4x80x128xf32, #tpu.memory_space<vmem>> -> memref<1x80x128xf32, #tpu.memory_space<vmem>>
        %dma_wait3A_1063 = tpu.memref_squeeze %dma_wait3A_1062 : memref<1x80x128xf32, #tpu.memory_space<vmem>> -> memref<80x128xf32, #tpu.memory_space<vmem>>
        %dma_wait3A_1064 = arith.constant 0 : i32
        %dma_wait3A_1065 = arith.constant 0 : i32
        %dma_wait3A_1066 = tpu.memref_slice %arg2[%dma_wait3A_1064, %dma_wait3A_1065] : memref<80000x128xf32, #tpu.memory_space<hbm>> -> memref<80x128xf32, #tpu.memory_space<hbm>>
        tpu.wait_dma2 semaphore(%arg20 : memref<!tpu.dma_semaphore, #tpu.memory_space<semaphore_mem>>) src(%dma_wait3A_1066 : memref<80x128xf32, #tpu.memory_space<hbm>>) dst(%dma_wait3A_1063 : memref<80x128xf32, #tpu.memory_space<vmem>>)
        %dma_start3A_1067 = arith.constant 0 : i32
        %dma_start3A_1068 = arith.constant 0 : i32
        %dma_start3A_1069 = arith.constant 0 : i32
        %dma_start3A_1070 = arith.constant 0 : i32
        %dma_start3A_1071 = tpu.memref_slice %arg9[%dma_start3A_1067, %dma_start3A_1069, %dma_start3A_1070] : memref<4x80x128xf32, #tpu.memory_space<vmem>> -> memref<1x80x128xf32, #tpu.memory_space<vmem>>
        %dma_start3A_1072 = tpu.memref_squeeze %dma_start3A_1071 : memref<1x80x128xf32, #tpu.memory_space<vmem>> -> memref<80x128xf32, #tpu.memory_space<vmem>>
        %dma_start3A_1073 = arith.constant 0 : i32
        %dma_start3A_1074 = tpu.memref_slice %arg8[%dma_start3A_1068, %dma_start3A_1073] : memref<8x80xi32, #tpu.memory_space<vmem>> -> memref<1x80xi32, #tpu.memory_space<vmem>>
        %dma_start3A_1075 = tpu.memref_squeeze %dma_start3A_1074 : memref<1x80xi32, #tpu.memory_space<vmem>> -> memref<80xi32, #tpu.memory_space<vmem>>
        %dma_start3A_1076 = arith.constant 0 : i32
        %dma_start3A_1077 = arith.constant 0 : i32
        %dma_start3A_1078 = tpu.memref_slice %arg11[%dma_start3A_1076, %dma_start3A_1077] : memref<10000x128xf32, #tpu.memory_space<vmem_shared>> -> memref<10000x128xf32, #tpu.memory_space<vmem_shared>>
        tpu.enqueue_indirect_dma source(%dma_start3A_1072 : memref<80x128xf32, #tpu.memory_space<vmem>>) target(%dma_start3A_1078 : memref<10000x128xf32, #tpu.memory_space<vmem_shared>>) offsets(%dma_start3A_1075 : memref<80xi32, #tpu.memory_space<vmem>>) semaphore(%arg24 : memref<!tpu.dma_semaphore, #tpu.memory_space<semaphore_mem>>) {add = true}
        %dma_wait3A_1079 = arith.constant 0 : i32
        %dma_wait3A_1080 = arith.constant 0 : i32
        %dma_wait3A_1081 = arith.constant 0 : i32
        %dma_wait3A_1082 = arith.constant 0 : i32
        %dma_wait3A_1083 = tpu.memref_slice %arg9[%dma_wait3A_1079, %dma_wait3A_1081, %dma_wait3A_1082] : memref<4x80x128xf32, #tpu.memory_space<vmem>> -> memref<1x80x128xf32, #tpu.memory_space<vmem>>
        %dma_wait3A_1084 = tpu.memref_squeeze %dma_wait3A_1083 : memref<1x80x128xf32, #tpu.memory_space<vmem>> -> memref<80x128xf32, #tpu.memory_space<vmem>>
        %dma_wait3A_1085 = arith.constant 0 : i32
        %dma_wait3A_1086 = tpu.memref_slice %arg8[%dma_wait3A_1080, %dma_wait3A_1085] : memref<8x80xi32, #tpu.memory_space<vmem>> -> memref<1x80xi32, #tpu.memory_space<vmem>>
        %dma_wait3A_1087 = tpu.memref_squeeze %dma_wait3A_1086 : memref<1x80xi32, #tpu.memory_space<vmem>> -> memref<80xi32, #tpu.memory_space<vmem>>
        %dma_wait3A_1088 = arith.constant 0 : i32
        %dma_wait3A_1089 = arith.constant 0 : i32
        %dma_wait3A_1090 = tpu.memref_slice %arg11[%dma_wait3A_1088, %dma_wait3A_1089] : memref<10000x128xf32, #tpu.memory_space<vmem_shared>> -> memref<10000x128xf32, #tpu.memory_space<vmem_shared>>
        tpu.wait_indirect_dma semaphore(%arg24 : memref<!tpu.dma_semaphore, #tpu.memory_space<semaphore_mem>>) src(%dma_wait3A_1084 : memref<80x128xf32, #tpu.memory_space<vmem>>) dst(%dma_wait3A_1090 : memref<10000x128xf32, #tpu.memory_space<vmem_shared>>)
      } else {
      }
      %add3A_877 = arith.constant 8 : i32
      %add3A_878 = arith.addi %add3A_872, %add3A_877 : i32
      %lt3A_879 = arith.constant 125 : i32
      %lt3A_880 = arith.cmpi slt, %add3A_878, %lt3A_879 : i32
      %convert_element_type3A_881 = arith.extui %lt3A_880 : i1 to i32
      %cond3A_882 = arith.constant 0 : i32
      %cond3A_883 = arith.cmpi ne, %convert_element_type3A_881, %cond3A_882 : i32
      scf.if %cond3A_883 {
        %add3A_1052 = arith.constant 8 : i32
        %add3A_1053 = arith.addi %add3A_872, %add3A_1052 : i32
        %mul3A_1054 = arith.constant 80 : i32
        %mul3A_1055 = arith.muli %add3A_1053, %mul3A_1054 : i32
        %add3A_1056 = arith.addi %mul3A_2, %mul3A_1055 : i32
        %dma_start3A_1057 = arith.constant 0 : i32
        %dma_start3A_1058 = arith.constant 0 : i32
        %dma_start3A_1059 = tpu.memref_slice %arg6[%dma_start3A_1057, %dma_start3A_1058] : memref<8x80xi32, #tpu.memory_space<vmem>> -> memref<1x80xi32, #tpu.memory_space<vmem>>
        %dma_start3A_1060 = tpu.memref_squeeze %dma_start3A_1059 : memref<1x80xi32, #tpu.memory_space<vmem>> -> memref<80xi32, #tpu.memory_space<vmem>>
        %dma_start3A_1061 = tpu.memref_slice %arg3[%add3A_1056] : memref<640000xi32, #tpu.memory_space<hbm>> -> memref<80xi32, #tpu.memory_space<hbm>>
        %dma_start3A_1062 = arith.constant 0 : i32
        %dma_start3A_1063 = tpu.memref_slice %arg6[%dma_start3A_1057, %dma_start3A_1062] : memref<8x80xi32, #tpu.memory_space<vmem>> -> memref<1x80xi32, #tpu.memory_space<vmem>>
        %dma_start3A_1064 = tpu.memref_squeeze %dma_start3A_1063 : memref<1x80xi32, #tpu.memory_space<vmem>> -> memref<80xi32, #tpu.memory_space<vmem>>
        %dma_start3A_1065 = tpu.memref_slice %arg3[%add3A_1056] : memref<640000xi32, #tpu.memory_space<hbm>> -> memref<80xi32, #tpu.memory_space<hbm>>
        tpu.enqueue_dma source(%dma_start3A_1065 : memref<80xi32, #tpu.memory_space<hbm>>) target(%dma_start3A_1064 : memref<80xi32, #tpu.memory_space<vmem>>) target_semaphore(%arg12 : memref<!tpu.dma_semaphore, #tpu.memory_space<semaphore_mem>>)
        %dma_start3A_1066 = arith.constant 0 : i32
        %dma_start3A_1067 = arith.constant 0 : i32
        %dma_start3A_1068 = tpu.memref_slice %arg7[%dma_start3A_1066, %dma_start3A_1067] : memref<8x80xi32, #tpu.memory_space<vmem>> -> memref<1x80xi32, #tpu.memory_space<vmem>>
        %dma_start3A_1069 = tpu.memref_squeeze %dma_start3A_1068 : memref<1x80xi32, #tpu.memory_space<vmem>> -> memref<80xi32, #tpu.memory_space<vmem>>
        %dma_start3A_1070 = tpu.memref_slice %arg4[%add3A_1056] : memref<320000xi32, #tpu.memory_space<hbm>> -> memref<80xi32, #tpu.memory_space<hbm>>
        %dma_start3A_1071 = arith.constant 0 : i32
        %dma_start3A_1072 = tpu.memref_slice %arg7[%dma_start3A_1066, %dma_start3A_1071] : memref<8x80xi32, #tpu.memory_space<vmem>> -> memref<1x80xi32, #tpu.memory_space<vmem>>
        %dma_start3A_1073 = tpu.memref_squeeze %dma_start3A_1072 : memref<1x80xi32, #tpu.memory_space<vmem>> -> memref<80xi32, #tpu.memory_space<vmem>>
        %dma_start3A_1074 = tpu.memref_slice %arg4[%add3A_1056] : memref<320000xi32, #tpu.memory_space<hbm>> -> memref<80xi32, #tpu.memory_space<hbm>>
        tpu.enqueue_dma source(%dma_start3A_1074 : memref<80xi32, #tpu.memory_space<hbm>>) target(%dma_start3A_1073 : memref<80xi32, #tpu.memory_space<vmem>>) target_semaphore(%arg12 : memref<!tpu.dma_semaphore, #tpu.memory_space<semaphore_mem>>)
        %add3A_1075 = arith.constant 320000 : i32
        %add3A_1076 = arith.addi %add3A_1075, %add3A_1056 : i32
        %dma_start3A_1077 = arith.constant 0 : i32
        %dma_start3A_1078 = arith.constant 0 : i32
        %dma_start3A_1079 = tpu.memref_slice %arg8[%dma_start3A_1077, %dma_start3A_1078] : memref<8x80xi32, #tpu.memory_space<vmem>> -> memref<1x80xi32, #tpu.memory_space<vmem>>
        %dma_start3A_1080 = tpu.memref_squeeze %dma_start3A_1079 : memref<1x80xi32, #tpu.memory_space<vmem>> -> memref<80xi32, #tpu.memory_space<vmem>>
        %dma_start3A_1081 = tpu.memref_slice %arg3[%add3A_1076] : memref<640000xi32, #tpu.memory_space<hbm>> -> memref<80xi32, #tpu.memory_space<hbm>>
        %dma_start3A_1082 = arith.constant 0 : i32
        %dma_start3A_1083 = tpu.memref_slice %arg8[%dma_start3A_1077, %dma_start3A_1082] : memref<8x80xi32, #tpu.memory_space<vmem>> -> memref<1x80xi32, #tpu.memory_space<vmem>>
        %dma_start3A_1084 = tpu.memref_squeeze %dma_start3A_1083 : memref<1x80xi32, #tpu.memory_space<vmem>> -> memref<80xi32, #tpu.memory_space<vmem>>
        %dma_start3A_1085 = tpu.memref_slice %arg3[%add3A_1076] : memref<640000xi32, #tpu.memory_space<hbm>> -> memref<80xi32, #tpu.memory_space<hbm>>
        tpu.enqueue_dma source(%dma_start3A_1085 : memref<80xi32, #tpu.memory_space<hbm>>) target(%dma_start3A_1084 : memref<80xi32, #tpu.memory_space<vmem>>) target_semaphore(%arg12 : memref<!tpu.dma_semaphore, #tpu.memory_space<semaphore_mem>>)
      } else {
      }
      %add3A_884 = arith.constant 4 : i32
      %add3A_885 = arith.addi %add3A_872, %add3A_884 : i32
      %lt3A_886 = arith.constant 125 : i32
      %lt3A_887 = arith.cmpi slt, %add3A_885, %lt3A_886 : i32
      %convert_element_type3A_888 = arith.extui %lt3A_887 : i1 to i32
      %cond3A_889 = arith.constant 0 : i32
      %cond3A_890 = arith.cmpi ne, %convert_element_type3A_888, %cond3A_889 : i32
      scf.if %cond3A_890 {
        %dma_wait3A_1052 = arith.constant 4 : i32
        %dma_wait3A_1053 = arith.constant 0 : i32
        %dma_wait3A_1054 = tpu.memref_slice %arg6[%dma_wait3A_1052, %dma_wait3A_1053] : memref<8x80xi32, #tpu.memory_space<vmem>> -> memref<1x80xi32, #tpu.memory_space<vmem>>
        %dma_wait3A_1055 = tpu.memref_squeeze %dma_wait3A_1054 : memref<1x80xi32, #tpu.memory_space<vmem>> -> memref<80xi32, #tpu.memory_space<vmem>>
        %dma_wait3A_1056 = arith.constant 0 : i32
        %dma_wait3A_1057 = tpu.memref_slice %arg3[%dma_wait3A_1056] : memref<640000xi32, #tpu.memory_space<hbm>> -> memref<80xi32, #tpu.memory_space<hbm>>
        %dma_wait3A_1058 = arith.constant 0 : i32
        %dma_wait3A_1059 = tpu.memref_slice %arg6[%dma_wait3A_1052, %dma_wait3A_1058] : memref<8x80xi32, #tpu.memory_space<vmem>> -> memref<1x80xi32, #tpu.memory_space<vmem>>
        %dma_wait3A_1060 = tpu.memref_squeeze %dma_wait3A_1059 : memref<1x80xi32, #tpu.memory_space<vmem>> -> memref<80xi32, #tpu.memory_space<vmem>>
        %dma_wait3A_1061 = arith.constant 0 : i32
        %dma_wait3A_1062 = tpu.memref_slice %arg3[%dma_wait3A_1061] : memref<640000xi32, #tpu.memory_space<hbm>> -> memref<80xi32, #tpu.memory_space<hbm>>
        tpu.wait_dma2 semaphore(%arg16 : memref<!tpu.dma_semaphore, #tpu.memory_space<semaphore_mem>>) src(%dma_wait3A_1062 : memref<80xi32, #tpu.memory_space<hbm>>) dst(%dma_wait3A_1060 : memref<80xi32, #tpu.memory_space<vmem>>)
        %dma_wait3A_1063 = arith.constant 4 : i32
        %dma_wait3A_1064 = arith.constant 0 : i32
        %dma_wait3A_1065 = tpu.memref_slice %arg7[%dma_wait3A_1063, %dma_wait3A_1064] : memref<8x80xi32, #tpu.memory_space<vmem>> -> memref<1x80xi32, #tpu.memory_space<vmem>>
        %dma_wait3A_1066 = tpu.memref_squeeze %dma_wait3A_1065 : memref<1x80xi32, #tpu.memory_space<vmem>> -> memref<80xi32, #tpu.memory_space<vmem>>
        %dma_wait3A_1067 = arith.constant 0 : i32
        %dma_wait3A_1068 = tpu.memref_slice %arg3[%dma_wait3A_1067] : memref<640000xi32, #tpu.memory_space<hbm>> -> memref<80xi32, #tpu.memory_space<hbm>>
        %dma_wait3A_1069 = arith.constant 0 : i32
        %dma_wait3A_1070 = tpu.memref_slice %arg7[%dma_wait3A_1063, %dma_wait3A_1069] : memref<8x80xi32, #tpu.memory_space<vmem>> -> memref<1x80xi32, #tpu.memory_space<vmem>>
        %dma_wait3A_1071 = tpu.memref_squeeze %dma_wait3A_1070 : memref<1x80xi32, #tpu.memory_space<vmem>> -> memref<80xi32, #tpu.memory_space<vmem>>
        %dma_wait3A_1072 = arith.constant 0 : i32
        %dma_wait3A_1073 = tpu.memref_slice %arg3[%dma_wait3A_1072] : memref<640000xi32, #tpu.memory_space<hbm>> -> memref<80xi32, #tpu.memory_space<hbm>>
        tpu.wait_dma2 semaphore(%arg16 : memref<!tpu.dma_semaphore, #tpu.memory_space<semaphore_mem>>) src(%dma_wait3A_1073 : memref<80xi32, #tpu.memory_space<hbm>>) dst(%dma_wait3A_1071 : memref<80xi32, #tpu.memory_space<vmem>>)
        %dma_wait3A_1074 = arith.constant 4 : i32
        %dma_wait3A_1075 = arith.constant 0 : i32
        %dma_wait3A_1076 = tpu.memref_slice %arg8[%dma_wait3A_1074, %dma_wait3A_1075] : memref<8x80xi32, #tpu.memory_space<vmem>> -> memref<1x80xi32, #tpu.memory_space<vmem>>
        %dma_wait3A_1077 = tpu.memref_squeeze %dma_wait3A_1076 : memref<1x80xi32, #tpu.memory_space<vmem>> -> memref<80xi32, #tpu.memory_space<vmem>>
        %dma_wait3A_1078 = arith.constant 0 : i32
        %dma_wait3A_1079 = tpu.memref_slice %arg3[%dma_wait3A_1078] : memref<640000xi32, #tpu.memory_space<hbm>> -> memref<80xi32, #tpu.memory_space<hbm>>
        %dma_wait3A_1080 = arith.constant 0 : i32
        %dma_wait3A_1081 = tpu.memref_slice %arg8[%dma_wait3A_1074, %dma_wait3A_1080] : memref<8x80xi32, #tpu.memory_space<vmem>> -> memref<1x80xi32, #tpu.memory_space<vmem>>
        %dma_wait3A_1082 = tpu.memref_squeeze %dma_wait3A_1081 : memref<1x80xi32, #tpu.memory_space<vmem>> -> memref<80xi32, #tpu.memory_space<vmem>>
        %dma_wait3A_1083 = arith.constant 0 : i32
        %dma_wait3A_1084 = tpu.memref_slice %arg3[%dma_wait3A_1083] : memref<640000xi32, #tpu.memory_space<hbm>> -> memref<80xi32, #tpu.memory_space<hbm>>
        tpu.wait_dma2 semaphore(%arg16 : memref<!tpu.dma_semaphore, #tpu.memory_space<semaphore_mem>>) src(%dma_wait3A_1084 : memref<80xi32, #tpu.memory_space<hbm>>) dst(%dma_wait3A_1082 : memref<80xi32, #tpu.memory_space<vmem>>)
        %get3A_1085 = arith.constant 4 : i32
        %get3A_1086 = arith.index_cast %get3A_1085 : i32 to index
        %get3A_1087 = arith.constant 0 : index
        %get3A_1088 = tpu.vector_load %arg7[%get3A_1086, %get3A_1087] {strides = array<i32>} : memref<8x80xi32, #tpu.memory_space<vmem>>, vector<1x16xi32>,
        %get3A_1089 = vector.shape_cast %get3A_1088 : vector<1x16xi32> to vector<16xi32>
        %mul3A_1090 = arith.constant 10000 : i32
        %mul3A_1091 = vector.broadcast %mul3A_1090 : i32 to vector<16xi32>
        %mul3A_1092 = arith.muli %get3A_1089, %mul3A_1091 : vector<16xi32>
        %get3A_1093 = arith.constant 4 : i32
        %get3A_1094 = arith.index_cast %get3A_1093 : i32 to index
        %get3A_1095 = arith.constant 0 : index
        %get3A_1096 = tpu.vector_load %arg6[%get3A_1094, %get3A_1095] {strides = array<i32>} : memref<8x80xi32, #tpu.memory_space<vmem>>, vector<1x16xi32>,
        %get3A_1097 = vector.shape_cast %get3A_1096 : vector<1x16xi32> to vector<16xi32>
        %add3A_1098 = arith.addi %mul3A_1092, %get3A_1097 : vector<16xi32>
        %swap3A_1099 = arith.constant 4 : i32
        %swap3A_1100 = arith.index_cast %swap3A_1099 : i32 to index
        %swap3A_1101 = arith.constant 0 : index
        %swap3A_1102 = tpu.vector_load %arg6[%swap3A_1100, %swap3A_1101] {strides = array<i32>} : memref<8x80xi32, #tpu.memory_space<vmem>>, vector<1x16xi32>,
        %swap3A_1103 = vector.shape_cast %swap3A_1102 : vector<1x16xi32> to vector<16xi32>
        %swap3A_1104 = vector.shape_cast %add3A_1098 : vector<16xi32> to vector<1x16xi32>
        tpu.vector_store %arg6[%swap3A_1100, %swap3A_1101], %swap3A_1104 {strides = array<i32>} : memref<8x80xi32, #tpu.memory_space<vmem>>, vector<1x16xi32>,
        %get3A_1105 = arith.constant 4 : i32
        %get3A_1106 = arith.index_cast %get3A_1105 : i32 to index
        %get3A_1107 = arith.constant 16 : index
        %get3A_1108 = tpu.vector_load %arg7[%get3A_1106, %get3A_1107] {strides = array<i32>} : memref<8x80xi32, #tpu.memory_space<vmem>>, vector<1x16xi32>,
        %get3A_1109 = vector.shape_cast %get3A_1108 : vector<1x16xi32> to vector<16xi32>
        %mul3A_1110 = arith.constant 10000 : i32
        %mul3A_1111 = vector.broadcast %mul3A_1110 : i32 to vector<16xi32>
        %mul3A_1112 = arith.muli %get3A_1109, %mul3A_1111 : vector<16xi32>
        %get3A_1113 = arith.constant 4 : i32
        %get3A_1114 = arith.index_cast %get3A_1113 : i32 to index
        %get3A_1115 = arith.constant 16 : index
        %get3A_1116 = tpu.vector_load %arg6[%get3A_1114, %get3A_1115] {strides = array<i32>} : memref<8x80xi32, #tpu.memory_space<vmem>>, vector<1x16xi32>,
        %get3A_1117 = vector.shape_cast %get3A_1116 : vector<1x16xi32> to vector<16xi32>
        %add3A_1118 = arith.addi %mul3A_1112, %get3A_1117 : vector<16xi32>
        %swap3A_1119 = arith.constant 4 : i32
        %swap3A_1120 = arith.index_cast %swap3A_1119 : i32 to index
        %swap3A_1121 = arith.constant 16 : index
        %swap3A_1122 = tpu.vector_load %arg6[%swap3A_1120, %swap3A_1121] {strides = array<i32>} : memref<8x80xi32, #tpu.memory_space<vmem>>, vector<1x16xi32>,
        %swap3A_1123 = vector.shape_cast %swap3A_1122 : vector<1x16xi32> to vector<16xi32>
        %swap3A_1124 = vector.shape_cast %add3A_1118 : vector<16xi32> to vector<1x16xi32>
        tpu.vector_store %arg6[%swap3A_1120, %swap3A_1121], %swap3A_1124 {strides = array<i32>} : memref<8x80xi32, #tpu.memory_space<vmem>>, vector<1x16xi32>,
        %get3A_1125 = arith.constant 4 : i32
        %get3A_1126 = arith.index_cast %get3A_1125 : i32 to index
        %get3A_1127 = arith.constant 32 : index
        %get3A_1128 = tpu.vector_load %arg7[%get3A_1126, %get3A_1127] {strides = array<i32>} : memref<8x80xi32, #tpu.memory_space<vmem>>, vector<1x16xi32>,
        %get3A_1129 = vector.shape_cast %get3A_1128 : vector<1x16xi32> to vector<16xi32>
        %mul3A_1130 = arith.constant 10000 : i32
        %mul3A_1131 = vector.broadcast %mul3A_1130 : i32 to vector<16xi32>
        %mul3A_1132 = arith.muli %get3A_1129, %mul3A_1131 : vector<16xi32>
        %get3A_1133 = arith.constant 4 : i32
        %get3A_1134 = arith.index_cast %get3A_1133 : i32 to index
        %get3A_1135 = arith.constant 32 : index
        %get3A_1136 = tpu.vector_load %arg6[%get3A_1134, %get3A_1135] {strides = array<i32>} : memref<8x80xi32, #tpu.memory_space<vmem>>, vector<1x16xi32>,
        %get3A_1137 = vector.shape_cast %get3A_1136 : vector<1x16xi32> to vector<16xi32>
        %add3A_1138 = arith.addi %mul3A_1132, %get3A_1137 : vector<16xi32>
        %swap3A_1139 = arith.constant 4 : i32
        %swap3A_1140 = arith.index_cast %swap3A_1139 : i32 to index
        %swap3A_1141 = arith.constant 32 : index
        %swap3A_1142 = tpu.vector_load %arg6[%swap3A_1140, %swap3A_1141] {strides = array<i32>} : memref<8x80xi32, #tpu.memory_space<vmem>>, vector<1x16xi32>,
        %swap3A_1143 = vector.shape_cast %swap3A_1142 : vector<1x16xi32> to vector<16xi32>
        %swap3A_1144 = vector.shape_cast %add3A_1138 : vector<16xi32> to vector<1x16xi32>
        tpu.vector_store %arg6[%swap3A_1140, %swap3A_1141], %swap3A_1144 {strides = array<i32>} : memref<8x80xi32, #tpu.memory_space<vmem>>, vector<1x16xi32>,
        %get3A_1145 = arith.constant 4 : i32
        %get3A_1146 = arith.index_cast %get3A_1145 : i32 to index
        %get3A_1147 = arith.constant 48 : index
        %get3A_1148 = tpu.vector_load %arg7[%get3A_1146, %get3A_1147] {strides = array<i32>} : memref<8x80xi32, #tpu.memory_space<vmem>>, vector<1x16xi32>,
        %get3A_1149 = vector.shape_cast %get3A_1148 : vector<1x16xi32> to vector<16xi32>
        %mul3A_1150 = arith.constant 10000 : i32
        %mul3A_1151 = vector.broadcast %mul3A_1150 : i32 to vector<16xi32>
        %mul3A_1152 = arith.muli %get3A_1149, %mul3A_1151 : vector<16xi32>
        %get3A_1153 = arith.constant 4 : i32
        %get3A_1154 = arith.index_cast %get3A_1153 : i32 to index
        %get3A_1155 = arith.constant 48 : index
        %get3A_1156 = tpu.vector_load %arg6[%get3A_1154, %get3A_1155] {strides = array<i32>} : memref<8x80xi32, #tpu.memory_space<vmem>>, vector<1x16xi32>,
        %get3A_1157 = vector.shape_cast %get3A_1156 : vector<1x16xi32> to vector<16xi32>
        %add3A_1158 = arith.addi %mul3A_1152, %get3A_1157 : vector<16xi32>
        %swap3A_1159 = arith.constant 4 : i32
        %swap3A_1160 = arith.index_cast %swap3A_1159 : i32 to index
        %swap3A_1161 = arith.constant 48 : index
        %swap3A_1162 = tpu.vector_load %arg6[%swap3A_1160, %swap3A_1161] {strides = array<i32>} : memref<8x80xi32, #tpu.memory_space<vmem>>, vector<1x16xi32>,
        %swap3A_1163 = vector.shape_cast %swap3A_1162 : vector<1x16xi32> to vector<16xi32>
        %swap3A_1164 = vector.shape_cast %add3A_1158 : vector<16xi32> to vector<1x16xi32>
        tpu.vector_store %arg6[%swap3A_1160, %swap3A_1161], %swap3A_1164 {strides = array<i32>} : memref<8x80xi32, #tpu.memory_space<vmem>>, vector<1x16xi32>,
        %get3A_1165 = arith.constant 4 : i32
        %get3A_1166 = arith.index_cast %get3A_1165 : i32 to index
        %get3A_1167 = arith.constant 64 : index
        %get3A_1168 = tpu.vector_load %arg7[%get3A_1166, %get3A_1167] {strides = array<i32>} : memref<8x80xi32, #tpu.memory_space<vmem>>, vector<1x16xi32>,
        %get3A_1169 = vector.shape_cast %get3A_1168 : vector<1x16xi32> to vector<16xi32>
        %mul3A_1170 = arith.constant 10000 : i32
        %mul3A_1171 = vector.broadcast %mul3A_1170 : i32 to vector<16xi32>
        %mul3A_1172 = arith.muli %get3A_1169, %mul3A_1171 : vector<16xi32>
        %get3A_1173 = arith.constant 4 : i32
        %get3A_1174 = arith.index_cast %get3A_1173 : i32 to index
        %get3A_1175 = arith.constant 64 : index
        %get3A_1176 = tpu.vector_load %arg6[%get3A_1174, %get3A_1175] {strides = array<i32>} : memref<8x80xi32, #tpu.memory_space<vmem>>, vector<1x16xi32>,
        %get3A_1177 = vector.shape_cast %get3A_1176 : vector<1x16xi32> to vector<16xi32>
        %add3A_1178 = arith.addi %mul3A_1172, %get3A_1177 : vector<16xi32>
        %swap3A_1179 = arith.constant 4 : i32
        %swap3A_1180 = arith.index_cast %swap3A_1179 : i32 to index
        %swap3A_1181 = arith.constant 64 : index
        %swap3A_1182 = tpu.vector_load %arg6[%swap3A_1180, %swap3A_1181] {strides = array<i32>} : memref<8x80xi32, #tpu.memory_space<vmem>>, vector<1x16xi32>,
        %swap3A_1183 = vector.shape_cast %swap3A_1182 : vector<1x16xi32> to vector<16xi32>
        %swap3A_1184 = vector.shape_cast %add3A_1178 : vector<16xi32> to vector<1x16xi32>
        tpu.vector_store %arg6[%swap3A_1180, %swap3A_1181], %swap3A_1184 {strides = array<i32>} : memref<8x80xi32, #tpu.memory_space<vmem>>, vector<1x16xi32>,
        %dma_start3A_1185 = arith.constant 4 : i32
        %dma_start3A_1186 = arith.constant 0 : i32
        %dma_start3A_1187 = arith.constant 0 : i32
        %dma_start3A_1188 = arith.constant 0 : i32
        %dma_start3A_1189 = tpu.memref_slice %arg9[%dma_start3A_1186, %dma_start3A_1187, %dma_start3A_1188] : memref<4x80x128xf32, #tpu.memory_space<vmem>> -> memref<1x80x128xf32, #tpu.memory_space<vmem>>
        %dma_start3A_1190 = tpu.memref_squeeze %dma_start3A_1189 : memref<1x80x128xf32, #tpu.memory_space<vmem>> -> memref<80x128xf32, #tpu.memory_space<vmem>>
        %dma_start3A_1191 = arith.constant 0 : i32
        %dma_start3A_1192 = tpu.memref_slice %arg6[%dma_start3A_1185, %dma_start3A_1191] : memref<8x80xi32, #tpu.memory_space<vmem>> -> memref<1x80xi32, #tpu.memory_space<vmem>>
        %dma_start3A_1193 = tpu.memref_squeeze %dma_start3A_1192 : memref<1x80xi32, #tpu.memory_space<vmem>> -> memref<80xi32, #tpu.memory_space<vmem>>
        %dma_start3A_1194 = arith.constant 0 : i32
        %dma_start3A_1195 = arith.constant 0 : i32
        %dma_start3A_1196 = tpu.memref_slice %arg2[%dma_start3A_1194, %dma_start3A_1195] : memref<80000x128xf32, #tpu.memory_space<hbm>> -> memref<80000x128xf32, #tpu.memory_space<hbm>>
        tpu.enqueue_indirect_dma source(%dma_start3A_1196 : memref<80000x128xf32, #tpu.memory_space<hbm>>) target(%dma_start3A_1190 : memref<80x128xf32, #tpu.memory_space<vmem>>) offsets(%dma_start3A_1193 : memref<80xi32, #tpu.memory_space<vmem>>) semaphore(%arg20 : memref<!tpu.dma_semaphore, #tpu.memory_space<semaphore_mem>>)
      } else {
      }
      %mul3A_891 = arith.constant 8 : i32
      %mul3A_892 = arith.muli %scan3A_868, %mul3A_891 : i32
      %add3A_893 = arith.constant 1 : i32
      %add3A_894 = arith.addi %mul3A_892, %add3A_893 : i32
      %lt3A_895 = arith.constant 125 : i32
      %lt3A_896 = arith.cmpi slt, %add3A_894, %lt3A_895 : i32
      %convert_element_type3A_897 = arith.extui %lt3A_896 : i1 to i32
      %cond3A_898 = arith.constant 0 : i32
      %cond3A_899 = arith.cmpi ne, %convert_element_type3A_897, %cond3A_898 : i32
      scf.if %cond3A_899 {
        %dma_wait3A_1052 = arith.constant 1 : i32
        %dma_wait3A_1053 = arith.constant 0 : i32
        %dma_wait3A_1054 = arith.constant 0 : i32
        %dma_wait3A_1055 = tpu.memref_slice %arg9[%dma_wait3A_1052, %dma_wait3A_1053, %dma_wait3A_1054] : memref<4x80x128xf32, #tpu.memory_space<vmem>> -> memref<1x80x128xf32, #tpu.memory_space<vmem>>
        %dma_wait3A_1056 = tpu.memref_squeeze %dma_wait3A_1055 : memref<1x80x128xf32, #tpu.memory_space<vmem>> -> memref<80x128xf32, #tpu.memory_space<vmem>>
        %dma_wait3A_1057 = arith.constant 0 : i32
        %dma_wait3A_1058 = arith.constant 0 : i32
        %dma_wait3A_1059 = tpu.memref_slice %arg2[%dma_wait3A_1057, %dma_wait3A_1058] : memref<80000x128xf32, #tpu.memory_space<hbm>> -> memref<80x128xf32, #tpu.memory_space<hbm>>
        %dma_wait3A_1060 = arith.constant 0 : i32
        %dma_wait3A_1061 = arith.constant 0 : i32
        %dma_wait3A_1062 = tpu.memref_slice %arg9[%dma_wait3A_1052, %dma_wait3A_1060, %dma_wait3A_1061] : memref<4x80x128xf32, #tpu.memory_space<vmem>> -> memref<1x80x128xf32, #tpu.memory_space<vmem>>
        %dma_wait3A_1063 = tpu.memref_squeeze %dma_wait3A_1062 : memref<1x80x128xf32, #tpu.memory_space<vmem>> -> memref<80x128xf32, #tpu.memory_space<vmem>>
        %dma_wait3A_1064 = arith.constant 0 : i32
        %dma_wait3A_1065 = arith.constant 0 : i32
        %dma_wait3A_1066 = tpu.memref_slice %arg2[%dma_wait3A_1064, %dma_wait3A_1065] : memref<80000x128xf32, #tpu.memory_space<hbm>> -> memref<80x128xf32, #tpu.memory_space<hbm>>
        tpu.wait_dma2 semaphore(%arg21 : memref<!tpu.dma_semaphore, #tpu.memory_space<semaphore_mem>>) src(%dma_wait3A_1066 : memref<80x128xf32, #tpu.memory_space<hbm>>) dst(%dma_wait3A_1063 : memref<80x128xf32, #tpu.memory_space<vmem>>)
        %dma_start3A_1067 = arith.constant 1 : i32
        %dma_start3A_1068 = arith.constant 1 : i32
        %dma_start3A_1069 = arith.constant 0 : i32
        %dma_start3A_1070 = arith.constant 0 : i32
        %dma_start3A_1071 = tpu.memref_slice %arg9[%dma_start3A_1067, %dma_start3A_1069, %dma_start3A_1070] : memref<4x80x128xf32, #tpu.memory_space<vmem>> -> memref<1x80x128xf32, #tpu.memory_space<vmem>>
        %dma_start3A_1072 = tpu.memref_squeeze %dma_start3A_1071 : memref<1x80x128xf32, #tpu.memory_space<vmem>> -> memref<80x128xf32, #tpu.memory_space<vmem>>
        %dma_start3A_1073 = arith.constant 0 : i32
        %dma_start3A_1074 = tpu.memref_slice %arg8[%dma_start3A_1068, %dma_start3A_1073] : memref<8x80xi32, #tpu.memory_space<vmem>> -> memref<1x80xi32, #tpu.memory_space<vmem>>
        %dma_start3A_1075 = tpu.memref_squeeze %dma_start3A_1074 : memref<1x80xi32, #tpu.memory_space<vmem>> -> memref<80xi32, #tpu.memory_space<vmem>>
        %dma_start3A_1076 = arith.constant 0 : i32
        %dma_start3A_1077 = arith.constant 0 : i32
        %dma_start3A_1078 = tpu.memref_slice %arg11[%dma_start3A_1076, %dma_start3A_1077] : memref<10000x128xf32, #tpu.memory_space<vmem_shared>> -> memref<10000x128xf32, #tpu.memory_space<vmem_shared>>
        tpu.enqueue_indirect_dma source(%dma_start3A_1072 : memref<80x128xf32, #tpu.memory_space<vmem>>) target(%dma_start3A_1078 : memref<10000x128xf32, #tpu.memory_space<vmem_shared>>) offsets(%dma_start3A_1075 : memref<80xi32, #tpu.memory_space<vmem>>) semaphore(%arg24 : memref<!tpu.dma_semaphore, #tpu.memory_space<semaphore_mem>>) {add = true}
        %dma_wait3A_1079 = arith.constant 1 : i32
        %dma_wait3A_1080 = arith.constant 1 : i32
        %dma_wait3A_1081 = arith.constant 0 : i32
        %dma_wait3A_1082 = arith.constant 0 : i32
        %dma_wait3A_1083 = tpu.memref_slice %arg9[%dma_wait3A_1079, %dma_wait3A_1081, %dma_wait3A_1082] : memref<4x80x128xf32, #tpu.memory_space<vmem>> -> memref<1x80x128xf32, #tpu.memory_space<vmem>>
        %dma_wait3A_1084 = tpu.memref_squeeze %dma_wait3A_1083 : memref<1x80x128xf32, #tpu.memory_space<vmem>> -> memref<80x128xf32, #tpu.memory_space<vmem>>
        %dma_wait3A_1085 = arith.constant 0 : i32
        %dma_wait3A_1086 = tpu.memref_slice %arg8[%dma_wait3A_1080, %dma_wait3A_1085] : memref<8x80xi32, #tpu.memory_space<vmem>> -> memref<1x80xi32, #tpu.memory_space<vmem>>
        %dma_wait3A_1087 = tpu.memref_squeeze %dma_wait3A_1086 : memref<1x80xi32, #tpu.memory_space<vmem>> -> memref<80xi32, #tpu.memory_space<vmem>>
        %dma_wait3A_1088 = arith.constant 0 : i32
        %dma_wait3A_1089 = arith.constant 0 : i32
        %dma_wait3A_1090 = tpu.memref_slice %arg11[%dma_wait3A_1088, %dma_wait3A_1089] : memref<10000x128xf32, #tpu.memory_space<vmem_shared>> -> memref<10000x128xf32, #tpu.memory_space<vmem_shared>>
        tpu.wait_indirect_dma semaphore(%arg24 : memref<!tpu.dma_semaphore, #tpu.memory_space<semaphore_mem>>) src(%dma_wait3A_1084 : memref<80x128xf32, #tpu.memory_space<vmem>>) dst(%dma_wait3A_1090 : memref<10000x128xf32, #tpu.memory_space<vmem_shared>>)
      } else {
      }
      %add3A_900 = arith.constant 8 : i32
      %add3A_901 = arith.addi %add3A_894, %add3A_900 : i32
      %lt3A_902 = arith.constant 125 : i32
      %lt3A_903 = arith.cmpi slt, %add3A_901, %lt3A_902 : i32
      %convert_element_type3A_904 = arith.extui %lt3A_903 : i1 to i32
      %cond3A_905 = arith.constant 0 : i32
      %cond3A_906 = arith.cmpi ne, %convert_element_type3A_904, %cond3A_905 : i32
      scf.if %cond3A_906 {
        %add3A_1052 = arith.constant 8 : i32
        %add3A_1053 = arith.addi %add3A_894, %add3A_1052 : i32
        %mul3A_1054 = arith.constant 80 : i32
        %mul3A_1055 = arith.muli %add3A_1053, %mul3A_1054 : i32
        %add3A_1056 = arith.addi %mul3A_2, %mul3A_1055 : i32
        %dma_start3A_1057 = arith.constant 1 : i32
        %dma_start3A_1058 = arith.constant 0 : i32
        %dma_start3A_1059 = tpu.memref_slice %arg6[%dma_start3A_1057, %dma_start3A_1058] : memref<8x80xi32, #tpu.memory_space<vmem>> -> memref<1x80xi32, #tpu.memory_space<vmem>>
        %dma_start3A_1060 = tpu.memref_squeeze %dma_start3A_1059 : memref<1x80xi32, #tpu.memory_space<vmem>> -> memref<80xi32, #tpu.memory_space<vmem>>
        %dma_start3A_1061 = tpu.memref_slice %arg3[%add3A_1056] : memref<640000xi32, #tpu.memory_space<hbm>> -> memref<80xi32, #tpu.memory_space<hbm>>
        %dma_start3A_1062 = arith.constant 0 : i32
        %dma_start3A_1063 = tpu.memref_slice %arg6[%dma_start3A_1057, %dma_start3A_1062] : memref<8x80xi32, #tpu.memory_space<vmem>> -> memref<1x80xi32, #tpu.memory_space<vmem>>
        %dma_start3A_1064 = tpu.memref_squeeze %dma_start3A_1063 : memref<1x80xi32, #tpu.memory_space<vmem>> -> memref<80xi32, #tpu.memory_space<vmem>>
        %dma_start3A_1065 = tpu.memref_slice %arg3[%add3A_1056] : memref<640000xi32, #tpu.memory_space<hbm>> -> memref<80xi32, #tpu.memory_space<hbm>>
        tpu.enqueue_dma source(%dma_start3A_1065 : memref<80xi32, #tpu.memory_space<hbm>>) target(%dma_start3A_1064 : memref<80xi32, #tpu.memory_space<vmem>>) target_semaphore(%arg13 : memref<!tpu.dma_semaphore, #tpu.memory_space<semaphore_mem>>)
        %dma_start3A_1066 = arith.constant 1 : i32
        %dma_start3A_1067 = arith.constant 0 : i32
        %dma_start3A_1068 = tpu.memref_slice %arg7[%dma_start3A_1066, %dma_start3A_1067] : memref<8x80xi32, #tpu.memory_space<vmem>> -> memref<1x80xi32, #tpu.memory_space<vmem>>
        %dma_start3A_1069 = tpu.memref_squeeze %dma_start3A_1068 : memref<1x80xi32, #tpu.memory_space<vmem>> -> memref<80xi32, #tpu.memory_space<vmem>>
        %dma_start3A_1070 = tpu.memref_slice %arg4[%add3A_1056] : memref<320000xi32, #tpu.memory_space<hbm>> -> memref<80xi32, #tpu.memory_space<hbm>>
        %dma_start3A_1071 = arith.constant 0 : i32
        %dma_start3A_1072 = tpu.memref_slice %arg7[%dma_start3A_1066, %dma_start3A_1071] : memref<8x80xi32, #tpu.memory_space<vmem>> -> memref<1x80xi32, #tpu.memory_space<vmem>>
        %dma_start3A_1073 = tpu.memref_squeeze %dma_start3A_1072 : memref<1x80xi32, #tpu.memory_space<vmem>> -> memref<80xi32, #tpu.memory_space<vmem>>
        %dma_start3A_1074 = tpu.memref_slice %arg4[%add3A_1056] : memref<320000xi32, #tpu.memory_space<hbm>> -> memref<80xi32, #tpu.memory_space<hbm>>
        tpu.enqueue_dma source(%dma_start3A_1074 : memref<80xi32, #tpu.memory_space<hbm>>) target(%dma_start3A_1073 : memref<80xi32, #tpu.memory_space<vmem>>) target_semaphore(%arg13 : memref<!tpu.dma_semaphore, #tpu.memory_space<semaphore_mem>>)
        %add3A_1075 = arith.constant 320000 : i32
        %add3A_1076 = arith.addi %add3A_1075, %add3A_1056 : i32
        %dma_start3A_1077 = arith.constant 1 : i32
        %dma_start3A_1078 = arith.constant 0 : i32
        %dma_start3A_1079 = tpu.memref_slice %arg8[%dma_start3A_1077, %dma_start3A_1078] : memref<8x80xi32, #tpu.memory_space<vmem>> -> memref<1x80xi32, #tpu.memory_space<vmem>>
        %dma_start3A_1080 = tpu.memref_squeeze %dma_start3A_1079 : memref<1x80xi32, #tpu.memory_space<vmem>> -> memref<80xi32, #tpu.memory_space<vmem>>
        %dma_start3A_1081 = tpu.memref_slice %arg3[%add3A_1076] : memref<640000xi32, #tpu.memory_space<hbm>> -> memref<80xi32, #tpu.memory_space<hbm>>
        %dma_start3A_1082 = arith.constant 0 : i32
        %dma_start3A_1083 = tpu.memref_slice %arg8[%dma_start3A_1077, %dma_start3A_1082] : memref<8x80xi32, #tpu.memory_space<vmem>> -> memref<1x80xi32, #tpu.memory_space<vmem>>
        %dma_start3A_1084 = tpu.memref_squeeze %dma_start3A_1083 : memref<1x80xi32, #tpu.memory_space<vmem>> -> memref<80xi32, #tpu.memory_space<vmem>>
        %dma_start3A_1085 = tpu.memref_slice %arg3[%add3A_1076] : memref<640000xi32, #tpu.memory_space<hbm>> -> memref<80xi32, #tpu.memory_space<hbm>>
        tpu.enqueue_dma source(%dma_start3A_1085 : memref<80xi32, #tpu.memory_space<hbm>>) target(%dma_start3A_1084 : memref<80xi32, #tpu.memory_space<vmem>>) target_semaphore(%arg13 : memref<!tpu.dma_semaphore, #tpu.memory_space<semaphore_mem>>)
      } else {
      }
      %add3A_907 = arith.constant 4 : i32
      %add3A_908 = arith.addi %add3A_894, %add3A_907 : i32
      %lt3A_909 = arith.constant 125 : i32
      %lt3A_910 = arith.cmpi slt, %add3A_908, %lt3A_909 : i32
      %convert_element_type3A_911 = arith.extui %lt3A_910 : i1 to i32
      %cond3A_912 = arith.constant 0 : i32
      %cond3A_913 = arith.cmpi ne, %convert_element_type3A_911, %cond3A_912 : i32
      scf.if %cond3A_913 {
        %dma_wait3A_1052 = arith.constant 5 : i32
        %dma_wait3A_1053 = arith.constant 0 : i32
        %dma_wait3A_1054 = tpu.memref_slice %arg6[%dma_wait3A_1052, %dma_wait3A_1053] : memref<8x80xi32, #tpu.memory_space<vmem>> -> memref<1x80xi32, #tpu.memory_space<vmem>>
        %dma_wait3A_1055 = tpu.memref_squeeze %dma_wait3A_1054 : memref<1x80xi32, #tpu.memory_space<vmem>> -> memref<80xi32, #tpu.memory_space<vmem>>
        %dma_wait3A_1056 = arith.constant 0 : i32
        %dma_wait3A_1057 = tpu.memref_slice %arg3[%dma_wait3A_1056] : memref<640000xi32, #tpu.memory_space<hbm>> -> memref<80xi32, #tpu.memory_space<hbm>>
        %dma_wait3A_1058 = arith.constant 0 : i32
        %dma_wait3A_1059 = tpu.memref_slice %arg6[%dma_wait3A_1052, %dma_wait3A_1058] : memref<8x80xi32, #tpu.memory_space<vmem>> -> memref<1x80xi32, #tpu.memory_space<vmem>>
        %dma_wait3A_1060 = tpu.memref_squeeze %dma_wait3A_1059 : memref<1x80xi32, #tpu.memory_space<vmem>> -> memref<80xi32, #tpu.memory_space<vmem>>
        %dma_wait3A_1061 = arith.constant 0 : i32
        %dma_wait3A_1062 = tpu.memref_slice %arg3[%dma_wait3A_1061] : memref<640000xi32, #tpu.memory_space<hbm>> -> memref<80xi32, #tpu.memory_space<hbm>>
        tpu.wait_dma2 semaphore(%arg17 : memref<!tpu.dma_semaphore, #tpu.memory_space<semaphore_mem>>) src(%dma_wait3A_1062 : memref<80xi32, #tpu.memory_space<hbm>>) dst(%dma_wait3A_1060 : memref<80xi32, #tpu.memory_space<vmem>>)
        %dma_wait3A_1063 = arith.constant 5 : i32
        %dma_wait3A_1064 = arith.constant 0 : i32
        %dma_wait3A_1065 = tpu.memref_slice %arg7[%dma_wait3A_1063, %dma_wait3A_1064] : memref<8x80xi32, #tpu.memory_space<vmem>> -> memref<1x80xi32, #tpu.memory_space<vmem>>
        %dma_wait3A_1066 = tpu.memref_squeeze %dma_wait3A_1065 : memref<1x80xi32, #tpu.memory_space<vmem>> -> memref<80xi32, #tpu.memory_space<vmem>>
        %dma_wait3A_1067 = arith.constant 0 : i32
        %dma_wait3A_1068 = tpu.memref_slice %arg3[%dma_wait3A_1067] : memref<640000xi32, #tpu.memory_space<hbm>> -> memref<80xi32, #tpu.memory_space<hbm>>
        %dma_wait3A_1069 = arith.constant 0 : i32
        %dma_wait3A_1070 = tpu.memref_slice %arg7[%dma_wait3A_1063, %dma_wait3A_1069] : memref<8x80xi32, #tpu.memory_space<vmem>> -> memref<1x80xi32, #tpu.memory_space<vmem>>
        %dma_wait3A_1071 = tpu.memref_squeeze %dma_wait3A_1070 : memref<1x80xi32, #tpu.memory_space<vmem>> -> memref<80xi32, #tpu.memory_space<vmem>>
        %dma_wait3A_1072 = arith.constant 0 : i32
        %dma_wait3A_1073 = tpu.memref_slice %arg3[%dma_wait3A_1072] : memref<640000xi32, #tpu.memory_space<hbm>> -> memref<80xi32, #tpu.memory_space<hbm>>
        tpu.wait_dma2 semaphore(%arg17 : memref<!tpu.dma_semaphore, #tpu.memory_space<semaphore_mem>>) src(%dma_wait3A_1073 : memref<80xi32, #tpu.memory_space<hbm>>) dst(%dma_wait3A_1071 : memref<80xi32, #tpu.memory_space<vmem>>)
        %dma_wait3A_1074 = arith.constant 5 : i32
        %dma_wait3A_1075 = arith.constant 0 : i32
        %dma_wait3A_1076 = tpu.memref_slice %arg8[%dma_wait3A_1074, %dma_wait3A_1075] : memref<8x80xi32, #tpu.memory_space<vmem>> -> memref<1x80xi32, #tpu.memory_space<vmem>>
        %dma_wait3A_1077 = tpu.memref_squeeze %dma_wait3A_1076 : memref<1x80xi32, #tpu.memory_space<vmem>> -> memref<80xi32, #tpu.memory_space<vmem>>
        %dma_wait3A_1078 = arith.constant 0 : i32
        %dma_wait3A_1079 = tpu.memref_slice %arg3[%dma_wait3A_1078] : memref<640000xi32, #tpu.memory_space<hbm>> -> memref<80xi32, #tpu.memory_space<hbm>>
        %dma_wait3A_1080 = arith.constant 0 : i32
        %dma_wait3A_1081 = tpu.memref_slice %arg8[%dma_wait3A_1074, %dma_wait3A_1080] : memref<8x80xi32, #tpu.memory_space<vmem>> -> memref<1x80xi32, #tpu.memory_space<vmem>>
        %dma_wait3A_1082 = tpu.memref_squeeze %dma_wait3A_1081 : memref<1x80xi32, #tpu.memory_space<vmem>> -> memref<80xi32, #tpu.memory_space<vmem>>
        %dma_wait3A_1083 = arith.constant 0 : i32
        %dma_wait3A_1084 = tpu.memref_slice %arg3[%dma_wait3A_1083] : memref<640000xi32, #tpu.memory_space<hbm>> -> memref<80xi32, #tpu.memory_space<hbm>>
        tpu.wait_dma2 semaphore(%arg17 : memref<!tpu.dma_semaphore, #tpu.memory_space<semaphore_mem>>) src(%dma_wait3A_1084 : memref<80xi32, #tpu.memory_space<hbm>>) dst(%dma_wait3A_1082 : memref<80xi32, #tpu.memory_space<vmem>>)
        %get3A_1085 = arith.constant 5 : i32
        %get3A_1086 = arith.index_cast %get3A_1085 : i32 to index
        %get3A_1087 = arith.constant 0 : index
        %get3A_1088 = tpu.vector_load %arg7[%get3A_1086, %get3A_1087] {strides = array<i32>} : memref<8x80xi32, #tpu.memory_space<vmem>>, vector<1x16xi32>,
        %get3A_1089 = vector.shape_cast %get3A_1088 : vector<1x16xi32> to vector<16xi32>
        %mul3A_1090 = arith.constant 10000 : i32
        %mul3A_1091 = vector.broadcast %mul3A_1090 : i32 to vector<16xi32>
        %mul3A_1092 = arith.muli %get3A_1089, %mul3A_1091 : vector<16xi32>
        %get3A_1093 = arith.constant 5 : i32
        %get3A_1094 = arith.index_cast %get3A_1093 : i32 to index
        %get3A_1095 = arith.constant 0 : index
        %get3A_1096 = tpu.vector_load %arg6[%get3A_1094, %get3A_1095] {strides = array<i32>} : memref<8x80xi32, #tpu.memory_space<vmem>>, vector<1x16xi32>,
        %get3A_1097 = vector.shape_cast %get3A_1096 : vector<1x16xi32> to vector<16xi32>
        %add3A_1098 = arith.addi %mul3A_1092, %get3A_1097 : vector<16xi32>
        %swap3A_1099 = arith.constant 5 : i32
        %swap3A_1100 = arith.index_cast %swap3A_1099 : i32 to index
        %swap3A_1101 = arith.constant 0 : index
        %swap3A_1102 = tpu.vector_load %arg6[%swap3A_1100, %swap3A_1101] {strides = array<i32>} : memref<8x80xi32, #tpu.memory_space<vmem>>, vector<1x16xi32>,
        %swap3A_1103 = vector.shape_cast %swap3A_1102 : vector<1x16xi32> to vector<16xi32>
        %swap3A_1104 = vector.shape_cast %add3A_1098 : vector<16xi32> to vector<1x16xi32>
        tpu.vector_store %arg6[%swap3A_1100, %swap3A_1101], %swap3A_1104 {strides = array<i32>} : memref<8x80xi32, #tpu.memory_space<vmem>>, vector<1x16xi32>,
        %get3A_1105 = arith.constant 5 : i32
        %get3A_1106 = arith.index_cast %get3A_1105 : i32 to index
        %get3A_1107 = arith.constant 16 : index
        %get3A_1108 = tpu.vector_load %arg7[%get3A_1106, %get3A_1107] {strides = array<i32>} : memref<8x80xi32, #tpu.memory_space<vmem>>, vector<1x16xi32>,
        %get3A_1109 = vector.shape_cast %get3A_1108 : vector<1x16xi32> to vector<16xi32>
        %mul3A_1110 = arith.constant 10000 : i32
        %mul3A_1111 = vector.broadcast %mul3A_1110 : i32 to vector<16xi32>
        %mul3A_1112 = arith.muli %get3A_1109, %mul3A_1111 : vector<16xi32>
        %get3A_1113 = arith.constant 5 : i32
        %get3A_1114 = arith.index_cast %get3A_1113 : i32 to index
        %get3A_1115 = arith.constant 16 : index
        %get3A_1116 = tpu.vector_load %arg6[%get3A_1114, %get3A_1115] {strides = array<i32>} : memref<8x80xi32, #tpu.memory_space<vmem>>, vector<1x16xi32>,
        %get3A_1117 = vector.shape_cast %get3A_1116 : vector<1x16xi32> to vector<16xi32>
        %add3A_1118 = arith.addi %mul3A_1112, %get3A_1117 : vector<16xi32>
        %swap3A_1119 = arith.constant 5 : i32
        %swap3A_1120 = arith.index_cast %swap3A_1119 : i32 to index
        %swap3A_1121 = arith.constant 16 : index
        %swap3A_1122 = tpu.vector_load %arg6[%swap3A_1120, %swap3A_1121] {strides = array<i32>} : memref<8x80xi32, #tpu.memory_space<vmem>>, vector<1x16xi32>,
        %swap3A_1123 = vector.shape_cast %swap3A_1122 : vector<1x16xi32> to vector<16xi32>
        %swap3A_1124 = vector.shape_cast %add3A_1118 : vector<16xi32> to vector<1x16xi32>
        tpu.vector_store %arg6[%swap3A_1120, %swap3A_1121], %swap3A_1124 {strides = array<i32>} : memref<8x80xi32, #tpu.memory_space<vmem>>, vector<1x16xi32>,
        %get3A_1125 = arith.constant 5 : i32
        %get3A_1126 = arith.index_cast %get3A_1125 : i32 to index
        %get3A_1127 = arith.constant 32 : index
        %get3A_1128 = tpu.vector_load %arg7[%get3A_1126, %get3A_1127] {strides = array<i32>} : memref<8x80xi32, #tpu.memory_space<vmem>>, vector<1x16xi32>,
        %get3A_1129 = vector.shape_cast %get3A_1128 : vector<1x16xi32> to vector<16xi32>
        %mul3A_1130 = arith.constant 10000 : i32
        %mul3A_1131 = vector.broadcast %mul3A_1130 : i32 to vector<16xi32>
        %mul3A_1132 = arith.muli %get3A_1129, %mul3A_1131 : vector<16xi32>
        %get3A_1133 = arith.constant 5 : i32
        %get3A_1134 = arith.index_cast %get3A_1133 : i32 to index
        %get3A_1135 = arith.constant 32 : index
        %get3A_1136 = tpu.vector_load %arg6[%get3A_1134, %get3A_1135] {strides = array<i32>} : memref<8x80xi32, #tpu.memory_space<vmem>>, vector<1x16xi32>,
        %get3A_1137 = vector.shape_cast %get3A_1136 : vector<1x16xi32> to vector<16xi32>
        %add3A_1138 = arith.addi %mul3A_1132, %get3A_1137 : vector<16xi32>
        %swap3A_1139 = arith.constant 5 : i32
        %swap3A_1140 = arith.index_cast %swap3A_1139 : i32 to index
        %swap3A_1141 = arith.constant 32 : index
        %swap3A_1142 = tpu.vector_load %arg6[%swap3A_1140, %swap3A_1141] {strides = array<i32>} : memref<8x80xi32, #tpu.memory_space<vmem>>, vector<1x16xi32>,
        %swap3A_1143 = vector.shape_cast %swap3A_1142 : vector<1x16xi32> to vector<16xi32>
        %swap3A_1144 = vector.shape_cast %add3A_1138 : vector<16xi32> to vector<1x16xi32>
        tpu.vector_store %arg6[%swap3A_1140, %swap3A_1141], %swap3A_1144 {strides = array<i32>} : memref<8x80xi32, #tpu.memory_space<vmem>>, vector<1x16xi32>,
        %get3A_1145 = arith.constant 5 : i32
        %get3A_1146 = arith.index_cast %get3A_1145 : i32 to index
        %get3A_1147 = arith.constant 48 : index
        %get3A_1148 = tpu.vector_load %arg7[%get3A_1146, %get3A_1147] {strides = array<i32>} : memref<8x80xi32, #tpu.memory_space<vmem>>, vector<1x16xi32>,
        %get3A_1149 = vector.shape_cast %get3A_1148 : vector<1x16xi32> to vector<16xi32>
        %mul3A_1150 = arith.constant 10000 : i32
        %mul3A_1151 = vector.broadcast %mul3A_1150 : i32 to vector<16xi32>
        %mul3A_1152 = arith.muli %get3A_1149, %mul3A_1151 : vector<16xi32>
        %get3A_1153 = arith.constant 5 : i32
        %get3A_1154 = arith.index_cast %get3A_1153 : i32 to index
        %get3A_1155 = arith.constant 48 : index
        %get3A_1156 = tpu.vector_load %arg6[%get3A_1154, %get3A_1155] {strides = array<i32>} : memref<8x80xi32, #tpu.memory_space<vmem>>, vector<1x16xi32>,
        %get3A_1157 = vector.shape_cast %get3A_1156 : vector<1x16xi32> to vector<16xi32>
        %add3A_1158 = arith.addi %mul3A_1152, %get3A_1157 : vector<16xi32>
        %swap3A_1159 = arith.constant 5 : i32
        %swap3A_1160 = arith.index_cast %swap3A_1159 : i32 to index
        %swap3A_1161 = arith.constant 48 : index
        %swap3A_1162 = tpu.vector_load %arg6[%swap3A_1160, %swap3A_1161] {strides = array<i32>} : memref<8x80xi32, #tpu.memory_space<vmem>>, vector<1x16xi32>,
        %swap3A_1163 = vector.shape_cast %swap3A_1162 : vector<1x16xi32> to vector<16xi32>
        %swap3A_1164 = vector.shape_cast %add3A_1158 : vector<16xi32> to vector<1x16xi32>
        tpu.vector_store %arg6[%swap3A_1160, %swap3A_1161], %swap3A_1164 {strides = array<i32>} : memref<8x80xi32, #tpu.memory_space<vmem>>, vector<1x16xi32>,
        %get3A_1165 = arith.constant 5 : i32
        %get3A_1166 = arith.index_cast %get3A_1165 : i32 to index
        %get3A_1167 = arith.constant 64 : index
        %get3A_1168 = tpu.vector_load %arg7[%get3A_1166, %get3A_1167] {strides = array<i32>} : memref<8x80xi32, #tpu.memory_space<vmem>>, vector<1x16xi32>,
        %get3A_1169 = vector.shape_cast %get3A_1168 : vector<1x16xi32> to vector<16xi32>
        %mul3A_1170 = arith.constant 10000 : i32
        %mul3A_1171 = vector.broadcast %mul3A_1170 : i32 to vector<16xi32>
        %mul3A_1172 = arith.muli %get3A_1169, %mul3A_1171 : vector<16xi32>
        %get3A_1173 = arith.constant 5 : i32
        %get3A_1174 = arith.index_cast %get3A_1173 : i32 to index
        %get3A_1175 = arith.constant 64 : index
        %get3A_1176 = tpu.vector_load %arg6[%get3A_1174, %get3A_1175] {strides = array<i32>} : memref<8x80xi32, #tpu.memory_space<vmem>>, vector<1x16xi32>,
        %get3A_1177 = vector.shape_cast %get3A_1176 : vector<1x16xi32> to vector<16xi32>
        %add3A_1178 = arith.addi %mul3A_1172, %get3A_1177 : vector<16xi32>
        %swap3A_1179 = arith.constant 5 : i32
        %swap3A_1180 = arith.index_cast %swap3A_1179 : i32 to index
        %swap3A_1181 = arith.constant 64 : index
        %swap3A_1182 = tpu.vector_load %arg6[%swap3A_1180, %swap3A_1181] {strides = array<i32>} : memref<8x80xi32, #tpu.memory_space<vmem>>, vector<1x16xi32>,
        %swap3A_1183 = vector.shape_cast %swap3A_1182 : vector<1x16xi32> to vector<16xi32>
        %swap3A_1184 = vector.shape_cast %add3A_1178 : vector<16xi32> to vector<1x16xi32>
        tpu.vector_store %arg6[%swap3A_1180, %swap3A_1181], %swap3A_1184 {strides = array<i32>} : memref<8x80xi32, #tpu.memory_space<vmem>>, vector<1x16xi32>,
        %dma_start3A_1185 = arith.constant 5 : i32
        %dma_start3A_1186 = arith.constant 1 : i32
        %dma_start3A_1187 = arith.constant 0 : i32
        %dma_start3A_1188 = arith.constant 0 : i32
        %dma_start3A_1189 = tpu.memref_slice %arg9[%dma_start3A_1186, %dma_start3A_1187, %dma_start3A_1188] : memref<4x80x128xf32, #tpu.memory_space<vmem>> -> memref<1x80x128xf32, #tpu.memory_space<vmem>>
        %dma_start3A_1190 = tpu.memref_squeeze %dma_start3A_1189 : memref<1x80x128xf32, #tpu.memory_space<vmem>> -> memref<80x128xf32, #tpu.memory_space<vmem>>
        %dma_start3A_1191 = arith.constant 0 : i32
        %dma_start3A_1192 = tpu.memref_slice %arg6[%dma_start3A_1185, %dma_start3A_1191] : memref<8x80xi32, #tpu.memory_space<vmem>> -> memref<1x80xi32, #tpu.memory_space<vmem>>
        %dma_start3A_1193 = tpu.memref_squeeze %dma_start3A_1192 : memref<1x80xi32, #tpu.memory_space<vmem>> -> memref<80xi32, #tpu.memory_space<vmem>>
        %dma_start3A_1194 = arith.constant 0 : i32
        %dma_start3A_1195 = arith.constant 0 : i32
        %dma_start3A_1196 = tpu.memref_slice %arg2[%dma_start3A_1194, %dma_start3A_1195] : memref<80000x128xf32, #tpu.memory_space<hbm>> -> memref<80000x128xf32, #tpu.memory_space<hbm>>
        tpu.enqueue_indirect_dma source(%dma_start3A_1196 : memref<80000x128xf32, #tpu.memory_space<hbm>>) target(%dma_start3A_1190 : memref<80x128xf32, #tpu.memory_space<vmem>>) offsets(%dma_start3A_1193 : memref<80xi32, #tpu.memory_space<vmem>>) semaphore(%arg21 : memref<!tpu.dma_semaphore, #tpu.memory_space<semaphore_mem>>)
      } else {
      }
      %mul3A_914 = arith.constant 8 : i32
      %mul3A_915 = arith.muli %scan3A_868, %mul3A_914 : i32
      %add3A_916 = arith.constant 2 : i32
      %add3A_917 = arith.addi %mul3A_915, %add3A_916 : i32
      %lt3A_918 = arith.constant 125 : i32
      %lt3A_919 = arith.cmpi slt, %add3A_917, %lt3A_918 : i32
      %convert_element_type3A_920 = arith.extui %lt3A_919 : i1 to i32
      %cond3A_921 = arith.constant 0 : i32
      %cond3A_922 = arith.cmpi ne, %convert_element_type3A_920, %cond3A_921 : i32
      scf.if %cond3A_922 {
        %dma_wait3A_1052 = arith.constant 2 : i32
        %dma_wait3A_1053 = arith.constant 0 : i32
        %dma_wait3A_1054 = arith.constant 0 : i32
        %dma_wait3A_1055 = tpu.memref_slice %arg9[%dma_wait3A_1052, %dma_wait3A_1053, %dma_wait3A_1054] : memref<4x80x128xf32, #tpu.memory_space<vmem>> -> memref<1x80x128xf32, #tpu.memory_space<vmem>>
        %dma_wait3A_1056 = tpu.memref_squeeze %dma_wait3A_1055 : memref<1x80x128xf32, #tpu.memory_space<vmem>> -> memref<80x128xf32, #tpu.memory_space<vmem>>
        %dma_wait3A_1057 = arith.constant 0 : i32
        %dma_wait3A_1058 = arith.constant 0 : i32
        %dma_wait3A_1059 = tpu.memref_slice %arg2[%dma_wait3A_1057, %dma_wait3A_1058] : memref<80000x128xf32, #tpu.memory_space<hbm>> -> memref<80x128xf32, #tpu.memory_space<hbm>>
        %dma_wait3A_1060 = arith.constant 0 : i32
        %dma_wait3A_1061 = arith.constant 0 : i32
        %dma_wait3A_1062 = tpu.memref_slice %arg9[%dma_wait3A_1052, %dma_wait3A_1060, %dma_wait3A_1061] : memref<4x80x128xf32, #tpu.memory_space<vmem>> -> memref<1x80x128xf32, #tpu.memory_space<vmem>>
        %dma_wait3A_1063 = tpu.memref_squeeze %dma_wait3A_1062 : memref<1x80x128xf32, #tpu.memory_space<vmem>> -> memref<80x128xf32, #tpu.memory_space<vmem>>
        %dma_wait3A_1064 = arith.constant 0 : i32
        %dma_wait3A_1065 = arith.constant 0 : i32
        %dma_wait3A_1066 = tpu.memref_slice %arg2[%dma_wait3A_1064, %dma_wait3A_1065] : memref<80000x128xf32, #tpu.memory_space<hbm>> -> memref<80x128xf32, #tpu.memory_space<hbm>>
        tpu.wait_dma2 semaphore(%arg22 : memref<!tpu.dma_semaphore, #tpu.memory_space<semaphore_mem>>) src(%dma_wait3A_1066 : memref<80x128xf32, #tpu.memory_space<hbm>>) dst(%dma_wait3A_1063 : memref<80x128xf32, #tpu.memory_space<vmem>>)
        %dma_start3A_1067 = arith.constant 2 : i32
        %dma_start3A_1068 = arith.constant 2 : i32
        %dma_start3A_1069 = arith.constant 0 : i32
        %dma_start3A_1070 = arith.constant 0 : i32
        %dma_start3A_1071 = tpu.memref_slice %arg9[%dma_start3A_1067, %dma_start3A_1069, %dma_start3A_1070] : memref<4x80x128xf32, #tpu.memory_space<vmem>> -> memref<1x80x128xf32, #tpu.memory_space<vmem>>
        %dma_start3A_1072 = tpu.memref_squeeze %dma_start3A_1071 : memref<1x80x128xf32, #tpu.memory_space<vmem>> -> memref<80x128xf32, #tpu.memory_space<vmem>>
        %dma_start3A_1073 = arith.constant 0 : i32
        %dma_start3A_1074 = tpu.memref_slice %arg8[%dma_start3A_1068, %dma_start3A_1073] : memref<8x80xi32, #tpu.memory_space<vmem>> -> memref<1x80xi32, #tpu.memory_space<vmem>>
        %dma_start3A_1075 = tpu.memref_squeeze %dma_start3A_1074 : memref<1x80xi32, #tpu.memory_space<vmem>> -> memref<80xi32, #tpu.memory_space<vmem>>
        %dma_start3A_1076 = arith.constant 0 : i32
        %dma_start3A_1077 = arith.constant 0 : i32
        %dma_start3A_1078 = tpu.memref_slice %arg11[%dma_start3A_1076, %dma_start3A_1077] : memref<10000x128xf32, #tpu.memory_space<vmem_shared>> -> memref<10000x128xf32, #tpu.memory_space<vmem_shared>>
        tpu.enqueue_indirect_dma source(%dma_start3A_1072 : memref<80x128xf32, #tpu.memory_space<vmem>>) target(%dma_start3A_1078 : memref<10000x128xf32, #tpu.memory_space<vmem_shared>>) offsets(%dma_start3A_1075 : memref<80xi32, #tpu.memory_space<vmem>>) semaphore(%arg24 : memref<!tpu.dma_semaphore, #tpu.memory_space<semaphore_mem>>) {add = true}
        %dma_wait3A_1079 = arith.constant 2 : i32
        %dma_wait3A_1080 = arith.constant 2 : i32
        %dma_wait3A_1081 = arith.constant 0 : i32
        %dma_wait3A_1082 = arith.constant 0 : i32
        %dma_wait3A_1083 = tpu.memref_slice %arg9[%dma_wait3A_1079, %dma_wait3A_1081, %dma_wait3A_1082] : memref<4x80x128xf32, #tpu.memory_space<vmem>> -> memref<1x80x128xf32, #tpu.memory_space<vmem>>
        %dma_wait3A_1084 = tpu.memref_squeeze %dma_wait3A_1083 : memref<1x80x128xf32, #tpu.memory_space<vmem>> -> memref<80x128xf32, #tpu.memory_space<vmem>>
        %dma_wait3A_1085 = arith.constant 0 : i32
        %dma_wait3A_1086 = tpu.memref_slice %arg8[%dma_wait3A_1080, %dma_wait3A_1085] : memref<8x80xi32, #tpu.memory_space<vmem>> -> memref<1x80xi32, #tpu.memory_space<vmem>>
        %dma_wait3A_1087 = tpu.memref_squeeze %dma_wait3A_1086 : memref<1x80xi32, #tpu.memory_space<vmem>> -> memref<80xi32, #tpu.memory_space<vmem>>
        %dma_wait3A_1088 = arith.constant 0 : i32
        %dma_wait3A_1089 = arith.constant 0 : i32
        %dma_wait3A_1090 = tpu.memref_slice %arg11[%dma_wait3A_1088, %dma_wait3A_1089] : memref<10000x128xf32, #tpu.memory_space<vmem_shared>> -> memref<10000x128xf32, #tpu.memory_space<vmem_shared>>
        tpu.wait_indirect_dma semaphore(%arg24 : memref<!tpu.dma_semaphore, #tpu.memory_space<semaphore_mem>>) src(%dma_wait3A_1084 : memref<80x128xf32, #tpu.memory_space<vmem>>) dst(%dma_wait3A_1090 : memref<10000x128xf32, #tpu.memory_space<vmem_shared>>)
      } else {
      }
      %add3A_923 = arith.constant 8 : i32
      %add3A_924 = arith.addi %add3A_917, %add3A_923 : i32
      %lt3A_925 = arith.constant 125 : i32
      %lt3A_926 = arith.cmpi slt, %add3A_924, %lt3A_925 : i32
      %convert_element_type3A_927 = arith.extui %lt3A_926 : i1 to i32
      %cond3A_928 = arith.constant 0 : i32
      %cond3A_929 = arith.cmpi ne, %convert_element_type3A_927, %cond3A_928 : i32
      scf.if %cond3A_929 {
        %add3A_1052 = arith.constant 8 : i32
        %add3A_1053 = arith.addi %add3A_917, %add3A_1052 : i32
        %mul3A_1054 = arith.constant 80 : i32
        %mul3A_1055 = arith.muli %add3A_1053, %mul3A_1054 : i32
        %add3A_1056 = arith.addi %mul3A_2, %mul3A_1055 : i32
        %dma_start3A_1057 = arith.constant 2 : i32
        %dma_start3A_1058 = arith.constant 0 : i32
        %dma_start3A_1059 = tpu.memref_slice %arg6[%dma_start3A_1057, %dma_start3A_1058] : memref<8x80xi32, #tpu.memory_space<vmem>> -> memref<1x80xi32, #tpu.memory_space<vmem>>
        %dma_start3A_1060 = tpu.memref_squeeze %dma_start3A_1059 : memref<1x80xi32, #tpu.memory_space<vmem>> -> memref<80xi32, #tpu.memory_space<vmem>>
        %dma_start3A_1061 = tpu.memref_slice %arg3[%add3A_1056] : memref<640000xi32, #tpu.memory_space<hbm>> -> memref<80xi32, #tpu.memory_space<hbm>>
        %dma_start3A_1062 = arith.constant 0 : i32
        %dma_start3A_1063 = tpu.memref_slice %arg6[%dma_start3A_1057, %dma_start3A_1062] : memref<8x80xi32, #tpu.memory_space<vmem>> -> memref<1x80xi32, #tpu.memory_space<vmem>>
        %dma_start3A_1064 = tpu.memref_squeeze %dma_start3A_1063 : memref<1x80xi32, #tpu.memory_space<vmem>> -> memref<80xi32, #tpu.memory_space<vmem>>
        %dma_start3A_1065 = tpu.memref_slice %arg3[%add3A_1056] : memref<640000xi32, #tpu.memory_space<hbm>> -> memref<80xi32, #tpu.memory_space<hbm>>
        tpu.enqueue_dma source(%dma_start3A_1065 : memref<80xi32, #tpu.memory_space<hbm>>) target(%dma_start3A_1064 : memref<80xi32, #tpu.memory_space<vmem>>) target_semaphore(%arg14 : memref<!tpu.dma_semaphore, #tpu.memory_space<semaphore_mem>>)
        %dma_start3A_1066 = arith.constant 2 : i32
        %dma_start3A_1067 = arith.constant 0 : i32
        %dma_start3A_1068 = tpu.memref_slice %arg7[%dma_start3A_1066, %dma_start3A_1067] : memref<8x80xi32, #tpu.memory_space<vmem>> -> memref<1x80xi32, #tpu.memory_space<vmem>>
        %dma_start3A_1069 = tpu.memref_squeeze %dma_start3A_1068 : memref<1x80xi32, #tpu.memory_space<vmem>> -> memref<80xi32, #tpu.memory_space<vmem>>
        %dma_start3A_1070 = tpu.memref_slice %arg4[%add3A_1056] : memref<320000xi32, #tpu.memory_space<hbm>> -> memref<80xi32, #tpu.memory_space<hbm>>
        %dma_start3A_1071 = arith.constant 0 : i32
        %dma_start3A_1072 = tpu.memref_slice %arg7[%dma_start3A_1066, %dma_start3A_1071] : memref<8x80xi32, #tpu.memory_space<vmem>> -> memref<1x80xi32, #tpu.memory_space<vmem>>
        %dma_start3A_1073 = tpu.memref_squeeze %dma_start3A_1072 : memref<1x80xi32, #tpu.memory_space<vmem>> -> memref<80xi32, #tpu.memory_space<vmem>>
        %dma_start3A_1074 = tpu.memref_slice %arg4[%add3A_1056] : memref<320000xi32, #tpu.memory_space<hbm>> -> memref<80xi32, #tpu.memory_space<hbm>>
        tpu.enqueue_dma source(%dma_start3A_1074 : memref<80xi32, #tpu.memory_space<hbm>>) target(%dma_start3A_1073 : memref<80xi32, #tpu.memory_space<vmem>>) target_semaphore(%arg14 : memref<!tpu.dma_semaphore, #tpu.memory_space<semaphore_mem>>)
        %add3A_1075 = arith.constant 320000 : i32
        %add3A_1076 = arith.addi %add3A_1075, %add3A_1056 : i32
        %dma_start3A_1077 = arith.constant 2 : i32
        %dma_start3A_1078 = arith.constant 0 : i32
        %dma_start3A_1079 = tpu.memref_slice %arg8[%dma_start3A_1077, %dma_start3A_1078] : memref<8x80xi32, #tpu.memory_space<vmem>> -> memref<1x80xi32, #tpu.memory_space<vmem>>
        %dma_start3A_1080 = tpu.memref_squeeze %dma_start3A_1079 : memref<1x80xi32, #tpu.memory_space<vmem>> -> memref<80xi32, #tpu.memory_space<vmem>>
        %dma_start3A_1081 = tpu.memref_slice %arg3[%add3A_1076] : memref<640000xi32, #tpu.memory_space<hbm>> -> memref<80xi32, #tpu.memory_space<hbm>>
        %dma_start3A_1082 = arith.constant 0 : i32
        %dma_start3A_1083 = tpu.memref_slice %arg8[%dma_start3A_1077, %dma_start3A_1082] : memref<8x80xi32, #tpu.memory_space<vmem>> -> memref<1x80xi32, #tpu.memory_space<vmem>>
        %dma_start3A_1084 = tpu.memref_squeeze %dma_start3A_1083 : memref<1x80xi32, #tpu.memory_space<vmem>> -> memref<80xi32, #tpu.memory_space<vmem>>
        %dma_start3A_1085 = tpu.memref_slice %arg3[%add3A_1076] : memref<640000xi32, #tpu.memory_space<hbm>> -> memref<80xi32, #tpu.memory_space<hbm>>
        tpu.enqueue_dma source(%dma_start3A_1085 : memref<80xi32, #tpu.memory_space<hbm>>) target(%dma_start3A_1084 : memref<80xi32, #tpu.memory_space<vmem>>) target_semaphore(%arg14 : memref<!tpu.dma_semaphore, #tpu.memory_space<semaphore_mem>>)
      } else {
      }
      %add3A_930 = arith.constant 4 : i32
      %add3A_931 = arith.addi %add3A_917, %add3A_930 : i32
      %lt3A_932 = arith.constant 125 : i32
      %lt3A_933 = arith.cmpi slt, %add3A_931, %lt3A_932 : i32
      %convert_element_type3A_934 = arith.extui %lt3A_933 : i1 to i32
      %cond3A_935 = arith.constant 0 : i32
      %cond3A_936 = arith.cmpi ne, %convert_element_type3A_934, %cond3A_935 : i32
      scf.if %cond3A_936 {
        %dma_wait3A_1052 = arith.constant 6 : i32
        %dma_wait3A_1053 = arith.constant 0 : i32
        %dma_wait3A_1054 = tpu.memref_slice %arg6[%dma_wait3A_1052, %dma_wait3A_1053] : memref<8x80xi32, #tpu.memory_space<vmem>> -> memref<1x80xi32, #tpu.memory_space<vmem>>
        %dma_wait3A_1055 = tpu.memref_squeeze %dma_wait3A_1054 : memref<1x80xi32, #tpu.memory_space<vmem>> -> memref<80xi32, #tpu.memory_space<vmem>>
        %dma_wait3A_1056 = arith.constant 0 : i32
        %dma_wait3A_1057 = tpu.memref_slice %arg3[%dma_wait3A_1056] : memref<640000xi32, #tpu.memory_space<hbm>> -> memref<80xi32, #tpu.memory_space<hbm>>
        %dma_wait3A_1058 = arith.constant 0 : i32
        %dma_wait3A_1059 = tpu.memref_slice %arg6[%dma_wait3A_1052, %dma_wait3A_1058] : memref<8x80xi32, #tpu.memory_space<vmem>> -> memref<1x80xi32, #tpu.memory_space<vmem>>
        %dma_wait3A_1060 = tpu.memref_squeeze %dma_wait3A_1059 : memref<1x80xi32, #tpu.memory_space<vmem>> -> memref<80xi32, #tpu.memory_space<vmem>>
        %dma_wait3A_1061 = arith.constant 0 : i32
        %dma_wait3A_1062 = tpu.memref_slice %arg3[%dma_wait3A_1061] : memref<640000xi32, #tpu.memory_space<hbm>> -> memref<80xi32, #tpu.memory_space<hbm>>
        tpu.wait_dma2 semaphore(%arg18 : memref<!tpu.dma_semaphore, #tpu.memory_space<semaphore_mem>>) src(%dma_wait3A_1062 : memref<80xi32, #tpu.memory_space<hbm>>) dst(%dma_wait3A_1060 : memref<80xi32, #tpu.memory_space<vmem>>)
        %dma_wait3A_1063 = arith.constant 6 : i32
        %dma_wait3A_1064 = arith.constant 0 : i32
        %dma_wait3A_1065 = tpu.memref_slice %arg7[%dma_wait3A_1063, %dma_wait3A_1064] : memref<8x80xi32, #tpu.memory_space<vmem>> -> memref<1x80xi32, #tpu.memory_space<vmem>>
        %dma_wait3A_1066 = tpu.memref_squeeze %dma_wait3A_1065 : memref<1x80xi32, #tpu.memory_space<vmem>> -> memref<80xi32, #tpu.memory_space<vmem>>
        %dma_wait3A_1067 = arith.constant 0 : i32
        %dma_wait3A_1068 = tpu.memref_slice %arg3[%dma_wait3A_1067] : memref<640000xi32, #tpu.memory_space<hbm>> -> memref<80xi32, #tpu.memory_space<hbm>>
        %dma_wait3A_1069 = arith.constant 0 : i32
        %dma_wait3A_1070 = tpu.memref_slice %arg7[%dma_wait3A_1063, %dma_wait3A_1069] : memref<8x80xi32, #tpu.memory_space<vmem>> -> memref<1x80xi32, #tpu.memory_space<vmem>>
        %dma_wait3A_1071 = tpu.memref_squeeze %dma_wait3A_1070 : memref<1x80xi32, #tpu.memory_space<vmem>> -> memref<80xi32, #tpu.memory_space<vmem>>
        %dma_wait3A_1072 = arith.constant 0 : i32
        %dma_wait3A_1073 = tpu.memref_slice %arg3[%dma_wait3A_1072] : memref<640000xi32, #tpu.memory_space<hbm>> -> memref<80xi32, #tpu.memory_space<hbm>>
        tpu.wait_dma2 semaphore(%arg18 : memref<!tpu.dma_semaphore, #tpu.memory_space<semaphore_mem>>) src(%dma_wait3A_1073 : memref<80xi32, #tpu.memory_space<hbm>>) dst(%dma_wait3A_1071 : memref<80xi32, #tpu.memory_space<vmem>>)
        %dma_wait3A_1074 = arith.constant 6 : i32
        %dma_wait3A_1075 = arith.constant 0 : i32
        %dma_wait3A_1076 = tpu.memref_slice %arg8[%dma_wait3A_1074, %dma_wait3A_1075] : memref<8x80xi32, #tpu.memory_space<vmem>> -> memref<1x80xi32, #tpu.memory_space<vmem>>
        %dma_wait3A_1077 = tpu.memref_squeeze %dma_wait3A_1076 : memref<1x80xi32, #tpu.memory_space<vmem>> -> memref<80xi32, #tpu.memory_space<vmem>>
        %dma_wait3A_1078 = arith.constant 0 : i32
        %dma_wait3A_1079 = tpu.memref_slice %arg3[%dma_wait3A_1078] : memref<640000xi32, #tpu.memory_space<hbm>> -> memref<80xi32, #tpu.memory_space<hbm>>
        %dma_wait3A_1080 = arith.constant 0 : i32
        %dma_wait3A_1081 = tpu.memref_slice %arg8[%dma_wait3A_1074, %dma_wait3A_1080] : memref<8x80xi32, #tpu.memory_space<vmem>> -> memref<1x80xi32, #tpu.memory_space<vmem>>
        %dma_wait3A_1082 = tpu.memref_squeeze %dma_wait3A_1081 : memref<1x80xi32, #tpu.memory_space<vmem>> -> memref<80xi32, #tpu.memory_space<vmem>>
        %dma_wait3A_1083 = arith.constant 0 : i32
        %dma_wait3A_1084 = tpu.memref_slice %arg3[%dma_wait3A_1083] : memref<640000xi32, #tpu.memory_space<hbm>> -> memref<80xi32, #tpu.memory_space<hbm>>
        tpu.wait_dma2 semaphore(%arg18 : memref<!tpu.dma_semaphore, #tpu.memory_space<semaphore_mem>>) src(%dma_wait3A_1084 : memref<80xi32, #tpu.memory_space<hbm>>) dst(%dma_wait3A_1082 : memref<80xi32, #tpu.memory_space<vmem>>)
        %get3A_1085 = arith.constant 6 : i32
        %get3A_1086 = arith.index_cast %get3A_1085 : i32 to index
        %get3A_1087 = arith.constant 0 : index
        %get3A_1088 = tpu.vector_load %arg7[%get3A_1086, %get3A_1087] {strides = array<i32>} : memref<8x80xi32, #tpu.memory_space<vmem>>, vector<1x16xi32>,
        %get3A_1089 = vector.shape_cast %get3A_1088 : vector<1x16xi32> to vector<16xi32>
        %mul3A_1090 = arith.constant 10000 : i32
        %mul3A_1091 = vector.broadcast %mul3A_1090 : i32 to vector<16xi32>
        %mul3A_1092 = arith.muli %get3A_1089, %mul3A_1091 : vector<16xi32>
        %get3A_1093 = arith.constant 6 : i32
        %get3A_1094 = arith.index_cast %get3A_1093 : i32 to index
        %get3A_1095 = arith.constant 0 : index
        %get3A_1096 = tpu.vector_load %arg6[%get3A_1094, %get3A_1095] {strides = array<i32>} : memref<8x80xi32, #tpu.memory_space<vmem>>, vector<1x16xi32>,
        %get3A_1097 = vector.shape_cast %get3A_1096 : vector<1x16xi32> to vector<16xi32>
        %add3A_1098 = arith.addi %mul3A_1092, %get3A_1097 : vector<16xi32>
        %swap3A_1099 = arith.constant 6 : i32
        %swap3A_1100 = arith.index_cast %swap3A_1099 : i32 to index
        %swap3A_1101 = arith.constant 0 : index
        %swap3A_1102 = tpu.vector_load %arg6[%swap3A_1100, %swap3A_1101] {strides = array<i32>} : memref<8x80xi32, #tpu.memory_space<vmem>>, vector<1x16xi32>,
        %swap3A_1103 = vector.shape_cast %swap3A_1102 : vector<1x16xi32> to vector<16xi32>
        %swap3A_1104 = vector.shape_cast %add3A_1098 : vector<16xi32> to vector<1x16xi32>
        tpu.vector_store %arg6[%swap3A_1100, %swap3A_1101], %swap3A_1104 {strides = array<i32>} : memref<8x80xi32, #tpu.memory_space<vmem>>, vector<1x16xi32>,
        %get3A_1105 = arith.constant 6 : i32
        %get3A_1106 = arith.index_cast %get3A_1105 : i32 to index
        %get3A_1107 = arith.constant 16 : index
        %get3A_1108 = tpu.vector_load %arg7[%get3A_1106, %get3A_1107] {strides = array<i32>} : memref<8x80xi32, #tpu.memory_space<vmem>>, vector<1x16xi32>,
        %get3A_1109 = vector.shape_cast %get3A_1108 : vector<1x16xi32> to vector<16xi32>
        %mul3A_1110 = arith.constant 10000 : i32
        %mul3A_1111 = vector.broadcast %mul3A_1110 : i32 to vector<16xi32>
        %mul3A_1112 = arith.muli %get3A_1109, %mul3A_1111 : vector<16xi32>
        %get3A_1113 = arith.constant 6 : i32
        %get3A_1114 = arith.index_cast %get3A_1113 : i32 to index
        %get3A_1115 = arith.constant 16 : index
        %get3A_1116 = tpu.vector_load %arg6[%get3A_1114, %get3A_1115] {strides = array<i32>} : memref<8x80xi32, #tpu.memory_space<vmem>>, vector<1x16xi32>,
        %get3A_1117 = vector.shape_cast %get3A_1116 : vector<1x16xi32> to vector<16xi32>
        %add3A_1118 = arith.addi %mul3A_1112, %get3A_1117 : vector<16xi32>
        %swap3A_1119 = arith.constant 6 : i32
        %swap3A_1120 = arith.index_cast %swap3A_1119 : i32 to index
        %swap3A_1121 = arith.constant 16 : index
        %swap3A_1122 = tpu.vector_load %arg6[%swap3A_1120, %swap3A_1121] {strides = array<i32>} : memref<8x80xi32, #tpu.memory_space<vmem>>, vector<1x16xi32>,
        %swap3A_1123 = vector.shape_cast %swap3A_1122 : vector<1x16xi32> to vector<16xi32>
        %swap3A_1124 = vector.shape_cast %add3A_1118 : vector<16xi32> to vector<1x16xi32>
        tpu.vector_store %arg6[%swap3A_1120, %swap3A_1121], %swap3A_1124 {strides = array<i32>} : memref<8x80xi32, #tpu.memory_space<vmem>>, vector<1x16xi32>,
        %get3A_1125 = arith.constant 6 : i32
        %get3A_1126 = arith.index_cast %get3A_1125 : i32 to index
        %get3A_1127 = arith.constant 32 : index
        %get3A_1128 = tpu.vector_load %arg7[%get3A_1126, %get3A_1127] {strides = array<i32>} : memref<8x80xi32, #tpu.memory_space<vmem>>, vector<1x16xi32>,
        %get3A_1129 = vector.shape_cast %get3A_1128 : vector<1x16xi32> to vector<16xi32>
        %mul3A_1130 = arith.constant 10000 : i32
        %mul3A_1131 = vector.broadcast %mul3A_1130 : i32 to vector<16xi32>
        %mul3A_1132 = arith.muli %get3A_1129, %mul3A_1131 : vector<16xi32>
        %get3A_1133 = arith.constant 6 : i32
        %get3A_1134 = arith.index_cast %get3A_1133 : i32 to index
        %get3A_1135 = arith.constant 32 : index
        %get3A_1136 = tpu.vector_load %arg6[%get3A_1134, %get3A_1135] {strides = array<i32>} : memref<8x80xi32, #tpu.memory_space<vmem>>, vector<1x16xi32>,
        %get3A_1137 = vector.shape_cast %get3A_1136 : vector<1x16xi32> to vector<16xi32>
        %add3A_1138 = arith.addi %mul3A_1132, %get3A_1137 : vector<16xi32>
        %swap3A_1139 = arith.constant 6 : i32
        %swap3A_1140 = arith.index_cast %swap3A_1139 : i32 to index
        %swap3A_1141 = arith.constant 32 : index
        %swap3A_1142 = tpu.vector_load %arg6[%swap3A_1140, %swap3A_1141] {strides = array<i32>} : memref<8x80xi32, #tpu.memory_space<vmem>>, vector<1x16xi32>,
        %swap3A_1143 = vector.shape_cast %swap3A_1142 : vector<1x16xi32> to vector<16xi32>
        %swap3A_1144 = vector.shape_cast %add3A_1138 : vector<16xi32> to vector<1x16xi32>
        tpu.vector_store %arg6[%swap3A_1140, %swap3A_1141], %swap3A_1144 {strides = array<i32>} : memref<8x80xi32, #tpu.memory_space<vmem>>, vector<1x16xi32>,
        %get3A_1145 = arith.constant 6 : i32
        %get3A_1146 = arith.index_cast %get3A_1145 : i32 to index
        %get3A_1147 = arith.constant 48 : index
        %get3A_1148 = tpu.vector_load %arg7[%get3A_1146, %get3A_1147] {strides = array<i32>} : memref<8x80xi32, #tpu.memory_space<vmem>>, vector<1x16xi32>,
        %get3A_1149 = vector.shape_cast %get3A_1148 : vector<1x16xi32> to vector<16xi32>
        %mul3A_1150 = arith.constant 10000 : i32
        %mul3A_1151 = vector.broadcast %mul3A_1150 : i32 to vector<16xi32>
        %mul3A_1152 = arith.muli %get3A_1149, %mul3A_1151 : vector<16xi32>
        %get3A_1153 = arith.constant 6 : i32
        %get3A_1154 = arith.index_cast %get3A_1153 : i32 to index
        %get3A_1155 = arith.constant 48 : index
        %get3A_1156 = tpu.vector_load %arg6[%get3A_1154, %get3A_1155] {strides = array<i32>} : memref<8x80xi32, #tpu.memory_space<vmem>>, vector<1x16xi32>,
        %get3A_1157 = vector.shape_cast %get3A_1156 : vector<1x16xi32> to vector<16xi32>
        %add3A_1158 = arith.addi %mul3A_1152, %get3A_1157 : vector<16xi32>
        %swap3A_1159 = arith.constant 6 : i32
        %swap3A_1160 = arith.index_cast %swap3A_1159 : i32 to index
        %swap3A_1161 = arith.constant 48 : index
        %swap3A_1162 = tpu.vector_load %arg6[%swap3A_1160, %swap3A_1161] {strides = array<i32>} : memref<8x80xi32, #tpu.memory_space<vmem>>, vector<1x16xi32>,
        %swap3A_1163 = vector.shape_cast %swap3A_1162 : vector<1x16xi32> to vector<16xi32>
        %swap3A_1164 = vector.shape_cast %add3A_1158 : vector<16xi32> to vector<1x16xi32>
        tpu.vector_store %arg6[%swap3A_1160, %swap3A_1161], %swap3A_1164 {strides = array<i32>} : memref<8x80xi32, #tpu.memory_space<vmem>>, vector<1x16xi32>,
        %get3A_1165 = arith.constant 6 : i32
        %get3A_1166 = arith.index_cast %get3A_1165 : i32 to index
        %get3A_1167 = arith.constant 64 : index
        %get3A_1168 = tpu.vector_load %arg7[%get3A_1166, %get3A_1167] {strides = array<i32>} : memref<8x80xi32, #tpu.memory_space<vmem>>, vector<1x16xi32>,
        %get3A_1169 = vector.shape_cast %get3A_1168 : vector<1x16xi32> to vector<16xi32>
        %mul3A_1170 = arith.constant 10000 : i32
        %mul3A_1171 = vector.broadcast %mul3A_1170 : i32 to vector<16xi32>
        %mul3A_1172 = arith.muli %get3A_1169, %mul3A_1171 : vector<16xi32>
        %get3A_1173 = arith.constant 6 : i32
        %get3A_1174 = arith.index_cast %get3A_1173 : i32 to index
        %get3A_1175 = arith.constant 64 : index
        %get3A_1176 = tpu.vector_load %arg6[%get3A_1174, %get3A_1175] {strides = array<i32>} : memref<8x80xi32, #tpu.memory_space<vmem>>, vector<1x16xi32>,
        %get3A_1177 = vector.shape_cast %get3A_1176 : vector<1x16xi32> to vector<16xi32>
        %add3A_1178 = arith.addi %mul3A_1172, %get3A_1177 : vector<16xi32>
        %swap3A_1179 = arith.constant 6 : i32
        %swap3A_1180 = arith.index_cast %swap3A_1179 : i32 to index
        %swap3A_1181 = arith.constant 64 : index
        %swap3A_1182 = tpu.vector_load %arg6[%swap3A_1180, %swap3A_1181] {strides = array<i32>} : memref<8x80xi32, #tpu.memory_space<vmem>>, vector<1x16xi32>,
        %swap3A_1183 = vector.shape_cast %swap3A_1182 : vector<1x16xi32> to vector<16xi32>
        %swap3A_1184 = vector.shape_cast %add3A_1178 : vector<16xi32> to vector<1x16xi32>
        tpu.vector_store %arg6[%swap3A_1180, %swap3A_1181], %swap3A_1184 {strides = array<i32>} : memref<8x80xi32, #tpu.memory_space<vmem>>, vector<1x16xi32>,
        %dma_start3A_1185 = arith.constant 6 : i32
        %dma_start3A_1186 = arith.constant 2 : i32
        %dma_start3A_1187 = arith.constant 0 : i32
        %dma_start3A_1188 = arith.constant 0 : i32
        %dma_start3A_1189 = tpu.memref_slice %arg9[%dma_start3A_1186, %dma_start3A_1187, %dma_start3A_1188] : memref<4x80x128xf32, #tpu.memory_space<vmem>> -> memref<1x80x128xf32, #tpu.memory_space<vmem>>
        %dma_start3A_1190 = tpu.memref_squeeze %dma_start3A_1189 : memref<1x80x128xf32, #tpu.memory_space<vmem>> -> memref<80x128xf32, #tpu.memory_space<vmem>>
        %dma_start3A_1191 = arith.constant 0 : i32
        %dma_start3A_1192 = tpu.memref_slice %arg6[%dma_start3A_1185, %dma_start3A_1191] : memref<8x80xi32, #tpu.memory_space<vmem>> -> memref<1x80xi32, #tpu.memory_space<vmem>>
        %dma_start3A_1193 = tpu.memref_squeeze %dma_start3A_1192 : memref<1x80xi32, #tpu.memory_space<vmem>> -> memref<80xi32, #tpu.memory_space<vmem>>
        %dma_start3A_1194 = arith.constant 0 : i32
        %dma_start3A_1195 = arith.constant 0 : i32
        %dma_start3A_1196 = tpu.memref_slice %arg2[%dma_start3A_1194, %dma_start3A_1195] : memref<80000x128xf32, #tpu.memory_space<hbm>> -> memref<80000x128xf32, #tpu.memory_space<hbm>>
        tpu.enqueue_indirect_dma source(%dma_start3A_1196 : memref<80000x128xf32, #tpu.memory_space<hbm>>) target(%dma_start3A_1190 : memref<80x128xf32, #tpu.memory_space<vmem>>) offsets(%dma_start3A_1193 : memref<80xi32, #tpu.memory_space<vmem>>) semaphore(%arg22 : memref<!tpu.dma_semaphore, #tpu.memory_space<semaphore_mem>>)
      } else {
      }
      %mul3A_937 = arith.constant 8 : i32
      %mul3A_938 = arith.muli %scan3A_868, %mul3A_937 : i32
      %add3A_939 = arith.constant 3 : i32
      %add3A_940 = arith.addi %mul3A_938, %add3A_939 : i32
      %lt3A_941 = arith.constant 125 : i32
      %lt3A_942 = arith.cmpi slt, %add3A_940, %lt3A_941 : i32
      %convert_element_type3A_943 = arith.extui %lt3A_942 : i1 to i32
      %cond3A_944 = arith.constant 0 : i32
      %cond3A_945 = arith.cmpi ne, %convert_element_type3A_943, %cond3A_944 : i32
      scf.if %cond3A_945 {
        %dma_wait3A_1052 = arith.constant 3 : i32
        %dma_wait3A_1053 = arith.constant 0 : i32
        %dma_wait3A_1054 = arith.constant 0 : i32
        %dma_wait3A_1055 = tpu.memref_slice %arg9[%dma_wait3A_1052, %dma_wait3A_1053, %dma_wait3A_1054] : memref<4x80x128xf32, #tpu.memory_space<vmem>> -> memref<1x80x128xf32, #tpu.memory_space<vmem>>
        %dma_wait3A_1056 = tpu.memref_squeeze %dma_wait3A_1055 : memref<1x80x128xf32, #tpu.memory_space<vmem>> -> memref<80x128xf32, #tpu.memory_space<vmem>>
        %dma_wait3A_1057 = arith.constant 0 : i32
        %dma_wait3A_1058 = arith.constant 0 : i32
        %dma_wait3A_1059 = tpu.memref_slice %arg2[%dma_wait3A_1057, %dma_wait3A_1058] : memref<80000x128xf32, #tpu.memory_space<hbm>> -> memref<80x128xf32, #tpu.memory_space<hbm>>
        %dma_wait3A_1060 = arith.constant 0 : i32
        %dma_wait3A_1061 = arith.constant 0 : i32
        %dma_wait3A_1062 = tpu.memref_slice %arg9[%dma_wait3A_1052, %dma_wait3A_1060, %dma_wait3A_1061] : memref<4x80x128xf32, #tpu.memory_space<vmem>> -> memref<1x80x128xf32, #tpu.memory_space<vmem>>
        %dma_wait3A_1063 = tpu.memref_squeeze %dma_wait3A_1062 : memref<1x80x128xf32, #tpu.memory_space<vmem>> -> memref<80x128xf32, #tpu.memory_space<vmem>>
        %dma_wait3A_1064 = arith.constant 0 : i32
        %dma_wait3A_1065 = arith.constant 0 : i32
        %dma_wait3A_1066 = tpu.memref_slice %arg2[%dma_wait3A_1064, %dma_wait3A_1065] : memref<80000x128xf32, #tpu.memory_space<hbm>> -> memref<80x128xf32, #tpu.memory_space<hbm>>
        tpu.wait_dma2 semaphore(%arg23 : memref<!tpu.dma_semaphore, #tpu.memory_space<semaphore_mem>>) src(%dma_wait3A_1066 : memref<80x128xf32, #tpu.memory_space<hbm>>) dst(%dma_wait3A_1063 : memref<80x128xf32, #tpu.memory_space<vmem>>)
        %dma_start3A_1067 = arith.constant 3 : i32
        %dma_start3A_1068 = arith.constant 3 : i32
        %dma_start3A_1069 = arith.constant 0 : i32
        %dma_start3A_1070 = arith.constant 0 : i32
        %dma_start3A_1071 = tpu.memref_slice %arg9[%dma_start3A_1067, %dma_start3A_1069, %dma_start3A_1070] : memref<4x80x128xf32, #tpu.memory_space<vmem>> -> memref<1x80x128xf32, #tpu.memory_space<vmem>>
        %dma_start3A_1072 = tpu.memref_squeeze %dma_start3A_1071 : memref<1x80x128xf32, #tpu.memory_space<vmem>> -> memref<80x128xf32, #tpu.memory_space<vmem>>
        %dma_start3A_1073 = arith.constant 0 : i32
        %dma_start3A_1074 = tpu.memref_slice %arg8[%dma_start3A_1068, %dma_start3A_1073] : memref<8x80xi32, #tpu.memory_space<vmem>> -> memref<1x80xi32, #tpu.memory_space<vmem>>
        %dma_start3A_1075 = tpu.memref_squeeze %dma_start3A_1074 : memref<1x80xi32, #tpu.memory_space<vmem>> -> memref<80xi32, #tpu.memory_space<vmem>>
        %dma_start3A_1076 = arith.constant 0 : i32
        %dma_start3A_1077 = arith.constant 0 : i32
        %dma_start3A_1078 = tpu.memref_slice %arg11[%dma_start3A_1076, %dma_start3A_1077] : memref<10000x128xf32, #tpu.memory_space<vmem_shared>> -> memref<10000x128xf32, #tpu.memory_space<vmem_shared>>
        tpu.enqueue_indirect_dma source(%dma_start3A_1072 : memref<80x128xf32, #tpu.memory_space<vmem>>) target(%dma_start3A_1078 : memref<10000x128xf32, #tpu.memory_space<vmem_shared>>) offsets(%dma_start3A_1075 : memref<80xi32, #tpu.memory_space<vmem>>) semaphore(%arg24 : memref<!tpu.dma_semaphore, #tpu.memory_space<semaphore_mem>>) {add = true}
        %dma_wait3A_1079 = arith.constant 3 : i32
        %dma_wait3A_1080 = arith.constant 3 : i32
        %dma_wait3A_1081 = arith.constant 0 : i32
        %dma_wait3A_1082 = arith.constant 0 : i32
        %dma_wait3A_1083 = tpu.memref_slice %arg9[%dma_wait3A_1079, %dma_wait3A_1081, %dma_wait3A_1082] : memref<4x80x128xf32, #tpu.memory_space<vmem>> -> memref<1x80x128xf32, #tpu.memory_space<vmem>>
        %dma_wait3A_1084 = tpu.memref_squeeze %dma_wait3A_1083 : memref<1x80x128xf32, #tpu.memory_space<vmem>> -> memref<80x128xf32, #tpu.memory_space<vmem>>
        %dma_wait3A_1085 = arith.constant 0 : i32
        %dma_wait3A_1086 = tpu.memref_slice %arg8[%dma_wait3A_1080, %dma_wait3A_1085] : memref<8x80xi32, #tpu.memory_space<vmem>> -> memref<1x80xi32, #tpu.memory_space<vmem>>
        %dma_wait3A_1087 = tpu.memref_squeeze %dma_wait3A_1086 : memref<1x80xi32, #tpu.memory_space<vmem>> -> memref<80xi32, #tpu.memory_space<vmem>>
        %dma_wait3A_1088 = arith.constant 0 : i32
        %dma_wait3A_1089 = arith.constant 0 : i32
        %dma_wait3A_1090 = tpu.memref_slice %arg11[%dma_wait3A_1088, %dma_wait3A_1089] : memref<10000x128xf32, #tpu.memory_space<vmem_shared>> -> memref<10000x128xf32, #tpu.memory_space<vmem_shared>>
        tpu.wait_indirect_dma semaphore(%arg24 : memref<!tpu.dma_semaphore, #tpu.memory_space<semaphore_mem>>) src(%dma_wait3A_1084 : memref<80x128xf32, #tpu.memory_space<vmem>>) dst(%dma_wait3A_1090 : memref<10000x128xf32, #tpu.memory_space<vmem_shared>>)
      } else {
      }
      %add3A_946 = arith.constant 8 : i32
      %add3A_947 = arith.addi %add3A_940, %add3A_946 : i32
      %lt3A_948 = arith.constant 125 : i32
      %lt3A_949 = arith.cmpi slt, %add3A_947, %lt3A_948 : i32
      %convert_element_type3A_950 = arith.extui %lt3A_949 : i1 to i32
      %cond3A_951 = arith.constant 0 : i32
      %cond3A_952 = arith.cmpi ne, %convert_element_type3A_950, %cond3A_951 : i32
      scf.if %cond3A_952 {
        %add3A_1052 = arith.constant 8 : i32
        %add3A_1053 = arith.addi %add3A_940, %add3A_1052 : i32
        %mul3A_1054 = arith.constant 80 : i32
        %mul3A_1055 = arith.muli %add3A_1053, %mul3A_1054 : i32
        %add3A_1056 = arith.addi %mul3A_2, %mul3A_1055 : i32
        %dma_start3A_1057 = arith.constant 3 : i32
        %dma_start3A_1058 = arith.constant 0 : i32
        %dma_start3A_1059 = tpu.memref_slice %arg6[%dma_start3A_1057, %dma_start3A_1058] : memref<8x80xi32, #tpu.memory_space<vmem>> -> memref<1x80xi32, #tpu.memory_space<vmem>>
        %dma_start3A_1060 = tpu.memref_squeeze %dma_start3A_1059 : memref<1x80xi32, #tpu.memory_space<vmem>> -> memref<80xi32, #tpu.memory_space<vmem>>
        %dma_start3A_1061 = tpu.memref_slice %arg3[%add3A_1056] : memref<640000xi32, #tpu.memory_space<hbm>> -> memref<80xi32, #tpu.memory_space<hbm>>
        %dma_start3A_1062 = arith.constant 0 : i32
        %dma_start3A_1063 = tpu.memref_slice %arg6[%dma_start3A_1057, %dma_start3A_1062] : memref<8x80xi32, #tpu.memory_space<vmem>> -> memref<1x80xi32, #tpu.memory_space<vmem>>
        %dma_start3A_1064 = tpu.memref_squeeze %dma_start3A_1063 : memref<1x80xi32, #tpu.memory_space<vmem>> -> memref<80xi32, #tpu.memory_space<vmem>>
        %dma_start3A_1065 = tpu.memref_slice %arg3[%add3A_1056] : memref<640000xi32, #tpu.memory_space<hbm>> -> memref<80xi32, #tpu.memory_space<hbm>>
        tpu.enqueue_dma source(%dma_start3A_1065 : memref<80xi32, #tpu.memory_space<hbm>>) target(%dma_start3A_1064 : memref<80xi32, #tpu.memory_space<vmem>>) target_semaphore(%arg15 : memref<!tpu.dma_semaphore, #tpu.memory_space<semaphore_mem>>)
        %dma_start3A_1066 = arith.constant 3 : i32
        %dma_start3A_1067 = arith.constant 0 : i32
        %dma_start3A_1068 = tpu.memref_slice %arg7[%dma_start3A_1066, %dma_start3A_1067] : memref<8x80xi32, #tpu.memory_space<vmem>> -> memref<1x80xi32, #tpu.memory_space<vmem>>
        %dma_start3A_1069 = tpu.memref_squeeze %dma_start3A_1068 : memref<1x80xi32, #tpu.memory_space<vmem>> -> memref<80xi32, #tpu.memory_space<vmem>>
        %dma_start3A_1070 = tpu.memref_slice %arg4[%add3A_1056] : memref<320000xi32, #tpu.memory_space<hbm>> -> memref<80xi32, #tpu.memory_space<hbm>>
        %dma_start3A_1071 = arith.constant 0 : i32
        %dma_start3A_1072 = tpu.memref_slice %arg7[%dma_start3A_1066, %dma_start3A_1071] : memref<8x80xi32, #tpu.memory_space<vmem>> -> memref<1x80xi32, #tpu.memory_space<vmem>>
        %dma_start3A_1073 = tpu.memref_squeeze %dma_start3A_1072 : memref<1x80xi32, #tpu.memory_space<vmem>> -> memref<80xi32, #tpu.memory_space<vmem>>
        %dma_start3A_1074 = tpu.memref_slice %arg4[%add3A_1056] : memref<320000xi32, #tpu.memory_space<hbm>> -> memref<80xi32, #tpu.memory_space<hbm>>
        tpu.enqueue_dma source(%dma_start3A_1074 : memref<80xi32, #tpu.memory_space<hbm>>) target(%dma_start3A_1073 : memref<80xi32, #tpu.memory_space<vmem>>) target_semaphore(%arg15 : memref<!tpu.dma_semaphore, #tpu.memory_space<semaphore_mem>>)
        %add3A_1075 = arith.constant 320000 : i32
        %add3A_1076 = arith.addi %add3A_1075, %add3A_1056 : i32
        %dma_start3A_1077 = arith.constant 3 : i32
        %dma_start3A_1078 = arith.constant 0 : i32
        %dma_start3A_1079 = tpu.memref_slice %arg8[%dma_start3A_1077, %dma_start3A_1078] : memref<8x80xi32, #tpu.memory_space<vmem>> -> memref<1x80xi32, #tpu.memory_space<vmem>>
        %dma_start3A_1080 = tpu.memref_squeeze %dma_start3A_1079 : memref<1x80xi32, #tpu.memory_space<vmem>> -> memref<80xi32, #tpu.memory_space<vmem>>
        %dma_start3A_1081 = tpu.memref_slice %arg3[%add3A_1076] : memref<640000xi32, #tpu.memory_space<hbm>> -> memref<80xi32, #tpu.memory_space<hbm>>
        %dma_start3A_1082 = arith.constant 0 : i32
        %dma_start3A_1083 = tpu.memref_slice %arg8[%dma_start3A_1077, %dma_start3A_1082] : memref<8x80xi32, #tpu.memory_space<vmem>> -> memref<1x80xi32, #tpu.memory_space<vmem>>
        %dma_start3A_1084 = tpu.memref_squeeze %dma_start3A_1083 : memref<1x80xi32, #tpu.memory_space<vmem>> -> memref<80xi32, #tpu.memory_space<vmem>>
        %dma_start3A_1085 = tpu.memref_slice %arg3[%add3A_1076] : memref<640000xi32, #tpu.memory_space<hbm>> -> memref<80xi32, #tpu.memory_space<hbm>>
        tpu.enqueue_dma source(%dma_start3A_1085 : memref<80xi32, #tpu.memory_space<hbm>>) target(%dma_start3A_1084 : memref<80xi32, #tpu.memory_space<vmem>>) target_semaphore(%arg15 : memref<!tpu.dma_semaphore, #tpu.memory_space<semaphore_mem>>)
      } else {
      }
      %add3A_953 = arith.constant 4 : i32
      %add3A_954 = arith.addi %add3A_940, %add3A_953 : i32
      %lt3A_955 = arith.constant 125 : i32
      %lt3A_956 = arith.cmpi slt, %add3A_954, %lt3A_955 : i32
      %convert_element_type3A_957 = arith.extui %lt3A_956 : i1 to i32
      %cond3A_958 = arith.constant 0 : i32
      %cond3A_959 = arith.cmpi ne, %convert_element_type3A_957, %cond3A_958 : i32
      scf.if %cond3A_959 {
        %dma_wait3A_1052 = arith.constant 7 : i32
        %dma_wait3A_1053 = arith.constant 0 : i32
        %dma_wait3A_1054 = tpu.memref_slice %arg6[%dma_wait3A_1052, %dma_wait3A_1053] : memref<8x80xi32, #tpu.memory_space<vmem>> -> memref<1x80xi32, #tpu.memory_space<vmem>>
        %dma_wait3A_1055 = tpu.memref_squeeze %dma_wait3A_1054 : memref<1x80xi32, #tpu.memory_space<vmem>> -> memref<80xi32, #tpu.memory_space<vmem>>
        %dma_wait3A_1056 = arith.constant 0 : i32
        %dma_wait3A_1057 = tpu.memref_slice %arg3[%dma_wait3A_1056] : memref<640000xi32, #tpu.memory_space<hbm>> -> memref<80xi32, #tpu.memory_space<hbm>>
        %dma_wait3A_1058 = arith.constant 0 : i32
        %dma_wait3A_1059 = tpu.memref_slice %arg6[%dma_wait3A_1052, %dma_wait3A_1058] : memref<8x80xi32, #tpu.memory_space<vmem>> -> memref<1x80xi32, #tpu.memory_space<vmem>>
        %dma_wait3A_1060 = tpu.memref_squeeze %dma_wait3A_1059 : memref<1x80xi32, #tpu.memory_space<vmem>> -> memref<80xi32, #tpu.memory_space<vmem>>
        %dma_wait3A_1061 = arith.constant 0 : i32
        %dma_wait3A_1062 = tpu.memref_slice %arg3[%dma_wait3A_1061] : memref<640000xi32, #tpu.memory_space<hbm>> -> memref<80xi32, #tpu.memory_space<hbm>>
        tpu.wait_dma2 semaphore(%arg19 : memref<!tpu.dma_semaphore, #tpu.memory_space<semaphore_mem>>) src(%dma_wait3A_1062 : memref<80xi32, #tpu.memory_space<hbm>>) dst(%dma_wait3A_1060 : memref<80xi32, #tpu.memory_space<vmem>>)
        %dma_wait3A_1063 = arith.constant 7 : i32
        %dma_wait3A_1064 = arith.constant 0 : i32
        %dma_wait3A_1065 = tpu.memref_slice %arg7[%dma_wait3A_1063, %dma_wait3A_1064] : memref<8x80xi32, #tpu.memory_space<vmem>> -> memref<1x80xi32, #tpu.memory_space<vmem>>
        %dma_wait3A_1066 = tpu.memref_squeeze %dma_wait3A_1065 : memref<1x80xi32, #tpu.memory_space<vmem>> -> memref<80xi32, #tpu.memory_space<vmem>>
        %dma_wait3A_1067 = arith.constant 0 : i32
        %dma_wait3A_1068 = tpu.memref_slice %arg3[%dma_wait3A_1067] : memref<640000xi32, #tpu.memory_space<hbm>> -> memref<80xi32, #tpu.memory_space<hbm>>
        %dma_wait3A_1069 = arith.constant 0 : i32
        %dma_wait3A_1070 = tpu.memref_slice %arg7[%dma_wait3A_1063, %dma_wait3A_1069] : memref<8x80xi32, #tpu.memory_space<vmem>> -> memref<1x80xi32, #tpu.memory_space<vmem>>
        %dma_wait3A_1071 = tpu.memref_squeeze %dma_wait3A_1070 : memref<1x80xi32, #tpu.memory_space<vmem>> -> memref<80xi32, #tpu.memory_space<vmem>>
        %dma_wait3A_1072 = arith.constant 0 : i32
        %dma_wait3A_1073 = tpu.memref_slice %arg3[%dma_wait3A_1072] : memref<640000xi32, #tpu.memory_space<hbm>> -> memref<80xi32, #tpu.memory_space<hbm>>
        tpu.wait_dma2 semaphore(%arg19 : memref<!tpu.dma_semaphore, #tpu.memory_space<semaphore_mem>>) src(%dma_wait3A_1073 : memref<80xi32, #tpu.memory_space<hbm>>) dst(%dma_wait3A_1071 : memref<80xi32, #tpu.memory_space<vmem>>)
        %dma_wait3A_1074 = arith.constant 7 : i32
        %dma_wait3A_1075 = arith.constant 0 : i32
        %dma_wait3A_1076 = tpu.memref_slice %arg8[%dma_wait3A_1074, %dma_wait3A_1075] : memref<8x80xi32, #tpu.memory_space<vmem>> -> memref<1x80xi32, #tpu.memory_space<vmem>>
        %dma_wait3A_1077 = tpu.memref_squeeze %dma_wait3A_1076 : memref<1x80xi32, #tpu.memory_space<vmem>> -> memref<80xi32, #tpu.memory_space<vmem>>
        %dma_wait3A_1078 = arith.constant 0 : i32
        %dma_wait3A_1079 = tpu.memref_slice %arg3[%dma_wait3A_1078] : memref<640000xi32, #tpu.memory_space<hbm>> -> memref<80xi32, #tpu.memory_space<hbm>>
        %dma_wait3A_1080 = arith.constant 0 : i32
        %dma_wait3A_1081 = tpu.memref_slice %arg8[%dma_wait3A_1074, %dma_wait3A_1080] : memref<8x80xi32, #tpu.memory_space<vmem>> -> memref<1x80xi32, #tpu.memory_space<vmem>>
        %dma_wait3A_1082 = tpu.memref_squeeze %dma_wait3A_1081 : memref<1x80xi32, #tpu.memory_space<vmem>> -> memref<80xi32, #tpu.memory_space<vmem>>
        %dma_wait3A_1083 = arith.constant 0 : i32
        %dma_wait3A_1084 = tpu.memref_slice %arg3[%dma_wait3A_1083] : memref<640000xi32, #tpu.memory_space<hbm>> -> memref<80xi32, #tpu.memory_space<hbm>>
        tpu.wait_dma2 semaphore(%arg19 : memref<!tpu.dma_semaphore, #tpu.memory_space<semaphore_mem>>) src(%dma_wait3A_1084 : memref<80xi32, #tpu.memory_space<hbm>>) dst(%dma_wait3A_1082 : memref<80xi32, #tpu.memory_space<vmem>>)
        %get3A_1085 = arith.constant 7 : i32
        %get3A_1086 = arith.index_cast %get3A_1085 : i32 to index
        %get3A_1087 = arith.constant 0 : index
        %get3A_1088 = tpu.vector_load %arg7[%get3A_1086, %get3A_1087] {strides = array<i32>} : memref<8x80xi32, #tpu.memory_space<vmem>>, vector<1x16xi32>,
        %get3A_1089 = vector.shape_cast %get3A_1088 : vector<1x16xi32> to vector<16xi32>
        %mul3A_1090 = arith.constant 10000 : i32
        %mul3A_1091 = vector.broadcast %mul3A_1090 : i32 to vector<16xi32>
        %mul3A_1092 = arith.muli %get3A_1089, %mul3A_1091 : vector<16xi32>
        %get3A_1093 = arith.constant 7 : i32
        %get3A_1094 = arith.index_cast %get3A_1093 : i32 to index
        %get3A_1095 = arith.constant 0 : index
        %get3A_1096 = tpu.vector_load %arg6[%get3A_1094, %get3A_1095] {strides = array<i32>} : memref<8x80xi32, #tpu.memory_space<vmem>>, vector<1x16xi32>,
        %get3A_1097 = vector.shape_cast %get3A_1096 : vector<1x16xi32> to vector<16xi32>
        %add3A_1098 = arith.addi %mul3A_1092, %get3A_1097 : vector<16xi32>
        %swap3A_1099 = arith.constant 7 : i32
        %swap3A_1100 = arith.index_cast %swap3A_1099 : i32 to index
        %swap3A_1101 = arith.constant 0 : index
        %swap3A_1102 = tpu.vector_load %arg6[%swap3A_1100, %swap3A_1101] {strides = array<i32>} : memref<8x80xi32, #tpu.memory_space<vmem>>, vector<1x16xi32>,
        %swap3A_1103 = vector.shape_cast %swap3A_1102 : vector<1x16xi32> to vector<16xi32>
        %swap3A_1104 = vector.shape_cast %add3A_1098 : vector<16xi32> to vector<1x16xi32>
        tpu.vector_store %arg6[%swap3A_1100, %swap3A_1101], %swap3A_1104 {strides = array<i32>} : memref<8x80xi32, #tpu.memory_space<vmem>>, vector<1x16xi32>,
        %get3A_1105 = arith.constant 7 : i32
        %get3A_1106 = arith.index_cast %get3A_1105 : i32 to index
        %get3A_1107 = arith.constant 16 : index
        %get3A_1108 = tpu.vector_load %arg7[%get3A_1106, %get3A_1107] {strides = array<i32>} : memref<8x80xi32, #tpu.memory_space<vmem>>, vector<1x16xi32>,
        %get3A_1109 = vector.shape_cast %get3A_1108 : vector<1x16xi32> to vector<16xi32>
        %mul3A_1110 = arith.constant 10000 : i32
        %mul3A_1111 = vector.broadcast %mul3A_1110 : i32 to vector<16xi32>
        %mul3A_1112 = arith.muli %get3A_1109, %mul3A_1111 : vector<16xi32>
        %get3A_1113 = arith.constant 7 : i32
        %get3A_1114 = arith.index_cast %get3A_1113 : i32 to index
        %get3A_1115 = arith.constant 16 : index
        %get3A_1116 = tpu.vector_load %arg6[%get3A_1114, %get3A_1115] {strides = array<i32>} : memref<8x80xi32, #tpu.memory_space<vmem>>, vector<1x16xi32>,
        %get3A_1117 = vector.shape_cast %get3A_1116 : vector<1x16xi32> to vector<16xi32>
        %add3A_1118 = arith.addi %mul3A_1112, %get3A_1117 : vector<16xi32>
        %swap3A_1119 = arith.constant 7 : i32
        %swap3A_1120 = arith.index_cast %swap3A_1119 : i32 to index
        %swap3A_1121 = arith.constant 16 : index
        %swap3A_1122 = tpu.vector_load %arg6[%swap3A_1120, %swap3A_1121] {strides = array<i32>} : memref<8x80xi32, #tpu.memory_space<vmem>>, vector<1x16xi32>,
        %swap3A_1123 = vector.shape_cast %swap3A_1122 : vector<1x16xi32> to vector<16xi32>
        %swap3A_1124 = vector.shape_cast %add3A_1118 : vector<16xi32> to vector<1x16xi32>
        tpu.vector_store %arg6[%swap3A_1120, %swap3A_1121], %swap3A_1124 {strides = array<i32>} : memref<8x80xi32, #tpu.memory_space<vmem>>, vector<1x16xi32>,
        %get3A_1125 = arith.constant 7 : i32
        %get3A_1126 = arith.index_cast %get3A_1125 : i32 to index
        %get3A_1127 = arith.constant 32 : index
        %get3A_1128 = tpu.vector_load %arg7[%get3A_1126, %get3A_1127] {strides = array<i32>} : memref<8x80xi32, #tpu.memory_space<vmem>>, vector<1x16xi32>,
        %get3A_1129 = vector.shape_cast %get3A_1128 : vector<1x16xi32> to vector<16xi32>
        %mul3A_1130 = arith.constant 10000 : i32
        %mul3A_1131 = vector.broadcast %mul3A_1130 : i32 to vector<16xi32>
        %mul3A_1132 = arith.muli %get3A_1129, %mul3A_1131 : vector<16xi32>
        %get3A_1133 = arith.constant 7 : i32
        %get3A_1134 = arith.index_cast %get3A_1133 : i32 to index
        %get3A_1135 = arith.constant 32 : index
        %get3A_1136 = tpu.vector_load %arg6[%get3A_1134, %get3A_1135] {strides = array<i32>} : memref<8x80xi32, #tpu.memory_space<vmem>>, vector<1x16xi32>,
        %get3A_1137 = vector.shape_cast %get3A_1136 : vector<1x16xi32> to vector<16xi32>
        %add3A_1138 = arith.addi %mul3A_1132, %get3A_1137 : vector<16xi32>
        %swap3A_1139 = arith.constant 7 : i32
        %swap3A_1140 = arith.index_cast %swap3A_1139 : i32 to index
        %swap3A_1141 = arith.constant 32 : index
        %swap3A_1142 = tpu.vector_load %arg6[%swap3A_1140, %swap3A_1141] {strides = array<i32>} : memref<8x80xi32, #tpu.memory_space<vmem>>, vector<1x16xi32>,
        %swap3A_1143 = vector.shape_cast %swap3A_1142 : vector<1x16xi32> to vector<16xi32>
        %swap3A_1144 = vector.shape_cast %add3A_1138 : vector<16xi32> to vector<1x16xi32>
        tpu.vector_store %arg6[%swap3A_1140, %swap3A_1141], %swap3A_1144 {strides = array<i32>} : memref<8x80xi32, #tpu.memory_space<vmem>>, vector<1x16xi32>,
        %get3A_1145 = arith.constant 7 : i32
        %get3A_1146 = arith.index_cast %get3A_1145 : i32 to index
        %get3A_1147 = arith.constant 48 : index
        %get3A_1148 = tpu.vector_load %arg7[%get3A_1146, %get3A_1147] {strides = array<i32>} : memref<8x80xi32, #tpu.memory_space<vmem>>, vector<1x16xi32>,
        %get3A_1149 = vector.shape_cast %get3A_1148 : vector<1x16xi32> to vector<16xi32>
        %mul3A_1150 = arith.constant 10000 : i32
        %mul3A_1151 = vector.broadcast %mul3A_1150 : i32 to vector<16xi32>
        %mul3A_1152 = arith.muli %get3A_1149, %mul3A_1151 : vector<16xi32>
        %get3A_1153 = arith.constant 7 : i32
        %get3A_1154 = arith.index_cast %get3A_1153 : i32 to index
        %get3A_1155 = arith.constant 48 : index
        %get3A_1156 = tpu.vector_load %arg6[%get3A_1154, %get3A_1155] {strides = array<i32>} : memref<8x80xi32, #tpu.memory_space<vmem>>, vector<1x16xi32>,
        %get3A_1157 = vector.shape_cast %get3A_1156 : vector<1x16xi32> to vector<16xi32>
        %add3A_1158 = arith.addi %mul3A_1152, %get3A_1157 : vector<16xi32>
        %swap3A_1159 = arith.constant 7 : i32
        %swap3A_1160 = arith.index_cast %swap3A_1159 : i32 to index
        %swap3A_1161 = arith.constant 48 : index
        %swap3A_1162 = tpu.vector_load %arg6[%swap3A_1160, %swap3A_1161] {strides = array<i32>} : memref<8x80xi32, #tpu.memory_space<vmem>>, vector<1x16xi32>,
        %swap3A_1163 = vector.shape_cast %swap3A_1162 : vector<1x16xi32> to vector<16xi32>
        %swap3A_1164 = vector.shape_cast %add3A_1158 : vector<16xi32> to vector<1x16xi32>
        tpu.vector_store %arg6[%swap3A_1160, %swap3A_1161], %swap3A_1164 {strides = array<i32>} : memref<8x80xi32, #tpu.memory_space<vmem>>, vector<1x16xi32>,
        %get3A_1165 = arith.constant 7 : i32
        %get3A_1166 = arith.index_cast %get3A_1165 : i32 to index
        %get3A_1167 = arith.constant 64 : index
        %get3A_1168 = tpu.vector_load %arg7[%get3A_1166, %get3A_1167] {strides = array<i32>} : memref<8x80xi32, #tpu.memory_space<vmem>>, vector<1x16xi32>,
        %get3A_1169 = vector.shape_cast %get3A_1168 : vector<1x16xi32> to vector<16xi32>
        %mul3A_1170 = arith.constant 10000 : i32
        %mul3A_1171 = vector.broadcast %mul3A_1170 : i32 to vector<16xi32>
        %mul3A_1172 = arith.muli %get3A_1169, %mul3A_1171 : vector<16xi32>
        %get3A_1173 = arith.constant 7 : i32
        %get3A_1174 = arith.index_cast %get3A_1173 : i32 to index
        %get3A_1175 = arith.constant 64 : index
        %get3A_1176 = tpu.vector_load %arg6[%get3A_1174, %get3A_1175] {strides = array<i32>} : memref<8x80xi32, #tpu.memory_space<vmem>>, vector<1x16xi32>,
        %get3A_1177 = vector.shape_cast %get3A_1176 : vector<1x16xi32> to vector<16xi32>
        %add3A_1178 = arith.addi %mul3A_1172, %get3A_1177 : vector<16xi32>
        %swap3A_1179 = arith.constant 7 : i32
        %swap3A_1180 = arith.index_cast %swap3A_1179 : i32 to index
        %swap3A_1181 = arith.constant 64 : index
        %swap3A_1182 = tpu.vector_load %arg6[%swap3A_1180, %swap3A_1181] {strides = array<i32>} : memref<8x80xi32, #tpu.memory_space<vmem>>, vector<1x16xi32>,
        %swap3A_1183 = vector.shape_cast %swap3A_1182 : vector<1x16xi32> to vector<16xi32>
        %swap3A_1184 = vector.shape_cast %add3A_1178 : vector<16xi32> to vector<1x16xi32>
        tpu.vector_store %arg6[%swap3A_1180, %swap3A_1181], %swap3A_1184 {strides = array<i32>} : memref<8x80xi32, #tpu.memory_space<vmem>>, vector<1x16xi32>,
        %dma_start3A_1185 = arith.constant 7 : i32
        %dma_start3A_1186 = arith.constant 3 : i32
        %dma_start3A_1187 = arith.constant 0 : i32
        %dma_start3A_1188 = arith.constant 0 : i32
        %dma_start3A_1189 = tpu.memref_slice %arg9[%dma_start3A_1186, %dma_start3A_1187, %dma_start3A_1188] : memref<4x80x128xf32, #tpu.memory_space<vmem>> -> memref<1x80x128xf32, #tpu.memory_space<vmem>>
        %dma_start3A_1190 = tpu.memref_squeeze %dma_start3A_1189 : memref<1x80x128xf32, #tpu.memory_space<vmem>> -> memref<80x128xf32, #tpu.memory_space<vmem>>
        %dma_start3A_1191 = arith.constant 0 : i32
        %dma_start3A_1192 = tpu.memref_slice %arg6[%dma_start3A_1185, %dma_start3A_1191] : memref<8x80xi32, #tpu.memory_space<vmem>> -> memref<1x80xi32, #tpu.memory_space<vmem>>
        %dma_start3A_1193 = tpu.memref_squeeze %dma_start3A_1192 : memref<1x80xi32, #tpu.memory_space<vmem>> -> memref<80xi32, #tpu.memory_space<vmem>>
        %dma_start3A_1194 = arith.constant 0 : i32
        %dma_start3A_1195 = arith.constant 0 : i32
        %dma_start3A_1196 = tpu.memref_slice %arg2[%dma_start3A_1194, %dma_start3A_1195] : memref<80000x128xf32, #tpu.memory_space<hbm>> -> memref<80000x128xf32, #tpu.memory_space<hbm>>
        tpu.enqueue_indirect_dma source(%dma_start3A_1196 : memref<80000x128xf32, #tpu.memory_space<hbm>>) target(%dma_start3A_1190 : memref<80x128xf32, #tpu.memory_space<vmem>>) offsets(%dma_start3A_1193 : memref<80xi32, #tpu.memory_space<vmem>>) semaphore(%arg23 : memref<!tpu.dma_semaphore, #tpu.memory_space<semaphore_mem>>)
      } else {
      }
      %mul3A_960 = arith.constant 8 : i32
      %mul3A_961 = arith.muli %scan3A_868, %mul3A_960 : i32
      %add3A_962 = arith.constant 4 : i32
      %add3A_963 = arith.addi %mul3A_961, %add3A_962 : i32
      %lt3A_964 = arith.constant 125 : i32
      %lt3A_965 = arith.cmpi slt, %add3A_963, %lt3A_964 : i32
      %convert_element_type3A_966 = arith.extui %lt3A_965 : i1 to i32
      %cond3A_967 = arith.constant 0 : i32
      %cond3A_968 = arith.cmpi ne, %convert_element_type3A_966, %cond3A_967 : i32
      scf.if %cond3A_968 {
        %dma_wait3A_1052 = arith.constant 0 : i32
        %dma_wait3A_1053 = arith.constant 0 : i32
        %dma_wait3A_1054 = arith.constant 0 : i32
        %dma_wait3A_1055 = tpu.memref_slice %arg9[%dma_wait3A_1052, %dma_wait3A_1053, %dma_wait3A_1054] : memref<4x80x128xf32, #tpu.memory_space<vmem>> -> memref<1x80x128xf32, #tpu.memory_space<vmem>>
        %dma_wait3A_1056 = tpu.memref_squeeze %dma_wait3A_1055 : memref<1x80x128xf32, #tpu.memory_space<vmem>> -> memref<80x128xf32, #tpu.memory_space<vmem>>
        %dma_wait3A_1057 = arith.constant 0 : i32
        %dma_wait3A_1058 = arith.constant 0 : i32
        %dma_wait3A_1059 = tpu.memref_slice %arg2[%dma_wait3A_1057, %dma_wait3A_1058] : memref<80000x128xf32, #tpu.memory_space<hbm>> -> memref<80x128xf32, #tpu.memory_space<hbm>>
        %dma_wait3A_1060 = arith.constant 0 : i32
        %dma_wait3A_1061 = arith.constant 0 : i32
        %dma_wait3A_1062 = tpu.memref_slice %arg9[%dma_wait3A_1052, %dma_wait3A_1060, %dma_wait3A_1061] : memref<4x80x128xf32, #tpu.memory_space<vmem>> -> memref<1x80x128xf32, #tpu.memory_space<vmem>>
        %dma_wait3A_1063 = tpu.memref_squeeze %dma_wait3A_1062 : memref<1x80x128xf32, #tpu.memory_space<vmem>> -> memref<80x128xf32, #tpu.memory_space<vmem>>
        %dma_wait3A_1064 = arith.constant 0 : i32
        %dma_wait3A_1065 = arith.constant 0 : i32
        %dma_wait3A_1066 = tpu.memref_slice %arg2[%dma_wait3A_1064, %dma_wait3A_1065] : memref<80000x128xf32, #tpu.memory_space<hbm>> -> memref<80x128xf32, #tpu.memory_space<hbm>>
        tpu.wait_dma2 semaphore(%arg20 : memref<!tpu.dma_semaphore, #tpu.memory_space<semaphore_mem>>) src(%dma_wait3A_1066 : memref<80x128xf32, #tpu.memory_space<hbm>>) dst(%dma_wait3A_1063 : memref<80x128xf32, #tpu.memory_space<vmem>>)
        %dma_start3A_1067 = arith.constant 0 : i32
        %dma_start3A_1068 = arith.constant 4 : i32
        %dma_start3A_1069 = arith.constant 0 : i32
        %dma_start3A_1070 = arith.constant 0 : i32
        %dma_start3A_1071 = tpu.memref_slice %arg9[%dma_start3A_1067, %dma_start3A_1069, %dma_start3A_1070] : memref<4x80x128xf32, #tpu.memory_space<vmem>> -> memref<1x80x128xf32, #tpu.memory_space<vmem>>
        %dma_start3A_1072 = tpu.memref_squeeze %dma_start3A_1071 : memref<1x80x128xf32, #tpu.memory_space<vmem>> -> memref<80x128xf32, #tpu.memory_space<vmem>>
        %dma_start3A_1073 = arith.constant 0 : i32
        %dma_start3A_1074 = tpu.memref_slice %arg8[%dma_start3A_1068, %dma_start3A_1073] : memref<8x80xi32, #tpu.memory_space<vmem>> -> memref<1x80xi32, #tpu.memory_space<vmem>>
        %dma_start3A_1075 = tpu.memref_squeeze %dma_start3A_1074 : memref<1x80xi32, #tpu.memory_space<vmem>> -> memref<80xi32, #tpu.memory_space<vmem>>
        %dma_start3A_1076 = arith.constant 0 : i32
        %dma_start3A_1077 = arith.constant 0 : i32
        %dma_start3A_1078 = tpu.memref_slice %arg11[%dma_start3A_1076, %dma_start3A_1077] : memref<10000x128xf32, #tpu.memory_space<vmem_shared>> -> memref<10000x128xf32, #tpu.memory_space<vmem_shared>>
        tpu.enqueue_indirect_dma source(%dma_start3A_1072 : memref<80x128xf32, #tpu.memory_space<vmem>>) target(%dma_start3A_1078 : memref<10000x128xf32, #tpu.memory_space<vmem_shared>>) offsets(%dma_start3A_1075 : memref<80xi32, #tpu.memory_space<vmem>>) semaphore(%arg24 : memref<!tpu.dma_semaphore, #tpu.memory_space<semaphore_mem>>) {add = true}
        %dma_wait3A_1079 = arith.constant 0 : i32
        %dma_wait3A_1080 = arith.constant 4 : i32
        %dma_wait3A_1081 = arith.constant 0 : i32
        %dma_wait3A_1082 = arith.constant 0 : i32
        %dma_wait3A_1083 = tpu.memref_slice %arg9[%dma_wait3A_1079, %dma_wait3A_1081, %dma_wait3A_1082] : memref<4x80x128xf32, #tpu.memory_space<vmem>> -> memref<1x80x128xf32, #tpu.memory_space<vmem>>
        %dma_wait3A_1084 = tpu.memref_squeeze %dma_wait3A_1083 : memref<1x80x128xf32, #tpu.memory_space<vmem>> -> memref<80x128xf32, #tpu.memory_space<vmem>>
        %dma_wait3A_1085 = arith.constant 0 : i32
        %dma_wait3A_1086 = tpu.memref_slice %arg8[%dma_wait3A_1080, %dma_wait3A_1085] : memref<8x80xi32, #tpu.memory_space<vmem>> -> memref<1x80xi32, #tpu.memory_space<vmem>>
        %dma_wait3A_1087 = tpu.memref_squeeze %dma_wait3A_1086 : memref<1x80xi32, #tpu.memory_space<vmem>> -> memref<80xi32, #tpu.memory_space<vmem>>
        %dma_wait3A_1088 = arith.constant 0 : i32
        %dma_wait3A_1089 = arith.constant 0 : i32
        %dma_wait3A_1090 = tpu.memref_slice %arg11[%dma_wait3A_1088, %dma_wait3A_1089] : memref<10000x128xf32, #tpu.memory_space<vmem_shared>> -> memref<10000x128xf32, #tpu.memory_space<vmem_shared>>
        tpu.wait_indirect_dma semaphore(%arg24 : memref<!tpu.dma_semaphore, #tpu.memory_space<semaphore_mem>>) src(%dma_wait3A_1084 : memref<80x128xf32, #tpu.memory_space<vmem>>) dst(%dma_wait3A_1090 : memref<10000x128xf32, #tpu.memory_space<vmem_shared>>)
      } else {
      }
      %add3A_969 = arith.constant 8 : i32
      %add3A_970 = arith.addi %add3A_963, %add3A_969 : i32
      %lt3A_971 = arith.constant 125 : i32
      %lt3A_972 = arith.cmpi slt, %add3A_970, %lt3A_971 : i32
      %convert_element_type3A_973 = arith.extui %lt3A_972 : i1 to i32
      %cond3A_974 = arith.constant 0 : i32
      %cond3A_975 = arith.cmpi ne, %convert_element_type3A_973, %cond3A_974 : i32
      scf.if %cond3A_975 {
        %add3A_1052 = arith.constant 8 : i32
        %add3A_1053 = arith.addi %add3A_963, %add3A_1052 : i32
        %mul3A_1054 = arith.constant 80 : i32
        %mul3A_1055 = arith.muli %add3A_1053, %mul3A_1054 : i32
        %add3A_1056 = arith.addi %mul3A_2, %mul3A_1055 : i32
        %dma_start3A_1057 = arith.constant 4 : i32
        %dma_start3A_1058 = arith.constant 0 : i32
        %dma_start3A_1059 = tpu.memref_slice %arg6[%dma_start3A_1057, %dma_start3A_1058] : memref<8x80xi32, #tpu.memory_space<vmem>> -> memref<1x80xi32, #tpu.memory_space<vmem>>
        %dma_start3A_1060 = tpu.memref_squeeze %dma_start3A_1059 : memref<1x80xi32, #tpu.memory_space<vmem>> -> memref<80xi32, #tpu.memory_space<vmem>>
        %dma_start3A_1061 = tpu.memref_slice %arg3[%add3A_1056] : memref<640000xi32, #tpu.memory_space<hbm>> -> memref<80xi32, #tpu.memory_space<hbm>>
        %dma_start3A_1062 = arith.constant 0 : i32
        %dma_start3A_1063 = tpu.memref_slice %arg6[%dma_start3A_1057, %dma_start3A_1062] : memref<8x80xi32, #tpu.memory_space<vmem>> -> memref<1x80xi32, #tpu.memory_space<vmem>>
        %dma_start3A_1064 = tpu.memref_squeeze %dma_start3A_1063 : memref<1x80xi32, #tpu.memory_space<vmem>> -> memref<80xi32, #tpu.memory_space<vmem>>
        %dma_start3A_1065 = tpu.memref_slice %arg3[%add3A_1056] : memref<640000xi32, #tpu.memory_space<hbm>> -> memref<80xi32, #tpu.memory_space<hbm>>
        tpu.enqueue_dma source(%dma_start3A_1065 : memref<80xi32, #tpu.memory_space<hbm>>) target(%dma_start3A_1064 : memref<80xi32, #tpu.memory_space<vmem>>) target_semaphore(%arg16 : memref<!tpu.dma_semaphore, #tpu.memory_space<semaphore_mem>>)
        %dma_start3A_1066 = arith.constant 4 : i32
        %dma_start3A_1067 = arith.constant 0 : i32
        %dma_start3A_1068 = tpu.memref_slice %arg7[%dma_start3A_1066, %dma_start3A_1067] : memref<8x80xi32, #tpu.memory_space<vmem>> -> memref<1x80xi32, #tpu.memory_space<vmem>>
        %dma_start3A_1069 = tpu.memref_squeeze %dma_start3A_1068 : memref<1x80xi32, #tpu.memory_space<vmem>> -> memref<80xi32, #tpu.memory_space<vmem>>
        %dma_start3A_1070 = tpu.memref_slice %arg4[%add3A_1056] : memref<320000xi32, #tpu.memory_space<hbm>> -> memref<80xi32, #tpu.memory_space<hbm>>
        %dma_start3A_1071 = arith.constant 0 : i32
        %dma_start3A_1072 = tpu.memref_slice %arg7[%dma_start3A_1066, %dma_start3A_1071] : memref<8x80xi32, #tpu.memory_space<vmem>> -> memref<1x80xi32, #tpu.memory_space<vmem>>
        %dma_start3A_1073 = tpu.memref_squeeze %dma_start3A_1072 : memref<1x80xi32, #tpu.memory_space<vmem>> -> memref<80xi32, #tpu.memory_space<vmem>>
        %dma_start3A_1074 = tpu.memref_slice %arg4[%add3A_1056] : memref<320000xi32, #tpu.memory_space<hbm>> -> memref<80xi32, #tpu.memory_space<hbm>>
        tpu.enqueue_dma source(%dma_start3A_1074 : memref<80xi32, #tpu.memory_space<hbm>>) target(%dma_start3A_1073 : memref<80xi32, #tpu.memory_space<vmem>>) target_semaphore(%arg16 : memref<!tpu.dma_semaphore, #tpu.memory_space<semaphore_mem>>)
        %add3A_1075 = arith.constant 320000 : i32
        %add3A_1076 = arith.addi %add3A_1075, %add3A_1056 : i32
        %dma_start3A_1077 = arith.constant 4 : i32
        %dma_start3A_1078 = arith.constant 0 : i32
        %dma_start3A_1079 = tpu.memref_slice %arg8[%dma_start3A_1077, %dma_start3A_1078] : memref<8x80xi32, #tpu.memory_space<vmem>> -> memref<1x80xi32, #tpu.memory_space<vmem>>
        %dma_start3A_1080 = tpu.memref_squeeze %dma_start3A_1079 : memref<1x80xi32, #tpu.memory_space<vmem>> -> memref<80xi32, #tpu.memory_space<vmem>>
        %dma_start3A_1081 = tpu.memref_slice %arg3[%add3A_1076] : memref<640000xi32, #tpu.memory_space<hbm>> -> memref<80xi32, #tpu.memory_space<hbm>>
        %dma_start3A_1082 = arith.constant 0 : i32
        %dma_start3A_1083 = tpu.memref_slice %arg8[%dma_start3A_1077, %dma_start3A_1082] : memref<8x80xi32, #tpu.memory_space<vmem>> -> memref<1x80xi32, #tpu.memory_space<vmem>>
        %dma_start3A_1084 = tpu.memref_squeeze %dma_start3A_1083 : memref<1x80xi32, #tpu.memory_space<vmem>> -> memref<80xi32, #tpu.memory_space<vmem>>
        %dma_start3A_1085 = tpu.memref_slice %arg3[%add3A_1076] : memref<640000xi32, #tpu.memory_space<hbm>> -> memref<80xi32, #tpu.memory_space<hbm>>
        tpu.enqueue_dma source(%dma_start3A_1085 : memref<80xi32, #tpu.memory_space<hbm>>) target(%dma_start3A_1084 : memref<80xi32, #tpu.memory_space<vmem>>) target_semaphore(%arg16 : memref<!tpu.dma_semaphore, #tpu.memory_space<semaphore_mem>>)
      } else {
      }
      %add3A_976 = arith.constant 4 : i32
      %add3A_977 = arith.addi %add3A_963, %add3A_976 : i32
      %lt3A_978 = arith.constant 125 : i32
      %lt3A_979 = arith.cmpi slt, %add3A_977, %lt3A_978 : i32
      %convert_element_type3A_980 = arith.extui %lt3A_979 : i1 to i32
      %cond3A_981 = arith.constant 0 : i32
      %cond3A_982 = arith.cmpi ne, %convert_element_type3A_980, %cond3A_981 : i32
      scf.if %cond3A_982 {
        %dma_wait3A_1052 = arith.constant 0 : i32
        %dma_wait3A_1053 = arith.constant 0 : i32
        %dma_wait3A_1054 = tpu.memref_slice %arg6[%dma_wait3A_1052, %dma_wait3A_1053] : memref<8x80xi32, #tpu.memory_space<vmem>> -> memref<1x80xi32, #tpu.memory_space<vmem>>
        %dma_wait3A_1055 = tpu.memref_squeeze %dma_wait3A_1054 : memref<1x80xi32, #tpu.memory_space<vmem>> -> memref<80xi32, #tpu.memory_space<vmem>>
        %dma_wait3A_1056 = arith.constant 0 : i32
        %dma_wait3A_1057 = tpu.memref_slice %arg3[%dma_wait3A_1056] : memref<640000xi32, #tpu.memory_space<hbm>> -> memref<80xi32, #tpu.memory_space<hbm>>
        %dma_wait3A_1058 = arith.constant 0 : i32
        %dma_wait3A_1059 = tpu.memref_slice %arg6[%dma_wait3A_1052, %dma_wait3A_1058] : memref<8x80xi32, #tpu.memory_space<vmem>> -> memref<1x80xi32, #tpu.memory_space<vmem>>
        %dma_wait3A_1060 = tpu.memref_squeeze %dma_wait3A_1059 : memref<1x80xi32, #tpu.memory_space<vmem>> -> memref<80xi32, #tpu.memory_space<vmem>>
        %dma_wait3A_1061 = arith.constant 0 : i32
        %dma_wait3A_1062 = tpu.memref_slice %arg3[%dma_wait3A_1061] : memref<640000xi32, #tpu.memory_space<hbm>> -> memref<80xi32, #tpu.memory_space<hbm>>
        tpu.wait_dma2 semaphore(%arg12 : memref<!tpu.dma_semaphore, #tpu.memory_space<semaphore_mem>>) src(%dma_wait3A_1062 : memref<80xi32, #tpu.memory_space<hbm>>) dst(%dma_wait3A_1060 : memref<80xi32, #tpu.memory_space<vmem>>)
        %dma_wait3A_1063 = arith.constant 0 : i32
        %dma_wait3A_1064 = arith.constant 0 : i32
        %dma_wait3A_1065 = tpu.memref_slice %arg7[%dma_wait3A_1063, %dma_wait3A_1064] : memref<8x80xi32, #tpu.memory_space<vmem>> -> memref<1x80xi32, #tpu.memory_space<vmem>>
        %dma_wait3A_1066 = tpu.memref_squeeze %dma_wait3A_1065 : memref<1x80xi32, #tpu.memory_space<vmem>> -> memref<80xi32, #tpu.memory_space<vmem>>
        %dma_wait3A_1067 = arith.constant 0 : i32
        %dma_wait3A_1068 = tpu.memref_slice %arg3[%dma_wait3A_1067] : memref<640000xi32, #tpu.memory_space<hbm>> -> memref<80xi32, #tpu.memory_space<hbm>>
        %dma_wait3A_1069 = arith.constant 0 : i32
        %dma_wait3A_1070 = tpu.memref_slice %arg7[%dma_wait3A_1063, %dma_wait3A_1069] : memref<8x80xi32, #tpu.memory_space<vmem>> -> memref<1x80xi32, #tpu.memory_space<vmem>>
        %dma_wait3A_1071 = tpu.memref_squeeze %dma_wait3A_1070 : memref<1x80xi32, #tpu.memory_space<vmem>> -> memref<80xi32, #tpu.memory_space<vmem>>
        %dma_wait3A_1072 = arith.constant 0 : i32
        %dma_wait3A_1073 = tpu.memref_slice %arg3[%dma_wait3A_1072] : memref<640000xi32, #tpu.memory_space<hbm>> -> memref<80xi32, #tpu.memory_space<hbm>>
        tpu.wait_dma2 semaphore(%arg12 : memref<!tpu.dma_semaphore, #tpu.memory_space<semaphore_mem>>) src(%dma_wait3A_1073 : memref<80xi32, #tpu.memory_space<hbm>>) dst(%dma_wait3A_1071 : memref<80xi32, #tpu.memory_space<vmem>>)
        %dma_wait3A_1074 = arith.constant 0 : i32
        %dma_wait3A_1075 = arith.constant 0 : i32
        %dma_wait3A_1076 = tpu.memref_slice %arg8[%dma_wait3A_1074, %dma_wait3A_1075] : memref<8x80xi32, #tpu.memory_space<vmem>> -> memref<1x80xi32, #tpu.memory_space<vmem>>
        %dma_wait3A_1077 = tpu.memref_squeeze %dma_wait3A_1076 : memref<1x80xi32, #tpu.memory_space<vmem>> -> memref<80xi32, #tpu.memory_space<vmem>>
        %dma_wait3A_1078 = arith.constant 0 : i32
        %dma_wait3A_1079 = tpu.memref_slice %arg3[%dma_wait3A_1078] : memref<640000xi32, #tpu.memory_space<hbm>> -> memref<80xi32, #tpu.memory_space<hbm>>
        %dma_wait3A_1080 = arith.constant 0 : i32
        %dma_wait3A_1081 = tpu.memref_slice %arg8[%dma_wait3A_1074, %dma_wait3A_1080] : memref<8x80xi32, #tpu.memory_space<vmem>> -> memref<1x80xi32, #tpu.memory_space<vmem>>
        %dma_wait3A_1082 = tpu.memref_squeeze %dma_wait3A_1081 : memref<1x80xi32, #tpu.memory_space<vmem>> -> memref<80xi32, #tpu.memory_space<vmem>>
        %dma_wait3A_1083 = arith.constant 0 : i32
        %dma_wait3A_1084 = tpu.memref_slice %arg3[%dma_wait3A_1083] : memref<640000xi32, #tpu.memory_space<hbm>> -> memref<80xi32, #tpu.memory_space<hbm>>
        tpu.wait_dma2 semaphore(%arg12 : memref<!tpu.dma_semaphore, #tpu.memory_space<semaphore_mem>>) src(%dma_wait3A_1084 : memref<80xi32, #tpu.memory_space<hbm>>) dst(%dma_wait3A_1082 : memref<80xi32, #tpu.memory_space<vmem>>)
        %get3A_1085 = arith.constant 0 : i32
        %get3A_1086 = arith.index_cast %get3A_1085 : i32 to index
        %get3A_1087 = arith.constant 0 : index
        %get3A_1088 = tpu.vector_load %arg7[%get3A_1086, %get3A_1087] {strides = array<i32>} : memref<8x80xi32, #tpu.memory_space<vmem>>, vector<1x16xi32>,
        %get3A_1089 = vector.shape_cast %get3A_1088 : vector<1x16xi32> to vector<16xi32>
        %mul3A_1090 = arith.constant 10000 : i32
        %mul3A_1091 = vector.broadcast %mul3A_1090 : i32 to vector<16xi32>
        %mul3A_1092 = arith.muli %get3A_1089, %mul3A_1091 : vector<16xi32>
        %get3A_1093 = arith.constant 0 : i32
        %get3A_1094 = arith.index_cast %get3A_1093 : i32 to index
        %get3A_1095 = arith.constant 0 : index
        %get3A_1096 = tpu.vector_load %arg6[%get3A_1094, %get3A_1095] {strides = array<i32>} : memref<8x80xi32, #tpu.memory_space<vmem>>, vector<1x16xi32>,
        %get3A_1097 = vector.shape_cast %get3A_1096 : vector<1x16xi32> to vector<16xi32>
        %add3A_1098 = arith.addi %mul3A_1092, %get3A_1097 : vector<16xi32>
        %swap3A_1099 = arith.constant 0 : i32
        %swap3A_1100 = arith.index_cast %swap3A_1099 : i32 to index
        %swap3A_1101 = arith.constant 0 : index
        %swap3A_1102 = tpu.vector_load %arg6[%swap3A_1100, %swap3A_1101] {strides = array<i32>} : memref<8x80xi32, #tpu.memory_space<vmem>>, vector<1x16xi32>,
        %swap3A_1103 = vector.shape_cast %swap3A_1102 : vector<1x16xi32> to vector<16xi32>
        %swap3A_1104 = vector.shape_cast %add3A_1098 : vector<16xi32> to vector<1x16xi32>
        tpu.vector_store %arg6[%swap3A_1100, %swap3A_1101], %swap3A_1104 {strides = array<i32>} : memref<8x80xi32, #tpu.memory_space<vmem>>, vector<1x16xi32>,
        %get3A_1105 = arith.constant 0 : i32
        %get3A_1106 = arith.index_cast %get3A_1105 : i32 to index
        %get3A_1107 = arith.constant 16 : index
        %get3A_1108 = tpu.vector_load %arg7[%get3A_1106, %get3A_1107] {strides = array<i32>} : memref<8x80xi32, #tpu.memory_space<vmem>>, vector<1x16xi32>,
        %get3A_1109 = vector.shape_cast %get3A_1108 : vector<1x16xi32> to vector<16xi32>
        %mul3A_1110 = arith.constant 10000 : i32
        %mul3A_1111 = vector.broadcast %mul3A_1110 : i32 to vector<16xi32>
        %mul3A_1112 = arith.muli %get3A_1109, %mul3A_1111 : vector<16xi32>
        %get3A_1113 = arith.constant 0 : i32
        %get3A_1114 = arith.index_cast %get3A_1113 : i32 to index
        %get3A_1115 = arith.constant 16 : index
        %get3A_1116 = tpu.vector_load %arg6[%get3A_1114, %get3A_1115] {strides = array<i32>} : memref<8x80xi32, #tpu.memory_space<vmem>>, vector<1x16xi32>,
        %get3A_1117 = vector.shape_cast %get3A_1116 : vector<1x16xi32> to vector<16xi32>
        %add3A_1118 = arith.addi %mul3A_1112, %get3A_1117 : vector<16xi32>
        %swap3A_1119 = arith.constant 0 : i32
        %swap3A_1120 = arith.index_cast %swap3A_1119 : i32 to index
        %swap3A_1121 = arith.constant 16 : index
        %swap3A_1122 = tpu.vector_load %arg6[%swap3A_1120, %swap3A_1121] {strides = array<i32>} : memref<8x80xi32, #tpu.memory_space<vmem>>, vector<1x16xi32>,
        %swap3A_1123 = vector.shape_cast %swap3A_1122 : vector<1x16xi32> to vector<16xi32>
        %swap3A_1124 = vector.shape_cast %add3A_1118 : vector<16xi32> to vector<1x16xi32>
        tpu.vector_store %arg6[%swap3A_1120, %swap3A_1121], %swap3A_1124 {strides = array<i32>} : memref<8x80xi32, #tpu.memory_space<vmem>>, vector<1x16xi32>,
        %get3A_1125 = arith.constant 0 : i32
        %get3A_1126 = arith.index_cast %get3A_1125 : i32 to index
        %get3A_1127 = arith.constant 32 : index
        %get3A_1128 = tpu.vector_load %arg7[%get3A_1126, %get3A_1127] {strides = array<i32>} : memref<8x80xi32, #tpu.memory_space<vmem>>, vector<1x16xi32>,
        %get3A_1129 = vector.shape_cast %get3A_1128 : vector<1x16xi32> to vector<16xi32>
        %mul3A_1130 = arith.constant 10000 : i32
        %mul3A_1131 = vector.broadcast %mul3A_1130 : i32 to vector<16xi32>
        %mul3A_1132 = arith.muli %get3A_1129, %mul3A_1131 : vector<16xi32>
        %get3A_1133 = arith.constant 0 : i32
        %get3A_1134 = arith.index_cast %get3A_1133 : i32 to index
        %get3A_1135 = arith.constant 32 : index
        %get3A_1136 = tpu.vector_load %arg6[%get3A_1134, %get3A_1135] {strides = array<i32>} : memref<8x80xi32, #tpu.memory_space<vmem>>, vector<1x16xi32>,
        %get3A_1137 = vector.shape_cast %get3A_1136 : vector<1x16xi32> to vector<16xi32>
        %add3A_1138 = arith.addi %mul3A_1132, %get3A_1137 : vector<16xi32>
        %swap3A_1139 = arith.constant 0 : i32
        %swap3A_1140 = arith.index_cast %swap3A_1139 : i32 to index
        %swap3A_1141 = arith.constant 32 : index
        %swap3A_1142 = tpu.vector_load %arg6[%swap3A_1140, %swap3A_1141] {strides = array<i32>} : memref<8x80xi32, #tpu.memory_space<vmem>>, vector<1x16xi32>,
        %swap3A_1143 = vector.shape_cast %swap3A_1142 : vector<1x16xi32> to vector<16xi32>
        %swap3A_1144 = vector.shape_cast %add3A_1138 : vector<16xi32> to vector<1x16xi32>
        tpu.vector_store %arg6[%swap3A_1140, %swap3A_1141], %swap3A_1144 {strides = array<i32>} : memref<8x80xi32, #tpu.memory_space<vmem>>, vector<1x16xi32>,
        %get3A_1145 = arith.constant 0 : i32
        %get3A_1146 = arith.index_cast %get3A_1145 : i32 to index
        %get3A_1147 = arith.constant 48 : index
        %get3A_1148 = tpu.vector_load %arg7[%get3A_1146, %get3A_1147] {strides = array<i32>} : memref<8x80xi32, #tpu.memory_space<vmem>>, vector<1x16xi32>,
        %get3A_1149 = vector.shape_cast %get3A_1148 : vector<1x16xi32> to vector<16xi32>
        %mul3A_1150 = arith.constant 10000 : i32
        %mul3A_1151 = vector.broadcast %mul3A_1150 : i32 to vector<16xi32>
        %mul3A_1152 = arith.muli %get3A_1149, %mul3A_1151 : vector<16xi32>
        %get3A_1153 = arith.constant 0 : i32
        %get3A_1154 = arith.index_cast %get3A_1153 : i32 to index
        %get3A_1155 = arith.constant 48 : index
        %get3A_1156 = tpu.vector_load %arg6[%get3A_1154, %get3A_1155] {strides = array<i32>} : memref<8x80xi32, #tpu.memory_space<vmem>>, vector<1x16xi32>,
        %get3A_1157 = vector.shape_cast %get3A_1156 : vector<1x16xi32> to vector<16xi32>
        %add3A_1158 = arith.addi %mul3A_1152, %get3A_1157 : vector<16xi32>
        %swap3A_1159 = arith.constant 0 : i32
        %swap3A_1160 = arith.index_cast %swap3A_1159 : i32 to index
        %swap3A_1161 = arith.constant 48 : index
        %swap3A_1162 = tpu.vector_load %arg6[%swap3A_1160, %swap3A_1161] {strides = array<i32>} : memref<8x80xi32, #tpu.memory_space<vmem>>, vector<1x16xi32>,
        %swap3A_1163 = vector.shape_cast %swap3A_1162 : vector<1x16xi32> to vector<16xi32>
        %swap3A_1164 = vector.shape_cast %add3A_1158 : vector<16xi32> to vector<1x16xi32>
        tpu.vector_store %arg6[%swap3A_1160, %swap3A_1161], %swap3A_1164 {strides = array<i32>} : memref<8x80xi32, #tpu.memory_space<vmem>>, vector<1x16xi32>,
        %get3A_1165 = arith.constant 0 : i32
        %get3A_1166 = arith.index_cast %get3A_1165 : i32 to index
        %get3A_1167 = arith.constant 64 : index
        %get3A_1168 = tpu.vector_load %arg7[%get3A_1166, %get3A_1167] {strides = array<i32>} : memref<8x80xi32, #tpu.memory_space<vmem>>, vector<1x16xi32>,
        %get3A_1169 = vector.shape_cast %get3A_1168 : vector<1x16xi32> to vector<16xi32>
        %mul3A_1170 = arith.constant 10000 : i32
        %mul3A_1171 = vector.broadcast %mul3A_1170 : i32 to vector<16xi32>
        %mul3A_1172 = arith.muli %get3A_1169, %mul3A_1171 : vector<16xi32>
        %get3A_1173 = arith.constant 0 : i32
        %get3A_1174 = arith.index_cast %get3A_1173 : i32 to index
        %get3A_1175 = arith.constant 64 : index
        %get3A_1176 = tpu.vector_load %arg6[%get3A_1174, %get3A_1175] {strides = array<i32>} : memref<8x80xi32, #tpu.memory_space<vmem>>, vector<1x16xi32>,
        %get3A_1177 = vector.shape_cast %get3A_1176 : vector<1x16xi32> to vector<16xi32>
        %add3A_1178 = arith.addi %mul3A_1172, %get3A_1177 : vector<16xi32>
        %swap3A_1179 = arith.constant 0 : i32
        %swap3A_1180 = arith.index_cast %swap3A_1179 : i32 to index
        %swap3A_1181 = arith.constant 64 : index
        %swap3A_1182 = tpu.vector_load %arg6[%swap3A_1180, %swap3A_1181] {strides = array<i32>} : memref<8x80xi32, #tpu.memory_space<vmem>>, vector<1x16xi32>,
        %swap3A_1183 = vector.shape_cast %swap3A_1182 : vector<1x16xi32> to vector<16xi32>
        %swap3A_1184 = vector.shape_cast %add3A_1178 : vector<16xi32> to vector<1x16xi32>
        tpu.vector_store %arg6[%swap3A_1180, %swap3A_1181], %swap3A_1184 {strides = array<i32>} : memref<8x80xi32, #tpu.memory_space<vmem>>, vector<1x16xi32>,
        %dma_start3A_1185 = arith.constant 0 : i32
        %dma_start3A_1186 = arith.constant 0 : i32
        %dma_start3A_1187 = arith.constant 0 : i32
        %dma_start3A_1188 = arith.constant 0 : i32
        %dma_start3A_1189 = tpu.memref_slice %arg9[%dma_start3A_1186, %dma_start3A_1187, %dma_start3A_1188] : memref<4x80x128xf32, #tpu.memory_space<vmem>> -> memref<1x80x128xf32, #tpu.memory_space<vmem>>
        %dma_start3A_1190 = tpu.memref_squeeze %dma_start3A_1189 : memref<1x80x128xf32, #tpu.memory_space<vmem>> -> memref<80x128xf32, #tpu.memory_space<vmem>>
        %dma_start3A_1191 = arith.constant 0 : i32
        %dma_start3A_1192 = tpu.memref_slice %arg6[%dma_start3A_1185, %dma_start3A_1191] : memref<8x80xi32, #tpu.memory_space<vmem>> -> memref<1x80xi32, #tpu.memory_space<vmem>>
        %dma_start3A_1193 = tpu.memref_squeeze %dma_start3A_1192 : memref<1x80xi32, #tpu.memory_space<vmem>> -> memref<80xi32, #tpu.memory_space<vmem>>
        %dma_start3A_1194 = arith.constant 0 : i32
        %dma_start3A_1195 = arith.constant 0 : i32
        %dma_start3A_1196 = tpu.memref_slice %arg2[%dma_start3A_1194, %dma_start3A_1195] : memref<80000x128xf32, #tpu.memory_space<hbm>> -> memref<80000x128xf32, #tpu.memory_space<hbm>>
        tpu.enqueue_indirect_dma source(%dma_start3A_1196 : memref<80000x128xf32, #tpu.memory_space<hbm>>) target(%dma_start3A_1190 : memref<80x128xf32, #tpu.memory_space<vmem>>) offsets(%dma_start3A_1193 : memref<80xi32, #tpu.memory_space<vmem>>) semaphore(%arg20 : memref<!tpu.dma_semaphore, #tpu.memory_space<semaphore_mem>>)
      } else {
      }
      %mul3A_983 = arith.constant 8 : i32
      %mul3A_984 = arith.muli %scan3A_868, %mul3A_983 : i32
      %add3A_985 = arith.constant 5 : i32
      %add3A_986 = arith.addi %mul3A_984, %add3A_985 : i32
      %lt3A_987 = arith.constant 125 : i32
      %lt3A_988 = arith.cmpi slt, %add3A_986, %lt3A_987 : i32
      %convert_element_type3A_989 = arith.extui %lt3A_988 : i1 to i32
      %cond3A_990 = arith.constant 0 : i32
      %cond3A_991 = arith.cmpi ne, %convert_element_type3A_989, %cond3A_990 : i32
      scf.if %cond3A_991 {
        %dma_wait3A_1052 = arith.constant 1 : i32
        %dma_wait3A_1053 = arith.constant 0 : i32
        %dma_wait3A_1054 = arith.constant 0 : i32
        %dma_wait3A_1055 = tpu.memref_slice %arg9[%dma_wait3A_1052, %dma_wait3A_1053, %dma_wait3A_1054] : memref<4x80x128xf32, #tpu.memory_space<vmem>> -> memref<1x80x128xf32, #tpu.memory_space<vmem>>
        %dma_wait3A_1056 = tpu.memref_squeeze %dma_wait3A_1055 : memref<1x80x128xf32, #tpu.memory_space<vmem>> -> memref<80x128xf32, #tpu.memory_space<vmem>>
        %dma_wait3A_1057 = arith.constant 0 : i32
        %dma_wait3A_1058 = arith.constant 0 : i32
        %dma_wait3A_1059 = tpu.memref_slice %arg2[%dma_wait3A_1057, %dma_wait3A_1058] : memref<80000x128xf32, #tpu.memory_space<hbm>> -> memref<80x128xf32, #tpu.memory_space<hbm>>
        %dma_wait3A_1060 = arith.constant 0 : i32
        %dma_wait3A_1061 = arith.constant 0 : i32
        %dma_wait3A_1062 = tpu.memref_slice %arg9[%dma_wait3A_1052, %dma_wait3A_1060, %dma_wait3A_1061] : memref<4x80x128xf32, #tpu.memory_space<vmem>> -> memref<1x80x128xf32, #tpu.memory_space<vmem>>
        %dma_wait3A_1063 = tpu.memref_squeeze %dma_wait3A_1062 : memref<1x80x128xf32, #tpu.memory_space<vmem>> -> memref<80x128xf32, #tpu.memory_space<vmem>>
        %dma_wait3A_1064 = arith.constant 0 : i32
        %dma_wait3A_1065 = arith.constant 0 : i32
        %dma_wait3A_1066 = tpu.memref_slice %arg2[%dma_wait3A_1064, %dma_wait3A_1065] : memref<80000x128xf32, #tpu.memory_space<hbm>> -> memref<80x128xf32, #tpu.memory_space<hbm>>
        tpu.wait_dma2 semaphore(%arg21 : memref<!tpu.dma_semaphore, #tpu.memory_space<semaphore_mem>>) src(%dma_wait3A_1066 : memref<80x128xf32, #tpu.memory_space<hbm>>) dst(%dma_wait3A_1063 : memref<80x128xf32, #tpu.memory_space<vmem>>)
        %dma_start3A_1067 = arith.constant 1 : i32
        %dma_start3A_1068 = arith.constant 5 : i32
        %dma_start3A_1069 = arith.constant 0 : i32
        %dma_start3A_1070 = arith.constant 0 : i32
        %dma_start3A_1071 = tpu.memref_slice %arg9[%dma_start3A_1067, %dma_start3A_1069, %dma_start3A_1070] : memref<4x80x128xf32, #tpu.memory_space<vmem>> -> memref<1x80x128xf32, #tpu.memory_space<vmem>>
        %dma_start3A_1072 = tpu.memref_squeeze %dma_start3A_1071 : memref<1x80x128xf32, #tpu.memory_space<vmem>> -> memref<80x128xf32, #tpu.memory_space<vmem>>
        %dma_start3A_1073 = arith.constant 0 : i32
        %dma_start3A_1074 = tpu.memref_slice %arg8[%dma_start3A_1068, %dma_start3A_1073] : memref<8x80xi32, #tpu.memory_space<vmem>> -> memref<1x80xi32, #tpu.memory_space<vmem>>
        %dma_start3A_1075 = tpu.memref_squeeze %dma_start3A_1074 : memref<1x80xi32, #tpu.memory_space<vmem>> -> memref<80xi32, #tpu.memory_space<vmem>>
        %dma_start3A_1076 = arith.constant 0 : i32
        %dma_start3A_1077 = arith.constant 0 : i32
        %dma_start3A_1078 = tpu.memref_slice %arg11[%dma_start3A_1076, %dma_start3A_1077] : memref<10000x128xf32, #tpu.memory_space<vmem_shared>> -> memref<10000x128xf32, #tpu.memory_space<vmem_shared>>
        tpu.enqueue_indirect_dma source(%dma_start3A_1072 : memref<80x128xf32, #tpu.memory_space<vmem>>) target(%dma_start3A_1078 : memref<10000x128xf32, #tpu.memory_space<vmem_shared>>) offsets(%dma_start3A_1075 : memref<80xi32, #tpu.memory_space<vmem>>) semaphore(%arg24 : memref<!tpu.dma_semaphore, #tpu.memory_space<semaphore_mem>>) {add = true}
        %dma_wait3A_1079 = arith.constant 1 : i32
        %dma_wait3A_1080 = arith.constant 5 : i32
        %dma_wait3A_1081 = arith.constant 0 : i32
        %dma_wait3A_1082 = arith.constant 0 : i32
        %dma_wait3A_1083 = tpu.memref_slice %arg9[%dma_wait3A_1079, %dma_wait3A_1081, %dma_wait3A_1082] : memref<4x80x128xf32, #tpu.memory_space<vmem>> -> memref<1x80x128xf32, #tpu.memory_space<vmem>>
        %dma_wait3A_1084 = tpu.memref_squeeze %dma_wait3A_1083 : memref<1x80x128xf32, #tpu.memory_space<vmem>> -> memref<80x128xf32, #tpu.memory_space<vmem>>
        %dma_wait3A_1085 = arith.constant 0 : i32
        %dma_wait3A_1086 = tpu.memref_slice %arg8[%dma_wait3A_1080, %dma_wait3A_1085] : memref<8x80xi32, #tpu.memory_space<vmem>> -> memref<1x80xi32, #tpu.memory_space<vmem>>
        %dma_wait3A_1087 = tpu.memref_squeeze %dma_wait3A_1086 : memref<1x80xi32, #tpu.memory_space<vmem>> -> memref<80xi32, #tpu.memory_space<vmem>>
        %dma_wait3A_1088 = arith.constant 0 : i32
        %dma_wait3A_1089 = arith.constant 0 : i32
        %dma_wait3A_1090 = tpu.memref_slice %arg11[%dma_wait3A_1088, %dma_wait3A_1089] : memref<10000x128xf32, #tpu.memory_space<vmem_shared>> -> memref<10000x128xf32, #tpu.memory_space<vmem_shared>>
        tpu.wait_indirect_dma semaphore(%arg24 : memref<!tpu.dma_semaphore, #tpu.memory_space<semaphore_mem>>) src(%dma_wait3A_1084 : memref<80x128xf32, #tpu.memory_space<vmem>>) dst(%dma_wait3A_1090 : memref<10000x128xf32, #tpu.memory_space<vmem_shared>>)
      } else {
      }
      %add3A_992 = arith.constant 8 : i32
      %add3A_993 = arith.addi %add3A_986, %add3A_992 : i32
      %lt3A_994 = arith.constant 125 : i32
      %lt3A_995 = arith.cmpi slt, %add3A_993, %lt3A_994 : i32
      %convert_element_type3A_996 = arith.extui %lt3A_995 : i1 to i32
      %cond3A_997 = arith.constant 0 : i32
      %cond3A_998 = arith.cmpi ne, %convert_element_type3A_996, %cond3A_997 : i32
      scf.if %cond3A_998 {
        %add3A_1052 = arith.constant 8 : i32
        %add3A_1053 = arith.addi %add3A_986, %add3A_1052 : i32
        %mul3A_1054 = arith.constant 80 : i32
        %mul3A_1055 = arith.muli %add3A_1053, %mul3A_1054 : i32
        %add3A_1056 = arith.addi %mul3A_2, %mul3A_1055 : i32
        %dma_start3A_1057 = arith.constant 5 : i32
        %dma_start3A_1058 = arith.constant 0 : i32
        %dma_start3A_1059 = tpu.memref_slice %arg6[%dma_start3A_1057, %dma_start3A_1058] : memref<8x80xi32, #tpu.memory_space<vmem>> -> memref<1x80xi32, #tpu.memory_space<vmem>>
        %dma_start3A_1060 = tpu.memref_squeeze %dma_start3A_1059 : memref<1x80xi32, #tpu.memory_space<vmem>> -> memref<80xi32, #tpu.memory_space<vmem>>
        %dma_start3A_1061 = tpu.memref_slice %arg3[%add3A_1056] : memref<640000xi32, #tpu.memory_space<hbm>> -> memref<80xi32, #tpu.memory_space<hbm>>
        %dma_start3A_1062 = arith.constant 0 : i32
        %dma_start3A_1063 = tpu.memref_slice %arg6[%dma_start3A_1057, %dma_start3A_1062] : memref<8x80xi32, #tpu.memory_space<vmem>> -> memref<1x80xi32, #tpu.memory_space<vmem>>
        %dma_start3A_1064 = tpu.memref_squeeze %dma_start3A_1063 : memref<1x80xi32, #tpu.memory_space<vmem>> -> memref<80xi32, #tpu.memory_space<vmem>>
        %dma_start3A_1065 = tpu.memref_slice %arg3[%add3A_1056] : memref<640000xi32, #tpu.memory_space<hbm>> -> memref<80xi32, #tpu.memory_space<hbm>>
        tpu.enqueue_dma source(%dma_start3A_1065 : memref<80xi32, #tpu.memory_space<hbm>>) target(%dma_start3A_1064 : memref<80xi32, #tpu.memory_space<vmem>>) target_semaphore(%arg17 : memref<!tpu.dma_semaphore, #tpu.memory_space<semaphore_mem>>)
        %dma_start3A_1066 = arith.constant 5 : i32
        %dma_start3A_1067 = arith.constant 0 : i32
        %dma_start3A_1068 = tpu.memref_slice %arg7[%dma_start3A_1066, %dma_start3A_1067] : memref<8x80xi32, #tpu.memory_space<vmem>> -> memref<1x80xi32, #tpu.memory_space<vmem>>
        %dma_start3A_1069 = tpu.memref_squeeze %dma_start3A_1068 : memref<1x80xi32, #tpu.memory_space<vmem>> -> memref<80xi32, #tpu.memory_space<vmem>>
        %dma_start3A_1070 = tpu.memref_slice %arg4[%add3A_1056] : memref<320000xi32, #tpu.memory_space<hbm>> -> memref<80xi32, #tpu.memory_space<hbm>>
        %dma_start3A_1071 = arith.constant 0 : i32
        %dma_start3A_1072 = tpu.memref_slice %arg7[%dma_start3A_1066, %dma_start3A_1071] : memref<8x80xi32, #tpu.memory_space<vmem>> -> memref<1x80xi32, #tpu.memory_space<vmem>>
        %dma_start3A_1073 = tpu.memref_squeeze %dma_start3A_1072 : memref<1x80xi32, #tpu.memory_space<vmem>> -> memref<80xi32, #tpu.memory_space<vmem>>
        %dma_start3A_1074 = tpu.memref_slice %arg4[%add3A_1056] : memref<320000xi32, #tpu.memory_space<hbm>> -> memref<80xi32, #tpu.memory_space<hbm>>
        tpu.enqueue_dma source(%dma_start3A_1074 : memref<80xi32, #tpu.memory_space<hbm>>) target(%dma_start3A_1073 : memref<80xi32, #tpu.memory_space<vmem>>) target_semaphore(%arg17 : memref<!tpu.dma_semaphore, #tpu.memory_space<semaphore_mem>>)
        %add3A_1075 = arith.constant 320000 : i32
        %add3A_1076 = arith.addi %add3A_1075, %add3A_1056 : i32
        %dma_start3A_1077 = arith.constant 5 : i32
        %dma_start3A_1078 = arith.constant 0 : i32
        %dma_start3A_1079 = tpu.memref_slice %arg8[%dma_start3A_1077, %dma_start3A_1078] : memref<8x80xi32, #tpu.memory_space<vmem>> -> memref<1x80xi32, #tpu.memory_space<vmem>>
        %dma_start3A_1080 = tpu.memref_squeeze %dma_start3A_1079 : memref<1x80xi32, #tpu.memory_space<vmem>> -> memref<80xi32, #tpu.memory_space<vmem>>
        %dma_start3A_1081 = tpu.memref_slice %arg3[%add3A_1076] : memref<640000xi32, #tpu.memory_space<hbm>> -> memref<80xi32, #tpu.memory_space<hbm>>
        %dma_start3A_1082 = arith.constant 0 : i32
        %dma_start3A_1083 = tpu.memref_slice %arg8[%dma_start3A_1077, %dma_start3A_1082] : memref<8x80xi32, #tpu.memory_space<vmem>> -> memref<1x80xi32, #tpu.memory_space<vmem>>
        %dma_start3A_1084 = tpu.memref_squeeze %dma_start3A_1083 : memref<1x80xi32, #tpu.memory_space<vmem>> -> memref<80xi32, #tpu.memory_space<vmem>>
        %dma_start3A_1085 = tpu.memref_slice %arg3[%add3A_1076] : memref<640000xi32, #tpu.memory_space<hbm>> -> memref<80xi32, #tpu.memory_space<hbm>>
        tpu.enqueue_dma source(%dma_start3A_1085 : memref<80xi32, #tpu.memory_space<hbm>>) target(%dma_start3A_1084 : memref<80xi32, #tpu.memory_space<vmem>>) target_semaphore(%arg17 : memref<!tpu.dma_semaphore, #tpu.memory_space<semaphore_mem>>)
      } else {
      }
      %add3A_999 = arith.constant 4 : i32
      %add3A_1000 = arith.addi %add3A_986, %add3A_999 : i32
      %lt3A_1001 = arith.constant 125 : i32
      %lt3A_1002 = arith.cmpi slt, %add3A_1000, %lt3A_1001 : i32
      %convert_element_type3A_1003 = arith.extui %lt3A_1002 : i1 to i32
      %cond3A_1004 = arith.constant 0 : i32
      %cond3A_1005 = arith.cmpi ne, %convert_element_type3A_1003, %cond3A_1004 : i32
      scf.if %cond3A_1005 {
        %dma_wait3A_1052 = arith.constant 1 : i32
        %dma_wait3A_1053 = arith.constant 0 : i32
        %dma_wait3A_1054 = tpu.memref_slice %arg6[%dma_wait3A_1052, %dma_wait3A_1053] : memref<8x80xi32, #tpu.memory_space<vmem>> -> memref<1x80xi32, #tpu.memory_space<vmem>>
        %dma_wait3A_1055 = tpu.memref_squeeze %dma_wait3A_1054 : memref<1x80xi32, #tpu.memory_space<vmem>> -> memref<80xi32, #tpu.memory_space<vmem>>
        %dma_wait3A_1056 = arith.constant 0 : i32
        %dma_wait3A_1057 = tpu.memref_slice %arg3[%dma_wait3A_1056] : memref<640000xi32, #tpu.memory_space<hbm>> -> memref<80xi32, #tpu.memory_space<hbm>>
        %dma_wait3A_1058 = arith.constant 0 : i32
        %dma_wait3A_1059 = tpu.memref_slice %arg6[%dma_wait3A_1052, %dma_wait3A_1058] : memref<8x80xi32, #tpu.memory_space<vmem>> -> memref<1x80xi32, #tpu.memory_space<vmem>>
        %dma_wait3A_1060 = tpu.memref_squeeze %dma_wait3A_1059 : memref<1x80xi32, #tpu.memory_space<vmem>> -> memref<80xi32, #tpu.memory_space<vmem>>
        %dma_wait3A_1061 = arith.constant 0 : i32
        %dma_wait3A_1062 = tpu.memref_slice %arg3[%dma_wait3A_1061] : memref<640000xi32, #tpu.memory_space<hbm>> -> memref<80xi32, #tpu.memory_space<hbm>>
        tpu.wait_dma2 semaphore(%arg13 : memref<!tpu.dma_semaphore, #tpu.memory_space<semaphore_mem>>) src(%dma_wait3A_1062 : memref<80xi32, #tpu.memory_space<hbm>>) dst(%dma_wait3A_1060 : memref<80xi32, #tpu.memory_space<vmem>>)
        %dma_wait3A_1063 = arith.constant 1 : i32
        %dma_wait3A_1064 = arith.constant 0 : i32
        %dma_wait3A_1065 = tpu.memref_slice %arg7[%dma_wait3A_1063, %dma_wait3A_1064] : memref<8x80xi32, #tpu.memory_space<vmem>> -> memref<1x80xi32, #tpu.memory_space<vmem>>
        %dma_wait3A_1066 = tpu.memref_squeeze %dma_wait3A_1065 : memref<1x80xi32, #tpu.memory_space<vmem>> -> memref<80xi32, #tpu.memory_space<vmem>>
        %dma_wait3A_1067 = arith.constant 0 : i32
        %dma_wait3A_1068 = tpu.memref_slice %arg3[%dma_wait3A_1067] : memref<640000xi32, #tpu.memory_space<hbm>> -> memref<80xi32, #tpu.memory_space<hbm>>
        %dma_wait3A_1069 = arith.constant 0 : i32
        %dma_wait3A_1070 = tpu.memref_slice %arg7[%dma_wait3A_1063, %dma_wait3A_1069] : memref<8x80xi32, #tpu.memory_space<vmem>> -> memref<1x80xi32, #tpu.memory_space<vmem>>
        %dma_wait3A_1071 = tpu.memref_squeeze %dma_wait3A_1070 : memref<1x80xi32, #tpu.memory_space<vmem>> -> memref<80xi32, #tpu.memory_space<vmem>>
        %dma_wait3A_1072 = arith.constant 0 : i32
        %dma_wait3A_1073 = tpu.memref_slice %arg3[%dma_wait3A_1072] : memref<640000xi32, #tpu.memory_space<hbm>> -> memref<80xi32, #tpu.memory_space<hbm>>
        tpu.wait_dma2 semaphore(%arg13 : memref<!tpu.dma_semaphore, #tpu.memory_space<semaphore_mem>>) src(%dma_wait3A_1073 : memref<80xi32, #tpu.memory_space<hbm>>) dst(%dma_wait3A_1071 : memref<80xi32, #tpu.memory_space<vmem>>)
        %dma_wait3A_1074 = arith.constant 1 : i32
        %dma_wait3A_1075 = arith.constant 0 : i32
        %dma_wait3A_1076 = tpu.memref_slice %arg8[%dma_wait3A_1074, %dma_wait3A_1075] : memref<8x80xi32, #tpu.memory_space<vmem>> -> memref<1x80xi32, #tpu.memory_space<vmem>>
        %dma_wait3A_1077 = tpu.memref_squeeze %dma_wait3A_1076 : memref<1x80xi32, #tpu.memory_space<vmem>> -> memref<80xi32, #tpu.memory_space<vmem>>
        %dma_wait3A_1078 = arith.constant 0 : i32
        %dma_wait3A_1079 = tpu.memref_slice %arg3[%dma_wait3A_1078] : memref<640000xi32, #tpu.memory_space<hbm>> -> memref<80xi32, #tpu.memory_space<hbm>>
        %dma_wait3A_1080 = arith.constant 0 : i32
        %dma_wait3A_1081 = tpu.memref_slice %arg8[%dma_wait3A_1074, %dma_wait3A_1080] : memref<8x80xi32, #tpu.memory_space<vmem>> -> memref<1x80xi32, #tpu.memory_space<vmem>>
        %dma_wait3A_1082 = tpu.memref_squeeze %dma_wait3A_1081 : memref<1x80xi32, #tpu.memory_space<vmem>> -> memref<80xi32, #tpu.memory_space<vmem>>
        %dma_wait3A_1083 = arith.constant 0 : i32
        %dma_wait3A_1084 = tpu.memref_slice %arg3[%dma_wait3A_1083] : memref<640000xi32, #tpu.memory_space<hbm>> -> memref<80xi32, #tpu.memory_space<hbm>>
        tpu.wait_dma2 semaphore(%arg13 : memref<!tpu.dma_semaphore, #tpu.memory_space<semaphore_mem>>) src(%dma_wait3A_1084 : memref<80xi32, #tpu.memory_space<hbm>>) dst(%dma_wait3A_1082 : memref<80xi32, #tpu.memory_space<vmem>>)
        %get3A_1085 = arith.constant 1 : i32
        %get3A_1086 = arith.index_cast %get3A_1085 : i32 to index
        %get3A_1087 = arith.constant 0 : index
        %get3A_1088 = tpu.vector_load %arg7[%get3A_1086, %get3A_1087] {strides = array<i32>} : memref<8x80xi32, #tpu.memory_space<vmem>>, vector<1x16xi32>,
        %get3A_1089 = vector.shape_cast %get3A_1088 : vector<1x16xi32> to vector<16xi32>
        %mul3A_1090 = arith.constant 10000 : i32
        %mul3A_1091 = vector.broadcast %mul3A_1090 : i32 to vector<16xi32>
        %mul3A_1092 = arith.muli %get3A_1089, %mul3A_1091 : vector<16xi32>
        %get3A_1093 = arith.constant 1 : i32
        %get3A_1094 = arith.index_cast %get3A_1093 : i32 to index
        %get3A_1095 = arith.constant 0 : index
        %get3A_1096 = tpu.vector_load %arg6[%get3A_1094, %get3A_1095] {strides = array<i32>} : memref<8x80xi32, #tpu.memory_space<vmem>>, vector<1x16xi32>,
        %get3A_1097 = vector.shape_cast %get3A_1096 : vector<1x16xi32> to vector<16xi32>
        %add3A_1098 = arith.addi %mul3A_1092, %get3A_1097 : vector<16xi32>
        %swap3A_1099 = arith.constant 1 : i32
        %swap3A_1100 = arith.index_cast %swap3A_1099 : i32 to index
        %swap3A_1101 = arith.constant 0 : index
        %swap3A_1102 = tpu.vector_load %arg6[%swap3A_1100, %swap3A_1101] {strides = array<i32>} : memref<8x80xi32, #tpu.memory_space<vmem>>, vector<1x16xi32>,
        %swap3A_1103 = vector.shape_cast %swap3A_1102 : vector<1x16xi32> to vector<16xi32>
        %swap3A_1104 = vector.shape_cast %add3A_1098 : vector<16xi32> to vector<1x16xi32>
        tpu.vector_store %arg6[%swap3A_1100, %swap3A_1101], %swap3A_1104 {strides = array<i32>} : memref<8x80xi32, #tpu.memory_space<vmem>>, vector<1x16xi32>,
        %get3A_1105 = arith.constant 1 : i32
        %get3A_1106 = arith.index_cast %get3A_1105 : i32 to index
        %get3A_1107 = arith.constant 16 : index
        %get3A_1108 = tpu.vector_load %arg7[%get3A_1106, %get3A_1107] {strides = array<i32>} : memref<8x80xi32, #tpu.memory_space<vmem>>, vector<1x16xi32>,
        %get3A_1109 = vector.shape_cast %get3A_1108 : vector<1x16xi32> to vector<16xi32>
        %mul3A_1110 = arith.constant 10000 : i32
        %mul3A_1111 = vector.broadcast %mul3A_1110 : i32 to vector<16xi32>
        %mul3A_1112 = arith.muli %get3A_1109, %mul3A_1111 : vector<16xi32>
        %get3A_1113 = arith.constant 1 : i32
        %get3A_1114 = arith.index_cast %get3A_1113 : i32 to index
        %get3A_1115 = arith.constant 16 : index
        %get3A_1116 = tpu.vector_load %arg6[%get3A_1114, %get3A_1115] {strides = array<i32>} : memref<8x80xi32, #tpu.memory_space<vmem>>, vector<1x16xi32>,
        %get3A_1117 = vector.shape_cast %get3A_1116 : vector<1x16xi32> to vector<16xi32>
        %add3A_1118 = arith.addi %mul3A_1112, %get3A_1117 : vector<16xi32>
        %swap3A_1119 = arith.constant 1 : i32
        %swap3A_1120 = arith.index_cast %swap3A_1119 : i32 to index
        %swap3A_1121 = arith.constant 16 : index
        %swap3A_1122 = tpu.vector_load %arg6[%swap3A_1120, %swap3A_1121] {strides = array<i32>} : memref<8x80xi32, #tpu.memory_space<vmem>>, vector<1x16xi32>,
        %swap3A_1123 = vector.shape_cast %swap3A_1122 : vector<1x16xi32> to vector<16xi32>
        %swap3A_1124 = vector.shape_cast %add3A_1118 : vector<16xi32> to vector<1x16xi32>
        tpu.vector_store %arg6[%swap3A_1120, %swap3A_1121], %swap3A_1124 {strides = array<i32>} : memref<8x80xi32, #tpu.memory_space<vmem>>, vector<1x16xi32>,
        %get3A_1125 = arith.constant 1 : i32
        %get3A_1126 = arith.index_cast %get3A_1125 : i32 to index
        %get3A_1127 = arith.constant 32 : index
        %get3A_1128 = tpu.vector_load %arg7[%get3A_1126, %get3A_1127] {strides = array<i32>} : memref<8x80xi32, #tpu.memory_space<vmem>>, vector<1x16xi32>,
        %get3A_1129 = vector.shape_cast %get3A_1128 : vector<1x16xi32> to vector<16xi32>
        %mul3A_1130 = arith.constant 10000 : i32
        %mul3A_1131 = vector.broadcast %mul3A_1130 : i32 to vector<16xi32>
        %mul3A_1132 = arith.muli %get3A_1129, %mul3A_1131 : vector<16xi32>
        %get3A_1133 = arith.constant 1 : i32
        %get3A_1134 = arith.index_cast %get3A_1133 : i32 to index
        %get3A_1135 = arith.constant 32 : index
        %get3A_1136 = tpu.vector_load %arg6[%get3A_1134, %get3A_1135] {strides = array<i32>} : memref<8x80xi32, #tpu.memory_space<vmem>>, vector<1x16xi32>,
        %get3A_1137 = vector.shape_cast %get3A_1136 : vector<1x16xi32> to vector<16xi32>
        %add3A_1138 = arith.addi %mul3A_1132, %get3A_1137 : vector<16xi32>
        %swap3A_1139 = arith.constant 1 : i32
        %swap3A_1140 = arith.index_cast %swap3A_1139 : i32 to index
        %swap3A_1141 = arith.constant 32 : index
        %swap3A_1142 = tpu.vector_load %arg6[%swap3A_1140, %swap3A_1141] {strides = array<i32>} : memref<8x80xi32, #tpu.memory_space<vmem>>, vector<1x16xi32>,
        %swap3A_1143 = vector.shape_cast %swap3A_1142 : vector<1x16xi32> to vector<16xi32>
        %swap3A_1144 = vector.shape_cast %add3A_1138 : vector<16xi32> to vector<1x16xi32>
        tpu.vector_store %arg6[%swap3A_1140, %swap3A_1141], %swap3A_1144 {strides = array<i32>} : memref<8x80xi32, #tpu.memory_space<vmem>>, vector<1x16xi32>,
        %get3A_1145 = arith.constant 1 : i32
        %get3A_1146 = arith.index_cast %get3A_1145 : i32 to index
        %get3A_1147 = arith.constant 48 : index
        %get3A_1148 = tpu.vector_load %arg7[%get3A_1146, %get3A_1147] {strides = array<i32>} : memref<8x80xi32, #tpu.memory_space<vmem>>, vector<1x16xi32>,
        %get3A_1149 = vector.shape_cast %get3A_1148 : vector<1x16xi32> to vector<16xi32>
        %mul3A_1150 = arith.constant 10000 : i32
        %mul3A_1151 = vector.broadcast %mul3A_1150 : i32 to vector<16xi32>
        %mul3A_1152 = arith.muli %get3A_1149, %mul3A_1151 : vector<16xi32>
        %get3A_1153 = arith.constant 1 : i32
        %get3A_1154 = arith.index_cast %get3A_1153 : i32 to index
        %get3A_1155 = arith.constant 48 : index
        %get3A_1156 = tpu.vector_load %arg6[%get3A_1154, %get3A_1155] {strides = array<i32>} : memref<8x80xi32, #tpu.memory_space<vmem>>, vector<1x16xi32>,
        %get3A_1157 = vector.shape_cast %get3A_1156 : vector<1x16xi32> to vector<16xi32>
        %add3A_1158 = arith.addi %mul3A_1152, %get3A_1157 : vector<16xi32>
        %swap3A_1159 = arith.constant 1 : i32
        %swap3A_1160 = arith.index_cast %swap3A_1159 : i32 to index
        %swap3A_1161 = arith.constant 48 : index
        %swap3A_1162 = tpu.vector_load %arg6[%swap3A_1160, %swap3A_1161] {strides = array<i32>} : memref<8x80xi32, #tpu.memory_space<vmem>>, vector<1x16xi32>,
        %swap3A_1163 = vector.shape_cast %swap3A_1162 : vector<1x16xi32> to vector<16xi32>
        %swap3A_1164 = vector.shape_cast %add3A_1158 : vector<16xi32> to vector<1x16xi32>
        tpu.vector_store %arg6[%swap3A_1160, %swap3A_1161], %swap3A_1164 {strides = array<i32>} : memref<8x80xi32, #tpu.memory_space<vmem>>, vector<1x16xi32>,
        %get3A_1165 = arith.constant 1 : i32
        %get3A_1166 = arith.index_cast %get3A_1165 : i32 to index
        %get3A_1167 = arith.constant 64 : index
        %get3A_1168 = tpu.vector_load %arg7[%get3A_1166, %get3A_1167] {strides = array<i32>} : memref<8x80xi32, #tpu.memory_space<vmem>>, vector<1x16xi32>,
        %get3A_1169 = vector.shape_cast %get3A_1168 : vector<1x16xi32> to vector<16xi32>
        %mul3A_1170 = arith.constant 10000 : i32
        %mul3A_1171 = vector.broadcast %mul3A_1170 : i32 to vector<16xi32>
        %mul3A_1172 = arith.muli %get3A_1169, %mul3A_1171 : vector<16xi32>
        %get3A_1173 = arith.constant 1 : i32
        %get3A_1174 = arith.index_cast %get3A_1173 : i32 to index
        %get3A_1175 = arith.constant 64 : index
        %get3A_1176 = tpu.vector_load %arg6[%get3A_1174, %get3A_1175] {strides = array<i32>} : memref<8x80xi32, #tpu.memory_space<vmem>>, vector<1x16xi32>,
        %get3A_1177 = vector.shape_cast %get3A_1176 : vector<1x16xi32> to vector<16xi32>
        %add3A_1178 = arith.addi %mul3A_1172, %get3A_1177 : vector<16xi32>
        %swap3A_1179 = arith.constant 1 : i32
        %swap3A_1180 = arith.index_cast %swap3A_1179 : i32 to index
        %swap3A_1181 = arith.constant 64 : index
        %swap3A_1182 = tpu.vector_load %arg6[%swap3A_1180, %swap3A_1181] {strides = array<i32>} : memref<8x80xi32, #tpu.memory_space<vmem>>, vector<1x16xi32>,
        %swap3A_1183 = vector.shape_cast %swap3A_1182 : vector<1x16xi32> to vector<16xi32>
        %swap3A_1184 = vector.shape_cast %add3A_1178 : vector<16xi32> to vector<1x16xi32>
        tpu.vector_store %arg6[%swap3A_1180, %swap3A_1181], %swap3A_1184 {strides = array<i32>} : memref<8x80xi32, #tpu.memory_space<vmem>>, vector<1x16xi32>,
        %dma_start3A_1185 = arith.constant 1 : i32
        %dma_start3A_1186 = arith.constant 1 : i32
        %dma_start3A_1187 = arith.constant 0 : i32
        %dma_start3A_1188 = arith.constant 0 : i32
        %dma_start3A_1189 = tpu.memref_slice %arg9[%dma_start3A_1186, %dma_start3A_1187, %dma_start3A_1188] : memref<4x80x128xf32, #tpu.memory_space<vmem>> -> memref<1x80x128xf32, #tpu.memory_space<vmem>>
        %dma_start3A_1190 = tpu.memref_squeeze %dma_start3A_1189 : memref<1x80x128xf32, #tpu.memory_space<vmem>> -> memref<80x128xf32, #tpu.memory_space<vmem>>
        %dma_start3A_1191 = arith.constant 0 : i32
        %dma_start3A_1192 = tpu.memref_slice %arg6[%dma_start3A_1185, %dma_start3A_1191] : memref<8x80xi32, #tpu.memory_space<vmem>> -> memref<1x80xi32, #tpu.memory_space<vmem>>
        %dma_start3A_1193 = tpu.memref_squeeze %dma_start3A_1192 : memref<1x80xi32, #tpu.memory_space<vmem>> -> memref<80xi32, #tpu.memory_space<vmem>>
        %dma_start3A_1194 = arith.constant 0 : i32
        %dma_start3A_1195 = arith.constant 0 : i32
        %dma_start3A_1196 = tpu.memref_slice %arg2[%dma_start3A_1194, %dma_start3A_1195] : memref<80000x128xf32, #tpu.memory_space<hbm>> -> memref<80000x128xf32, #tpu.memory_space<hbm>>
        tpu.enqueue_indirect_dma source(%dma_start3A_1196 : memref<80000x128xf32, #tpu.memory_space<hbm>>) target(%dma_start3A_1190 : memref<80x128xf32, #tpu.memory_space<vmem>>) offsets(%dma_start3A_1193 : memref<80xi32, #tpu.memory_space<vmem>>) semaphore(%arg21 : memref<!tpu.dma_semaphore, #tpu.memory_space<semaphore_mem>>)
      } else {
      }
      %mul3A_1006 = arith.constant 8 : i32
      %mul3A_1007 = arith.muli %scan3A_868, %mul3A_1006 : i32
      %add3A_1008 = arith.constant 6 : i32
      %add3A_1009 = arith.addi %mul3A_1007, %add3A_1008 : i32
      %lt3A_1010 = arith.constant 125 : i32
      %lt3A_1011 = arith.cmpi slt, %add3A_1009, %lt3A_1010 : i32
      %convert_element_type3A_1012 = arith.extui %lt3A_1011 : i1 to i32
      %cond3A_1013 = arith.constant 0 : i32
      %cond3A_1014 = arith.cmpi ne, %convert_element_type3A_1012, %cond3A_1013 : i32
      scf.if %cond3A_1014 {
        %dma_wait3A_1052 = arith.constant 2 : i32
        %dma_wait3A_1053 = arith.constant 0 : i32
        %dma_wait3A_1054 = arith.constant 0 : i32
        %dma_wait3A_1055 = tpu.memref_slice %arg9[%dma_wait3A_1052, %dma_wait3A_1053, %dma_wait3A_1054] : memref<4x80x128xf32, #tpu.memory_space<vmem>> -> memref<1x80x128xf32, #tpu.memory_space<vmem>>
        %dma_wait3A_1056 = tpu.memref_squeeze %dma_wait3A_1055 : memref<1x80x128xf32, #tpu.memory_space<vmem>> -> memref<80x128xf32, #tpu.memory_space<vmem>>
        %dma_wait3A_1057 = arith.constant 0 : i32
        %dma_wait3A_1058 = arith.constant 0 : i32
        %dma_wait3A_1059 = tpu.memref_slice %arg2[%dma_wait3A_1057, %dma_wait3A_1058] : memref<80000x128xf32, #tpu.memory_space<hbm>> -> memref<80x128xf32, #tpu.memory_space<hbm>>
        %dma_wait3A_1060 = arith.constant 0 : i32
        %dma_wait3A_1061 = arith.constant 0 : i32
        %dma_wait3A_1062 = tpu.memref_slice %arg9[%dma_wait3A_1052, %dma_wait3A_1060, %dma_wait3A_1061] : memref<4x80x128xf32, #tpu.memory_space<vmem>> -> memref<1x80x128xf32, #tpu.memory_space<vmem>>
        %dma_wait3A_1063 = tpu.memref_squeeze %dma_wait3A_1062 : memref<1x80x128xf32, #tpu.memory_space<vmem>> -> memref<80x128xf32, #tpu.memory_space<vmem>>
        %dma_wait3A_1064 = arith.constant 0 : i32
        %dma_wait3A_1065 = arith.constant 0 : i32
        %dma_wait3A_1066 = tpu.memref_slice %arg2[%dma_wait3A_1064, %dma_wait3A_1065] : memref<80000x128xf32, #tpu.memory_space<hbm>> -> memref<80x128xf32, #tpu.memory_space<hbm>>
        tpu.wait_dma2 semaphore(%arg22 : memref<!tpu.dma_semaphore, #tpu.memory_space<semaphore_mem>>) src(%dma_wait3A_1066 : memref<80x128xf32, #tpu.memory_space<hbm>>) dst(%dma_wait3A_1063 : memref<80x128xf32, #tpu.memory_space<vmem>>)
        %dma_start3A_1067 = arith.constant 2 : i32
        %dma_start3A_1068 = arith.constant 6 : i32
        %dma_start3A_1069 = arith.constant 0 : i32
        %dma_start3A_1070 = arith.constant 0 : i32
        %dma_start3A_1071 = tpu.memref_slice %arg9[%dma_start3A_1067, %dma_start3A_1069, %dma_start3A_1070] : memref<4x80x128xf32, #tpu.memory_space<vmem>> -> memref<1x80x128xf32, #tpu.memory_space<vmem>>
        %dma_start3A_1072 = tpu.memref_squeeze %dma_start3A_1071 : memref<1x80x128xf32, #tpu.memory_space<vmem>> -> memref<80x128xf32, #tpu.memory_space<vmem>>
        %dma_start3A_1073 = arith.constant 0 : i32
        %dma_start3A_1074 = tpu.memref_slice %arg8[%dma_start3A_1068, %dma_start3A_1073] : memref<8x80xi32, #tpu.memory_space<vmem>> -> memref<1x80xi32, #tpu.memory_space<vmem>>
        %dma_start3A_1075 = tpu.memref_squeeze %dma_start3A_1074 : memref<1x80xi32, #tpu.memory_space<vmem>> -> memref<80xi32, #tpu.memory_space<vmem>>
        %dma_start3A_1076 = arith.constant 0 : i32
        %dma_start3A_1077 = arith.constant 0 : i32
        %dma_start3A_1078 = tpu.memref_slice %arg11[%dma_start3A_1076, %dma_start3A_1077] : memref<10000x128xf32, #tpu.memory_space<vmem_shared>> -> memref<10000x128xf32, #tpu.memory_space<vmem_shared>>
        tpu.enqueue_indirect_dma source(%dma_start3A_1072 : memref<80x128xf32, #tpu.memory_space<vmem>>) target(%dma_start3A_1078 : memref<10000x128xf32, #tpu.memory_space<vmem_shared>>) offsets(%dma_start3A_1075 : memref<80xi32, #tpu.memory_space<vmem>>) semaphore(%arg24 : memref<!tpu.dma_semaphore, #tpu.memory_space<semaphore_mem>>) {add = true}
        %dma_wait3A_1079 = arith.constant 2 : i32
        %dma_wait3A_1080 = arith.constant 6 : i32
        %dma_wait3A_1081 = arith.constant 0 : i32
        %dma_wait3A_1082 = arith.constant 0 : i32
        %dma_wait3A_1083 = tpu.memref_slice %arg9[%dma_wait3A_1079, %dma_wait3A_1081, %dma_wait3A_1082] : memref<4x80x128xf32, #tpu.memory_space<vmem>> -> memref<1x80x128xf32, #tpu.memory_space<vmem>>
        %dma_wait3A_1084 = tpu.memref_squeeze %dma_wait3A_1083 : memref<1x80x128xf32, #tpu.memory_space<vmem>> -> memref<80x128xf32, #tpu.memory_space<vmem>>
        %dma_wait3A_1085 = arith.constant 0 : i32
        %dma_wait3A_1086 = tpu.memref_slice %arg8[%dma_wait3A_1080, %dma_wait3A_1085] : memref<8x80xi32, #tpu.memory_space<vmem>> -> memref<1x80xi32, #tpu.memory_space<vmem>>
        %dma_wait3A_1087 = tpu.memref_squeeze %dma_wait3A_1086 : memref<1x80xi32, #tpu.memory_space<vmem>> -> memref<80xi32, #tpu.memory_space<vmem>>
        %dma_wait3A_1088 = arith.constant 0 : i32
        %dma_wait3A_1089 = arith.constant 0 : i32
        %dma_wait3A_1090 = tpu.memref_slice %arg11[%dma_wait3A_1088, %dma_wait3A_1089] : memref<10000x128xf32, #tpu.memory_space<vmem_shared>> -> memref<10000x128xf32, #tpu.memory_space<vmem_shared>>
        tpu.wait_indirect_dma semaphore(%arg24 : memref<!tpu.dma_semaphore, #tpu.memory_space<semaphore_mem>>) src(%dma_wait3A_1084 : memref<80x128xf32, #tpu.memory_space<vmem>>) dst(%dma_wait3A_1090 : memref<10000x128xf32, #tpu.memory_space<vmem_shared>>)
      } else {
      }
      %add3A_1015 = arith.constant 8 : i32
      %add3A_1016 = arith.addi %add3A_1009, %add3A_1015 : i32
      %lt3A_1017 = arith.constant 125 : i32
      %lt3A_1018 = arith.cmpi slt, %add3A_1016, %lt3A_1017 : i32
      %convert_element_type3A_1019 = arith.extui %lt3A_1018 : i1 to i32
      %cond3A_1020 = arith.constant 0 : i32
      %cond3A_1021 = arith.cmpi ne, %convert_element_type3A_1019, %cond3A_1020 : i32
      scf.if %cond3A_1021 {
        %add3A_1052 = arith.constant 8 : i32
        %add3A_1053 = arith.addi %add3A_1009, %add3A_1052 : i32
        %mul3A_1054 = arith.constant 80 : i32
        %mul3A_1055 = arith.muli %add3A_1053, %mul3A_1054 : i32
        %add3A_1056 = arith.addi %mul3A_2, %mul3A_1055 : i32
        %dma_start3A_1057 = arith.constant 6 : i32
        %dma_start3A_1058 = arith.constant 0 : i32
        %dma_start3A_1059 = tpu.memref_slice %arg6[%dma_start3A_1057, %dma_start3A_1058] : memref<8x80xi32, #tpu.memory_space<vmem>> -> memref<1x80xi32, #tpu.memory_space<vmem>>
        %dma_start3A_1060 = tpu.memref_squeeze %dma_start3A_1059 : memref<1x80xi32, #tpu.memory_space<vmem>> -> memref<80xi32, #tpu.memory_space<vmem>>
        %dma_start3A_1061 = tpu.memref_slice %arg3[%add3A_1056] : memref<640000xi32, #tpu.memory_space<hbm>> -> memref<80xi32, #tpu.memory_space<hbm>>
        %dma_start3A_1062 = arith.constant 0 : i32
        %dma_start3A_1063 = tpu.memref_slice %arg6[%dma_start3A_1057, %dma_start3A_1062] : memref<8x80xi32, #tpu.memory_space<vmem>> -> memref<1x80xi32, #tpu.memory_space<vmem>>
        %dma_start3A_1064 = tpu.memref_squeeze %dma_start3A_1063 : memref<1x80xi32, #tpu.memory_space<vmem>> -> memref<80xi32, #tpu.memory_space<vmem>>
        %dma_start3A_1065 = tpu.memref_slice %arg3[%add3A_1056] : memref<640000xi32, #tpu.memory_space<hbm>> -> memref<80xi32, #tpu.memory_space<hbm>>
        tpu.enqueue_dma source(%dma_start3A_1065 : memref<80xi32, #tpu.memory_space<hbm>>) target(%dma_start3A_1064 : memref<80xi32, #tpu.memory_space<vmem>>) target_semaphore(%arg18 : memref<!tpu.dma_semaphore, #tpu.memory_space<semaphore_mem>>)
        %dma_start3A_1066 = arith.constant 6 : i32
        %dma_start3A_1067 = arith.constant 0 : i32
        %dma_start3A_1068 = tpu.memref_slice %arg7[%dma_start3A_1066, %dma_start3A_1067] : memref<8x80xi32, #tpu.memory_space<vmem>> -> memref<1x80xi32, #tpu.memory_space<vmem>>
        %dma_start3A_1069 = tpu.memref_squeeze %dma_start3A_1068 : memref<1x80xi32, #tpu.memory_space<vmem>> -> memref<80xi32, #tpu.memory_space<vmem>>
        %dma_start3A_1070 = tpu.memref_slice %arg4[%add3A_1056] : memref<320000xi32, #tpu.memory_space<hbm>> -> memref<80xi32, #tpu.memory_space<hbm>>
        %dma_start3A_1071 = arith.constant 0 : i32
        %dma_start3A_1072 = tpu.memref_slice %arg7[%dma_start3A_1066, %dma_start3A_1071] : memref<8x80xi32, #tpu.memory_space<vmem>> -> memref<1x80xi32, #tpu.memory_space<vmem>>
        %dma_start3A_1073 = tpu.memref_squeeze %dma_start3A_1072 : memref<1x80xi32, #tpu.memory_space<vmem>> -> memref<80xi32, #tpu.memory_space<vmem>>
        %dma_start3A_1074 = tpu.memref_slice %arg4[%add3A_1056] : memref<320000xi32, #tpu.memory_space<hbm>> -> memref<80xi32, #tpu.memory_space<hbm>>
        tpu.enqueue_dma source(%dma_start3A_1074 : memref<80xi32, #tpu.memory_space<hbm>>) target(%dma_start3A_1073 : memref<80xi32, #tpu.memory_space<vmem>>) target_semaphore(%arg18 : memref<!tpu.dma_semaphore, #tpu.memory_space<semaphore_mem>>)
        %add3A_1075 = arith.constant 320000 : i32
        %add3A_1076 = arith.addi %add3A_1075, %add3A_1056 : i32
        %dma_start3A_1077 = arith.constant 6 : i32
        %dma_start3A_1078 = arith.constant 0 : i32
        %dma_start3A_1079 = tpu.memref_slice %arg8[%dma_start3A_1077, %dma_start3A_1078] : memref<8x80xi32, #tpu.memory_space<vmem>> -> memref<1x80xi32, #tpu.memory_space<vmem>>
        %dma_start3A_1080 = tpu.memref_squeeze %dma_start3A_1079 : memref<1x80xi32, #tpu.memory_space<vmem>> -> memref<80xi32, #tpu.memory_space<vmem>>
        %dma_start3A_1081 = tpu.memref_slice %arg3[%add3A_1076] : memref<640000xi32, #tpu.memory_space<hbm>> -> memref<80xi32, #tpu.memory_space<hbm>>
        %dma_start3A_1082 = arith.constant 0 : i32
        %dma_start3A_1083 = tpu.memref_slice %arg8[%dma_start3A_1077, %dma_start3A_1082] : memref<8x80xi32, #tpu.memory_space<vmem>> -> memref<1x80xi32, #tpu.memory_space<vmem>>
        %dma_start3A_1084 = tpu.memref_squeeze %dma_start3A_1083 : memref<1x80xi32, #tpu.memory_space<vmem>> -> memref<80xi32, #tpu.memory_space<vmem>>
        %dma_start3A_1085 = tpu.memref_slice %arg3[%add3A_1076] : memref<640000xi32, #tpu.memory_space<hbm>> -> memref<80xi32, #tpu.memory_space<hbm>>
        tpu.enqueue_dma source(%dma_start3A_1085 : memref<80xi32, #tpu.memory_space<hbm>>) target(%dma_start3A_1084 : memref<80xi32, #tpu.memory_space<vmem>>) target_semaphore(%arg18 : memref<!tpu.dma_semaphore, #tpu.memory_space<semaphore_mem>>)
      } else {
      }
      %add3A_1022 = arith.constant 4 : i32
      %add3A_1023 = arith.addi %add3A_1009, %add3A_1022 : i32
      %lt3A_1024 = arith.constant 125 : i32
      %lt3A_1025 = arith.cmpi slt, %add3A_1023, %lt3A_1024 : i32
      %convert_element_type3A_1026 = arith.extui %lt3A_1025 : i1 to i32
      %cond3A_1027 = arith.constant 0 : i32
      %cond3A_1028 = arith.cmpi ne, %convert_element_type3A_1026, %cond3A_1027 : i32
      scf.if %cond3A_1028 {
        %dma_wait3A_1052 = arith.constant 2 : i32
        %dma_wait3A_1053 = arith.constant 0 : i32
        %dma_wait3A_1054 = tpu.memref_slice %arg6[%dma_wait3A_1052, %dma_wait3A_1053] : memref<8x80xi32, #tpu.memory_space<vmem>> -> memref<1x80xi32, #tpu.memory_space<vmem>>
        %dma_wait3A_1055 = tpu.memref_squeeze %dma_wait3A_1054 : memref<1x80xi32, #tpu.memory_space<vmem>> -> memref<80xi32, #tpu.memory_space<vmem>>
        %dma_wait3A_1056 = arith.constant 0 : i32
        %dma_wait3A_1057 = tpu.memref_slice %arg3[%dma_wait3A_1056] : memref<640000xi32, #tpu.memory_space<hbm>> -> memref<80xi32, #tpu.memory_space<hbm>>
        %dma_wait3A_1058 = arith.constant 0 : i32
        %dma_wait3A_1059 = tpu.memref_slice %arg6[%dma_wait3A_1052, %dma_wait3A_1058] : memref<8x80xi32, #tpu.memory_space<vmem>> -> memref<1x80xi32, #tpu.memory_space<vmem>>
        %dma_wait3A_1060 = tpu.memref_squeeze %dma_wait3A_1059 : memref<1x80xi32, #tpu.memory_space<vmem>> -> memref<80xi32, #tpu.memory_space<vmem>>
        %dma_wait3A_1061 = arith.constant 0 : i32
        %dma_wait3A_1062 = tpu.memref_slice %arg3[%dma_wait3A_1061] : memref<640000xi32, #tpu.memory_space<hbm>> -> memref<80xi32, #tpu.memory_space<hbm>>
        tpu.wait_dma2 semaphore(%arg14 : memref<!tpu.dma_semaphore, #tpu.memory_space<semaphore_mem>>) src(%dma_wait3A_1062 : memref<80xi32, #tpu.memory_space<hbm>>) dst(%dma_wait3A_1060 : memref<80xi32, #tpu.memory_space<vmem>>)
        %dma_wait3A_1063 = arith.constant 2 : i32
        %dma_wait3A_1064 = arith.constant 0 : i32
        %dma_wait3A_1065 = tpu.memref_slice %arg7[%dma_wait3A_1063, %dma_wait3A_1064] : memref<8x80xi32, #tpu.memory_space<vmem>> -> memref<1x80xi32, #tpu.memory_space<vmem>>
        %dma_wait3A_1066 = tpu.memref_squeeze %dma_wait3A_1065 : memref<1x80xi32, #tpu.memory_space<vmem>> -> memref<80xi32, #tpu.memory_space<vmem>>
        %dma_wait3A_1067 = arith.constant 0 : i32
        %dma_wait3A_1068 = tpu.memref_slice %arg3[%dma_wait3A_1067] : memref<640000xi32, #tpu.memory_space<hbm>> -> memref<80xi32, #tpu.memory_space<hbm>>
        %dma_wait3A_1069 = arith.constant 0 : i32
        %dma_wait3A_1070 = tpu.memref_slice %arg7[%dma_wait3A_1063, %dma_wait3A_1069] : memref<8x80xi32, #tpu.memory_space<vmem>> -> memref<1x80xi32, #tpu.memory_space<vmem>>
        %dma_wait3A_1071 = tpu.memref_squeeze %dma_wait3A_1070 : memref<1x80xi32, #tpu.memory_space<vmem>> -> memref<80xi32, #tpu.memory_space<vmem>>
        %dma_wait3A_1072 = arith.constant 0 : i32
        %dma_wait3A_1073 = tpu.memref_slice %arg3[%dma_wait3A_1072] : memref<640000xi32, #tpu.memory_space<hbm>> -> memref<80xi32, #tpu.memory_space<hbm>>
        tpu.wait_dma2 semaphore(%arg14 : memref<!tpu.dma_semaphore, #tpu.memory_space<semaphore_mem>>) src(%dma_wait3A_1073 : memref<80xi32, #tpu.memory_space<hbm>>) dst(%dma_wait3A_1071 : memref<80xi32, #tpu.memory_space<vmem>>)
        %dma_wait3A_1074 = arith.constant 2 : i32
        %dma_wait3A_1075 = arith.constant 0 : i32
        %dma_wait3A_1076 = tpu.memref_slice %arg8[%dma_wait3A_1074, %dma_wait3A_1075] : memref<8x80xi32, #tpu.memory_space<vmem>> -> memref<1x80xi32, #tpu.memory_space<vmem>>
        %dma_wait3A_1077 = tpu.memref_squeeze %dma_wait3A_1076 : memref<1x80xi32, #tpu.memory_space<vmem>> -> memref<80xi32, #tpu.memory_space<vmem>>
        %dma_wait3A_1078 = arith.constant 0 : i32
        %dma_wait3A_1079 = tpu.memref_slice %arg3[%dma_wait3A_1078] : memref<640000xi32, #tpu.memory_space<hbm>> -> memref<80xi32, #tpu.memory_space<hbm>>
        %dma_wait3A_1080 = arith.constant 0 : i32
        %dma_wait3A_1081 = tpu.memref_slice %arg8[%dma_wait3A_1074, %dma_wait3A_1080] : memref<8x80xi32, #tpu.memory_space<vmem>> -> memref<1x80xi32, #tpu.memory_space<vmem>>
        %dma_wait3A_1082 = tpu.memref_squeeze %dma_wait3A_1081 : memref<1x80xi32, #tpu.memory_space<vmem>> -> memref<80xi32, #tpu.memory_space<vmem>>
        %dma_wait3A_1083 = arith.constant 0 : i32
        %dma_wait3A_1084 = tpu.memref_slice %arg3[%dma_wait3A_1083] : memref<640000xi32, #tpu.memory_space<hbm>> -> memref<80xi32, #tpu.memory_space<hbm>>
        tpu.wait_dma2 semaphore(%arg14 : memref<!tpu.dma_semaphore, #tpu.memory_space<semaphore_mem>>) src(%dma_wait3A_1084 : memref<80xi32, #tpu.memory_space<hbm>>) dst(%dma_wait3A_1082 : memref<80xi32, #tpu.memory_space<vmem>>)
        %get3A_1085 = arith.constant 2 : i32
        %get3A_1086 = arith.index_cast %get3A_1085 : i32 to index
        %get3A_1087 = arith.constant 0 : index
        %get3A_1088 = tpu.vector_load %arg7[%get3A_1086, %get3A_1087] {strides = array<i32>} : memref<8x80xi32, #tpu.memory_space<vmem>>, vector<1x16xi32>,
        %get3A_1089 = vector.shape_cast %get3A_1088 : vector<1x16xi32> to vector<16xi32>
        %mul3A_1090 = arith.constant 10000 : i32
        %mul3A_1091 = vector.broadcast %mul3A_1090 : i32 to vector<16xi32>
        %mul3A_1092 = arith.muli %get3A_1089, %mul3A_1091 : vector<16xi32>
        %get3A_1093 = arith.constant 2 : i32
        %get3A_1094 = arith.index_cast %get3A_1093 : i32 to index
        %get3A_1095 = arith.constant 0 : index
        %get3A_1096 = tpu.vector_load %arg6[%get3A_1094, %get3A_1095] {strides = array<i32>} : memref<8x80xi32, #tpu.memory_space<vmem>>, vector<1x16xi32>,
        %get3A_1097 = vector.shape_cast %get3A_1096 : vector<1x16xi32> to vector<16xi32>
        %add3A_1098 = arith.addi %mul3A_1092, %get3A_1097 : vector<16xi32>
        %swap3A_1099 = arith.constant 2 : i32
        %swap3A_1100 = arith.index_cast %swap3A_1099 : i32 to index
        %swap3A_1101 = arith.constant 0 : index
        %swap3A_1102 = tpu.vector_load %arg6[%swap3A_1100, %swap3A_1101] {strides = array<i32>} : memref<8x80xi32, #tpu.memory_space<vmem>>, vector<1x16xi32>,
        %swap3A_1103 = vector.shape_cast %swap3A_1102 : vector<1x16xi32> to vector<16xi32>
        %swap3A_1104 = vector.shape_cast %add3A_1098 : vector<16xi32> to vector<1x16xi32>
        tpu.vector_store %arg6[%swap3A_1100, %swap3A_1101], %swap3A_1104 {strides = array<i32>} : memref<8x80xi32, #tpu.memory_space<vmem>>, vector<1x16xi32>,
        %get3A_1105 = arith.constant 2 : i32
        %get3A_1106 = arith.index_cast %get3A_1105 : i32 to index
        %get3A_1107 = arith.constant 16 : index
        %get3A_1108 = tpu.vector_load %arg7[%get3A_1106, %get3A_1107] {strides = array<i32>} : memref<8x80xi32, #tpu.memory_space<vmem>>, vector<1x16xi32>,
        %get3A_1109 = vector.shape_cast %get3A_1108 : vector<1x16xi32> to vector<16xi32>
        %mul3A_1110 = arith.constant 10000 : i32
        %mul3A_1111 = vector.broadcast %mul3A_1110 : i32 to vector<16xi32>
        %mul3A_1112 = arith.muli %get3A_1109, %mul3A_1111 : vector<16xi32>
        %get3A_1113 = arith.constant 2 : i32
        %get3A_1114 = arith.index_cast %get3A_1113 : i32 to index
        %get3A_1115 = arith.constant 16 : index
        %get3A_1116 = tpu.vector_load %arg6[%get3A_1114, %get3A_1115] {strides = array<i32>} : memref<8x80xi32, #tpu.memory_space<vmem>>, vector<1x16xi32>,
        %get3A_1117 = vector.shape_cast %get3A_1116 : vector<1x16xi32> to vector<16xi32>
        %add3A_1118 = arith.addi %mul3A_1112, %get3A_1117 : vector<16xi32>
        %swap3A_1119 = arith.constant 2 : i32
        %swap3A_1120 = arith.index_cast %swap3A_1119 : i32 to index
        %swap3A_1121 = arith.constant 16 : index
        %swap3A_1122 = tpu.vector_load %arg6[%swap3A_1120, %swap3A_1121] {strides = array<i32>} : memref<8x80xi32, #tpu.memory_space<vmem>>, vector<1x16xi32>,
        %swap3A_1123 = vector.shape_cast %swap3A_1122 : vector<1x16xi32> to vector<16xi32>
        %swap3A_1124 = vector.shape_cast %add3A_1118 : vector<16xi32> to vector<1x16xi32>
        tpu.vector_store %arg6[%swap3A_1120, %swap3A_1121], %swap3A_1124 {strides = array<i32>} : memref<8x80xi32, #tpu.memory_space<vmem>>, vector<1x16xi32>,
        %get3A_1125 = arith.constant 2 : i32
        %get3A_1126 = arith.index_cast %get3A_1125 : i32 to index
        %get3A_1127 = arith.constant 32 : index
        %get3A_1128 = tpu.vector_load %arg7[%get3A_1126, %get3A_1127] {strides = array<i32>} : memref<8x80xi32, #tpu.memory_space<vmem>>, vector<1x16xi32>,
        %get3A_1129 = vector.shape_cast %get3A_1128 : vector<1x16xi32> to vector<16xi32>
        %mul3A_1130 = arith.constant 10000 : i32
        %mul3A_1131 = vector.broadcast %mul3A_1130 : i32 to vector<16xi32>
        %mul3A_1132 = arith.muli %get3A_1129, %mul3A_1131 : vector<16xi32>
        %get3A_1133 = arith.constant 2 : i32
        %get3A_1134 = arith.index_cast %get3A_1133 : i32 to index
        %get3A_1135 = arith.constant 32 : index
        %get3A_1136 = tpu.vector_load %arg6[%get3A_1134, %get3A_1135] {strides = array<i32>} : memref<8x80xi32, #tpu.memory_space<vmem>>, vector<1x16xi32>,
        %get3A_1137 = vector.shape_cast %get3A_1136 : vector<1x16xi32> to vector<16xi32>
        %add3A_1138 = arith.addi %mul3A_1132, %get3A_1137 : vector<16xi32>
        %swap3A_1139 = arith.constant 2 : i32
        %swap3A_1140 = arith.index_cast %swap3A_1139 : i32 to index
        %swap3A_1141 = arith.constant 32 : index
        %swap3A_1142 = tpu.vector_load %arg6[%swap3A_1140, %swap3A_1141] {strides = array<i32>} : memref<8x80xi32, #tpu.memory_space<vmem>>, vector<1x16xi32>,
        %swap3A_1143 = vector.shape_cast %swap3A_1142 : vector<1x16xi32> to vector<16xi32>
        %swap3A_1144 = vector.shape_cast %add3A_1138 : vector<16xi32> to vector<1x16xi32>
        tpu.vector_store %arg6[%swap3A_1140, %swap3A_1141], %swap3A_1144 {strides = array<i32>} : memref<8x80xi32, #tpu.memory_space<vmem>>, vector<1x16xi32>,
        %get3A_1145 = arith.constant 2 : i32
        %get3A_1146 = arith.index_cast %get3A_1145 : i32 to index
        %get3A_1147 = arith.constant 48 : index
        %get3A_1148 = tpu.vector_load %arg7[%get3A_1146, %get3A_1147] {strides = array<i32>} : memref<8x80xi32, #tpu.memory_space<vmem>>, vector<1x16xi32>,
        %get3A_1149 = vector.shape_cast %get3A_1148 : vector<1x16xi32> to vector<16xi32>
        %mul3A_1150 = arith.constant 10000 : i32
        %mul3A_1151 = vector.broadcast %mul3A_1150 : i32 to vector<16xi32>
        %mul3A_1152 = arith.muli %get3A_1149, %mul3A_1151 : vector<16xi32>
        %get3A_1153 = arith.constant 2 : i32
        %get3A_1154 = arith.index_cast %get3A_1153 : i32 to index
        %get3A_1155 = arith.constant 48 : index
        %get3A_1156 = tpu.vector_load %arg6[%get3A_1154, %get3A_1155] {strides = array<i32>} : memref<8x80xi32, #tpu.memory_space<vmem>>, vector<1x16xi32>,
        %get3A_1157 = vector.shape_cast %get3A_1156 : vector<1x16xi32> to vector<16xi32>
        %add3A_1158 = arith.addi %mul3A_1152, %get3A_1157 : vector<16xi32>
        %swap3A_1159 = arith.constant 2 : i32
        %swap3A_1160 = arith.index_cast %swap3A_1159 : i32 to index
        %swap3A_1161 = arith.constant 48 : index
        %swap3A_1162 = tpu.vector_load %arg6[%swap3A_1160, %swap3A_1161] {strides = array<i32>} : memref<8x80xi32, #tpu.memory_space<vmem>>, vector<1x16xi32>,
        %swap3A_1163 = vector.shape_cast %swap3A_1162 : vector<1x16xi32> to vector<16xi32>
        %swap3A_1164 = vector.shape_cast %add3A_1158 : vector<16xi32> to vector<1x16xi32>
        tpu.vector_store %arg6[%swap3A_1160, %swap3A_1161], %swap3A_1164 {strides = array<i32>} : memref<8x80xi32, #tpu.memory_space<vmem>>, vector<1x16xi32>,
        %get3A_1165 = arith.constant 2 : i32
        %get3A_1166 = arith.index_cast %get3A_1165 : i32 to index
        %get3A_1167 = arith.constant 64 : index
        %get3A_1168 = tpu.vector_load %arg7[%get3A_1166, %get3A_1167] {strides = array<i32>} : memref<8x80xi32, #tpu.memory_space<vmem>>, vector<1x16xi32>,
        %get3A_1169 = vector.shape_cast %get3A_1168 : vector<1x16xi32> to vector<16xi32>
        %mul3A_1170 = arith.constant 10000 : i32
        %mul3A_1171 = vector.broadcast %mul3A_1170 : i32 to vector<16xi32>
        %mul3A_1172 = arith.muli %get3A_1169, %mul3A_1171 : vector<16xi32>
        %get3A_1173 = arith.constant 2 : i32
        %get3A_1174 = arith.index_cast %get3A_1173 : i32 to index
        %get3A_1175 = arith.constant 64 : index
        %get3A_1176 = tpu.vector_load %arg6[%get3A_1174, %get3A_1175] {strides = array<i32>} : memref<8x80xi32, #tpu.memory_space<vmem>>, vector<1x16xi32>,
        %get3A_1177 = vector.shape_cast %get3A_1176 : vector<1x16xi32> to vector<16xi32>
        %add3A_1178 = arith.addi %mul3A_1172, %get3A_1177 : vector<16xi32>
        %swap3A_1179 = arith.constant 2 : i32
        %swap3A_1180 = arith.index_cast %swap3A_1179 : i32 to index
        %swap3A_1181 = arith.constant 64 : index
        %swap3A_1182 = tpu.vector_load %arg6[%swap3A_1180, %swap3A_1181] {strides = array<i32>} : memref<8x80xi32, #tpu.memory_space<vmem>>, vector<1x16xi32>,
        %swap3A_1183 = vector.shape_cast %swap3A_1182 : vector<1x16xi32> to vector<16xi32>
        %swap3A_1184 = vector.shape_cast %add3A_1178 : vector<16xi32> to vector<1x16xi32>
        tpu.vector_store %arg6[%swap3A_1180, %swap3A_1181], %swap3A_1184 {strides = array<i32>} : memref<8x80xi32, #tpu.memory_space<vmem>>, vector<1x16xi32>,
        %dma_start3A_1185 = arith.constant 2 : i32
        %dma_start3A_1186 = arith.constant 2 : i32
        %dma_start3A_1187 = arith.constant 0 : i32
        %dma_start3A_1188 = arith.constant 0 : i32
        %dma_start3A_1189 = tpu.memref_slice %arg9[%dma_start3A_1186, %dma_start3A_1187, %dma_start3A_1188] : memref<4x80x128xf32, #tpu.memory_space<vmem>> -> memref<1x80x128xf32, #tpu.memory_space<vmem>>
        %dma_start3A_1190 = tpu.memref_squeeze %dma_start3A_1189 : memref<1x80x128xf32, #tpu.memory_space<vmem>> -> memref<80x128xf32, #tpu.memory_space<vmem>>
        %dma_start3A_1191 = arith.constant 0 : i32
        %dma_start3A_1192 = tpu.memref_slice %arg6[%dma_start3A_1185, %dma_start3A_1191] : memref<8x80xi32, #tpu.memory_space<vmem>> -> memref<1x80xi32, #tpu.memory_space<vmem>>
        %dma_start3A_1193 = tpu.memref_squeeze %dma_start3A_1192 : memref<1x80xi32, #tpu.memory_space<vmem>> -> memref<80xi32, #tpu.memory_space<vmem>>
        %dma_start3A_1194 = arith.constant 0 : i32
        %dma_start3A_1195 = arith.constant 0 : i32
        %dma_start3A_1196 = tpu.memref_slice %arg2[%dma_start3A_1194, %dma_start3A_1195] : memref<80000x128xf32, #tpu.memory_space<hbm>> -> memref<80000x128xf32, #tpu.memory_space<hbm>>
        tpu.enqueue_indirect_dma source(%dma_start3A_1196 : memref<80000x128xf32, #tpu.memory_space<hbm>>) target(%dma_start3A_1190 : memref<80x128xf32, #tpu.memory_space<vmem>>) offsets(%dma_start3A_1193 : memref<80xi32, #tpu.memory_space<vmem>>) semaphore(%arg22 : memref<!tpu.dma_semaphore, #tpu.memory_space<semaphore_mem>>)
      } else {
      }
      %mul3A_1029 = arith.constant 8 : i32
      %mul3A_1030 = arith.muli %scan3A_868, %mul3A_1029 : i32
      %add3A_1031 = arith.constant 7 : i32
      %add3A_1032 = arith.addi %mul3A_1030, %add3A_1031 : i32
      %lt3A_1033 = arith.constant 125 : i32
      %lt3A_1034 = arith.cmpi slt, %add3A_1032, %lt3A_1033 : i32
      %convert_element_type3A_1035 = arith.extui %lt3A_1034 : i1 to i32
      %cond3A_1036 = arith.constant 0 : i32
      %cond3A_1037 = arith.cmpi ne, %convert_element_type3A_1035, %cond3A_1036 : i32
      scf.if %cond3A_1037 {
        %dma_wait3A_1052 = arith.constant 3 : i32
        %dma_wait3A_1053 = arith.constant 0 : i32
        %dma_wait3A_1054 = arith.constant 0 : i32
        %dma_wait3A_1055 = tpu.memref_slice %arg9[%dma_wait3A_1052, %dma_wait3A_1053, %dma_wait3A_1054] : memref<4x80x128xf32, #tpu.memory_space<vmem>> -> memref<1x80x128xf32, #tpu.memory_space<vmem>>
        %dma_wait3A_1056 = tpu.memref_squeeze %dma_wait3A_1055 : memref<1x80x128xf32, #tpu.memory_space<vmem>> -> memref<80x128xf32, #tpu.memory_space<vmem>>
        %dma_wait3A_1057 = arith.constant 0 : i32
        %dma_wait3A_1058 = arith.constant 0 : i32
        %dma_wait3A_1059 = tpu.memref_slice %arg2[%dma_wait3A_1057, %dma_wait3A_1058] : memref<80000x128xf32, #tpu.memory_space<hbm>> -> memref<80x128xf32, #tpu.memory_space<hbm>>
        %dma_wait3A_1060 = arith.constant 0 : i32
        %dma_wait3A_1061 = arith.constant 0 : i32
        %dma_wait3A_1062 = tpu.memref_slice %arg9[%dma_wait3A_1052, %dma_wait3A_1060, %dma_wait3A_1061] : memref<4x80x128xf32, #tpu.memory_space<vmem>> -> memref<1x80x128xf32, #tpu.memory_space<vmem>>
        %dma_wait3A_1063 = tpu.memref_squeeze %dma_wait3A_1062 : memref<1x80x128xf32, #tpu.memory_space<vmem>> -> memref<80x128xf32, #tpu.memory_space<vmem>>
        %dma_wait3A_1064 = arith.constant 0 : i32
        %dma_wait3A_1065 = arith.constant 0 : i32
        %dma_wait3A_1066 = tpu.memref_slice %arg2[%dma_wait3A_1064, %dma_wait3A_1065] : memref<80000x128xf32, #tpu.memory_space<hbm>> -> memref<80x128xf32, #tpu.memory_space<hbm>>
        tpu.wait_dma2 semaphore(%arg23 : memref<!tpu.dma_semaphore, #tpu.memory_space<semaphore_mem>>) src(%dma_wait3A_1066 : memref<80x128xf32, #tpu.memory_space<hbm>>) dst(%dma_wait3A_1063 : memref<80x128xf32, #tpu.memory_space<vmem>>)
        %dma_start3A_1067 = arith.constant 3 : i32
        %dma_start3A_1068 = arith.constant 7 : i32
        %dma_start3A_1069 = arith.constant 0 : i32
        %dma_start3A_1070 = arith.constant 0 : i32
        %dma_start3A_1071 = tpu.memref_slice %arg9[%dma_start3A_1067, %dma_start3A_1069, %dma_start3A_1070] : memref<4x80x128xf32, #tpu.memory_space<vmem>> -> memref<1x80x128xf32, #tpu.memory_space<vmem>>
        %dma_start3A_1072 = tpu.memref_squeeze %dma_start3A_1071 : memref<1x80x128xf32, #tpu.memory_space<vmem>> -> memref<80x128xf32, #tpu.memory_space<vmem>>
        %dma_start3A_1073 = arith.constant 0 : i32
        %dma_start3A_1074 = tpu.memref_slice %arg8[%dma_start3A_1068, %dma_start3A_1073] : memref<8x80xi32, #tpu.memory_space<vmem>> -> memref<1x80xi32, #tpu.memory_space<vmem>>
        %dma_start3A_1075 = tpu.memref_squeeze %dma_start3A_1074 : memref<1x80xi32, #tpu.memory_space<vmem>> -> memref<80xi32, #tpu.memory_space<vmem>>
        %dma_start3A_1076 = arith.constant 0 : i32
        %dma_start3A_1077 = arith.constant 0 : i32
        %dma_start3A_1078 = tpu.memref_slice %arg11[%dma_start3A_1076, %dma_start3A_1077] : memref<10000x128xf32, #tpu.memory_space<vmem_shared>> -> memref<10000x128xf32, #tpu.memory_space<vmem_shared>>
        tpu.enqueue_indirect_dma source(%dma_start3A_1072 : memref<80x128xf32, #tpu.memory_space<vmem>>) target(%dma_start3A_1078 : memref<10000x128xf32, #tpu.memory_space<vmem_shared>>) offsets(%dma_start3A_1075 : memref<80xi32, #tpu.memory_space<vmem>>) semaphore(%arg24 : memref<!tpu.dma_semaphore, #tpu.memory_space<semaphore_mem>>) {add = true}
        %dma_wait3A_1079 = arith.constant 3 : i32
        %dma_wait3A_1080 = arith.constant 7 : i32
        %dma_wait3A_1081 = arith.constant 0 : i32
        %dma_wait3A_1082 = arith.constant 0 : i32
        %dma_wait3A_1083 = tpu.memref_slice %arg9[%dma_wait3A_1079, %dma_wait3A_1081, %dma_wait3A_1082] : memref<4x80x128xf32, #tpu.memory_space<vmem>> -> memref<1x80x128xf32, #tpu.memory_space<vmem>>
        %dma_wait3A_1084 = tpu.memref_squeeze %dma_wait3A_1083 : memref<1x80x128xf32, #tpu.memory_space<vmem>> -> memref<80x128xf32, #tpu.memory_space<vmem>>
        %dma_wait3A_1085 = arith.constant 0 : i32
        %dma_wait3A_1086 = tpu.memref_slice %arg8[%dma_wait3A_1080, %dma_wait3A_1085] : memref<8x80xi32, #tpu.memory_space<vmem>> -> memref<1x80xi32, #tpu.memory_space<vmem>>
        %dma_wait3A_1087 = tpu.memref_squeeze %dma_wait3A_1086 : memref<1x80xi32, #tpu.memory_space<vmem>> -> memref<80xi32, #tpu.memory_space<vmem>>
        %dma_wait3A_1088 = arith.constant 0 : i32
        %dma_wait3A_1089 = arith.constant 0 : i32
        %dma_wait3A_1090 = tpu.memref_slice %arg11[%dma_wait3A_1088, %dma_wait3A_1089] : memref<10000x128xf32, #tpu.memory_space<vmem_shared>> -> memref<10000x128xf32, #tpu.memory_space<vmem_shared>>
        tpu.wait_indirect_dma semaphore(%arg24 : memref<!tpu.dma_semaphore, #tpu.memory_space<semaphore_mem>>) src(%dma_wait3A_1084 : memref<80x128xf32, #tpu.memory_space<vmem>>) dst(%dma_wait3A_1090 : memref<10000x128xf32, #tpu.memory_space<vmem_shared>>)
      } else {
      }
      %add3A_1038 = arith.constant 8 : i32
      %add3A_1039 = arith.addi %add3A_1032, %add3A_1038 : i32
      %lt3A_1040 = arith.constant 125 : i32
      %lt3A_1041 = arith.cmpi slt, %add3A_1039, %lt3A_1040 : i32
      %convert_element_type3A_1042 = arith.extui %lt3A_1041 : i1 to i32
      %cond3A_1043 = arith.constant 0 : i32
      %cond3A_1044 = arith.cmpi ne, %convert_element_type3A_1042, %cond3A_1043 : i32
      scf.if %cond3A_1044 {
        %add3A_1052 = arith.constant 8 : i32
        %add3A_1053 = arith.addi %add3A_1032, %add3A_1052 : i32
        %mul3A_1054 = arith.constant 80 : i32
        %mul3A_1055 = arith.muli %add3A_1053, %mul3A_1054 : i32
        %add3A_1056 = arith.addi %mul3A_2, %mul3A_1055 : i32
        %dma_start3A_1057 = arith.constant 7 : i32
        %dma_start3A_1058 = arith.constant 0 : i32
        %dma_start3A_1059 = tpu.memref_slice %arg6[%dma_start3A_1057, %dma_start3A_1058] : memref<8x80xi32, #tpu.memory_space<vmem>> -> memref<1x80xi32, #tpu.memory_space<vmem>>
        %dma_start3A_1060 = tpu.memref_squeeze %dma_start3A_1059 : memref<1x80xi32, #tpu.memory_space<vmem>> -> memref<80xi32, #tpu.memory_space<vmem>>
        %dma_start3A_1061 = tpu.memref_slice %arg3[%add3A_1056] : memref<640000xi32, #tpu.memory_space<hbm>> -> memref<80xi32, #tpu.memory_space<hbm>>
        %dma_start3A_1062 = arith.constant 0 : i32
        %dma_start3A_1063 = tpu.memref_slice %arg6[%dma_start3A_1057, %dma_start3A_1062] : memref<8x80xi32, #tpu.memory_space<vmem>> -> memref<1x80xi32, #tpu.memory_space<vmem>>
        %dma_start3A_1064 = tpu.memref_squeeze %dma_start3A_1063 : memref<1x80xi32, #tpu.memory_space<vmem>> -> memref<80xi32, #tpu.memory_space<vmem>>
        %dma_start3A_1065 = tpu.memref_slice %arg3[%add3A_1056] : memref<640000xi32, #tpu.memory_space<hbm>> -> memref<80xi32, #tpu.memory_space<hbm>>
        tpu.enqueue_dma source(%dma_start3A_1065 : memref<80xi32, #tpu.memory_space<hbm>>) target(%dma_start3A_1064 : memref<80xi32, #tpu.memory_space<vmem>>) target_semaphore(%arg19 : memref<!tpu.dma_semaphore, #tpu.memory_space<semaphore_mem>>)
        %dma_start3A_1066 = arith.constant 7 : i32
        %dma_start3A_1067 = arith.constant 0 : i32
        %dma_start3A_1068 = tpu.memref_slice %arg7[%dma_start3A_1066, %dma_start3A_1067] : memref<8x80xi32, #tpu.memory_space<vmem>> -> memref<1x80xi32, #tpu.memory_space<vmem>>
        %dma_start3A_1069 = tpu.memref_squeeze %dma_start3A_1068 : memref<1x80xi32, #tpu.memory_space<vmem>> -> memref<80xi32, #tpu.memory_space<vmem>>
        %dma_start3A_1070 = tpu.memref_slice %arg4[%add3A_1056] : memref<320000xi32, #tpu.memory_space<hbm>> -> memref<80xi32, #tpu.memory_space<hbm>>
        %dma_start3A_1071 = arith.constant 0 : i32
        %dma_start3A_1072 = tpu.memref_slice %arg7[%dma_start3A_1066, %dma_start3A_1071] : memref<8x80xi32, #tpu.memory_space<vmem>> -> memref<1x80xi32, #tpu.memory_space<vmem>>
        %dma_start3A_1073 = tpu.memref_squeeze %dma_start3A_1072 : memref<1x80xi32, #tpu.memory_space<vmem>> -> memref<80xi32, #tpu.memory_space<vmem>>
        %dma_start3A_1074 = tpu.memref_slice %arg4[%add3A_1056] : memref<320000xi32, #tpu.memory_space<hbm>> -> memref<80xi32, #tpu.memory_space<hbm>>
        tpu.enqueue_dma source(%dma_start3A_1074 : memref<80xi32, #tpu.memory_space<hbm>>) target(%dma_start3A_1073 : memref<80xi32, #tpu.memory_space<vmem>>) target_semaphore(%arg19 : memref<!tpu.dma_semaphore, #tpu.memory_space<semaphore_mem>>)
        %add3A_1075 = arith.constant 320000 : i32
        %add3A_1076 = arith.addi %add3A_1075, %add3A_1056 : i32
        %dma_start3A_1077 = arith.constant 7 : i32
        %dma_start3A_1078 = arith.constant 0 : i32
        %dma_start3A_1079 = tpu.memref_slice %arg8[%dma_start3A_1077, %dma_start3A_1078] : memref<8x80xi32, #tpu.memory_space<vmem>> -> memref<1x80xi32, #tpu.memory_space<vmem>>
        %dma_start3A_1080 = tpu.memref_squeeze %dma_start3A_1079 : memref<1x80xi32, #tpu.memory_space<vmem>> -> memref<80xi32, #tpu.memory_space<vmem>>
        %dma_start3A_1081 = tpu.memref_slice %arg3[%add3A_1076] : memref<640000xi32, #tpu.memory_space<hbm>> -> memref<80xi32, #tpu.memory_space<hbm>>
        %dma_start3A_1082 = arith.constant 0 : i32
        %dma_start3A_1083 = tpu.memref_slice %arg8[%dma_start3A_1077, %dma_start3A_1082] : memref<8x80xi32, #tpu.memory_space<vmem>> -> memref<1x80xi32, #tpu.memory_space<vmem>>
        %dma_start3A_1084 = tpu.memref_squeeze %dma_start3A_1083 : memref<1x80xi32, #tpu.memory_space<vmem>> -> memref<80xi32, #tpu.memory_space<vmem>>
        %dma_start3A_1085 = tpu.memref_slice %arg3[%add3A_1076] : memref<640000xi32, #tpu.memory_space<hbm>> -> memref<80xi32, #tpu.memory_space<hbm>>
        tpu.enqueue_dma source(%dma_start3A_1085 : memref<80xi32, #tpu.memory_space<hbm>>) target(%dma_start3A_1084 : memref<80xi32, #tpu.memory_space<vmem>>) target_semaphore(%arg19 : memref<!tpu.dma_semaphore, #tpu.memory_space<semaphore_mem>>)
      } else {
      }
      %add3A_1045 = arith.constant 4 : i32
      %add3A_1046 = arith.addi %add3A_1032, %add3A_1045 : i32
      %lt3A_1047 = arith.constant 125 : i32
      %lt3A_1048 = arith.cmpi slt, %add3A_1046, %lt3A_1047 : i32
      %convert_element_type3A_1049 = arith.extui %lt3A_1048 : i1 to i32
      %cond3A_1050 = arith.constant 0 : i32
      %cond3A_1051 = arith.cmpi ne, %convert_element_type3A_1049, %cond3A_1050 : i32
      scf.if %cond3A_1051 {
        %dma_wait3A_1052 = arith.constant 3 : i32
        %dma_wait3A_1053 = arith.constant 0 : i32
        %dma_wait3A_1054 = tpu.memref_slice %arg6[%dma_wait3A_1052, %dma_wait3A_1053] : memref<8x80xi32, #tpu.memory_space<vmem>> -> memref<1x80xi32, #tpu.memory_space<vmem>>
        %dma_wait3A_1055 = tpu.memref_squeeze %dma_wait3A_1054 : memref<1x80xi32, #tpu.memory_space<vmem>> -> memref<80xi32, #tpu.memory_space<vmem>>
        %dma_wait3A_1056 = arith.constant 0 : i32
        %dma_wait3A_1057 = tpu.memref_slice %arg3[%dma_wait3A_1056] : memref<640000xi32, #tpu.memory_space<hbm>> -> memref<80xi32, #tpu.memory_space<hbm>>
        %dma_wait3A_1058 = arith.constant 0 : i32
        %dma_wait3A_1059 = tpu.memref_slice %arg6[%dma_wait3A_1052, %dma_wait3A_1058] : memref<8x80xi32, #tpu.memory_space<vmem>> -> memref<1x80xi32, #tpu.memory_space<vmem>>
        %dma_wait3A_1060 = tpu.memref_squeeze %dma_wait3A_1059 : memref<1x80xi32, #tpu.memory_space<vmem>> -> memref<80xi32, #tpu.memory_space<vmem>>
        %dma_wait3A_1061 = arith.constant 0 : i32
        %dma_wait3A_1062 = tpu.memref_slice %arg3[%dma_wait3A_1061] : memref<640000xi32, #tpu.memory_space<hbm>> -> memref<80xi32, #tpu.memory_space<hbm>>
        tpu.wait_dma2 semaphore(%arg15 : memref<!tpu.dma_semaphore, #tpu.memory_space<semaphore_mem>>) src(%dma_wait3A_1062 : memref<80xi32, #tpu.memory_space<hbm>>) dst(%dma_wait3A_1060 : memref<80xi32, #tpu.memory_space<vmem>>)
        %dma_wait3A_1063 = arith.constant 3 : i32
        %dma_wait3A_1064 = arith.constant 0 : i32
        %dma_wait3A_1065 = tpu.memref_slice %arg7[%dma_wait3A_1063, %dma_wait3A_1064] : memref<8x80xi32, #tpu.memory_space<vmem>> -> memref<1x80xi32, #tpu.memory_space<vmem>>
        %dma_wait3A_1066 = tpu.memref_squeeze %dma_wait3A_1065 : memref<1x80xi32, #tpu.memory_space<vmem>> -> memref<80xi32, #tpu.memory_space<vmem>>
        %dma_wait3A_1067 = arith.constant 0 : i32
        %dma_wait3A_1068 = tpu.memref_slice %arg3[%dma_wait3A_1067] : memref<640000xi32, #tpu.memory_space<hbm>> -> memref<80xi32, #tpu.memory_space<hbm>>
        %dma_wait3A_1069 = arith.constant 0 : i32
        %dma_wait3A_1070 = tpu.memref_slice %arg7[%dma_wait3A_1063, %dma_wait3A_1069] : memref<8x80xi32, #tpu.memory_space<vmem>> -> memref<1x80xi32, #tpu.memory_space<vmem>>
        %dma_wait3A_1071 = tpu.memref_squeeze %dma_wait3A_1070 : memref<1x80xi32, #tpu.memory_space<vmem>> -> memref<80xi32, #tpu.memory_space<vmem>>
        %dma_wait3A_1072 = arith.constant 0 : i32
        %dma_wait3A_1073 = tpu.memref_slice %arg3[%dma_wait3A_1072] : memref<640000xi32, #tpu.memory_space<hbm>> -> memref<80xi32, #tpu.memory_space<hbm>>
        tpu.wait_dma2 semaphore(%arg15 : memref<!tpu.dma_semaphore, #tpu.memory_space<semaphore_mem>>) src(%dma_wait3A_1073 : memref<80xi32, #tpu.memory_space<hbm>>) dst(%dma_wait3A_1071 : memref<80xi32, #tpu.memory_space<vmem>>)
        %dma_wait3A_1074 = arith.constant 3 : i32
        %dma_wait3A_1075 = arith.constant 0 : i32
        %dma_wait3A_1076 = tpu.memref_slice %arg8[%dma_wait3A_1074, %dma_wait3A_1075] : memref<8x80xi32, #tpu.memory_space<vmem>> -> memref<1x80xi32, #tpu.memory_space<vmem>>
        %dma_wait3A_1077 = tpu.memref_squeeze %dma_wait3A_1076 : memref<1x80xi32, #tpu.memory_space<vmem>> -> memref<80xi32, #tpu.memory_space<vmem>>
        %dma_wait3A_1078 = arith.constant 0 : i32
        %dma_wait3A_1079 = tpu.memref_slice %arg3[%dma_wait3A_1078] : memref<640000xi32, #tpu.memory_space<hbm>> -> memref<80xi32, #tpu.memory_space<hbm>>
        %dma_wait3A_1080 = arith.constant 0 : i32
        %dma_wait3A_1081 = tpu.memref_slice %arg8[%dma_wait3A_1074, %dma_wait3A_1080] : memref<8x80xi32, #tpu.memory_space<vmem>> -> memref<1x80xi32, #tpu.memory_space<vmem>>
        %dma_wait3A_1082 = tpu.memref_squeeze %dma_wait3A_1081 : memref<1x80xi32, #tpu.memory_space<vmem>> -> memref<80xi32, #tpu.memory_space<vmem>>
        %dma_wait3A_1083 = arith.constant 0 : i32
        %dma_wait3A_1084 = tpu.memref_slice %arg3[%dma_wait3A_1083] : memref<640000xi32, #tpu.memory_space<hbm>> -> memref<80xi32, #tpu.memory_space<hbm>>
        tpu.wait_dma2 semaphore(%arg15 : memref<!tpu.dma_semaphore, #tpu.memory_space<semaphore_mem>>) src(%dma_wait3A_1084 : memref<80xi32, #tpu.memory_space<hbm>>) dst(%dma_wait3A_1082 : memref<80xi32, #tpu.memory_space<vmem>>)
        %get3A_1085 = arith.constant 3 : i32
        %get3A_1086 = arith.index_cast %get3A_1085 : i32 to index
        %get3A_1087 = arith.constant 0 : index
        %get3A_1088 = tpu.vector_load %arg7[%get3A_1086, %get3A_1087] {strides = array<i32>} : memref<8x80xi32, #tpu.memory_space<vmem>>, vector<1x16xi32>,
        %get3A_1089 = vector.shape_cast %get3A_1088 : vector<1x16xi32> to vector<16xi32>
        %mul3A_1090 = arith.constant 10000 : i32
        %mul3A_1091 = vector.broadcast %mul3A_1090 : i32 to vector<16xi32>
        %mul3A_1092 = arith.muli %get3A_1089, %mul3A_1091 : vector<16xi32>
        %get3A_1093 = arith.constant 3 : i32
        %get3A_1094 = arith.index_cast %get3A_1093 : i32 to index
        %get3A_1095 = arith.constant 0 : index
        %get3A_1096 = tpu.vector_load %arg6[%get3A_1094, %get3A_1095] {strides = array<i32>} : memref<8x80xi32, #tpu.memory_space<vmem>>, vector<1x16xi32>,
        %get3A_1097 = vector.shape_cast %get3A_1096 : vector<1x16xi32> to vector<16xi32>
        %add3A_1098 = arith.addi %mul3A_1092, %get3A_1097 : vector<16xi32>
        %swap3A_1099 = arith.constant 3 : i32
        %swap3A_1100 = arith.index_cast %swap3A_1099 : i32 to index
        %swap3A_1101 = arith.constant 0 : index
        %swap3A_1102 = tpu.vector_load %arg6[%swap3A_1100, %swap3A_1101] {strides = array<i32>} : memref<8x80xi32, #tpu.memory_space<vmem>>, vector<1x16xi32>,
        %swap3A_1103 = vector.shape_cast %swap3A_1102 : vector<1x16xi32> to vector<16xi32>
        %swap3A_1104 = vector.shape_cast %add3A_1098 : vector<16xi32> to vector<1x16xi32>
        tpu.vector_store %arg6[%swap3A_1100, %swap3A_1101], %swap3A_1104 {strides = array<i32>} : memref<8x80xi32, #tpu.memory_space<vmem>>, vector<1x16xi32>,
        %get3A_1105 = arith.constant 3 : i32
        %get3A_1106 = arith.index_cast %get3A_1105 : i32 to index
        %get3A_1107 = arith.constant 16 : index
        %get3A_1108 = tpu.vector_load %arg7[%get3A_1106, %get3A_1107] {strides = array<i32>} : memref<8x80xi32, #tpu.memory_space<vmem>>, vector<1x16xi32>,
        %get3A_1109 = vector.shape_cast %get3A_1108 : vector<1x16xi32> to vector<16xi32>
        %mul3A_1110 = arith.constant 10000 : i32
        %mul3A_1111 = vector.broadcast %mul3A_1110 : i32 to vector<16xi32>
        %mul3A_1112 = arith.muli %get3A_1109, %mul3A_1111 : vector<16xi32>
        %get3A_1113 = arith.constant 3 : i32
        %get3A_1114 = arith.index_cast %get3A_1113 : i32 to index
        %get3A_1115 = arith.constant 16 : index
        %get3A_1116 = tpu.vector_load %arg6[%get3A_1114, %get3A_1115] {strides = array<i32>} : memref<8x80xi32, #tpu.memory_space<vmem>>, vector<1x16xi32>,
        %get3A_1117 = vector.shape_cast %get3A_1116 : vector<1x16xi32> to vector<16xi32>
        %add3A_1118 = arith.addi %mul3A_1112, %get3A_1117 : vector<16xi32>
        %swap3A_1119 = arith.constant 3 : i32
        %swap3A_1120 = arith.index_cast %swap3A_1119 : i32 to index
        %swap3A_1121 = arith.constant 16 : index
        %swap3A_1122 = tpu.vector_load %arg6[%swap3A_1120, %swap3A_1121] {strides = array<i32>} : memref<8x80xi32, #tpu.memory_space<vmem>>, vector<1x16xi32>,
        %swap3A_1123 = vector.shape_cast %swap3A_1122 : vector<1x16xi32> to vector<16xi32>
        %swap3A_1124 = vector.shape_cast %add3A_1118 : vector<16xi32> to vector<1x16xi32>
        tpu.vector_store %arg6[%swap3A_1120, %swap3A_1121], %swap3A_1124 {strides = array<i32>} : memref<8x80xi32, #tpu.memory_space<vmem>>, vector<1x16xi32>,
        %get3A_1125 = arith.constant 3 : i32
        %get3A_1126 = arith.index_cast %get3A_1125 : i32 to index
        %get3A_1127 = arith.constant 32 : index
        %get3A_1128 = tpu.vector_load %arg7[%get3A_1126, %get3A_1127] {strides = array<i32>} : memref<8x80xi32, #tpu.memory_space<vmem>>, vector<1x16xi32>,
        %get3A_1129 = vector.shape_cast %get3A_1128 : vector<1x16xi32> to vector<16xi32>
        %mul3A_1130 = arith.constant 10000 : i32
        %mul3A_1131 = vector.broadcast %mul3A_1130 : i32 to vector<16xi32>
        %mul3A_1132 = arith.muli %get3A_1129, %mul3A_1131 : vector<16xi32>
        %get3A_1133 = arith.constant 3 : i32
        %get3A_1134 = arith.index_cast %get3A_1133 : i32 to index
        %get3A_1135 = arith.constant 32 : index
        %get3A_1136 = tpu.vector_load %arg6[%get3A_1134, %get3A_1135] {strides = array<i32>} : memref<8x80xi32, #tpu.memory_space<vmem>>, vector<1x16xi32>,
        %get3A_1137 = vector.shape_cast %get3A_1136 : vector<1x16xi32> to vector<16xi32>
        %add3A_1138 = arith.addi %mul3A_1132, %get3A_1137 : vector<16xi32>
        %swap3A_1139 = arith.constant 3 : i32
        %swap3A_1140 = arith.index_cast %swap3A_1139 : i32 to index
        %swap3A_1141 = arith.constant 32 : index
        %swap3A_1142 = tpu.vector_load %arg6[%swap3A_1140, %swap3A_1141] {strides = array<i32>} : memref<8x80xi32, #tpu.memory_space<vmem>>, vector<1x16xi32>,
        %swap3A_1143 = vector.shape_cast %swap3A_1142 : vector<1x16xi32> to vector<16xi32>
        %swap3A_1144 = vector.shape_cast %add3A_1138 : vector<16xi32> to vector<1x16xi32>
        tpu.vector_store %arg6[%swap3A_1140, %swap3A_1141], %swap3A_1144 {strides = array<i32>} : memref<8x80xi32, #tpu.memory_space<vmem>>, vector<1x16xi32>,
        %get3A_1145 = arith.constant 3 : i32
        %get3A_1146 = arith.index_cast %get3A_1145 : i32 to index
        %get3A_1147 = arith.constant 48 : index
        %get3A_1148 = tpu.vector_load %arg7[%get3A_1146, %get3A_1147] {strides = array<i32>} : memref<8x80xi32, #tpu.memory_space<vmem>>, vector<1x16xi32>,
        %get3A_1149 = vector.shape_cast %get3A_1148 : vector<1x16xi32> to vector<16xi32>
        %mul3A_1150 = arith.constant 10000 : i32
        %mul3A_1151 = vector.broadcast %mul3A_1150 : i32 to vector<16xi32>
        %mul3A_1152 = arith.muli %get3A_1149, %mul3A_1151 : vector<16xi32>
        %get3A_1153 = arith.constant 3 : i32
        %get3A_1154 = arith.index_cast %get3A_1153 : i32 to index
        %get3A_1155 = arith.constant 48 : index
        %get3A_1156 = tpu.vector_load %arg6[%get3A_1154, %get3A_1155] {strides = array<i32>} : memref<8x80xi32, #tpu.memory_space<vmem>>, vector<1x16xi32>,
        %get3A_1157 = vector.shape_cast %get3A_1156 : vector<1x16xi32> to vector<16xi32>
        %add3A_1158 = arith.addi %mul3A_1152, %get3A_1157 : vector<16xi32>
        %swap3A_1159 = arith.constant 3 : i32
        %swap3A_1160 = arith.index_cast %swap3A_1159 : i32 to index
        %swap3A_1161 = arith.constant 48 : index
        %swap3A_1162 = tpu.vector_load %arg6[%swap3A_1160, %swap3A_1161] {strides = array<i32>} : memref<8x80xi32, #tpu.memory_space<vmem>>, vector<1x16xi32>,
        %swap3A_1163 = vector.shape_cast %swap3A_1162 : vector<1x16xi32> to vector<16xi32>
        %swap3A_1164 = vector.shape_cast %add3A_1158 : vector<16xi32> to vector<1x16xi32>
        tpu.vector_store %arg6[%swap3A_1160, %swap3A_1161], %swap3A_1164 {strides = array<i32>} : memref<8x80xi32, #tpu.memory_space<vmem>>, vector<1x16xi32>,
        %get3A_1165 = arith.constant 3 : i32
        %get3A_1166 = arith.index_cast %get3A_1165 : i32 to index
        %get3A_1167 = arith.constant 64 : index
        %get3A_1168 = tpu.vector_load %arg7[%get3A_1166, %get3A_1167] {strides = array<i32>} : memref<8x80xi32, #tpu.memory_space<vmem>>, vector<1x16xi32>,
        %get3A_1169 = vector.shape_cast %get3A_1168 : vector<1x16xi32> to vector<16xi32>
        %mul3A_1170 = arith.constant 10000 : i32
        %mul3A_1171 = vector.broadcast %mul3A_1170 : i32 to vector<16xi32>
        %mul3A_1172 = arith.muli %get3A_1169, %mul3A_1171 : vector<16xi32>
        %get3A_1173 = arith.constant 3 : i32
        %get3A_1174 = arith.index_cast %get3A_1173 : i32 to index
        %get3A_1175 = arith.constant 64 : index
        %get3A_1176 = tpu.vector_load %arg6[%get3A_1174, %get3A_1175] {strides = array<i32>} : memref<8x80xi32, #tpu.memory_space<vmem>>, vector<1x16xi32>,
        %get3A_1177 = vector.shape_cast %get3A_1176 : vector<1x16xi32> to vector<16xi32>
        %add3A_1178 = arith.addi %mul3A_1172, %get3A_1177 : vector<16xi32>
        %swap3A_1179 = arith.constant 3 : i32
        %swap3A_1180 = arith.index_cast %swap3A_1179 : i32 to index
        %swap3A_1181 = arith.constant 64 : index
        %swap3A_1182 = tpu.vector_load %arg6[%swap3A_1180, %swap3A_1181] {strides = array<i32>} : memref<8x80xi32, #tpu.memory_space<vmem>>, vector<1x16xi32>,
        %swap3A_1183 = vector.shape_cast %swap3A_1182 : vector<1x16xi32> to vector<16xi32>
        %swap3A_1184 = vector.shape_cast %add3A_1178 : vector<16xi32> to vector<1x16xi32>
        tpu.vector_store %arg6[%swap3A_1180, %swap3A_1181], %swap3A_1184 {strides = array<i32>} : memref<8x80xi32, #tpu.memory_space<vmem>>, vector<1x16xi32>,
        %dma_start3A_1185 = arith.constant 3 : i32
        %dma_start3A_1186 = arith.constant 3 : i32
        %dma_start3A_1187 = arith.constant 0 : i32
        %dma_start3A_1188 = arith.constant 0 : i32
        %dma_start3A_1189 = tpu.memref_slice %arg9[%dma_start3A_1186, %dma_start3A_1187, %dma_start3A_1188] : memref<4x80x128xf32, #tpu.memory_space<vmem>> -> memref<1x80x128xf32, #tpu.memory_space<vmem>>
        %dma_start3A_1190 = tpu.memref_squeeze %dma_start3A_1189 : memref<1x80x128xf32, #tpu.memory_space<vmem>> -> memref<80x128xf32, #tpu.memory_space<vmem>>
        %dma_start3A_1191 = arith.constant 0 : i32
        %dma_start3A_1192 = tpu.memref_slice %arg6[%dma_start3A_1185, %dma_start3A_1191] : memref<8x80xi32, #tpu.memory_space<vmem>> -> memref<1x80xi32, #tpu.memory_space<vmem>>
        %dma_start3A_1193 = tpu.memref_squeeze %dma_start3A_1192 : memref<1x80xi32, #tpu.memory_space<vmem>> -> memref<80xi32, #tpu.memory_space<vmem>>
        %dma_start3A_1194 = arith.constant 0 : i32
        %dma_start3A_1195 = arith.constant 0 : i32
        %dma_start3A_1196 = tpu.memref_slice %arg2[%dma_start3A_1194, %dma_start3A_1195] : memref<80000x128xf32, #tpu.memory_space<hbm>> -> memref<80000x128xf32, #tpu.memory_space<hbm>>
        tpu.enqueue_indirect_dma source(%dma_start3A_1196 : memref<80000x128xf32, #tpu.memory_space<hbm>>) target(%dma_start3A_1190 : memref<80x128xf32, #tpu.memory_space<vmem>>) offsets(%dma_start3A_1193 : memref<80xi32, #tpu.memory_space<vmem>>) semaphore(%arg23 : memref<!tpu.dma_semaphore, #tpu.memory_space<semaphore_mem>>)
      } else {
      }
    }
    %scan3A_857 = arith.constant 16 : i32
    %barrier3A_858 = arith.constant 0 : index
    tpu.barrier barrier_id(%barrier3A_858)
    %mul3A_859 = arith.constant 624 : i32
    %mul3A_860 = arith.muli %arg1, %mul3A_859 : i32
    %mul3A_861 = arith.constant 624 : i32
    %mul3A_862 = arith.muli %arg1, %mul3A_861 : i32
    "tpu.region"() ({
      %run_scoped3A = tpu.sem_alloc : memref<!tpu.dma_semaphore, #tpu.memory_space<semaphore_mem>>
      %dma_start3A_868 = arith.constant 0 : i32
      %dma_start3A_869 = tpu.memref_slice %arg5[%arg0, %mul3A_862, %dma_start3A_868] : memref<2x10000x128xf32, #tpu.memory_space<hbm>> -> memref<1x624x128xf32, #tpu.memory_space<hbm>>
      %dma_start3A_870 = tpu.memref_squeeze %dma_start3A_869 : memref<1x624x128xf32, #tpu.memory_space<hbm>> -> memref<624x128xf32, #tpu.memory_space<hbm>>
      %dma_start3A_871 = arith.constant 0 : i32
      %dma_start3A_872 = tpu.memref_slice %arg11[%mul3A_860, %dma_start3A_871] : memref<10000x128xf32, #tpu.memory_space<vmem_shared>> -> memref<624x128xf32, #tpu.memory_space<vmem_shared>>
      tpu.enqueue_dma source(%dma_start3A_872 : memref<624x128xf32, #tpu.memory_space<vmem_shared>>) target(%dma_start3A_870 : memref<624x128xf32, #tpu.memory_space<hbm>>) target_semaphore(%run_scoped3A : memref<!tpu.dma_semaphore, #tpu.memory_space<semaphore_mem>>)
      %dma_wait3A_873 = arith.constant 0 : i32
      %dma_wait3A_874 = tpu.memref_slice %arg5[%arg0, %mul3A_862, %dma_wait3A_873] : memref<2x10000x128xf32, #tpu.memory_space<hbm>> -> memref<1x624x128xf32, #tpu.memory_space<hbm>>
      %dma_wait3A_875 = tpu.memref_squeeze %dma_wait3A_874 : memref<1x624x128xf32, #tpu.memory_space<hbm>> -> memref<624x128xf32, #tpu.memory_space<hbm>>
      %dma_wait3A_876 = arith.constant 0 : i32
      %dma_wait3A_877 = tpu.memref_slice %arg11[%mul3A_860, %dma_wait3A_876] : memref<10000x128xf32, #tpu.memory_space<vmem_shared>> -> memref<624x128xf32, #tpu.memory_space<vmem_shared>>
      tpu.wait_dma2 semaphore(%run_scoped3A : memref<!tpu.dma_semaphore, #tpu.memory_space<semaphore_mem>>) src(%dma_wait3A_877 : memref<624x128xf32, #tpu.memory_space<vmem_shared>>) dst(%dma_wait3A_875 : memref<624x128xf32, #tpu.memory_space<hbm>>)
      tpu.yield
    }) : () -> ()
    %eq3A_863 = arith.constant 0 : i32
    %eq3A_864 = arith.cmpi eq, %arg1, %eq3A_863 : i32
    %convert_element_type3A_865 = arith.extui %eq3A_864 : i1 to i32
    %cond3A_866 = arith.constant 0 : i32
    %cond3A_867 = arith.cmpi ne, %convert_element_type3A_865, %cond3A_866 : i32
    scf.if %cond3A_867 {
      "tpu.region"() ({
        %run_scoped3A = tpu.sem_alloc : memref<!tpu.dma_semaphore, #tpu.memory_space<semaphore_mem>>
        %dma_start3A_868 = arith.constant 9984 : i32
        %dma_start3A_869 = arith.constant 0 : i32
        %dma_start3A_870 = tpu.memref_slice %arg5[%arg0, %dma_start3A_868, %dma_start3A_869] : memref<2x10000x128xf32, #tpu.memory_space<hbm>> -> memref<1x16x128xf32, #tpu.memory_space<hbm>>
        %dma_start3A_871 = tpu.memref_squeeze %dma_start3A_870 : memref<1x16x128xf32, #tpu.memory_space<hbm>> -> memref<16x128xf32, #tpu.memory_space<hbm>>
        %dma_start3A_872 = arith.constant 9984 : i32
        %dma_start3A_873 = arith.constant 0 : i32
        %dma_start3A_874 = tpu.memref_slice %arg11[%dma_start3A_872, %dma_start3A_873] : memref<10000x128xf32, #tpu.memory_space<vmem_shared>> -> memref<16x128xf32, #tpu.memory_space<vmem_shared>>
        tpu.enqueue_dma source(%dma_start3A_874 : memref<16x128xf32, #tpu.memory_space<vmem_shared>>) target(%dma_start3A_871 : memref<16x128xf32, #tpu.memory_space<hbm>>) target_semaphore(%run_scoped3A : memref<!tpu.dma_semaphore, #tpu.memory_space<semaphore_mem>>)
        %dma_wait3A_875 = arith.constant 9984 : i32
        %dma_wait3A_876 = arith.constant 0 : i32
        %dma_wait3A_877 = tpu.memref_slice %arg5[%arg0, %dma_wait3A_875, %dma_wait3A_876] : memref<2x10000x128xf32, #tpu.memory_space<hbm>> -> memref<1x16x128xf32, #tpu.memory_space<hbm>>
        %dma_wait3A_878 = tpu.memref_squeeze %dma_wait3A_877 : memref<1x16x128xf32, #tpu.memory_space<hbm>> -> memref<16x128xf32, #tpu.memory_space<hbm>>
        %dma_wait3A_879 = arith.constant 9984 : i32
        %dma_wait3A_880 = arith.constant 0 : i32
        %dma_wait3A_881 = tpu.memref_slice %arg11[%dma_wait3A_879, %dma_wait3A_880] : memref<10000x128xf32, #tpu.memory_space<vmem_shared>> -> memref<16x128xf32, #tpu.memory_space<vmem_shared>>
        tpu.wait_dma2 semaphore(%run_scoped3A : memref<!tpu.dma_semaphore, #tpu.memory_space<semaphore_mem>>) src(%dma_wait3A_881 : memref<16x128xf32, #tpu.memory_space<vmem_shared>>) dst(%dma_wait3A_878 : memref<16x128xf32, #tpu.memory_space<hbm>>)
        tpu.yield
      }) : () -> ()
    } else {
    }
    return
  }
}

module attributes {stable_mosaic.version = 14 : i64} {
  func.func @_matmul_body(%arg0: i32, %arg1: memref<2000x128xf32, #tpu.memory_space<vmem>>, %arg2: memref<8x128x128xf32, #tpu.memory_space<vmem>>, %arg3: memref<8x2000x128xf32, #tpu.memory_space<vmem>>) attributes {dimension_semantics = [#tpu.dimension_semantics<arbitrary>], iteration_bounds = array<i64: 5>, scalar_prefetch = 0 : i64, scratch_operands = 0 : i64, tpu.core_type = #tpu.core_type<tc>, window_params = [{transform_indices = @transform_0, window_bounds = array<i64: 2000, 128>}, {pipeline_mode = #tpu.pipeline_mode<synchronous>, transform_indices = @transform_1, window_bounds = array<i64: 8, 128, 128>}, {transform_indices = @transform_2, window_bounds = array<i64: 8, 2000, 128>}]} {
    %get3A = arith.constant 0 : index
    %get3A_0 = arith.constant 0 : index
    %get3A_1 = vector.load %arg1[%get3A, %get3A_0] : memref<2000x128xf32, #tpu.memory_space<vmem>>, vector<2000x128xf32>
    %convert_element_type3A = arith.truncf %get3A_1 : vector<2000x128xf32> to vector<2000x128xbf16>
    %get3A_2 = arith.constant 0 : index
    %get3A_3 = arith.constant 0 : index
    %get3A_4 = arith.constant 0 : index
    %get3A_5 = vector.load %arg2[%get3A_2, %get3A_3, %get3A_4] : memref<8x128x128xf32, #tpu.memory_space<vmem>>, vector<1x128x128xf32>
    %get3A_6 = vector.shape_cast %get3A_5 : vector<1x128x128xf32> to vector<128x128xf32>
    %convert_element_type3A_7 = arith.truncf %get3A_6 : vector<128x128xf32> to vector<128x128xbf16>
    %dot_general3A = arith.constant dense<0.000000e+00> : vector<2000x128xf32>
    %dot_general3A_8 = tpu.matmul %convert_element_type3A, %convert_element_type3A_7, %dot_general3A {dimension_numbers = #tpu.dot_dimension_numbers<[1], [0], [0], [1], [0, 0, 1, 1], [], []>, transpose_lhs_hint = false} : vector<2000x128xbf16>, vector<128x128xbf16>, vector<2000x128xf32> -> vector<2000x128xf32>
    %swap3A = arith.constant 0 : index
    %swap3A_9 = arith.constant 0 : index
    %swap3A_10 = arith.constant 0 : index
    %swap3A_11 = vector.load %arg3[%swap3A, %swap3A_9, %swap3A_10] : memref<8x2000x128xf32, #tpu.memory_space<vmem>>, vector<1x2000x128xf32>
    %swap3A_12 = vector.shape_cast %swap3A_11 : vector<1x2000x128xf32> to vector<2000x128xf32>
    %swap3A_13 = vector.shape_cast %dot_general3A_8 : vector<2000x128xf32> to vector<1x2000x128xf32>
    tpu.vector_store %arg3[%swap3A, %swap3A_9, %swap3A_10], %swap3A_13 {strides = array<i32>} : memref<8x2000x128xf32, #tpu.memory_space<vmem>>, vector<1x2000x128xf32>,
    %get3A_14 = arith.constant 1 : index
    %get3A_15 = arith.constant 0 : index
    %get3A_16 = arith.constant 0 : index
    %get3A_17 = vector.load %arg2[%get3A_14, %get3A_15, %get3A_16] : memref<8x128x128xf32, #tpu.memory_space<vmem>>, vector<1x128x128xf32>
    %get3A_18 = vector.shape_cast %get3A_17 : vector<1x128x128xf32> to vector<128x128xf32>
    %convert_element_type3A_19 = arith.truncf %get3A_18 : vector<128x128xf32> to vector<128x128xbf16>
    %dot_general3A_20 = arith.constant dense<0.000000e+00> : vector<2000x128xf32>
    %dot_general3A_21 = tpu.matmul %convert_element_type3A, %convert_element_type3A_19, %dot_general3A_20 {dimension_numbers = #tpu.dot_dimension_numbers<[1], [0], [0], [1], [0, 0, 1, 1], [], []>, transpose_lhs_hint = false} : vector<2000x128xbf16>, vector<128x128xbf16>, vector<2000x128xf32> -> vector<2000x128xf32>
    %swap3A_22 = arith.constant 1 : index
    %swap3A_23 = arith.constant 0 : index
    %swap3A_24 = arith.constant 0 : index
    %swap3A_25 = vector.load %arg3[%swap3A_22, %swap3A_23, %swap3A_24] : memref<8x2000x128xf32, #tpu.memory_space<vmem>>, vector<1x2000x128xf32>
    %swap3A_26 = vector.shape_cast %swap3A_25 : vector<1x2000x128xf32> to vector<2000x128xf32>
    %swap3A_27 = vector.shape_cast %dot_general3A_21 : vector<2000x128xf32> to vector<1x2000x128xf32>
    tpu.vector_store %arg3[%swap3A_22, %swap3A_23, %swap3A_24], %swap3A_27 {strides = array<i32>} : memref<8x2000x128xf32, #tpu.memory_space<vmem>>, vector<1x2000x128xf32>,
    %get3A_28 = arith.constant 2 : index
    %get3A_29 = arith.constant 0 : index
    %get3A_30 = arith.constant 0 : index
    %get3A_31 = vector.load %arg2[%get3A_28, %get3A_29, %get3A_30] : memref<8x128x128xf32, #tpu.memory_space<vmem>>, vector<1x128x128xf32>
    %get3A_32 = vector.shape_cast %get3A_31 : vector<1x128x128xf32> to vector<128x128xf32>
    %convert_element_type3A_33 = arith.truncf %get3A_32 : vector<128x128xf32> to vector<128x128xbf16>
    %dot_general3A_34 = arith.constant dense<0.000000e+00> : vector<2000x128xf32>
    %dot_general3A_35 = tpu.matmul %convert_element_type3A, %convert_element_type3A_33, %dot_general3A_34 {dimension_numbers = #tpu.dot_dimension_numbers<[1], [0], [0], [1], [0, 0, 1, 1], [], []>, transpose_lhs_hint = false} : vector<2000x128xbf16>, vector<128x128xbf16>, vector<2000x128xf32> -> vector<2000x128xf32>
    %swap3A_36 = arith.constant 2 : index
    %swap3A_37 = arith.constant 0 : index
    %swap3A_38 = arith.constant 0 : index
    %swap3A_39 = vector.load %arg3[%swap3A_36, %swap3A_37, %swap3A_38] : memref<8x2000x128xf32, #tpu.memory_space<vmem>>, vector<1x2000x128xf32>
    %swap3A_40 = vector.shape_cast %swap3A_39 : vector<1x2000x128xf32> to vector<2000x128xf32>
    %swap3A_41 = vector.shape_cast %dot_general3A_35 : vector<2000x128xf32> to vector<1x2000x128xf32>
    tpu.vector_store %arg3[%swap3A_36, %swap3A_37, %swap3A_38], %swap3A_41 {strides = array<i32>} : memref<8x2000x128xf32, #tpu.memory_space<vmem>>, vector<1x2000x128xf32>,
    %get3A_42 = arith.constant 3 : index
    %get3A_43 = arith.constant 0 : index
    %get3A_44 = arith.constant 0 : index
    %get3A_45 = vector.load %arg2[%get3A_42, %get3A_43, %get3A_44] : memref<8x128x128xf32, #tpu.memory_space<vmem>>, vector<1x128x128xf32>
    %get3A_46 = vector.shape_cast %get3A_45 : vector<1x128x128xf32> to vector<128x128xf32>
    %convert_element_type3A_47 = arith.truncf %get3A_46 : vector<128x128xf32> to vector<128x128xbf16>
    %dot_general3A_48 = arith.constant dense<0.000000e+00> : vector<2000x128xf32>
    %dot_general3A_49 = tpu.matmul %convert_element_type3A, %convert_element_type3A_47, %dot_general3A_48 {dimension_numbers = #tpu.dot_dimension_numbers<[1], [0], [0], [1], [0, 0, 1, 1], [], []>, transpose_lhs_hint = false} : vector<2000x128xbf16>, vector<128x128xbf16>, vector<2000x128xf32> -> vector<2000x128xf32>
    %swap3A_50 = arith.constant 3 : index
    %swap3A_51 = arith.constant 0 : index
    %swap3A_52 = arith.constant 0 : index
    %swap3A_53 = vector.load %arg3[%swap3A_50, %swap3A_51, %swap3A_52] : memref<8x2000x128xf32, #tpu.memory_space<vmem>>, vector<1x2000x128xf32>
    %swap3A_54 = vector.shape_cast %swap3A_53 : vector<1x2000x128xf32> to vector<2000x128xf32>
    %swap3A_55 = vector.shape_cast %dot_general3A_49 : vector<2000x128xf32> to vector<1x2000x128xf32>
    tpu.vector_store %arg3[%swap3A_50, %swap3A_51, %swap3A_52], %swap3A_55 {strides = array<i32>} : memref<8x2000x128xf32, #tpu.memory_space<vmem>>, vector<1x2000x128xf32>,
    %get3A_56 = arith.constant 4 : index
    %get3A_57 = arith.constant 0 : index
    %get3A_58 = arith.constant 0 : index
    %get3A_59 = vector.load %arg2[%get3A_56, %get3A_57, %get3A_58] : memref<8x128x128xf32, #tpu.memory_space<vmem>>, vector<1x128x128xf32>
    %get3A_60 = vector.shape_cast %get3A_59 : vector<1x128x128xf32> to vector<128x128xf32>
    %convert_element_type3A_61 = arith.truncf %get3A_60 : vector<128x128xf32> to vector<128x128xbf16>
    %dot_general3A_62 = arith.constant dense<0.000000e+00> : vector<2000x128xf32>
    %dot_general3A_63 = tpu.matmul %convert_element_type3A, %convert_element_type3A_61, %dot_general3A_62 {dimension_numbers = #tpu.dot_dimension_numbers<[1], [0], [0], [1], [0, 0, 1, 1], [], []>, transpose_lhs_hint = false} : vector<2000x128xbf16>, vector<128x128xbf16>, vector<2000x128xf32> -> vector<2000x128xf32>
    %swap3A_64 = arith.constant 4 : index
    %swap3A_65 = arith.constant 0 : index
    %swap3A_66 = arith.constant 0 : index
    %swap3A_67 = vector.load %arg3[%swap3A_64, %swap3A_65, %swap3A_66] : memref<8x2000x128xf32, #tpu.memory_space<vmem>>, vector<1x2000x128xf32>
    %swap3A_68 = vector.shape_cast %swap3A_67 : vector<1x2000x128xf32> to vector<2000x128xf32>
    %swap3A_69 = vector.shape_cast %dot_general3A_63 : vector<2000x128xf32> to vector<1x2000x128xf32>
    tpu.vector_store %arg3[%swap3A_64, %swap3A_65, %swap3A_66], %swap3A_69 {strides = array<i32>} : memref<8x2000x128xf32, #tpu.memory_space<vmem>>, vector<1x2000x128xf32>,
    %get3A_70 = arith.constant 5 : index
    %get3A_71 = arith.constant 0 : index
    %get3A_72 = arith.constant 0 : index
    %get3A_73 = vector.load %arg2[%get3A_70, %get3A_71, %get3A_72] : memref<8x128x128xf32, #tpu.memory_space<vmem>>, vector<1x128x128xf32>
    %get3A_74 = vector.shape_cast %get3A_73 : vector<1x128x128xf32> to vector<128x128xf32>
    %convert_element_type3A_75 = arith.truncf %get3A_74 : vector<128x128xf32> to vector<128x128xbf16>
    %dot_general3A_76 = arith.constant dense<0.000000e+00> : vector<2000x128xf32>
    %dot_general3A_77 = tpu.matmul %convert_element_type3A, %convert_element_type3A_75, %dot_general3A_76 {dimension_numbers = #tpu.dot_dimension_numbers<[1], [0], [0], [1], [0, 0, 1, 1], [], []>, transpose_lhs_hint = false} : vector<2000x128xbf16>, vector<128x128xbf16>, vector<2000x128xf32> -> vector<2000x128xf32>
    %swap3A_78 = arith.constant 5 : index
    %swap3A_79 = arith.constant 0 : index
    %swap3A_80 = arith.constant 0 : index
    %swap3A_81 = vector.load %arg3[%swap3A_78, %swap3A_79, %swap3A_80] : memref<8x2000x128xf32, #tpu.memory_space<vmem>>, vector<1x2000x128xf32>
    %swap3A_82 = vector.shape_cast %swap3A_81 : vector<1x2000x128xf32> to vector<2000x128xf32>
    %swap3A_83 = vector.shape_cast %dot_general3A_77 : vector<2000x128xf32> to vector<1x2000x128xf32>
    tpu.vector_store %arg3[%swap3A_78, %swap3A_79, %swap3A_80], %swap3A_83 {strides = array<i32>} : memref<8x2000x128xf32, #tpu.memory_space<vmem>>, vector<1x2000x128xf32>,
    %get3A_84 = arith.constant 6 : index
    %get3A_85 = arith.constant 0 : index
    %get3A_86 = arith.constant 0 : index
    %get3A_87 = vector.load %arg2[%get3A_84, %get3A_85, %get3A_86] : memref<8x128x128xf32, #tpu.memory_space<vmem>>, vector<1x128x128xf32>
    %get3A_88 = vector.shape_cast %get3A_87 : vector<1x128x128xf32> to vector<128x128xf32>
    %convert_element_type3A_89 = arith.truncf %get3A_88 : vector<128x128xf32> to vector<128x128xbf16>
    %dot_general3A_90 = arith.constant dense<0.000000e+00> : vector<2000x128xf32>
    %dot_general3A_91 = tpu.matmul %convert_element_type3A, %convert_element_type3A_89, %dot_general3A_90 {dimension_numbers = #tpu.dot_dimension_numbers<[1], [0], [0], [1], [0, 0, 1, 1], [], []>, transpose_lhs_hint = false} : vector<2000x128xbf16>, vector<128x128xbf16>, vector<2000x128xf32> -> vector<2000x128xf32>
    %swap3A_92 = arith.constant 6 : index
    %swap3A_93 = arith.constant 0 : index
    %swap3A_94 = arith.constant 0 : index
    %swap3A_95 = vector.load %arg3[%swap3A_92, %swap3A_93, %swap3A_94] : memref<8x2000x128xf32, #tpu.memory_space<vmem>>, vector<1x2000x128xf32>
    %swap3A_96 = vector.shape_cast %swap3A_95 : vector<1x2000x128xf32> to vector<2000x128xf32>
    %swap3A_97 = vector.shape_cast %dot_general3A_91 : vector<2000x128xf32> to vector<1x2000x128xf32>
    tpu.vector_store %arg3[%swap3A_92, %swap3A_93, %swap3A_94], %swap3A_97 {strides = array<i32>} : memref<8x2000x128xf32, #tpu.memory_space<vmem>>, vector<1x2000x128xf32>,
    %get3A_98 = arith.constant 7 : index
    %get3A_99 = arith.constant 0 : index
    %get3A_100 = arith.constant 0 : index
    %get3A_101 = vector.load %arg2[%get3A_98, %get3A_99, %get3A_100] : memref<8x128x128xf32, #tpu.memory_space<vmem>>, vector<1x128x128xf32>
    %get3A_102 = vector.shape_cast %get3A_101 : vector<1x128x128xf32> to vector<128x128xf32>
    %convert_element_type3A_103 = arith.truncf %get3A_102 : vector<128x128xf32> to vector<128x128xbf16>
    %dot_general3A_104 = arith.constant dense<0.000000e+00> : vector<2000x128xf32>
    %dot_general3A_105 = tpu.matmul %convert_element_type3A, %convert_element_type3A_103, %dot_general3A_104 {dimension_numbers = #tpu.dot_dimension_numbers<[1], [0], [0], [1], [0, 0, 1, 1], [], []>, transpose_lhs_hint = false} : vector<2000x128xbf16>, vector<128x128xbf16>, vector<2000x128xf32> -> vector<2000x128xf32>
    %swap3A_106 = arith.constant 7 : index
    %swap3A_107 = arith.constant 0 : index
    %swap3A_108 = arith.constant 0 : index
    %swap3A_109 = vector.load %arg3[%swap3A_106, %swap3A_107, %swap3A_108] : memref<8x2000x128xf32, #tpu.memory_space<vmem>>, vector<1x2000x128xf32>
    %swap3A_110 = vector.shape_cast %swap3A_109 : vector<1x2000x128xf32> to vector<2000x128xf32>
    %swap3A_111 = vector.shape_cast %dot_general3A_105 : vector<2000x128xf32> to vector<1x2000x128xf32>
    tpu.vector_store %arg3[%swap3A_106, %swap3A_107, %swap3A_108], %swap3A_111 {strides = array<i32>} : memref<8x2000x128xf32, #tpu.memory_space<vmem>>, vector<1x2000x128xf32>,
    return
  }
  func.func @transform_0(%arg0: i32) -> (i32, i32) {
    %c0_i32 = arith.constant 0 : i32
    %c0_i32_0 = arith.constant 0 : i32
    return %arg0, %c0_i32 : i32, i32
  }
  func.func @transform_1(%arg0: i32) -> (i32, i32, i32) {
    %c0_i32 = arith.constant 0 : i32
    %c0_i32_0 = arith.constant 0 : i32
    %c0_i32_1 = arith.constant 0 : i32
    %c0_i32_2 = arith.constant 0 : i32
    return %c0_i32, %c0_i32_0, %c0_i32_1 : i32, i32, i32
  }
  func.func @transform_2(%arg0: i32) -> (i32, i32, i32) {
    %c0_i32 = arith.constant 0 : i32
    %c0_i32_0 = arith.constant 0 : i32
    %c0_i32_1 = arith.constant 0 : i32
    return %c0_i32, %arg0, %c0_i32_0 : i32, i32, i32
  }
}

module attributes {stable_mosaic.version = 14 : i64} {
  func.func @_merge_body(%arg0: i32, %arg1: memref<2x2000x128xf32, #tpu.memory_space<vmem>>, %arg2: memref<2000x128xf32, #tpu.memory_space<vmem>>) attributes {dimension_semantics = [#tpu.dimension_semantics<arbitrary>], iteration_bounds = array<i64: 5>, scalar_prefetch = 0 : i64, scratch_operands = 0 : i64, tpu.core_type = #tpu.core_type<tc>, window_params = [{transform_indices = @transform_0, window_bounds = array<i64: 2, 2000, 128>}, {transform_indices = @transform_1, window_bounds = array<i64: 2000, 128>}]} {
    %get3A = arith.constant 0 : index
    %get3A_0 = arith.constant 0 : index
    %get3A_1 = arith.constant 0 : index
    %get3A_2 = vector.load %arg1[%get3A, %get3A_0, %get3A_1] : memref<2x2000x128xf32, #tpu.memory_space<vmem>>, vector<1x2000x128xf32>
    %get3A_3 = vector.shape_cast %get3A_2 : vector<1x2000x128xf32> to vector<2000x128xf32>
    %get3A_4 = arith.constant 1 : index
    %get3A_5 = arith.constant 0 : index
    %get3A_6 = arith.constant 0 : index
    %get3A_7 = vector.load %arg1[%get3A_4, %get3A_5, %get3A_6] : memref<2x2000x128xf32, #tpu.memory_space<vmem>>, vector<1x2000x128xf32>
    %get3A_8 = vector.shape_cast %get3A_7 : vector<1x2000x128xf32> to vector<2000x128xf32>
    %add3A = arith.addf %get3A_3, %get3A_8 : vector<2000x128xf32>
    %swap3A = arith.constant 0 : index
    %swap3A_9 = arith.constant 0 : index
    %swap3A_10 = vector.load %arg2[%swap3A, %swap3A_9] : memref<2000x128xf32, #tpu.memory_space<vmem>>, vector<2000x128xf32>
    tpu.vector_store %arg2[%swap3A, %swap3A_9], %add3A {strides = array<i32>} : memref<2000x128xf32, #tpu.memory_space<vmem>>, vector<2000x128xf32>,
    return
  }
  func.func @transform_0(%arg0: i32) -> (i32, i32, i32) {
    %c0_i32 = arith.constant 0 : i32
    %c0_i32_0 = arith.constant 0 : i32
    %c0_i32_1 = arith.constant 0 : i32
    return %c0_i32, %arg0, %c0_i32_0 : i32, i32, i32
  }
  func.func @transform_1(%arg0: i32) -> (i32, i32) {
    %c0_i32 = arith.constant 0 : i32
    %c0_i32_0 = arith.constant 0 : i32
    return %arg0, %c0_i32 : i32, i32
  }
}

</mosaic_0001>

<sc_bundles>
// kernel: kernel.5.cloned.1.call-start
scs
__scs_entry_jumppad:
0x0: {  	(pc) =	sbr.rel $0x88, $3  }
0x1: {  	(tag) =	ssettag $0x0;
	lr =	simm.s32 $0x1  }
0x2: {  	[smem:$0x3F9D] =	sst lr;
	_ =	strace $0xD0000000  }
0x3: {  	_ = 	snop  }
0x4: {  	_ = 	snop  }
0x5: {  	_ = 	snop  }
0x6: {  	_ = 	snop  }
0x7: {  	_ = 	snop  }
__scs_overlays_trampoline_lowered:
0x8: {  	[smem:$0x3FAC] =	sst s0  }
0x9: {  	[smem:$0x3FAD] =	sst s1  }
0xa: {  	[smem:$0x3FAE] =	sst s2  }
0xb: {  	[smem:$0x3FAF] =	sst s3  }
0xc: {  	[smem:$0x3FB0] =	sst s4  }
0xd: {  	[smem:$0x3FB1] =	sst s5  }
0xe: {  	[smem:$0x3FB2] =	sst s6  }
0xf: {  	[smem:$0x3FB3] =	sst s7  }
0x10: {  	[smem:$0x3FB4] =	sst s8  }
0x11: {  	[smem:$0x3FB5] =	sst s9;
	s0 =	simm.s32 @!p0 $0x0  }
0x12: {  	s1 =	sld [smem:$0x3F9B];
	s0 =	simm.s32 @p0 $0x1  }
0x13: {  	[smem:$0x3FB6] =	sst s0;
	s0 =	simm.s32 @!p1 $0x0  }
0x14: {  	s2 =	sld [smem:$0x3F9A];
	s0 =	simm.s32 @p1 $0x1  }
0x15: {  	[smem:$0x3FB7] =	sst s0;
	s0 =	simm.s32 @!p2 $0x0  }
0x16: {  	s3 =	sld [smem:$0x3FDB];
	s0 =	simm.s32 @p2 $0x1  }
0x17: {  	s4 =	simm.s32 $0x1BF5;
	[smem:$0x3FB9] =	sst s0  }
0x18: {  	s0 =	sld [smem:$0x3F9C];
	_ =	swait.ge [sflag:s4], $0x0  }
0x19: {  	s7 =	sld [smem:$0x3F9D]  }
0x1a: {  	s8 =	sadd.s32 $0xFFFFE003, lr  }
0x1b: {  	s9 =	sadd.s32 $0xFFFFFEF7, lr;
	s5 =	simm.s32 $0xFFFFFFFF;
	p2 =	slt.u32 s8, $0xFFFFF086  }
0x1c: {  	p1 =	slt.u32 s9, $0xF7A;
	s5 =	simm.s32 @!p2 $0x0  }
0x1d: {  	s5 =	simm.s32 @p1 $0x1;
	p0 =	seq.s32 s7, s2  }
0x1e: {  	s7 =	smul.u32 @!p0 $0xF7A, s2;
	p2 =	seq.s32 @!p0 s5, $0x0  }
0x1f: {  	s9 =	smul.u32 $0xF7A, s1;
	s8 =	simm.s32 @!p0 $0x1BF5;
	p2 =	por !p2, p0  }
0x20: {  	[sflag:s8] =	ssyncset.s32 @!p0 $0xFFFFF086;
	s6 =	sadd.s32 @!p0 s3, s7;
	s7 =	simm.s32 @!p0 $0x108  }
0x21: {  	s3 =	sadd.s32 s3, s9;
	s6 =	sadd.s32 @!p0 $0x88, s6;
	s7 =	simm.s32 @p2 $0x1082  }
0x22: {  	[simem:s7], [sflag:s8] =	dma.local @!p0 [hbm:s6], $0xF7A  }
0x23: {  	s9 =	sor.u32 $0xD0000000, s2;
	s6 =	simm.s32 $0x108;
	_ =	swait.ge @!p0 [sflag:s8], $0x0  }
0x24: {  	s3 =	sadd.s32 $0x88, s3;
	s6 =	simm.s32 @!p1 $0x1082;
	[sflag:s4] =	ssyncset.s32 $0xFFFFF086  }
0x25: {  	[simem:s6], [sflag:s4] =	dma.local [hbm:s3], $0xF7A  }
0x26: {  	[smem:$0x3F9D] =	sst s1;
	(tag) =	ssettag s2;
	_ =	strace s9  }
0x27: {  	s1 =	sld [smem:$0x3FAD]  }
0x28: {  	s2 =	sld [smem:$0x3FAE]  }
0x29: {  	s4 =	sld [smem:$0x3FB0]  }
0x2a: {  	p0 =	seq.s32 s5, $0x0;
	s5 =	sld [smem:$0x3FB1]  }
0x2b: {  	s6 =	sld [smem:$0x3FB2]  }
0x2c: {  	s7 =	sld [smem:$0x3FB3]  }
0x2d: {  	s3 =	simm.s32 $0x108;
	s8 =	sld [smem:$0x3FB4]  }
0x2e: {  	s3 =	simm.s32 @!p0 $0x1082;
	s9 =	sld [smem:$0x3FB5]  }
0x2f: {  	lr =	sadd.s32 s0, s3;
	s0 =	sld [smem:$0x3FAC]  }
0x30: {  	s3 =	sld [smem:$0x3FAF]  }
0x31: {  	[smem:$0x3FB8] =	sst s10  }
0x32: {  	s10 =	sld [smem:$0x3FB6];
	_ =	sdelay $0x3  }
0x33: {  	p0 =	seq.s32 s10, $0x1;
	s10 =	sld [smem:$0x3FB8];
	_ =	sdelay $0x3  }
0x34: {  	[smem:$0x3FB8] =	sst s10  }
0x35: {  	s10 =	sld [smem:$0x3FB7];
	_ =	sdelay $0x3  }
0x36: {  	p1 =	seq.s32 s10, $0x1;
	s10 =	sld [smem:$0x3FB8];
	_ =	sdelay $0x3  }
0x37: {  	[smem:$0x3FB8] =	sst s10  }
0x38: {  	s10 =	sld [smem:$0x3FB9]  }
0x39: {  	_ = 	snop;
	(pc) =	sbr.ind lr, $3  }
0x3a: {  	_ = 	snop  }
0x3b: {  	_ = 	snop  }
0x3c: {  	p2 =	seq.s32 s10, $0x1;
	s10 =	sld [smem:$0x3FB8]  }
0x3d: {  	_ =	shalt  }
0x3e: {  	_ =	shalt  }
0x3f: {  	_ =	shalt  }
0x40: {  	_ =	shalt  }
0x41: {  	_ =	shalt  }
0x42: {  	_ =	shalt  }
0x43: {  	_ =	shalt  }
0x44: {  	_ =	shalt  }
0x45: {  	_ =	shalt  }
0x46: {  	_ =	shalt  }
0x47: {  	_ =	shalt  }
0x48: {  	_ =	shalt  }
0x49: {  	_ =	shalt  }
0x4a: {  	_ =	shalt  }
0x4b: {  	_ =	shalt  }
0x4c: {  	_ =	shalt  }
0x4d: {  	_ =	shalt  }
0x4e: {  	_ =	shalt  }
0x4f: {  	_ =	shalt  }
0x50: {  	_ =	shalt  }
0x51: {  	_ =	shalt  }
0x52: {  	_ =	shalt  }
0x53: {  	_ =	shalt  }
0x54: {  	_ =	shalt  }
0x55: {  	_ =	shalt  }
0x56: {  	_ =	shalt  }
0x57: {  	_ =	shalt  }
0x58: {  	_ =	shalt  }
0x59: {  	_ =	shalt  }
0x5a: {  	_ =	shalt  }
0x5b: {  	_ =	shalt  }
0x5c: {  	_ =	shalt  }
0x5d: {  	_ =	shalt  }
0x5e: {  	_ =	shalt  }
0x5f: {  	_ =	shalt  }
0x60: {  	_ =	shalt  }
0x61: {  	_ =	shalt  }
0x62: {  	_ =	shalt  }
0x63: {  	_ =	shalt  }
0x64: {  	_ =	shalt  }
0x65: {  	_ =	shalt  }
0x66: {  	_ =	shalt  }
0x67: {  	_ =	shalt  }
0x68: {  	_ =	shalt  }
0x69: {  	_ =	shalt  }
0x6a: {  	_ =	shalt  }
0x6b: {  	_ =	shalt  }
0x6c: {  	_ =	shalt  }
0x6d: {  	_ =	shalt  }
0x6e: {  	_ =	shalt  }
0x6f: {  	_ =	shalt  }
0x70: {  	_ =	shalt  }
0x71: {  	_ =	shalt  }
0x72: {  	_ =	shalt  }
0x73: {  	_ =	shalt  }
0x74: {  	_ =	shalt  }
0x75: {  	_ =	shalt  }
0x76: {  	_ =	shalt  }
0x77: {  	_ =	shalt  }
0x78: {  	_ =	shalt  }
0x79: {  	_ =	shalt  }
0x7a: {  	_ =	shalt  }
0x7b: {  	_ =	shalt  }
0x7c: {  	_ =	shalt  }
0x7d: {  	_ =	shalt  }
0x7e: {  	_ =	shalt  }
0x7f: {  	_ =	shalt  }
0x80: {  	_ =	shalt  }
0x81: {  	_ =	shalt  }
0x82: {  	_ =	shalt  }
0x83: {  	_ =	shalt  }
0x84: {  	_ =	shalt  }
0x85: {  	_ =	shalt  }
0x86: {  	_ =	shalt  }
0x87: {  	_ =	shalt  }
.Lfunc_end0:
.L_simem_size_0:
called_computation_lowered:
.L_overlay_start_0:
0x88: {  	s2 =	sld [smem:$0x3FD9]  }
0x89: {  	s3 =	sld [smem:$0x3FFE];
	_ =	sdelay $0x1  }
0x8a: {  	s1 =	srdreg.scid  }
0x8b: {  	s0 =	sand.u32 $0x1, s1  }
0x8c: {  	s17 =	sshll.u32 s0, $0xA;
	s2 =	sadd.s32 s3, s2  }
0x8d: {  	s2 =	sadd.s32 s2, s17  }
0x8e: {  	[smem:$0x3FC4] =	sst s2  }
0x8f: {  	_ = 	snop  }
0x90: {  	s2 =	sld [smem:$0x3FC7]  }
0x91: {  	s18 =	sld [smem:$0x3FD0];
	(tm) =	ssettm $0x1  }
0x92: {  	s4 =	sld [smem:$0x3FFB];
	_ =	sdelay $0x3  }
0x93: {  	_ =	strace s4  }
0x94: {  	s4 =	sld [smem:$0x3FFC];
	_ =	sdelay $0x3  }
0x95: {  	_ =	strace s4  }
0x96: {  	s4 =	sld [smem:$0x3FFD];
	_ =	sdelay $0x3  }
0x97: {  	_ =	strace s4  }
0x98: {  	_ =	strace $0x8FFFFFFF  }
0x99: {  	s19 =	sld [smem:$0x3FDB];
	_ =	sdelay $0x1  }
0x9a: {  	s5 =	simm.s32 $_scs_section_size  }
0x9b: {  	s6 =	simm.s32 $_size__tile_overlayer_lowered;
	s7 =	simm.s32 $_tile_overlayer_lowered  }
0x9c: {  	s22 =	simm.s32 $0x1BFF;
	s21 =	sshll.u32 s7, $0x1;
	s4 =	sadd.s32 s5, s19  }
0x9d: {  	s8 =	simm.s32 $0x0;
	s20 =	sshll.u32 s6, $0x1;
	s6 =	sadd.s32 s21, s4  }
0x9e: {  	[timem:s8], [sflag:s22] =	dma.local [hbm:s6], s20  }
0x9f: {  	_ =	swait.ge [sflag:s22], s20  }
0xa0: {  	s5 =	ssub.s32 $0x0, s20;
	[sflag:s22] =	ssyncset.done $0x0  }
0xa1: {  	[sflag:s22] =	ssyncadd.s32 s5;
	_ =	sdelay $0x1  }
0xa2: {  	s23 =	simm.s32 $0x1B8B  }
0xa3: {  	_ =	swait.ge [sflag:s23], $0x1  }
0xa4: {  	[sflag:s23] =	ssyncset.done $0x0  }
0xa5: {  	s25 =	simm.s32 $0x1B8E;
	s24 =	sld [smem:$0x3FFE];
	[sflag:s23] =	ssyncadd.s32 $0xFFFFFFFF  }
0xa6: {  	s26 =	simm.s32 $execute0_lowered;
	[smem:$0x3FD2] =	sst s25  }
0xa7: {  	s6 =	sshll.u32 s26, $0x1;
	_ =	strace $0x80000046;
	[dreg:$0x1] =	wrdreg $0xFFFFFFFF  }
0xa8: {  	s28 =	simm.s32 $_size_execute0_lowered;
	s4 =	sadd.s32 s4, s6;
	[dreg:$0x0] =	wrdreg $0x0  }
0xa9: {  	s6 =	sshll.u32 s28, $0x1;
	[dreg:$0x2] =	wrdreg s4  }
0xaa: {  	[dreg:$0x3] =	wrdreg s6  }
0xab: {  	[dreg:$0x4] =	wrdreg $0xC0  }
0xac: {  	_ =	task [dreg:s8], $0x5FFFF  }
0xad: {  	[dreg:$0x1] =	wrdreg $0xFFFFFFFF  }
0xae: {  	[dreg:$0x0] =	wrdreg $0x60  }
0xaf: {  	[dreg:$0x2] =	wrdreg s24  }
0xb0: {  	[dreg:$0x3] =	wrdreg s18  }
0xb1: {  	[dreg:$0x4] =	wrdreg s2  }
0xb2: {  	[dreg:$0x5] =	wrdreg $0xB8000  }
0xb3: {  	[dreg:$0x6] =	wrdreg $0x9  }
0xb4: {  	_ =	task.clear_ibuf [dreg:s8], $0x7FFFF;
	_ =	strace $0x90000046  }
0xb5: {  	s29 =	simm.s32 $0x9;
	_ =	strace $0x80000048  }
0xb6: {  	_ =	swait.ge [sflag:s29], $0x1  }
0xb7: {  	[sflag:s29] =	ssyncadd.s32 $0xFFFFFFFF  }
0xb8: {  	_ =	strace $0x90000048  }
0xb9: {  	_ =	sfence  }
0xba: {  	s30 =	sld [smem:$0x0];
	_ =	sdelay $0x2  }
0xbb: {  	s31 =	sshll.u32 s1, $0xD;
	s1 =	sshrl.u32 s1, $0x2  }
0xbc: {  	s3 =	sand.u32 $0x4000, s31;
	s1 =	sadd.s32 s1, s30  }
0xbd: {  	s0 =	sor.u32 s3, s0;
	s1 =	sshll.u32 s1, $0x11  }
0xbe: {  	s0 =	sor.u32 s1, s0  }
0xbf: {  	s0 =	sadd.s32 $0x8F2B, s0  }
0xc0: {  	[sflag:s0] =	ssyncadd.remote.s32 $0x1  }
0xc1: {  	_ =	sfence.sel $0xFFFF  }
0xc2: {  	[dreg:$0x0] =	wrdreg $0xFFFFFFFF;
	(pc) =	sbr.abs _section_cstart, $3  }
0xc3: {  	[dreg:$0x1] =	wrdreg $0xFFFFFFFF  }
0xc4: {  	_ =	task.clear_ibuf [dreg:s8], $0x2FFFF;
	_ =	strace $0x9FFFFFFF  }
0xc5: {  	(tm) =	ssettm $0x7FFFFFFF  }
tec
execute0_lowered:
.L_overlay_start_1:
0x0: {  	(tag) =	ssettag $0x1  }
0x1: {  	s0 =	rddreg [dreg:$0x0]  }
0x2: {  	s11 =	rddreg [dreg:$0x1];
	s1 =	srdreg.scid  }
0x3: {  	s12 =	rddreg [dreg:$0x2];
	s1 =	sand.u32 $0x1, s1  }
0x4: {  	s3 =	rddreg [dreg:$0x3];
	s13 =	stileid.u32;
	s2 =	sshll.u32 s1, $0x4  }
0x5: {  	s5 =	simm.s32 $0x0;
	s10 =	smul.u32 $0x13800, s13;
	s2 =	sor.u32 s13, s2  }
0x6: {  	[smem:$0x7FF] =	sst s5;
	s6 =	sadd.s32 $0xA00, s0;
	s2 =	smul.u32 $0x2710, s2  }
0x7: {  	s0 =	sadd.s32 $0x139200, s0;
	s17 =	smul.u32 $0x4E000, s13;
	p0 =	sne.s32 s13, $0x0  }
0x8: {  	_ =	strace $0x80000047;
	s4 =	ssub.s32 $0x2, s1;
	s2 =	sshrl.u32 s2, $0x3  }
0x9: {  	s7 =	sshrl.u32 s4, $0x1;
	s14 =	sadd.s32 s11, s2;
	s18 =	sadd.s32 $0xA, s2  }
0xa: {  	s4 =	ssub.s32 s4, s7;
	s8 =	sadd.s32 s11, s18;
	[dreg:$0x5] =	wrdreg s14  }
0xb: {  	s19 =	sadd.s32 $0x14, s2;
	s7 =	sadd.s32 s12, s18;
	[dreg:$0x6] =	wrdreg s8  }
0xc: {  	s21 =	sadd.s32 $0x1E, s2;
	s20 =	sadd.s32 s11, s19;
	[dreg:$0x7] =	wrdreg s7  }
0xd: {  	s24 =	sadd.s32 $0x28, s2;
	s22 =	sadd.s32 s11, s21;
	[dreg:$0x8] =	wrdreg s20  }
0xe: {  	s9 =	sadd.s32 $0x32, s2;
	s15 =	sadd.s32 s11, s24;
	[dreg:$0xa] =	wrdreg s22  }
0xf: {  	s23 =	smul.u32 $0x138800, s1;
	s25 =	sadd.s32 s11, s9;
	[dreg:$0xc] =	wrdreg s15  }
0x10: {  	s1 =	smul.u32 $0x27100, s1;
	s26 =	sadd.s32 s12, s9;
	[dreg:$0xe] =	wrdreg s25  }
0x11: {  	s9 =	sadd.s32 s10, s23;
	s7 =	sadd.s32 s12, s19;
	[dreg:$0xf] =	wrdreg s26  }
0x12: {  	s10 =	smul.u32 $0x2710, s13;
	s8 =	sadd.s32 s12, s24;
	[dreg:$0x9] =	wrdreg s7  }
0x13: {  	s15 =	sadd.s32 $0x3C, s2;
	s19 =	sadd.s32 s12, s2;
	[dreg:$0xd] =	wrdreg s8  }
0x14: {  	s2 =	sadd.s32 $0x46, s2;
	s7 =	sadd.s32 s12, s21;
	[dreg:$0x13] =	wrdreg s19  }
0x15: {  	s8 =	sshrl.u32 s9, $0x3;
	s16 =	sadd.s32 s11, s15;
	[dreg:$0xb] =	wrdreg s7  }
0x16: {  	s1 =	sadd.s32 s10, s1;
	s18 =	sadd.s32 s12, s15;
	[dreg:$0x11] =	wrdreg s16  }
0x17: {  	s20 =	sadd.s32 s11, s2;
	s2 =	sadd.s32 s12, s2;
	[dreg:$0x12] =	wrdreg s18  }
0x18: {  	s21 =	sshrl.u32 s17, $0x2;
	s7 =	sshrl.u32 s23, $0x3;
	[dreg:$0x14] =	wrdreg s20  }
0x19: {  	s8 =	sadd.s32 s0, s8;
	[dreg:$0x15] =	wrdreg s2;
	s15 =	sadd.s32 s21, s3  }
0x1a: {  	s22 =	sadd.s32 $0x4B0, s1;
	s23 =	smax.u32 s4, $0x1;
	s24 =	sadd.s32 $0x4E6B0, s1  }
0x1b: {  	s26 =	sadd.s32 $0x460, s1;
	s9 =	sadd.s32 $0x410, s1;
	s18 =	sadd.s32 $0x4E610, s1  }
0x1c: {  	s19 =	sadd.s32 $0x3C0, s1;
	s21 =	sadd.s32 $0x4E5C0, s1;
	[dreg:$0x10] =	wrdreg s8  }
0x1d: {  	s0 =	sadd.s32 s0, s7;
	[dreg:$0x18] =	wrdreg s23;
	s2 =	sshrl.u32 s24, $0x3  }
0x1e: {  	s4 =	sshrl.u32 s26, $0x3;
	s13 =	sadd.s32 $0x3C00, s15;
	[dreg:$0x16] =	wrdreg s15  }
0x1f: {  	s8 =	sadd.s32 $0x4E660, s1;
	s0 =	sadd.s32 $0x27000, s0;
	[smem:$0x7E7] =	sst s13  }
0x20: {  	s16 =	sshrl.u32 s9, $0x3;
	s2 =	sadd.s32 s2, s11;
	[dreg:$0x17] =	wrdreg s0  }
0x21: {  	s20 =	sshrl.u32 s19, $0x3;
	s7 =	sadd.s32 s4, s12;
	[dreg:$0x1b] =	wrdreg s2  }
0x22: {  	s23 =	sadd.s32 $0x370, s1;
	s17 =	sadd.s32 s16, s12;
	[dreg:$0x1c] =	wrdreg s7  }
0x23: {  	s19 =	sadd.s32 $0x4E4D0, s1;
	s13 =	simm.s32 $0x0;
	[dreg:$0x1f] =	wrdreg s17  }
0x24: {  	s0 =	sshrl.u32 s22, $0x3;
	s2 =	sadd.s32 s16, s11;
	[smem:$0x7FC] =	sst s13  }
0x25: {  	s22 =	sadd.s32 s20, s12;
	s7 =	sadd.s32 $0x320, s1;
	[smem:$0x7CB] =	sst s2  }
0x26: {  	s16 =	sadd.s32 $0x4E520, s1;
	s25 =	sadd.s32 s0, s12;
	[smem:$0x7CD] =	sst s22  }
0x27: {  	s17 =	sadd.s32 $0x2D0, s1;
	s0 =	sadd.s32 s0, s11;
	[dreg:$0x19] =	wrdreg s25  }
0x28: {  	s9 =	sshrl.u32 s7, $0x3;
	s7 =	sadd.s32 $0x9C7C, s14;
	[dreg:$0x1a] =	wrdreg s0  }
0x29: {  	s2 =	sshrl.u32 s21, $0x3;
	s0 =	sadd.s32 s4, s11;
	[smem:$0x7E1] =	sst s7  }
0x2a: {  	s21 =	sadd.s32 $0x4E480, s1;
	s24 =	sadd.s32 s2, s11;
	[dreg:$0x1d] =	wrdreg s0  }
0x2b: {  	s25 =	sshrl.u32 s23, $0x3;
	s2 =	sadd.s32 s9, s11;
	[smem:$0x7CF] =	sst s24  }
0x2c: {  	s4 =	sadd.s32 $0x4E570, s1;
	s1 =	sadd.s32 $0x280, s1;
	[smem:$0x7D4] =	sst s2  }
0x2d: {  	s23 =	sshrl.u32 s21, $0x3;
	s21 =	sadd.s32 $0x8400, s15;
	[smem:$0x7D9] =	sst s1  }
0x2e: {  	s10 =	sshrl.u32 s8, $0x3;
	s7 =	sadd.s32 $0xF000, s15;
	[smem:$0x7ED] =	sst s21  }
0x2f: {  	s0 =	sadd.s32 s10, s11;
	[smem:$0x7F6] =	sst s7  }
0x30: {  	s26 =	sadd.s32 s25, s12;
	[dreg:$0x1e] =	wrdreg s0  }
0x31: {  	s10 =	sadd.s32 s9, s12;
	[smem:$0x7D0] =	sst s26  }
0x32: {  	s24 =	sadd.s32 $0x9C40, s14;
	[smem:$0x7D3] =	sst s10  }
0x33: {  	s1 =	sadd.s32 $0x9C5E, s14;
	[smem:$0x7DB] =	sst s24  }
0x34: {  	s8 =	sshrl.u32 s4, $0x3;
	s4 =	sadd.s32 $0x9C72, s14;
	[smem:$0x7DE] =	sst s1  }
0x35: {  	s9 =	sadd.s32 $0xC00, s15;
	[smem:$0x7E0] =	sst s4  }
0x36: {  	s2 =	sshrl.u32 s19, $0x3;
	s19 =	sadd.s32 $0x6C00, s15;
	[smem:$0x7E3] =	sst s9  }
0x37: {  	s22 =	sadd.s32 s2, s11;
	[smem:$0x7EB] =	sst s19  }
0x38: {  	s26 =	sadd.s32 $0x9C54, s14;
	[smem:$0x7D8] =	sst s22  }
0x39: {  	s2 =	sadd.s32 $0x9C68, s14;
	[smem:$0x7DD] =	sst s26  }
0x3a: {  	s0 =	sshrl.u32 s18, $0x3;
	s10 =	sadd.s32 $0x1800, s15;
	[smem:$0x7DF] =	sst s2  }
0x3b: {  	s18 =	sshrl.u32 s17, $0x3;
	s17 =	sadd.s32 $0x5400, s15;
	[smem:$0x7E4] =	sst s10  }
0x3c: {  	s24 =	sadd.s32 $0xA800, s15;
	[smem:$0x7E9] =	sst s17  }
0x3d: {  	s1 =	sadd.s32 $0xCC00, s15;
	[smem:$0x7F0] =	sst s24  }
0x3e: {  	s4 =	sadd.s32 $0xE400, s15;
	[smem:$0x7F3] =	sst s1  }
0x3f: {  	s9 =	sadd.s32 $0x10800, s15;
	[smem:$0x7F5] =	sst s4  }
0x40: {  	s0 =	sadd.s32 s0, s11;
	[smem:$0x7F8] =	sst s9  }
0x41: {  	s28 =	simm.s32 $0x4;
	s22 =	sadd.s32 $0x9000, s15;
	[smem:$0x7CC] =	sst s0  }
0x42: {  	s29 =	simm.s32 $0x8400;
	s26 =	sadd.s32 $0xC000, s15;
	[smem:$0x7EE] =	sst s22  }
0x43: {  	s30 =	simm.s32 $0x9;
	s2 =	sadd.s32 $0xD800, s15;
	[smem:$0x7F2] =	sst s26  }
0x44: {  	s31 =	simm.s32 $0x5;
	s10 =	sadd.s32 $0x11400, s15;
	[smem:$0x7F4] =	sst s2  }
0x45: {  	s21 =	simm.s32 $0xA00;
	s0 =	sadd.s32 s20, s11;
	[smem:$0x7F9] =	sst s10  }
0x46: {  	s7 =	simm.s32 $0x3400;
	s20 =	sadd.s32 s18, s12;
	[smem:$0x7CE] =	sst s0  }
0x47: {  	s19 =	simm.s32 $0x200;
	s12 =	sadd.s32 $0x3000, s15;
	[smem:$0x7D6] =	sst s20  }
0x48: {  	s24 =	simm.s32 $0xC00;
	s0 =	sadd.s32 s25, s11;
	[smem:$0x7E6] =	sst s12  }
0x49: {  	s17 =	simm.s32 $0x5C00;
	s25 =	sadd.s32 $0x9C4A, s14;
	[smem:$0x7D1] =	sst s0  }
0x4a: {  	s1 =	simm.s32 $0xA;
	s20 =	sadd.s32 $0x7800, s15;
	[smem:$0x7DC] =	sst s25  }
0x4b: {  	s4 =	simm.s32 $0xB;
	s12 =	sadd.s32 $0x12C00, s15;
	[smem:$0x7EC] =	sst s20  }
0x4c: {  	s9 =	simm.s32 $0x8;
	s0 =	sadd.s32 s8, s11;
	[smem:$0x7FB] =	sst s12  }
0x4d: {  	s22 =	simm.s32 $0x1;
	s8 =	sadd.s32 $0x9C86, s14;
	[smem:$0x7D2] =	sst s0  }
0x4e: {  	s2 =	simm.s32 $0x2;
	s14 =	sadd.s32 $0x4800, s15;
	[smem:$0x7E2] =	sst s8  }
0x4f: {  	s26 =	simm.s32 $0x3;
	s25 =	sadd.s32 $0xB400, s15;
	[smem:$0x7E8] =	sst s14  }
0x50: {  	s10 =	simm.s32 $0x6;
	[smem:$0x7F1] =	sst s25;
	s8 =	sadd.s32 $0xFC00, s15  }
0x51: {  	s0 =	sshrl.u32 s16, $0x3;
	s16 =	sadd.s32 $0x138000, s3;
	[smem:$0x7F7] =	sst s8  }
0x52: {  	s20 =	simm.s32 $0xD;
	s0 =	sadd.s32 s0, s11;
	[smem:$0x7FD] =	sst s16  }
0x53: {  	s14 =	simm.s32 $0x880;
	[smem:$0x7D5] =	sst s0;
	s0 =	sadd.s32 s18, s11  }
0x54: {  	s25 =	simm.s32 $0x980;
	s18 =	sadd.s32 $0x6000, s15;
	[smem:$0x7D7] =	sst s0  }
.Ltmp0:
0x55: {  	s0 =	sadd.s32 s23, s11;
	[smem:$0x7EA] =	sst s18;
	(pc) =	sbr.rel .LBB2_1-.Ltmp0, $4  }
0x56: {  	s8 =	simm.s32 $0xC;
	s11 =	sadd.s32 $0x2400, s15;
	[smem:$0x7DA] =	sst s0  }
0x57: {  	s23 =	sadd.s32 $0x9C00, s15;
	s18 =	simm.s32 $0x900;
	[smem:$0x7E5] =	sst s11  }
0x58: {  	[smem:$0x7EF] =	sst s23;
	s11 =	sadd.s32 $0x12000, s15;
	s0 =	simm.s32 $0x180  }
0x59: {  	v0 =	vimm.f32 $0.0e+00;
	s23 =	simm.s32 $0x50;
	[smem:$0x7FA] =	sst s11;
	s11 =	simm.s32 $0x7  }
.LBB2_9:
0x5a: {  	_ =	swait.ge [sflag:s30], $0x2800  }
0x5b: {  	[sflag:s30] =	ssyncset.done $0x0  }
0x5c: {  	[sflag:s30] =	ssyncadd.s32 $0xFFFFD800  }
0x5d: {  	[spmem:s3] =	stream.indirect.scatter.add.f32 [tilespmem:s24], [sflag:$0xD], $0x80, s21, s23, $0xb8;
	[tilespmem:$0x1F080] =	vst v63  }
0x5e: {  	_ =	swait.ge [sflag:s20], $0x2800  }
0x5f: {  	[sflag:s20] =	ssyncset.done $0x0  }
0x60: {  	[sflag:s20] =	ssyncadd.s32 $0xFFFFD800  }
.LBB2_10:
0x61: {  	s12 =	stileid.u32;
	[bflag:$0x0] =	sbarrier.arrive $0xFFFF  }
0x62: {  	s25 =	simm.s32 $0xF;
	s12 =	sshll.u32 s12, $0x6;
	s15 =	rddreg [dreg:$0x16]  }
0x63: {  	s14 =	rddreg [dreg:$0x10];
	s12 =	sor.u32 $0x1C0F, s12;
	s13 =	sshrl.u32 s15, $0x3  }
0x64: {  	[hbm:s14], [sflag:s12] =	dma.local [spmem:s13], $0x2700  }
0x65: {  	_ =	swait.ge [sflag:s25], $0x2700  }
0x66: {  	s16 =	sld [smem:$0x7FD];
	_ =	sdelay $0x1  }
0x67: {  	[sflag:s25] =	ssyncset.done $0x0  }
0x68: {  	s14 =	rddreg [dreg:$0x17];
	[sflag:s25] =	ssyncadd.s32 $0xFFFFD900;
	s13 =	sshrl.u32 @!p0 s16, $0x3  }
0x69: {  	[hbm:s14], [sflag:s12] =	dma.local @!p0 [spmem:s13], $0x100  }
0x6a: {  	s12 =	simm.s32 @!p0 $0xF  }
0x6b: {  	_ =	swait.ge @!p0 [sflag:s12], $0x100  }
0x6c: {  	s13 =	sld [smem:$0x7FC];
	_ =	sdelay $0x2  }
0x6d: {  	s25 =	rddreg [dreg:$0x18];
	s14 =	sadd.s32 $0x1, s13  }
0x6e: {  	p1 =	sne.s32 s14, s25  }
.Ltmp1:
0x6f: {  	_ = 	snop;
	(pc) =	sbr.rel @!p1 .LBB2_11-.Ltmp1, $4  }
0x70: {  	_ = 	snop  }
0x71: {  	[sflag:s12] =	ssyncset.done @!p0 $0x0  }
0x72: {  	[sflag:s12] =	ssyncadd.s32 @!p0 $0xFFFFFF00  }
0x73: {  	[smem:$0x7FC] =	sst s14;
	s14 =	simm.s32 $0x880;
	s25 =	simm.s32 $0x980  }
.LBB2_1:
0x74: {  	s12 =	rddreg [dreg:$0x5]  }
0x75: {  	[tilespmem:s5], [sflag:$0x1] =	stream.linear.gather [hbm4b:s12+s5], $0x50, $0x38;
	[tilespmem:$0x1F080] =	vst v63  }
0x76: {  	s13 =	simm.s32 $0x400;
	s12 =	rddreg [dreg:$0x13]  }
0x77: {  	[tilespmem:s13], [sflag:$0x1] =	stream.linear.gather [hbm4b:s12+s5], $0x50, $0x38;
	[tilespmem:$0x1F080] =	vst v63  }
0x78: {  	s12 =	sld [smem:$0x7DB];
	_ =	sdelay $0x1  }
0x79: {  	s13 =	simm.s32 $0x800  }
0x7a: {  	[tilespmem:s13], [sflag:$0x1] =	stream.linear.gather [hbm4b:s12+s5], $0x50, $0x38;
	[tilespmem:$0x1F080] =	vst v63  }
0x7b: {  	s12 =	rddreg [dreg:$0x6];
	s13 =	simm.s32 $0x80  }
0x7c: {  	[tilespmem:s13], [sflag:$0x2] =	stream.linear.gather [hbm4b:s12+s5], $0x50, $0x38;
	[tilespmem:$0x1F080] =	vst v63  }
0x7d: {  	s12 =	rddreg [dreg:$0x7];
	s13 =	simm.s32 $0x480  }
0x7e: {  	[tilespmem:s13], [sflag:$0x2] =	stream.linear.gather [hbm4b:s12+s5], $0x50, $0x38;
	[tilespmem:$0x1F080] =	vst v63  }
0x7f: {  	s13 =	sld [smem:$0x7DC];
	_ =	sdelay $0x2  }
0x80: {  	[tilespmem:s14], [sflag:$0x2] =	stream.linear.gather [hbm4b:s13+s5], $0x50, $0x38;
	[tilespmem:$0x1F080] =	vst v63  }
0x81: {  	s13 =	rddreg [dreg:$0x8];
	s14 =	simm.s32 $0x100  }
0x82: {  	[tilespmem:s14], [sflag:$0x3] =	stream.linear.gather [hbm4b:s13+s5], $0x50, $0x38;
	[tilespmem:$0x1F080] =	vst v63  }
0x83: {  	s13 =	rddreg [dreg:$0x9];
	s14 =	simm.s32 $0x500  }
0x84: {  	[tilespmem:s14], [sflag:$0x3] =	stream.linear.gather [hbm4b:s13+s5], $0x50, $0x38;
	[tilespmem:$0x1F080] =	vst v63  }
0x85: {  	s13 =	sld [smem:$0x7DD];
	_ =	sdelay $0x2  }
0x86: {  	[tilespmem:s18], [sflag:$0x3] =	stream.linear.gather [hbm4b:s13+s5], $0x50, $0x38;
	[tilespmem:$0x1F080] =	vst v63  }
0x87: {  	s14 =	rddreg [dreg:$0xa]  }
0x88: {  	[tilespmem:s0], [sflag:$0x4] =	stream.linear.gather [hbm4b:s14+s5], $0x50, $0x38;
	[tilespmem:$0x1F080] =	vst v63  }
0x89: {  	s13 =	rddreg [dreg:$0xb];
	s14 =	simm.s32 $0x580  }
0x8a: {  	[tilespmem:s14], [sflag:$0x4] =	stream.linear.gather [hbm4b:s13+s5], $0x50, $0x38;
	[tilespmem:$0x1F080] =	vst v63  }
0x8b: {  	s14 =	sld [smem:$0x7DE];
	_ =	sdelay $0x1  }
0x8c: {  	s13 =	rddreg [dreg:$0xc]  }
0x8d: {  	[tilespmem:s25], [sflag:$0x4] =	stream.linear.gather [hbm4b:s14+s5], $0x50, $0x38;
	[tilespmem:$0x1F080] =	vst v63  }
0x8e: {  	s14 =	rddreg [dreg:$0xd]  }
0x8f: {  	[tilespmem:s19], [sflag:$0x5] =	stream.linear.gather [hbm4b:s13+s5], $0x50, $0x38;
	[tilespmem:$0x1F080] =	vst v63  }
0x90: {  	s25 =	simm.s32 $0x600;
	s13 =	sld [smem:$0x7DF]  }
0x91: {  	[tilespmem:s25], [sflag:$0x5] =	stream.linear.gather [hbm4b:s14+s5], $0x50, $0x38;
	[tilespmem:$0x1F080] =	vst v63  }
0x92: {  	_ = 	snop  }
0x93: {  	[tilespmem:s21], [sflag:$0x5] =	stream.linear.gather [hbm4b:s13+s5], $0x50, $0x38;
	[tilespmem:$0x1F080] =	vst v63  }
0x94: {  	s14 =	rddreg [dreg:$0xe];
	s25 =	simm.s32 $0x280  }
0x95: {  	[tilespmem:s25], [sflag:$0x6] =	stream.linear.gather [hbm4b:s14+s5], $0x50, $0x38;
	[tilespmem:$0x1F080] =	vst v63  }
0x96: {  	s14 =	rddreg [dreg:$0xf];
	s25 =	simm.s32 $0x680  }
0x97: {  	[tilespmem:s25], [sflag:$0x6] =	stream.linear.gather [hbm4b:s14+s5], $0x50, $0x38;
	[tilespmem:$0x1F080] =	vst v63  }
0x98: {  	s14 =	sld [smem:$0x7E0];
	_ =	sdelay $0x1  }
0x99: {  	s25 =	simm.s32 $0xA80  }
0x9a: {  	[tilespmem:s25], [sflag:$0x6] =	stream.linear.gather [hbm4b:s14+s5], $0x50, $0x38;
	[tilespmem:$0x1F080] =	vst v63  }
0x9b: {  	s14 =	rddreg [dreg:$0x11];
	s25 =	simm.s32 $0x300  }
0x9c: {  	[tilespmem:s25], [sflag:$0x7] =	stream.linear.gather [hbm4b:s14+s5], $0x50, $0x38;
	[tilespmem:$0x1F080] =	vst v63  }
0x9d: {  	s14 =	rddreg [dreg:$0x12];
	s25 =	simm.s32 $0x700  }
0x9e: {  	[tilespmem:s25], [sflag:$0x7] =	stream.linear.gather [hbm4b:s14+s5], $0x50, $0x38;
	[tilespmem:$0x1F080] =	vst v63  }
0x9f: {  	s14 =	sld [smem:$0x7E1];
	_ =	sdelay $0x1  }
0xa0: {  	s25 =	simm.s32 $0xB00  }
0xa1: {  	[tilespmem:s25], [sflag:$0x7] =	stream.linear.gather [hbm4b:s14+s5], $0x50, $0x38;
	[tilespmem:$0x1F080] =	vst v63  }
0xa2: {  	s14 =	rddreg [dreg:$0x14];
	s25 =	simm.s32 $0x380  }
0xa3: {  	[tilespmem:s25], [sflag:$0x8] =	stream.linear.gather [hbm4b:s14+s5], $0x50, $0x38;
	[tilespmem:$0x1F080] =	vst v63  }
0xa4: {  	s14 =	rddreg [dreg:$0x15];
	s25 =	simm.s32 $0x780  }
0xa5: {  	[tilespmem:s25], [sflag:$0x8] =	stream.linear.gather [hbm4b:s14+s5], $0x50, $0x38;
	[tilespmem:$0x1F080] =	vst v63  }
0xa6: {  	s14 =	sld [smem:$0x7E2];
	_ =	sdelay $0x1  }
0xa7: {  	s12 =	simm.s32 $0x0;
	s13 =	simm.s32 $0x200;
	s25 =	simm.s32 $0xB80  }
0xa8: {  	[tilespmem:s25], [sflag:$0x8] =	stream.linear.gather [hbm4b:s14+s5], $0x50, $0x38;
	[tilespmem:$0x1F080] =	vst v63  }
.LBB2_2:
0xa9: {  	p1 =	sne.s32 s13, $0x2E00;
	[tilespmem:s12+$0xAC70] =	vst v0  }
0xaa: {  	[tilespmem:s12+$0xAC00] =	vst v0  }
0xab: {  	[tilespmem:s12+$0xAC10] =	vst v0  }
.Ltmp2:
0xac: {  	[tilespmem:s12+$0xAC20] =	vst v0;
	(pc) =	sbr.rel @p1 .LBB2_2-.Ltmp2, $4  }
0xad: {  	[tilespmem:s12+$0xAC30] =	vst v0  }
0xae: {  	[tilespmem:s12+$0xAC40] =	vst v0  }
0xaf: {  	[tilespmem:s12+$0xAC50] =	vst v0  }
0xb0: {  	[tilespmem:s12+$0xAC60] =	vst v0;
	s12 =	sshra.s32 s13, $0x2;
	s13 =	sadd.s32 $0x200, s13  }
0xb1: {  	[tilespmem:s12+$0xAC70] =	vst v0  }
0xb2: {  	[tilespmem:s12+$0xAC00] =	vst v0  }
0xb3: {  	[tilespmem:s12+$0xAC10] =	vst v0  }
0xb4: {  	[tilespmem:s12+$0xAC20] =	vst v0  }
0xb5: {  	[tilespmem:s12+$0xAC30] =	vst v0  }
0xb6: {  	[tilespmem:s12+$0xAC40] =	vst v0  }
0xb7: {  	[tilespmem:s12+$0xAC50] =	vst v0  }
0xb8: {  	[tilespmem:s12+$0xAC60] =	vst v0;
	s13 =	simm.s32 $0xAC00  }
0xb9: {  	[spmem:s15] =	stream.linear.scatter [tilespmem:s13], [sflag:$0xD], $0xC00, $0x38;
	[tilespmem:$0x1F080] =	vst v63  }
0xba: {  	s15 =	sld [smem:$0x7E3];
	_ =	sdelay $0x1  }
0xbb: {  	s25 =	sld [smem:$0x7E4]  }
0xbc: {  	[spmem:s15] =	stream.linear.scatter [tilespmem:s13], [sflag:$0xD], $0xC00, $0x38;
	[tilespmem:$0x1F080] =	vst v63  }
0xbd: {  	s14 =	sld [smem:$0x7E5]  }
0xbe: {  	[spmem:s25] =	stream.linear.scatter [tilespmem:s13], [sflag:$0xD], $0xC00, $0x38;
	[tilespmem:$0x1F080] =	vst v63  }
0xbf: {  	s15 =	sld [smem:$0x7E6]  }
0xc0: {  	[spmem:s14] =	stream.linear.scatter [tilespmem:s13], [sflag:$0xD], $0xC00, $0x38;
	[tilespmem:$0x1F080] =	vst v63  }
0xc1: {  	s25 =	sld [smem:$0x7E7]  }
0xc2: {  	[spmem:s15] =	stream.linear.scatter [tilespmem:s13], [sflag:$0xD], $0xC00, $0x38;
	[tilespmem:$0x1F080] =	vst v63  }
0xc3: {  	s14 =	sld [smem:$0x7E8]  }
0xc4: {  	[spmem:s25] =	stream.linear.scatter [tilespmem:s13], [sflag:$0xD], $0xC00, $0x38;
	[tilespmem:$0x1F080] =	vst v63  }
0xc5: {  	s15 =	sld [smem:$0x7E9]  }
0xc6: {  	[spmem:s14] =	stream.linear.scatter [tilespmem:s13], [sflag:$0xD], $0xC00, $0x38;
	[tilespmem:$0x1F080] =	vst v63  }
0xc7: {  	s25 =	sld [smem:$0x7EA]  }
0xc8: {  	[spmem:s15] =	stream.linear.scatter [tilespmem:s13], [sflag:$0xD], $0xC00, $0x38;
	[tilespmem:$0x1F080] =	vst v63  }
0xc9: {  	s14 =	sld [smem:$0x7EB]  }
0xca: {  	[spmem:s25] =	stream.linear.scatter [tilespmem:s13], [sflag:$0xD], $0xC00, $0x38;
	[tilespmem:$0x1F080] =	vst v63  }
0xcb: {  	s15 =	sld [smem:$0x7EC]  }
0xcc: {  	[spmem:s14] =	stream.linear.scatter [tilespmem:s13], [sflag:$0xD], $0xC00, $0x38;
	[tilespmem:$0x1F080] =	vst v63  }
0xcd: {  	s25 =	sld [smem:$0x7ED]  }
0xce: {  	[spmem:s15] =	stream.linear.scatter [tilespmem:s13], [sflag:$0xD], $0xC00, $0x38;
	[tilespmem:$0x1F080] =	vst v63  }
0xcf: {  	s14 =	sld [smem:$0x7EE]  }
0xd0: {  	[spmem:s25] =	stream.linear.scatter [tilespmem:s13], [sflag:$0xD], $0xC00, $0x38;
	[tilespmem:$0x1F080] =	vst v63  }
0xd1: {  	s15 =	sld [smem:$0x7EF]  }
0xd2: {  	[spmem:s14] =	stream.linear.scatter [tilespmem:s13], [sflag:$0xD], $0xC00, $0x38;
	[tilespmem:$0x1F080] =	vst v63  }
0xd3: {  	s25 =	sld [smem:$0x7F0]  }
0xd4: {  	[spmem:s15] =	stream.linear.scatter [tilespmem:s13], [sflag:$0xD], $0xC00, $0x38;
	[tilespmem:$0x1F080] =	vst v63  }
0xd5: {  	s14 =	sld [smem:$0x7F1]  }
0xd6: {  	[spmem:s25] =	stream.linear.scatter [tilespmem:s13], [sflag:$0xD], $0xC00, $0x38;
	[tilespmem:$0x1F080] =	vst v63  }
0xd7: {  	s15 =	sld [smem:$0x7F2]  }
0xd8: {  	[spmem:s14] =	stream.linear.scatter [tilespmem:s13], [sflag:$0xD], $0xC00, $0x38;
	[tilespmem:$0x1F080] =	vst v63  }
0xd9: {  	s25 =	sld [smem:$0x7F3]  }
0xda: {  	[spmem:s15] =	stream.linear.scatter [tilespmem:s13], [sflag:$0xD], $0xC00, $0x38;
	[tilespmem:$0x1F080] =	vst v63  }
0xdb: {  	s14 =	sld [smem:$0x7F4]  }
0xdc: {  	[spmem:s25] =	stream.linear.scatter [tilespmem:s13], [sflag:$0xD], $0xC00, $0x38;
	[tilespmem:$0x1F080] =	vst v63  }
0xdd: {  	s15 =	sld [smem:$0x7F5]  }
0xde: {  	[spmem:s14] =	stream.linear.scatter [tilespmem:s13], [sflag:$0xD], $0xC00, $0x38;
	[tilespmem:$0x1F080] =	vst v63  }
0xdf: {  	s25 =	sld [smem:$0x7F6]  }
0xe0: {  	[spmem:s15] =	stream.linear.scatter [tilespmem:s13], [sflag:$0xD], $0xC00, $0x38;
	[tilespmem:$0x1F080] =	vst v63  }
0xe1: {  	s14 =	sld [smem:$0x7F7]  }
0xe2: {  	[spmem:s25] =	stream.linear.scatter [tilespmem:s13], [sflag:$0xD], $0xC00, $0x38;
	[tilespmem:$0x1F080] =	vst v63  }
0xe3: {  	s15 =	sld [smem:$0x7F8]  }
0xe4: {  	[spmem:s14] =	stream.linear.scatter [tilespmem:s13], [sflag:$0xD], $0xC00, $0x38;
	[tilespmem:$0x1F080] =	vst v63  }
0xe5: {  	s25 =	sld [smem:$0x7F9]  }
0xe6: {  	[spmem:s15] =	stream.linear.scatter [tilespmem:s13], [sflag:$0xD], $0xC00, $0x38;
	[tilespmem:$0x1F080] =	vst v63  }
0xe7: {  	s14 =	sld [smem:$0x7FA]  }
0xe8: {  	[spmem:s25] =	stream.linear.scatter [tilespmem:s13], [sflag:$0xD], $0xC00, $0x38;
	[tilespmem:$0x1F080] =	vst v63  }
0xe9: {  	s15 =	sld [smem:$0x7FB]  }
0xea: {  	[spmem:s14] =	stream.linear.scatter [tilespmem:s13], [sflag:$0xD], $0xC00, $0x38;
	[tilespmem:$0x1F080] =	vst v63  }
0xeb: {  	_ = 	snop  }
0xec: {  	[spmem:s15] =	stream.linear.scatter [tilespmem:s13], [sflag:$0xD], $0xC00, $0x38;
	[tilespmem:$0x1F080] =	vst v63  }
0xed: {  	s12 =	simm.s32 @!p0 $0xAC00  }
0xee: {  	[spmem:s16] =	stream.linear.scatter @!p0 [tilespmem:s12], [sflag:$0xE], $0x800, $0x38;
	[tilespmem:$0x1F080] =	vst v63  }
0xef: {  	_ =	swait.ge [sflag:s20], $0xC00  }
0xf0: {  	[sflag:s20] =	ssyncset.done $0x0  }
0xf1: {  	[sflag:s20] =	ssyncadd.s32 $0xFFFFF400  }
0xf2: {  	_ =	swait.ge [sflag:s20], $0xC00  }
0xf3: {  	[sflag:s20] =	ssyncset.done $0x0  }
0xf4: {  	[sflag:s20] =	ssyncadd.s32 $0xFFFFF400  }
0xf5: {  	_ =	swait.ge [sflag:s20], $0xC00  }
0xf6: {  	[sflag:s20] =	ssyncset.done $0x0  }
0xf7: {  	[sflag:s20] =	ssyncadd.s32 $0xFFFFF400  }
0xf8: {  	_ =	swait.ge [sflag:s20], $0xC00  }
0xf9: {  	[sflag:s20] =	ssyncset.done $0x0  }
0xfa: {  	[sflag:s20] =	ssyncadd.s32 $0xFFFFF400  }
0xfb: {  	_ =	swait.ge [sflag:s20], $0xC00  }
0xfc: {  	[sflag:s20] =	ssyncset.done $0x0  }
0xfd: {  	[sflag:s20] =	ssyncadd.s32 $0xFFFFF400  }
0xfe: {  	_ =	swait.ge [sflag:s20], $0xC00  }
0xff: {  	[sflag:s20] =	ssyncset.done $0x0  }
0x100: {  	[sflag:s20] =	ssyncadd.s32 $0xFFFFF400  }
0x101: {  	_ =	swait.ge [sflag:s20], $0xC00  }
0x102: {  	[sflag:s20] =	ssyncset.done $0x0  }
0x103: {  	[sflag:s20] =	ssyncadd.s32 $0xFFFFF400  }
0x104: {  	_ =	swait.ge [sflag:s20], $0xC00  }
0x105: {  	[sflag:s20] =	ssyncset.done $0x0  }
0x106: {  	[sflag:s20] =	ssyncadd.s32 $0xFFFFF400  }
0x107: {  	_ =	swait.ge [sflag:s20], $0xC00  }
0x108: {  	[sflag:s20] =	ssyncset.done $0x0  }
0x109: {  	[sflag:s20] =	ssyncadd.s32 $0xFFFFF400  }
0x10a: {  	_ =	swait.ge [sflag:s20], $0xC00  }
0x10b: {  	[sflag:s20] =	ssyncset.done $0x0  }
0x10c: {  	[sflag:s20] =	ssyncadd.s32 $0xFFFFF400  }
0x10d: {  	_ =	swait.ge [sflag:s20], $0xC00  }
0x10e: {  	[sflag:s20] =	ssyncset.done $0x0  }
0x10f: {  	[sflag:s20] =	ssyncadd.s32 $0xFFFFF400  }
0x110: {  	_ =	swait.ge [sflag:s20], $0xC00  }
0x111: {  	[sflag:s20] =	ssyncset.done $0x0  }
0x112: {  	[sflag:s20] =	ssyncadd.s32 $0xFFFFF400  }
0x113: {  	_ =	swait.ge [sflag:s20], $0xC00  }
0x114: {  	[sflag:s20] =	ssyncset.done $0x0  }
0x115: {  	[sflag:s20] =	ssyncadd.s32 $0xFFFFF400  }
0x116: {  	_ =	swait.ge [sflag:s20], $0xC00  }
0x117: {  	[sflag:s20] =	ssyncset.done $0x0  }
0x118: {  	[sflag:s20] =	ssyncadd.s32 $0xFFFFF400  }
0x119: {  	_ =	swait.ge [sflag:s20], $0xC00  }
0x11a: {  	[sflag:s20] =	ssyncset.done $0x0  }
0x11b: {  	[sflag:s20] =	ssyncadd.s32 $0xFFFFF400  }
0x11c: {  	_ =	swait.ge [sflag:s20], $0xC00  }
0x11d: {  	[sflag:s20] =	ssyncset.done $0x0  }
0x11e: {  	[sflag:s20] =	ssyncadd.s32 $0xFFFFF400  }
0x11f: {  	_ =	swait.ge [sflag:s20], $0xC00  }
0x120: {  	[sflag:s20] =	ssyncset.done $0x0  }
0x121: {  	[sflag:s20] =	ssyncadd.s32 $0xFFFFF400  }
0x122: {  	_ =	swait.ge [sflag:s20], $0xC00  }
0x123: {  	[sflag:s20] =	ssyncset.done $0x0  }
0x124: {  	[sflag:s20] =	ssyncadd.s32 $0xFFFFF400  }
0x125: {  	_ =	swait.ge [sflag:s20], $0xC00  }
0x126: {  	[sflag:s20] =	ssyncset.done $0x0  }
0x127: {  	[sflag:s20] =	ssyncadd.s32 $0xFFFFF400  }
0x128: {  	_ =	swait.ge [sflag:s20], $0xC00  }
0x129: {  	[sflag:s20] =	ssyncset.done $0x0  }
0x12a: {  	[sflag:s20] =	ssyncadd.s32 $0xFFFFF400  }
0x12b: {  	_ =	swait.ge [sflag:s20], $0xC00  }
0x12c: {  	[sflag:s20] =	ssyncset.done $0x0  }
0x12d: {  	[sflag:s20] =	ssyncadd.s32 $0xFFFFF400  }
0x12e: {  	_ =	swait.ge [sflag:s20], $0xC00  }
0x12f: {  	[sflag:s20] =	ssyncset.done $0x0  }
0x130: {  	[sflag:s20] =	ssyncadd.s32 $0xFFFFF400  }
0x131: {  	_ =	swait.ge [sflag:s20], $0xC00  }
0x132: {  	[sflag:s20] =	ssyncset.done $0x0  }
0x133: {  	[sflag:s20] =	ssyncadd.s32 $0xFFFFF400  }
0x134: {  	_ =	swait.ge [sflag:s20], $0xC00  }
0x135: {  	[sflag:s20] =	ssyncset.done $0x0  }
0x136: {  	[sflag:s20] =	ssyncadd.s32 $0xFFFFF400  }
0x137: {  	_ =	swait.ge [sflag:s20], $0xC00  }
0x138: {  	[sflag:s20] =	ssyncset.done $0x0  }
0x139: {  	[sflag:s20] =	ssyncadd.s32 $0xFFFFF400  }
0x13a: {  	_ =	swait.ge [sflag:s20], $0xC00  }
0x13b: {  	[sflag:s20] =	ssyncset.done $0x0  }
0x13c: {  	s12 =	simm.s32 @!p0 $0xE;
	[sflag:s20] =	ssyncadd.s32 $0xFFFFF400  }
0x13d: {  	_ =	swait.ge @!p0 [sflag:s12], $0x800  }
0x13e: {  	[sflag:s12] =	ssyncset.done @!p0 $0x0  }
0x13f: {  	[sflag:s12] =	ssyncadd.s32 @!p0 $0xFFFFF800  }
0x140: {  	_ =	swait.ge [sflag:s22], $0x50  }
0x141: {  	[sflag:s22] =	ssyncset.done $0x0  }
0x142: {  	[sflag:s22] =	ssyncadd.s32 $0xFFFFFFB0  }
0x143: {  	_ =	swait.ge [sflag:s22], $0x50  }
0x144: {  	[sflag:s22] =	ssyncset.done $0x0  }
0x145: {  	[sflag:s22] =	ssyncadd.s32 $0xFFFFFFB0  }
0x146: {  	_ =	swait.ge [sflag:s22], $0x50  }
0x147: {  	[sflag:s22] =	ssyncset.done $0x0  }
0x148: {  	[sflag:s22] =	ssyncadd.s32 $0xFFFFFFB0  }
0x149: {  	v1 =	vld [tilespmem:$0x400]  }
0x14a: {  	v2 =	vld [tilespmem:$0x0]  }
0x14b: {  	v3 =	vld [tilespmem:$0x410]  }
0x14c: {  	v4 =	vld [tilespmem:$0x10]  }
0x14d: {  	v5 =	vld [tilespmem:$0x420]  }
0x14e: {  	v6 =	vld [tilespmem:$0x20]  }
0x14f: {  	v7 =	vld [tilespmem:$0x430]  }
0x150: {  	v8 =	vld [tilespmem:$0x440]  }
0x151: {  	v9 =	vld [tilespmem:$0x30];
	v1 =	vmul.u32 $0x2710, v1  }
0x152: {  	v10 =	vld [tilespmem:$0x40];
	v3 =	vmul.u32 $0x2710, v3  }
0x153: {  	v1 =	vadd.s32 v2, v1;
	v2 =	vmul.u32 $0x2710, v5  }
0x154: {  	[tilespmem:$0x0] =	vst v1;
	v1 =	vadd.s32 v4, v3;
	v3 =	vmul.u32 $0x2710, v7  }
0x155: {  	[tilespmem:$0x10] =	vst v1;
	v1 =	vadd.s32 v6, v2;
	v2 =	vmul.u32 $0x2710, v8  }
0x156: {  	[tilespmem:$0x20] =	vst v1;
	v1 =	vadd.s32 v9, v3  }
0x157: {  	[tilespmem:$0x30] =	vst v1;
	v1 =	vadd.s32 v10, v2  }
0x158: {  	s12 =	simm.s32 $0x0;
	[tilespmem:$0x40] =	vst v1  }
0x159: {  	[tilespmem:s24], [sflag:$0x9] =	stream.indirect.gather [hbm4b:s6+s23], $0x80, s12, s23, $0xb8;
	[tilespmem:$0x1F080] =	vst v63  }
0x15a: {  	_ =	swait.ge [sflag:s2], $0x50  }
0x15b: {  	[sflag:s2] =	ssyncset.done $0x0  }
0x15c: {  	[sflag:s2] =	ssyncadd.s32 $0xFFFFFFB0  }
0x15d: {  	_ =	swait.ge [sflag:s2], $0x50  }
0x15e: {  	[sflag:s2] =	ssyncset.done $0x0  }
0x15f: {  	[sflag:s2] =	ssyncadd.s32 $0xFFFFFFB0  }
0x160: {  	_ =	swait.ge [sflag:s2], $0x50  }
0x161: {  	[sflag:s2] =	ssyncset.done $0x0  }
0x162: {  	[sflag:s2] =	ssyncadd.s32 $0xFFFFFFB0  }
0x163: {  	v1 =	vld [tilespmem:$0x480]  }
0x164: {  	v2 =	vld [tilespmem:$0x80]  }
0x165: {  	v3 =	vld [tilespmem:$0x490]  }
0x166: {  	v43 =	vld [tilespmem:$0x90]  }
0x167: {  	v44 =	vld [tilespmem:$0x4A0]  }
0x168: {  	v45 =	vld [tilespmem:$0xA0]  }
0x169: {  	v46 =	vld [tilespmem:$0x4B0]  }
0x16a: {  	v47 =	vld [tilespmem:$0x4C0]  }
0x16b: {  	v48 =	vld [tilespmem:$0xB0];
	v1 =	vmul.u32 $0x2710, v1  }
0x16c: {  	v49 =	vld [tilespmem:$0xC0];
	v3 =	vmul.u32 $0x2710, v3  }
0x16d: {  	v1 =	vadd.s32 v2, v1;
	v2 =	vmul.u32 $0x2710, v44  }
0x16e: {  	[tilespmem:$0x80] =	vst v1;
	v1 =	vadd.s32 v43, v3;
	v3 =	vmul.u32 $0x2710, v46  }
0x16f: {  	[tilespmem:$0x90] =	vst v1;
	v1 =	vadd.s32 v45, v2;
	v2 =	vmul.u32 $0x2710, v47  }
0x170: {  	[tilespmem:$0xA0] =	vst v1;
	v1 =	vadd.s32 v48, v3  }
0x171: {  	[tilespmem:$0xB0] =	vst v1;
	v1 =	vadd.s32 v49, v2  }
0x172: {  	s16 =	simm.s32 $0x80;
	[tilespmem:$0xC0] =	vst v1  }
0x173: {  	[tilespmem:s7], [sflag:$0xA] =	stream.indirect.gather [hbm4b:s6+s23], $0x80, s16, s23, $0xb8;
	[tilespmem:$0x1F080] =	vst v63  }
0x174: {  	_ =	swait.ge [sflag:s26], $0x50  }
0x175: {  	[sflag:s26] =	ssyncset.done $0x0  }
0x176: {  	[sflag:s26] =	ssyncadd.s32 $0xFFFFFFB0  }
0x177: {  	_ =	swait.ge [sflag:s26], $0x50  }
0x178: {  	[sflag:s26] =	ssyncset.done $0x0  }
0x179: {  	[sflag:s26] =	ssyncadd.s32 $0xFFFFFFB0  }
0x17a: {  	_ =	swait.ge [sflag:s26], $0x50  }
0x17b: {  	[sflag:s26] =	ssyncset.done $0x0  }
0x17c: {  	[sflag:s26] =	ssyncadd.s32 $0xFFFFFFB0  }
0x17d: {  	v1 =	vld [tilespmem:$0x500]  }
0x17e: {  	v2 =	vld [tilespmem:$0x100]  }
0x17f: {  	v3 =	vld [tilespmem:$0x510]  }
0x180: {  	v50 =	vld [tilespmem:$0x110]  }
0x181: {  	v51 =	vld [tilespmem:$0x520]  }
0x182: {  	v52 =	vld [tilespmem:$0x120]  }
0x183: {  	v53 =	vld [tilespmem:$0x530]  }
0x184: {  	v54 =	vld [tilespmem:$0x540]  }
0x185: {  	v55 =	vld [tilespmem:$0x130];
	v1 =	vmul.u32 $0x2710, v1  }
0x186: {  	v56 =	vld [tilespmem:$0x140];
	v3 =	vmul.u32 $0x2710, v3  }
0x187: {  	v1 =	vadd.s32 v2, v1;
	v2 =	vmul.u32 $0x2710, v51  }
0x188: {  	[tilespmem:$0x100] =	vst v1;
	v1 =	vadd.s32 v50, v3;
	v3 =	vmul.u32 $0x2710, v53  }
0x189: {  	[tilespmem:$0x110] =	vst v1;
	v1 =	vadd.s32 v52, v2;
	v2 =	vmul.u32 $0x2710, v54  }
0x18a: {  	[tilespmem:$0x120] =	vst v1;
	v1 =	vadd.s32 v55, v3  }
0x18b: {  	[tilespmem:$0x130] =	vst v1;
	v1 =	vadd.s32 v56, v2  }
0x18c: {  	s25 =	simm.s32 $0x100;
	[tilespmem:$0x140] =	vst v1  }
0x18d: {  	[tilespmem:s17], [sflag:$0xB] =	stream.indirect.gather [hbm4b:s6+s23], $0x80, s25, s23, $0xb8;
	[tilespmem:$0x1F080] =	vst v63  }
0x18e: {  	_ =	swait.ge [sflag:s28], $0x50  }
0x18f: {  	[sflag:s28] =	ssyncset.done $0x0  }
0x190: {  	[sflag:s28] =	ssyncadd.s32 $0xFFFFFFB0  }
0x191: {  	_ =	swait.ge [sflag:s28], $0x50  }
0x192: {  	[sflag:s28] =	ssyncset.done $0x0  }
0x193: {  	[sflag:s28] =	ssyncadd.s32 $0xFFFFFFB0  }
0x194: {  	_ =	swait.ge [sflag:s28], $0x50  }
0x195: {  	[sflag:s28] =	ssyncset.done $0x0  }
0x196: {  	[sflag:s28] =	ssyncadd.s32 $0xFFFFFFB0  }
0x197: {  	v1 =	vld [tilespmem:$0x580]  }
0x198: {  	v2 =	vld [tilespmem:$0x180]  }
0x199: {  	v3 =	vld [tilespmem:$0x590]  }
0x19a: {  	v57 =	vld [tilespmem:$0x190]  }
0x19b: {  	v58 =	vld [tilespmem:$0x5A0]  }
0x19c: {  	v59 =	vld [tilespmem:$0x1A0]  }
0x19d: {  	v60 =	vld [tilespmem:$0x5B0]  }
0x19e: {  	v61 =	vld [tilespmem:$0x5C0]  }
0x19f: {  	v62 =	vld [tilespmem:$0x1B0];
	v1 =	vmul.u32 $0x2710, v1  }
0x1a0: {  	v63 =	vld [tilespmem:$0x1C0];
	v3 =	vmul.u32 $0x2710, v3  }
0x1a1: {  	v1 =	vadd.s32 v2, v1;
	v2 =	vmul.u32 $0x2710, v58  }
0x1a2: {  	[tilespmem:$0x180] =	vst v1;
	v1 =	vadd.s32 v57, v3;
	v3 =	vmul.u32 $0x2710, v60  }
0x1a3: {  	[tilespmem:$0x190] =	vst v1;
	v1 =	vadd.s32 v59, v2;
	v2 =	vmul.u32 $0x2710, v61  }
0x1a4: {  	[tilespmem:$0x1A0] =	vst v1;
	v1 =	vadd.s32 v62, v3  }
0x1a5: {  	[tilespmem:$0x1B0] =	vst v1;
	v1 =	vadd.s32 v63, v2  }
0x1a6: {  	[tilespmem:$0x1C0] =	vst v1  }
0x1a7: {  	[tilespmem:s29], [sflag:$0xC] =	stream.indirect.gather [hbm4b:s6+s23], $0x80, s0, s23, $0xb8;
	[tilespmem:$0x1F080] =	vst v63  }
0x1a8: {  	[bflag:$0x0] =	sbarrier.arrive $0xFFFF  }
0x1a9: {  	s14 =	simm.s32 $0x0;
	s13 =	sld [smem:$0x7D9]  }
.LBB2_4:
0x1aa: {  	_ =	swait.ge [sflag:s30], $0x2800  }
0x1ab: {  	[sflag:s30] =	ssyncset.done $0x0  }
0x1ac: {  	s15 =	simm.s32 $0x800;
	[sflag:s30] =	ssyncadd.s32 $0xFFFFD800  }
0x1ad: {  	[spmem:s3] =	stream.indirect.scatter.add.f32 [tilespmem:s24], [sflag:$0xD], $0x80, s15, s23, $0xb8;
	[tilespmem:$0x1F080] =	vst v63  }
0x1ae: {  	_ =	swait.ge [sflag:s20], $0x2800  }
0x1af: {  	[sflag:s20] =	ssyncset.done $0x0  }
0x1b0: {  	p1 =	seq.s32 s12, $0x4B0;
	[sflag:s20] =	ssyncadd.s32 $0xFFFFD800  }
0x1b1: {  	s15 =	sshrl.u32 @!p1 s13, $0x3;
	s16 =	rddreg [dreg:$0x1]  }
0x1b2: {  	s25 =	simm.s32 @!p1 $0x0;
	s16 =	sadd.s32 @!p1 s16, s15  }
0x1b3: {  	[tilespmem:s25], [sflag:$0x1] =	stream.linear.gather @!p1 [hbm4b:s16+s25], $0x50, $0x38;
	[tilespmem:$0x1F080] =	vst v63  }
0x1b4: {  	s16 =	rddreg [dreg:$0x2]  }
0x1b5: {  	s15 =	sadd.s32 @!p1 s16, s15;
	s16 =	simm.s32 @!p1 $0x400  }
0x1b6: {  	[tilespmem:s16], [sflag:$0x1] =	stream.linear.gather @!p1 [hbm4b:s15+s25], $0x50, $0x38;
	[tilespmem:$0x1F080] =	vst v63  }
0x1b7: {  	s15 =	sld [smem:$0x7DA];
	_ =	sdelay $0x2  }
0x1b8: {  	s16 =	simm.s32 @!p1 $0x800;
	s15 =	sadd.s32 @!p1 s12, s15  }
0x1b9: {  	[tilespmem:s16], [sflag:$0x1] =	stream.linear.gather @!p1 [hbm4b:s15+s25], $0x50, $0x38;
	[tilespmem:$0x1F080] =	vst v63  }
0x1ba: {  	_ =	swait.ge [sflag:s31], $0x50  }
0x1bb: {  	[sflag:s31] =	ssyncset.done $0x0  }
0x1bc: {  	[sflag:s31] =	ssyncadd.s32 $0xFFFFFFB0  }
0x1bd: {  	_ =	swait.ge [sflag:s31], $0x50  }
0x1be: {  	[sflag:s31] =	ssyncset.done $0x0  }
0x1bf: {  	[sflag:s31] =	ssyncadd.s32 $0xFFFFFFB0  }
0x1c0: {  	_ =	swait.ge [sflag:s31], $0x50  }
0x1c1: {  	[sflag:s31] =	ssyncset.done $0x0  }
0x1c2: {  	[sflag:s31] =	ssyncadd.s32 $0xFFFFFFB0  }
0x1c3: {  	v1 =	vld [tilespmem:$0x600]  }
0x1c4: {  	v2 =	vld [tilespmem:$0x200]  }
0x1c5: {  	v3 =	vld [tilespmem:$0x610]  }
0x1c6: {  	v4 =	vld [tilespmem:$0x210]  }
0x1c7: {  	v5 =	vld [tilespmem:$0x620]  }
0x1c8: {  	v6 =	vld [tilespmem:$0x220]  }
0x1c9: {  	v7 =	vld [tilespmem:$0x630]  }
0x1ca: {  	v8 =	vld [tilespmem:$0x640]  }
0x1cb: {  	v9 =	vld [tilespmem:$0x230];
	v1 =	vmul.u32 $0x2710, v1  }
0x1cc: {  	v10 =	vld [tilespmem:$0x240];
	v3 =	vmul.u32 $0x2710, v3  }
0x1cd: {  	v1 =	vadd.s32 v2, v1;
	v2 =	vmul.u32 $0x2710, v5  }
0x1ce: {  	[tilespmem:$0x200] =	vst v1;
	v1 =	vadd.s32 v4, v3;
	v3 =	vmul.u32 $0x2710, v7  }
0x1cf: {  	[tilespmem:$0x210] =	vst v1;
	v1 =	vadd.s32 v6, v2;
	v2 =	vmul.u32 $0x2710, v8  }
0x1d0: {  	[tilespmem:$0x220] =	vst v1;
	v1 =	vadd.s32 v9, v3  }
0x1d1: {  	[tilespmem:$0x230] =	vst v1;
	v1 =	vadd.s32 v10, v2  }
0x1d2: {  	[tilespmem:$0x240] =	vst v1  }
0x1d3: {  	[tilespmem:s24], [sflag:$0x9] =	stream.indirect.gather [hbm4b:s6+s23], $0x80, s19, s23, $0xb8;
	[tilespmem:$0x1F080] =	vst v63  }
0x1d4: {  	_ =	swait.ge [sflag:s1], $0x2800  }
0x1d5: {  	[sflag:s1] =	ssyncset.done $0x0  }
.Ltmp3:
0x1d6: {  	s25 =	simm.s32 $0x880;
	[sflag:s1] =	ssyncadd.s32 $0xFFFFD800;
	(pc) =	sbr.rel @!p1 .LBB2_5-.Ltmp3, $4  }
0x1d7: {  	[spmem:s3] =	stream.indirect.scatter.add.f32 [tilespmem:s7], [sflag:$0xD], $0x80, s25, s23, $0xb8;
	[tilespmem:$0x1F080] =	vst v63  }
0x1d8: {  	_ =	swait.ge [sflag:s20], $0x2800  }
0x1d9: {  	[sflag:s20] =	ssyncset.done $0x0  }
0x1da: {  	[sflag:s20] =	ssyncadd.s32 $0xFFFFD800  }
0x1db: {  	_ =	swait.ge [sflag:s4], $0x2800  }
0x1dc: {  	[sflag:s4] =	ssyncset.done $0x0  }
.Ltmp4:
0x1dd: {  	[sflag:s4] =	ssyncadd.s32 $0xFFFFD800;
	(pc) =	sbr.rel .LBB2_7-.Ltmp4, $4  }
0x1de: {  	[spmem:s3] =	stream.indirect.scatter.add.f32 [tilespmem:s17], [sflag:$0xD], $0x80, s18, s23, $0xb8;
	[tilespmem:$0x1F080] =	vst v63  }
0x1df: {  	_ =	swait.ge [sflag:s20], $0x2800  }
0x1e0: {  	[sflag:s20] =	ssyncset.done $0x0  }
0x1e1: {  	[sflag:s20] =	ssyncadd.s32 $0xFFFFD800  }
.LBB2_5:
0x1e2: {  	s15 =	sld [smem:$0x7D7];
	_ =	sdelay $0x2  }
0x1e3: {  	s16 =	simm.s32 $0x80;
	s15 =	sadd.s32 s12, s15  }
0x1e4: {  	[tilespmem:s16], [sflag:$0x2] =	stream.linear.gather [hbm4b:s15+s5], $0x50, $0x38;
	[tilespmem:$0x1F080] =	vst v63  }
0x1e5: {  	s16 =	sld [smem:$0x7D6];
	_ =	sdelay $0x2  }
0x1e6: {  	s18 =	simm.s32 $0x480;
	s15 =	sadd.s32 s12, s16  }
0x1e7: {  	[tilespmem:s18], [sflag:$0x2] =	stream.linear.gather [hbm4b:s15+s5], $0x50, $0x38;
	[tilespmem:$0x1F080] =	vst v63  }
0x1e8: {  	s18 =	sld [smem:$0x7D8];
	_ =	sdelay $0x2  }
0x1e9: {  	s15 =	sadd.s32 s12, s18  }
0x1ea: {  	[tilespmem:s25], [sflag:$0x2] =	stream.linear.gather [hbm4b:s15+s5], $0x50, $0x38;
	[tilespmem:$0x1F080] =	vst v63  }
0x1eb: {  	_ =	swait.ge [sflag:s10], $0x50  }
0x1ec: {  	[sflag:s10] =	ssyncset.done $0x0  }
0x1ed: {  	[sflag:s10] =	ssyncadd.s32 $0xFFFFFFB0  }
0x1ee: {  	_ =	swait.ge [sflag:s10], $0x50  }
0x1ef: {  	[sflag:s10] =	ssyncset.done $0x0  }
0x1f0: {  	[sflag:s10] =	ssyncadd.s32 $0xFFFFFFB0  }
0x1f1: {  	_ =	swait.ge [sflag:s10], $0x50  }
0x1f2: {  	[sflag:s10] =	ssyncset.done $0x0  }
0x1f3: {  	[sflag:s10] =	ssyncadd.s32 $0xFFFFFFB0  }
0x1f4: {  	v1 =	vld [tilespmem:$0x680]  }
0x1f5: {  	v2 =	vld [tilespmem:$0x280]  }
0x1f6: {  	v3 =	vld [tilespmem:$0x690]  }
0x1f7: {  	v4 =	vld [tilespmem:$0x290]  }
0x1f8: {  	v5 =	vld [tilespmem:$0x6A0]  }
0x1f9: {  	v6 =	vld [tilespmem:$0x2A0]  }
0x1fa: {  	v7 =	vld [tilespmem:$0x6B0]  }
0x1fb: {  	v8 =	vld [tilespmem:$0x6C0]  }
0x1fc: {  	v9 =	vld [tilespmem:$0x2B0];
	v1 =	vmul.u32 $0x2710, v1  }
0x1fd: {  	v10 =	vld [tilespmem:$0x2C0];
	v3 =	vmul.u32 $0x2710, v3  }
0x1fe: {  	v1 =	vadd.s32 v2, v1;
	v2 =	vmul.u32 $0x2710, v5  }
0x1ff: {  	[tilespmem:$0x280] =	vst v1;
	v1 =	vadd.s32 v4, v3;
	v3 =	vmul.u32 $0x2710, v7  }
0x200: {  	[tilespmem:$0x290] =	vst v1;
	v1 =	vadd.s32 v6, v2;
	v2 =	vmul.u32 $0x2710, v8  }
0x201: {  	[tilespmem:$0x2A0] =	vst v1;
	v1 =	vadd.s32 v9, v3  }
0x202: {  	[tilespmem:$0x2B0] =	vst v1;
	v1 =	vadd.s32 v10, v2  }
0x203: {  	s25 =	simm.s32 $0x280;
	[tilespmem:$0x2C0] =	vst v1  }
0x204: {  	[tilespmem:s7], [sflag:$0xA] =	stream.indirect.gather [hbm4b:s6+s23], $0x80, s25, s23, $0xb8;
	[tilespmem:$0x1F080] =	vst v63  }
0x205: {  	_ =	swait.ge [sflag:s4], $0x2800  }
0x206: {  	[sflag:s4] =	ssyncset.done $0x0  }
0x207: {  	s25 =	simm.s32 $0x900;
	[sflag:s4] =	ssyncadd.s32 $0xFFFFD800  }
0x208: {  	[spmem:s3] =	stream.indirect.scatter.add.f32 [tilespmem:s17], [sflag:$0xD], $0x80, s25, s23, $0xb8;
	[tilespmem:$0x1F080] =	vst v63  }
0x209: {  	_ =	swait.ge [sflag:s20], $0x2800  }
0x20a: {  	s16 =	sld [smem:$0x7D4];
	_ =	sdelay $0x2  }
0x20b: {  	[sflag:s20] =	ssyncset.done $0x0;
	s15 =	sadd.s32 s12, s16;
	s16 =	sld [smem:$0x7D3]  }
0x20c: {  	s18 =	simm.s32 $0x100;
	[sflag:s20] =	ssyncadd.s32 $0xFFFFD800  }
0x20d: {  	[tilespmem:s18], [sflag:$0x3] =	stream.linear.gather [hbm4b:s15+s5], $0x50, $0x38;
	[tilespmem:$0x1F080] =	vst v63  }
0x20e: {  	s18 =	simm.s32 $0x500;
	s15 =	sadd.s32 s12, s16  }
0x20f: {  	[tilespmem:s18], [sflag:$0x3] =	stream.linear.gather [hbm4b:s15+s5], $0x50, $0x38;
	[tilespmem:$0x1F080] =	vst v63  }
0x210: {  	s18 =	sld [smem:$0x7D5];
	_ =	sdelay $0x2  }
0x211: {  	s15 =	sadd.s32 s12, s18  }
0x212: {  	[tilespmem:s25], [sflag:$0x3] =	stream.linear.gather [hbm4b:s15+s5], $0x50, $0x38;
	[tilespmem:$0x1F080] =	vst v63  }
0x213: {  	_ =	swait.ge [sflag:s11], $0x50  }
0x214: {  	[sflag:s11] =	ssyncset.done $0x0  }
0x215: {  	[sflag:s11] =	ssyncadd.s32 $0xFFFFFFB0  }
0x216: {  	_ =	swait.ge [sflag:s11], $0x50  }
0x217: {  	[sflag:s11] =	ssyncset.done $0x0  }
0x218: {  	[sflag:s11] =	ssyncadd.s32 $0xFFFFFFB0  }
0x219: {  	_ =	swait.ge [sflag:s11], $0x50  }
0x21a: {  	[sflag:s11] =	ssyncset.done $0x0  }
0x21b: {  	[sflag:s11] =	ssyncadd.s32 $0xFFFFFFB0  }
0x21c: {  	v1 =	vld [tilespmem:$0x700]  }
0x21d: {  	v2 =	vld [tilespmem:$0x300]  }
0x21e: {  	v3 =	vld [tilespmem:$0x710]  }
0x21f: {  	v57 =	vld [tilespmem:$0x310]  }
0x220: {  	v58 =	vld [tilespmem:$0x720]  }
0x221: {  	v59 =	vld [tilespmem:$0x320]  }
0x222: {  	v60 =	vld [tilespmem:$0x730]  }
0x223: {  	v61 =	vld [tilespmem:$0x740]  }
0x224: {  	v62 =	vld [tilespmem:$0x330];
	v1 =	vmul.u32 $0x2710, v1  }
0x225: {  	v63 =	vld [tilespmem:$0x340];
	v3 =	vmul.u32 $0x2710, v3  }
0x226: {  	v1 =	vadd.s32 v2, v1;
	v2 =	vmul.u32 $0x2710, v58  }
0x227: {  	[tilespmem:$0x300] =	vst v1;
	v1 =	vadd.s32 v57, v3;
	v3 =	vmul.u32 $0x2710, v60  }
0x228: {  	[tilespmem:$0x310] =	vst v1;
	v1 =	vadd.s32 v59, v2;
	v2 =	vmul.u32 $0x2710, v61  }
0x229: {  	[tilespmem:$0x320] =	vst v1;
	v1 =	vadd.s32 v62, v3  }
0x22a: {  	[tilespmem:$0x330] =	vst v1;
	v1 =	vadd.s32 v63, v2  }
0x22b: {  	s18 =	simm.s32 $0x900;
	s25 =	simm.s32 $0x300;
	[tilespmem:$0x340] =	vst v1  }
0x22c: {  	[tilespmem:s17], [sflag:$0xB] =	stream.indirect.gather [hbm4b:s6+s23], $0x80, s25, s23, $0xb8;
	[tilespmem:$0x1F080] =	vst v63  }
.LBB2_7:
0x22d: {  	_ =	swait.ge [sflag:s8], $0x2800  }
0x22e: {  	[sflag:s8] =	ssyncset.done $0x0  }
.Ltmp5:
0x22f: {  	s25 =	simm.s32 $0x980;
	[sflag:s8] =	ssyncadd.s32 $0xFFFFD800;
	(pc) =	sbr.rel @p1 .LBB2_9-.Ltmp5, $4  }
0x230: {  	[spmem:s3] =	stream.indirect.scatter.add.f32 [tilespmem:s29], [sflag:$0xD], $0x80, s25, s23, $0xb8;
	[tilespmem:$0x1F080] =	vst v63  }
0x231: {  	_ =	swait.ge [sflag:s20], $0x2800  }
0x232: {  	[sflag:s20] =	ssyncset.done $0x0  }
0x233: {  	[sflag:s20] =	ssyncadd.s32 $0xFFFFD800  }
0x234: {  	s15 =	sld [smem:$0x7D1];
	_ =	sdelay $0x1  }
0x235: {  	s16 =	sld [smem:$0x7D0]  }
0x236: {  	s15 =	sadd.s32 s12, s15  }
0x237: {  	[tilespmem:s0], [sflag:$0x4] =	stream.linear.gather [hbm4b:s15+s5], $0x50, $0x38;
	[tilespmem:$0x1F080] =	vst v63  }
0x238: {  	s15 =	sadd.s32 s12, s16;
	s16 =	simm.s32 $0x580  }
0x239: {  	[tilespmem:s16], [sflag:$0x4] =	stream.linear.gather [hbm4b:s15+s5], $0x50, $0x38;
	[tilespmem:$0x1F080] =	vst v63  }
0x23a: {  	s16 =	sld [smem:$0x7D2];
	_ =	sdelay $0x2  }
0x23b: {  	s15 =	sadd.s32 s12, s16  }
0x23c: {  	[tilespmem:s25], [sflag:$0x4] =	stream.linear.gather [hbm4b:s15+s5], $0x50, $0x38;
	[tilespmem:$0x1F080] =	vst v63  }
0x23d: {  	_ =	swait.ge [sflag:s9], $0x50  }
0x23e: {  	[sflag:s9] =	ssyncset.done $0x0  }
0x23f: {  	[sflag:s9] =	ssyncadd.s32 $0xFFFFFFB0  }
0x240: {  	_ =	swait.ge [sflag:s9], $0x50  }
0x241: {  	[sflag:s9] =	ssyncset.done $0x0  }
0x242: {  	[sflag:s9] =	ssyncadd.s32 $0xFFFFFFB0  }
0x243: {  	_ =	swait.ge [sflag:s9], $0x50  }
0x244: {  	[sflag:s9] =	ssyncset.done $0x0  }
0x245: {  	[sflag:s9] =	ssyncadd.s32 $0xFFFFFFB0  }
0x246: {  	v1 =	vld [tilespmem:$0x780]  }
0x247: {  	v2 =	vld [tilespmem:$0x380]  }
0x248: {  	v3 =	vld [tilespmem:$0x790]  }
0x249: {  	v4 =	vld [tilespmem:$0x390]  }
0x24a: {  	v5 =	vld [tilespmem:$0x7A0]  }
0x24b: {  	v6 =	vld [tilespmem:$0x3A0]  }
0x24c: {  	v7 =	vld [tilespmem:$0x7B0]  }
0x24d: {  	v8 =	vld [tilespmem:$0x7C0]  }
0x24e: {  	v9 =	vld [tilespmem:$0x3B0];
	v1 =	vmul.u32 $0x2710, v1  }
0x24f: {  	v10 =	vld [tilespmem:$0x3C0];
	v3 =	vmul.u32 $0x2710, v3  }
0x250: {  	v1 =	vadd.s32 v2, v1;
	v2 =	vmul.u32 $0x2710, v5  }
0x251: {  	[tilespmem:$0x380] =	vst v1;
	v1 =	vadd.s32 v4, v3;
	v3 =	vmul.u32 $0x2710, v7  }
0x252: {  	[tilespmem:$0x390] =	vst v1;
	v1 =	vadd.s32 v6, v2;
	v2 =	vmul.u32 $0x2710, v8  }
0x253: {  	[tilespmem:$0x3A0] =	vst v1;
	v1 =	vadd.s32 v9, v3  }
0x254: {  	[tilespmem:$0x3B0] =	vst v1;
	v1 =	vadd.s32 v10, v2  }
0x255: {  	s16 =	simm.s32 $0x380;
	[tilespmem:$0x3C0] =	vst v1  }
0x256: {  	[tilespmem:s29], [sflag:$0xC] =	stream.indirect.gather [hbm4b:s6+s23], $0x80, s16, s23, $0xb8;
	[tilespmem:$0x1F080] =	vst v63  }
0x257: {  	_ =	swait.ge [sflag:s30], $0x2800  }
0x258: {  	[sflag:s30] =	ssyncset.done $0x0  }
0x259: {  	[sflag:s30] =	ssyncadd.s32 $0xFFFFD800  }
0x25a: {  	[spmem:s3] =	stream.indirect.scatter.add.f32 [tilespmem:s24], [sflag:$0xD], $0x80, s21, s23, $0xb8;
	[tilespmem:$0x1F080] =	vst v63  }
0x25b: {  	_ =	swait.ge [sflag:s20], $0x2800  }
0x25c: {  	s25 =	sld [smem:$0x7CE];
	_ =	sdelay $0x1  }
0x25d: {  	[sflag:s20] =	ssyncset.done $0x0;
	s16 =	sld [smem:$0x7CD]  }
0x25e: {  	[sflag:s20] =	ssyncadd.s32 $0xFFFFD800;
	s15 =	sadd.s32 s12, s25  }
0x25f: {  	[tilespmem:s19], [sflag:$0x5] =	stream.linear.gather [hbm4b:s15+s5], $0x50, $0x38;
	[tilespmem:$0x1F080] =	vst v63  }
0x260: {  	s25 =	simm.s32 $0x600;
	s15 =	sadd.s32 s12, s16  }
0x261: {  	[tilespmem:s25], [sflag:$0x5] =	stream.linear.gather [hbm4b:s15+s5], $0x50, $0x38;
	[tilespmem:$0x1F080] =	vst v63  }
0x262: {  	s25 =	sld [smem:$0x7CF];
	_ =	sdelay $0x2  }
0x263: {  	s15 =	sadd.s32 s12, s25  }
0x264: {  	[tilespmem:s21], [sflag:$0x5] =	stream.linear.gather [hbm4b:s15+s5], $0x50, $0x38;
	[tilespmem:$0x1F080] =	vst v63  }
0x265: {  	_ =	swait.ge [sflag:s22], $0x50  }
0x266: {  	[sflag:s22] =	ssyncset.done $0x0  }
0x267: {  	[sflag:s22] =	ssyncadd.s32 $0xFFFFFFB0  }
0x268: {  	_ =	swait.ge [sflag:s22], $0x50  }
0x269: {  	[sflag:s22] =	ssyncset.done $0x0  }
0x26a: {  	[sflag:s22] =	ssyncadd.s32 $0xFFFFFFB0  }
0x26b: {  	_ =	swait.ge [sflag:s22], $0x50  }
0x26c: {  	[sflag:s22] =	ssyncset.done $0x0  }
0x26d: {  	[sflag:s22] =	ssyncadd.s32 $0xFFFFFFB0  }
0x26e: {  	v1 =	vld [tilespmem:$0x400]  }
0x26f: {  	v2 =	vld [tilespmem:$0x0]  }
0x270: {  	v3 =	vld [tilespmem:$0x410]  }
0x271: {  	v36 =	vld [tilespmem:$0x10]  }
0x272: {  	v37 =	vld [tilespmem:$0x420]  }
0x273: {  	v38 =	vld [tilespmem:$0x20]  }
0x274: {  	v39 =	vld [tilespmem:$0x430]  }
0x275: {  	v40 =	vld [tilespmem:$0x440]  }
0x276: {  	v41 =	vld [tilespmem:$0x30];
	v1 =	vmul.u32 $0x2710, v1  }
0x277: {  	v42 =	vld [tilespmem:$0x40];
	v3 =	vmul.u32 $0x2710, v3  }
0x278: {  	v1 =	vadd.s32 v2, v1;
	v2 =	vmul.u32 $0x2710, v37  }
0x279: {  	[tilespmem:$0x0] =	vst v1;
	v1 =	vadd.s32 v36, v3;
	v3 =	vmul.u32 $0x2710, v39  }
0x27a: {  	[tilespmem:$0x10] =	vst v1;
	v1 =	vadd.s32 v38, v2;
	v2 =	vmul.u32 $0x2710, v40  }
0x27b: {  	[tilespmem:$0x20] =	vst v1;
	v1 =	vadd.s32 v41, v3  }
0x27c: {  	[tilespmem:$0x30] =	vst v1;
	v1 =	vadd.s32 v42, v2  }
0x27d: {  	[tilespmem:$0x40] =	vst v1  }
0x27e: {  	[tilespmem:s24], [sflag:$0x9] =	stream.indirect.gather [hbm4b:s6+s23], $0x80, s5, s23, $0xb8;
	[tilespmem:$0x1F080] =	vst v63  }
0x27f: {  	_ =	swait.ge [sflag:s1], $0x2800  }
0x280: {  	[sflag:s1] =	ssyncset.done $0x0  }
0x281: {  	s16 =	simm.s32 $0xA80;
	[sflag:s1] =	ssyncadd.s32 $0xFFFFD800  }
0x282: {  	[spmem:s3] =	stream.indirect.scatter.add.f32 [tilespmem:s7], [sflag:$0xD], $0x80, s16, s23, $0xb8;
	[tilespmem:$0x1F080] =	vst v63  }
0x283: {  	_ =	swait.ge [sflag:s20], $0x2800  }
0x284: {  	s15 =	sld [smem:$0x7CB]  }
0x285: {  	p1 =	sgt.u32 s14, $0xD  }
0x286: {  	s25 =	simm.s32 @!p1 $0x280;
	[sflag:s20] =	ssyncset.done $0x0  }
0x287: {  	[sflag:s20] =	ssyncadd.s32 $0xFFFFD800;
	s16 =	sadd.s32 @!p1 s12, s15;
	s15 =	simm.s32 @!p1 $0x0  }
0x288: {  	[tilespmem:s25], [sflag:$0x6] =	stream.linear.gather @!p1 [hbm4b:s16+s15], $0x50, $0x38;
	[tilespmem:$0x1F080] =	vst v63  }
0x289: {  	s16 =	rddreg [dreg:$0x1f]  }
0x28a: {  	s25 =	simm.s32 @!p1 $0x680;
	s16 =	sadd.s32 @!p1 s12, s16  }
0x28b: {  	[tilespmem:s25], [sflag:$0x6] =	stream.linear.gather @!p1 [hbm4b:s16+s15], $0x50, $0x38;
	[tilespmem:$0x1F080] =	vst v63  }
0x28c: {  	s16 =	sld [smem:$0x7CC];
	_ =	sdelay $0x2  }
0x28d: {  	s25 =	simm.s32 @!p1 $0xA80;
	s16 =	sadd.s32 @!p1 s12, s16  }
0x28e: {  	[tilespmem:s25], [sflag:$0x6] =	stream.linear.gather @!p1 [hbm4b:s16+s15], $0x50, $0x38;
	[tilespmem:$0x1F080] =	vst v63  }
0x28f: {  	_ =	swait.ge [sflag:s2], $0x50  }
0x290: {  	[sflag:s2] =	ssyncset.done $0x0  }
0x291: {  	[sflag:s2] =	ssyncadd.s32 $0xFFFFFFB0  }
0x292: {  	_ =	swait.ge [sflag:s2], $0x50  }
0x293: {  	[sflag:s2] =	ssyncset.done $0x0  }
0x294: {  	[sflag:s2] =	ssyncadd.s32 $0xFFFFFFB0  }
0x295: {  	_ =	swait.ge [sflag:s2], $0x50  }
0x296: {  	[sflag:s2] =	ssyncset.done $0x0  }
0x297: {  	[sflag:s2] =	ssyncadd.s32 $0xFFFFFFB0  }
0x298: {  	v1 =	vld [tilespmem:$0x480]  }
0x299: {  	v2 =	vld [tilespmem:$0x80]  }
0x29a: {  	v3 =	vld [tilespmem:$0x490]  }
0x29b: {  	v43 =	vld [tilespmem:$0x90]  }
0x29c: {  	v44 =	vld [tilespmem:$0x4A0]  }
0x29d: {  	v45 =	vld [tilespmem:$0xA0]  }
0x29e: {  	v46 =	vld [tilespmem:$0x4B0]  }
0x29f: {  	v47 =	vld [tilespmem:$0x4C0]  }
0x2a0: {  	v48 =	vld [tilespmem:$0xB0];
	v1 =	vmul.u32 $0x2710, v1  }
0x2a1: {  	v49 =	vld [tilespmem:$0xC0];
	v3 =	vmul.u32 $0x2710, v3  }
0x2a2: {  	v1 =	vadd.s32 v2, v1;
	v2 =	vmul.u32 $0x2710, v44  }
0x2a3: {  	[tilespmem:$0x80] =	vst v1;
	v1 =	vadd.s32 v43, v3;
	v3 =	vmul.u32 $0x2710, v46  }
0x2a4: {  	[tilespmem:$0x90] =	vst v1;
	v1 =	vadd.s32 v45, v2;
	v2 =	vmul.u32 $0x2710, v47  }
0x2a5: {  	[tilespmem:$0xA0] =	vst v1;
	v1 =	vadd.s32 v48, v3  }
0x2a6: {  	[tilespmem:$0xB0] =	vst v1;
	v1 =	vadd.s32 v49, v2  }
0x2a7: {  	s25 =	simm.s32 $0x80;
	[tilespmem:$0xC0] =	vst v1  }
0x2a8: {  	[tilespmem:s7], [sflag:$0xA] =	stream.indirect.gather [hbm4b:s6+s23], $0x80, s25, s23, $0xb8;
	[tilespmem:$0x1F080] =	vst v63  }
0x2a9: {  	_ =	swait.ge [sflag:s4], $0x2800  }
0x2aa: {  	[sflag:s4] =	ssyncset.done $0x0  }
0x2ab: {  	s25 =	simm.s32 $0xB00;
	[sflag:s4] =	ssyncadd.s32 $0xFFFFD800  }
0x2ac: {  	[spmem:s3] =	stream.indirect.scatter.add.f32 [tilespmem:s17], [sflag:$0xD], $0x80, s25, s23, $0xb8;
	[tilespmem:$0x1F080] =	vst v63  }
0x2ad: {  	_ =	swait.ge [sflag:s20], $0x2800  }
0x2ae: {  	[sflag:s20] =	ssyncset.done $0x0;
	s16 =	rddreg [dreg:$0x1d]  }
0x2af: {  	s25 =	simm.s32 @!p1 $0x300;
	[sflag:s20] =	ssyncadd.s32 $0xFFFFD800;
	s16 =	sadd.s32 @!p1 s12, s16  }
0x2b0: {  	[tilespmem:s25], [sflag:$0x7] =	stream.linear.gather @!p1 [hbm4b:s16+s15], $0x50, $0x38;
	[tilespmem:$0x1F080] =	vst v63  }
0x2b1: {  	s16 =	rddreg [dreg:$0x1c]  }
0x2b2: {  	s25 =	simm.s32 @!p1 $0x700;
	s16 =	sadd.s32 @!p1 s12, s16  }
0x2b3: {  	[tilespmem:s25], [sflag:$0x7] =	stream.linear.gather @!p1 [hbm4b:s16+s15], $0x50, $0x38;
	[tilespmem:$0x1F080] =	vst v63  }
0x2b4: {  	s16 =	rddreg [dreg:$0x1e]  }
0x2b5: {  	s25 =	simm.s32 @!p1 $0xB00;
	s16 =	sadd.s32 @!p1 s12, s16  }
0x2b6: {  	[tilespmem:s25], [sflag:$0x7] =	stream.linear.gather @!p1 [hbm4b:s16+s15], $0x50, $0x38;
	[tilespmem:$0x1F080] =	vst v63  }
0x2b7: {  	_ =	swait.ge [sflag:s26], $0x50  }
0x2b8: {  	[sflag:s26] =	ssyncset.done $0x0  }
0x2b9: {  	[sflag:s26] =	ssyncadd.s32 $0xFFFFFFB0  }
0x2ba: {  	_ =	swait.ge [sflag:s26], $0x50  }
0x2bb: {  	[sflag:s26] =	ssyncset.done $0x0  }
0x2bc: {  	[sflag:s26] =	ssyncadd.s32 $0xFFFFFFB0  }
0x2bd: {  	_ =	swait.ge [sflag:s26], $0x50  }
0x2be: {  	[sflag:s26] =	ssyncset.done $0x0  }
0x2bf: {  	[sflag:s26] =	ssyncadd.s32 $0xFFFFFFB0  }
0x2c0: {  	v1 =	vld [tilespmem:$0x500]  }
0x2c1: {  	v2 =	vld [tilespmem:$0x100]  }
0x2c2: {  	v3 =	vld [tilespmem:$0x510]  }
0x2c3: {  	v50 =	vld [tilespmem:$0x110]  }
0x2c4: {  	v51 =	vld [tilespmem:$0x520]  }
0x2c5: {  	v52 =	vld [tilespmem:$0x120]  }
0x2c6: {  	v53 =	vld [tilespmem:$0x530]  }
0x2c7: {  	v54 =	vld [tilespmem:$0x540]  }
0x2c8: {  	v55 =	vld [tilespmem:$0x130];
	v1 =	vmul.u32 $0x2710, v1  }
0x2c9: {  	v56 =	vld [tilespmem:$0x140];
	v3 =	vmul.u32 $0x2710, v3  }
0x2ca: {  	v1 =	vadd.s32 v2, v1;
	v2 =	vmul.u32 $0x2710, v51  }
0x2cb: {  	[tilespmem:$0x100] =	vst v1;
	v1 =	vadd.s32 v50, v3;
	v3 =	vmul.u32 $0x2710, v53  }
0x2cc: {  	[tilespmem:$0x110] =	vst v1;
	v1 =	vadd.s32 v52, v2;
	v2 =	vmul.u32 $0x2710, v54  }
0x2cd: {  	[tilespmem:$0x120] =	vst v1;
	v1 =	vadd.s32 v55, v3  }
0x2ce: {  	[tilespmem:$0x130] =	vst v1;
	v1 =	vadd.s32 v56, v2  }
0x2cf: {  	s25 =	simm.s32 $0x100;
	[tilespmem:$0x140] =	vst v1  }
0x2d0: {  	[tilespmem:s17], [sflag:$0xB] =	stream.indirect.gather [hbm4b:s6+s23], $0x80, s25, s23, $0xb8;
	[tilespmem:$0x1F080] =	vst v63  }
0x2d1: {  	_ =	swait.ge [sflag:s8], $0x2800  }
0x2d2: {  	[sflag:s8] =	ssyncset.done $0x0  }
0x2d3: {  	s25 =	simm.s32 $0xB80;
	[sflag:s8] =	ssyncadd.s32 $0xFFFFD800  }
0x2d4: {  	[spmem:s3] =	stream.indirect.scatter.add.f32 [tilespmem:s29], [sflag:$0xD], $0x80, s25, s23, $0xb8;
	[tilespmem:$0x1F080] =	vst v63  }
0x2d5: {  	_ =	swait.ge [sflag:s20], $0x2800  }
0x2d6: {  	[sflag:s20] =	ssyncset.done $0x0;
	s16 =	rddreg [dreg:$0x1a]  }
0x2d7: {  	s25 =	simm.s32 @!p1 $0x380;
	[sflag:s20] =	ssyncadd.s32 $0xFFFFD800;
	s16 =	sadd.s32 @!p1 s12, s16  }
0x2d8: {  	[tilespmem:s25], [sflag:$0x8] =	stream.linear.gather @!p1 [hbm4b:s16+s15], $0x50, $0x38;
	[tilespmem:$0x1F080] =	vst v63  }
0x2d9: {  	s16 =	rddreg [dreg:$0x19]  }
0x2da: {  	s25 =	simm.s32 @!p1 $0x780;
	s16 =	sadd.s32 @!p1 s12, s16  }
0x2db: {  	[tilespmem:s25], [sflag:$0x8] =	stream.linear.gather @!p1 [hbm4b:s16+s15], $0x50, $0x38;
	[tilespmem:$0x1F080] =	vst v63  }
0x2dc: {  	s16 =	rddreg [dreg:$0x1b]  }
0x2dd: {  	s25 =	simm.s32 @!p1 $0xB80;
	s16 =	sadd.s32 @!p1 s12, s16  }
0x2de: {  	[tilespmem:s25], [sflag:$0x8] =	stream.linear.gather @!p1 [hbm4b:s16+s15], $0x50, $0x38;
	[tilespmem:$0x1F080] =	vst v63  }
0x2df: {  	_ =	swait.ge [sflag:s28], $0x50  }
0x2e0: {  	[sflag:s28] =	ssyncset.done $0x0  }
0x2e1: {  	[sflag:s28] =	ssyncadd.s32 $0xFFFFFFB0  }
0x2e2: {  	_ =	swait.ge [sflag:s28], $0x50  }
0x2e3: {  	[sflag:s28] =	ssyncset.done $0x0  }
0x2e4: {  	[sflag:s28] =	ssyncadd.s32 $0xFFFFFFB0  }
0x2e5: {  	_ =	swait.ge [sflag:s28], $0x50  }
0x2e6: {  	[sflag:s28] =	ssyncset.done $0x0  }
0x2e7: {  	[sflag:s28] =	ssyncadd.s32 $0xFFFFFFB0  }
0x2e8: {  	v1 =	vld [tilespmem:$0x580]  }
0x2e9: {  	v2 =	vld [tilespmem:$0x180]  }
0x2ea: {  	v3 =	vld [tilespmem:$0x590]  }
0x2eb: {  	v57 =	vld [tilespmem:$0x190]  }
0x2ec: {  	v58 =	vld [tilespmem:$0x5A0]  }
0x2ed: {  	v59 =	vld [tilespmem:$0x1A0]  }
0x2ee: {  	v60 =	vld [tilespmem:$0x5B0]  }
0x2ef: {  	v61 =	vld [tilespmem:$0x5C0]  }
0x2f0: {  	v62 =	vld [tilespmem:$0x1B0];
	v1 =	vmul.u32 $0x2710, v1  }
0x2f1: {  	v63 =	vld [tilespmem:$0x1C0];
	v3 =	vmul.u32 $0x2710, v3  }
0x2f2: {  	s12 =	sadd.s32 $0x50, s12;
	v1 =	vadd.s32 v2, v1;
	v2 =	vmul.u32 $0x2710, v58  }
0x2f3: {  	p1 =	seq.s32 s12, $0x500;
	[tilespmem:$0x180] =	vst v1;
	v1 =	vadd.s32 v57, v3;
	v3 =	vmul.u32 $0x2710, v60  }
.Ltmp6:
0x2f4: {  	[tilespmem:$0x190] =	vst v1;
	v1 =	vadd.s32 v59, v2;
	v2 =	vmul.u32 $0x2710, v61;
	(pc) =	sbr.rel @!p1 .LBB2_4-.Ltmp6, $4  }
.Ltmp7:
0x2f5: {  	[tilespmem:$0x1A0] =	vst v1;
	v1 =	vadd.s32 v62, v3;
	(pc) =	sbr.rel @p1 .LBB2_10-.Ltmp7, $4  }
0x2f6: {  	[tilespmem:$0x1B0] =	vst v1;
	v1 =	vadd.s32 v63, v2  }
0x2f7: {  	s14 =	sadd.s32 $0x1, s14;
	s13 =	sadd.s32 $0x280, s13;
	[tilespmem:$0x1C0] =	vst v1  }
0x2f8: {  	[tilespmem:s29], [sflag:$0xC] =	stream.indirect.gather [hbm4b:s6+s23], $0x80, s0, s23, $0xb8;
	[tilespmem:$0x1F080] =	vst v63  }
0x2f9: {  	_ = 	snop  }
.LBB2_11:
0x2fa: {  	_ =	sfence.sel $0x180000  }
0x2fb: {  	[bflag:$0x0] =	sbarrier.arrive $0xFFFF  }
0x2fc: {  	_ =	strace $0x90000047  }
0x2fd: {  	[bflag:$0x2] =	sbarrier.arrive $0xFFFF  }
0x2fe: {  	s0 =	rddreg [dreg:$0x4]  }
0x2ff: {  	s0 =	sadd.s32 @!p0 $0x100000, s0  }
0x300: {  	[sflag:s0] =	ssyncadd.tile.s32 @!p0 $0x1;
	_ =	shalt  }
.Lfunc_end2:
_tile_overlayer_lowered:
.L_overlay_start_2:
0x301: {  	(tag) =	ssettag $0x2  }
0x302: {  	s0 =	rddreg [dreg:$0x0];
	s2 =	stileid.u32  }
0x303: {  	s1 =	rddreg [dreg:$0x1];
	p0 =	sne.s32 s2, $0x0  }
0x304: {  	s3 =	rddreg [dreg:$0x2];
	[bflag:$0x3] =	sbarrier.arrive $0xFFFF;
	s2 =	simm.s32 @!p0 $0x1C0F  }
0x305: {  	[timem:s3], [sflag:s2] =	dma.local @!p0 [hbm:s0], s1  }
0x306: {  	s0 =	simm.s32 @!p0 $0xF  }
0x307: {  	_ =	swait.ge @!p0 [sflag:s0], s1  }
0x308: {  	s1 =	ssub.s32 @!p0 $0x0, s1;
	[sflag:s0] =	ssyncset.done @!p0 $0x0  }
0x309: {  	[sflag:s0] =	ssyncadd.s32 @!p0 s1  }
0x30a: {  	[bflag:$0x3] =	sbarrier.arrive $0xFFFF  }
0x30b: {  	_ =	shalt  }

</sc_bundles>
